<compile_context>
chip_gen: v7x
topology: tpu7x:2x2x1
jax: 0.10.2.dev20260603
libtpu: 0.0.44.dev20260713+nightly
codegen_flags: <defaults>
</compile_context>

<pallas_src>
import functools

import jax
import jax.numpy as jnp
from jax import lax
from jax.experimental import pallas as pl
from jax.experimental.pallas import tpu as pltpu
from jax.experimental.pallas import tpu_sc as plsc

N_NODES = 50000
N_EDGES = 800000
N_MOL = 512
D = 64
H = 32
NC = 2
NS = 16
LANES = 16
NTYPES = 128
NBOND = 4

EPW = 50688
NE_PAD = EPW * NS
BLK = 128
NBLK = EPW // BLK
NBUF = 6
GAHEAD = 4
NGRP = NBLK // NBUF

NPT = 3200
NN_PAD = NPT * NS
DUMMY_NODE = N_NODES
MOL_ROWS = 640
DUMMY_MOL = N_MOL

_MESH = plsc.VectorSubcoreMesh(core_axis_name="c", subcore_axis_name="s")
_SC_PARAMS = pltpu.CompilerParams(use_tc_tiling_on_sc=False)


def _edge_pass_body(e4_hbm, dst2_hbm, tab_hbm, zrows_hbm, out_hbm,
                    idx_v, dst_v, rows_v, acc_sh,
                    gs0, gs1, gs2, gs3, gs4, gs5,
                    ss0, ss1, ss2, ss3, ss4, ss5):
    c = lax.axis_index("c")
    s = lax.axis_index("s")
    gs = (gs0, gs1, gs2, gs3, gs4, gs5)
    ss = (ss0, ss1, ss2, ss3, ss4, ss5)

    pltpu.sync_copy(zrows_hbm, acc_sh.at[pl.ds(s * NPT, NPT)])
    plsc.subcore_barrier()

    tab_off = c * (NBOND * NN_PAD)
    GSTEP = NBUF * BLK

    def load_group(q, g):
        e0 = s * EPW + g * GSTEP
        pltpu.sync_copy(e4_hbm.at[pl.ds(e0, GSTEP)], idx_v.at[q])

        def add_off(k, carry):
            sl = pl.ds(k * LANES, LANES)
            idx_v[q, sl] = idx_v[q, sl] + tab_off
            return carry

        lax.fori_loop(0, GSTEP // LANES, add_off, 0)
        pltpu.sync_copy(dst2_hbm.at[pl.ds(s * NBLK + g * NBUF, NBUF)],
                        dst_v.at[q])

    def fire_gather(q, brow, slot):
        pltpu.async_copy(tab_hbm.at[idx_v.at[q, pl.ds(brow * BLK, BLK)]],
                         rows_v.at[slot], gs[slot])

    def wait_gather(slot):
        pltpu.make_async_copy(tab_hbm.at[idx_v.at[0, pl.ds(0, BLK)]],
                              rows_v.at[slot], gs[slot]).wait()

    def wait_scatter(slot):
        pltpu.make_async_copy(rows_v.at[slot], acc_sh.at[dst_v.at[0, 0]],
                              ss[slot]).wait()

    load_group(0, 0)
    for b in range(GAHEAD):
        fire_gather(0, b, b)

    def group(g, carry):
        p = lax.rem(g, 2)

        @pl.when(g > 0)
        def _():
            wait_scatter(NBUF - 2)
            wait_scatter(NBUF - 1)

        @pl.when(g < NGRP - 1)
        def _():
            load_group(1 - p, g + 1)

        for b in range(NBUF):
            wait_gather(b)
            pltpu.async_copy(rows_v.at[b], acc_sh.at[dst_v.at[p, b]],
                             ss[b], add=True)
            if b >= 2:
                wait_scatter(b - 2)
            nslot = (b + GAHEAD) % NBUF
            if b < NBUF - GAHEAD:
                fire_gather(p, b + GAHEAD, nslot)
            else:
                @pl.when(g < NGRP - 1)
                def _():
                    fire_gather(1 - p, b + GAHEAD - NBUF, nslot)
        return carry

    lax.fori_loop(0, NGRP, group, 0)
    wait_scatter((NBLK - 2) % NBUF)
    wait_scatter((NBLK - 1) % NBUF)

    plsc.subcore_barrier()
    pltpu.sync_copy(acc_sh.at[pl.ds(s * NPT, NPT)],
                    out_hbm.at[pl.ds(c * NN_PAD + s * NPT, NPT)])


def _mol_body(node_hbm, batch2_hbm, zmol_hbm, out_hbm,
              bt_v, nrows_v, acc_sh, sem):
    c = lax.axis_index("c")
    s = lax.axis_index("s")
    rpt = MOL_ROWS // NS

    pltpu.sync_copy(zmol_hbm, acc_sh.at[pl.ds(s * rpt, rpt)])
    pltpu.sync_copy(batch2_hbm.at[pl.ds(s * (NPT // 128), NPT // 128)], bt_v)
    plsc.subcore_barrier()

    def block(q, carry):
        r0 = c * NN_PAD + s * NPT + q * 128
        pltpu.sync_copy(node_hbm.at[pl.ds(r0, 128)], nrows_v)
        pltpu.sync_copy(nrows_v, acc_sh.at[bt_v.at[q]], add=True)
        return carry

    lax.fori_loop(0, NPT // 128, block, 0)
    plsc.subcore_barrier()

    rows_out = N_MOL // NS
    pltpu.sync_copy(acc_sh.at[pl.ds(s * rows_out, rows_out)],
                    out_hbm.at[c, pl.ds(s * rows_out, rows_out)])


BLKN = 1024
_NBLK_N = NN_PAD // BLKN


def _tc_table_init_body(x_ref, tw_ref, tu_ref, bw_ref, out_ref, emb_ref):
    ks = lax.broadcasted_iota(jnp.int32, (BLKN, NTYPES), 1).astype(jnp.float32)
    onehot = (x_ref[...] == ks).astype(jnp.float32)
    res = jnp.dot(onehot, tw_ref[0], preferred_element_type=jnp.float32)
    out_ref[...] = jnp.maximum(res[:, None, :] + bw_ref[0][None, :, :], 0.0)
    emb_ref[...] = jnp.dot(onehot, tu_ref[0],
                           preferred_element_type=jnp.float32)


def _tc_table_pass_body(emb_ref, a0_ref, a1_ref, w_ref, bu_ref, out_ref):
    xfull = jnp.concatenate([a0_ref[...], a1_ref[...]], axis=1)
    res = (jnp.dot(xfull, w_ref[0], preferred_element_type=jnp.float32)
           + emb_ref[...])
    out_ref[...] = jnp.maximum(res[:, None, :] + bu_ref[0][None, :, :], 0.0)


def _tc_mlp_body(mol_ref, w1_ref, b1_ref, w2_ref, b2_ref, out_ref):
    h = jnp.maximum(jnp.dot(mol_ref[...], w1_ref[...],
                            preferred_element_type=jnp.float32) + b1_ref[...],
                    0.0)
    out_ref[...] = jnp.dot(h, w2_ref[...],
                           preferred_element_type=jnp.float32) + b2_ref[...]


_edge_pass = functools.partial(
    pl.kernel, _edge_pass_body,
    out_type=jax.ShapeDtypeStruct((NC * NN_PAD, H), jnp.float32),
    mesh=_MESH,
    compiler_params=_SC_PARAMS,
    scratch_types=[
        pltpu.VMEM((2, NBUF * BLK), jnp.int32),
        pltpu.VMEM((2, NBUF, BLK), jnp.int32),
        pltpu.VMEM((NBUF, BLK, H), jnp.float32),
        pltpu.VMEM_SHARED((NN_PAD, H), jnp.float32),
    ] + [pltpu.SemaphoreType.DMA] * 12,
)

_mol_reduce = functools.partial(
    pl.kernel, _mol_body,
    out_type=jax.ShapeDtypeStruct((NC, N_MOL, H), jnp.float32),
    mesh=_MESH,
    compiler_params=_SC_PARAMS,
    scratch_types=[
        pltpu.VMEM((NPT // 128, 128), jnp.int32),
        pltpu.VMEM((128, H), jnp.float32),
        pltpu.VMEM_SHARED((MOL_ROWS, H), jnp.float32),
        pltpu.SemaphoreType.DMA,
    ],
)


def _tc_table_init(x2, tw_pad, tu_pad, bw4):
    return pl.pallas_call(
        _tc_table_init_body,
        grid=(NC, _NBLK_N),
        in_specs=[
            pl.BlockSpec((BLKN, 1), lambda c, i: (i, 0)),
            pl.BlockSpec((1, NTYPES, H), lambda c, i: (c, 0, 0)),
            pl.BlockSpec((1, NTYPES, H), lambda c, i: (c, 0, 0)),
            pl.BlockSpec((1, NBOND, H), lambda c, i: (c, 0, 0)),
        ],
        out_specs=[
            pl.BlockSpec((BLKN, NBOND, H),
                         lambda c, i: (c * _NBLK_N + i, 0, 0)),
            pl.BlockSpec((BLKN, H), lambda c, i: (c * _NBLK_N + i, 0)),
        ],
        out_shape=[
            jax.ShapeDtypeStruct((NC * NN_PAD, NBOND, H), jnp.float32),
            jax.ShapeDtypeStruct((NC * NN_PAD, H), jnp.float32),
        ],
    )(x2, tw_pad, tu_pad, bw4)


def _tc_table_pass(embu, agg, w_agg, bu4):
    return pl.pallas_call(
        _tc_table_pass_body,
        grid=(NC, _NBLK_N),
        in_specs=[
            pl.BlockSpec((BLKN, H), lambda c, i: (c * _NBLK_N + i, 0)),
            pl.BlockSpec((BLKN, H), lambda c, i: (i, 0)),
            pl.BlockSpec((BLKN, H), lambda c, i: (_NBLK_N + i, 0)),
            pl.BlockSpec((1, D, H), lambda c, i: (c, 0, 0)),
            pl.BlockSpec((1, NBOND, H), lambda c, i: (c, 0, 0)),
        ],
        out_specs=pl.BlockSpec((BLKN, NBOND, H),
                               lambda c, i: (c * _NBLK_N + i, 0, 0)),
        out_shape=jax.ShapeDtypeStruct((NC * NN_PAD, NBOND, H), jnp.float32),
    )(embu, agg, agg, w_agg, bu4)


def _tc_mlp(mol, w1, b1, w2, b2):
    return pl.pallas_call(
        _tc_mlp_body,
        out_shape=jax.ShapeDtypeStruct((N_MOL, 1), jnp.float32),
    )(mol, w1, b1.reshape(1, -1), w2, b2.reshape(1, 1))


def kernel(x, edge_index, edge_attr, batch, atom_table, bond_table,
           W_init, b_init, W_upd, b_upd, W1, b1, W2, b2):
    A = atom_table.shape[1]
    B = bond_table.shape[1]

    tw_full = jnp.zeros((NTYPES, D), jnp.float32).at[:119].set(
        atom_table @ W_init[:A])
    tu_full = jnp.zeros((NTYPES, D), jnp.float32).at[:119].set(
        atom_table @ W_upd[:A])
    tw_pad = jnp.stack([tw_full[:, :H], tw_full[:, H:]])
    tu_pad = jnp.stack([tu_full[:, :H], tu_full[:, H:]])
    bondW4 = bond_table @ W_init[A:] + b_init
    bondU4 = bond_table @ W_upd[A:A + B] + b_upd
    bw4 = jnp.stack([bondW4[:, :H], bondW4[:, H:]])
    bu4 = jnp.stack([bondU4[:, :H], bondU4[:, H:]])
    w_full = W_upd[A + B:]
    w_agg = jnp.stack([w_full[:, :H], w_full[:, H:]])

    src = edge_index[0]
    dst = edge_index[1]
    pad_e = NE_PAD - N_EDGES
    e4 = jnp.concatenate([src * NBOND + edge_attr,
                          jnp.zeros((pad_e,), jnp.int32)])
    dst_p = jnp.concatenate(
        [dst, jnp.full((pad_e,), DUMMY_NODE, jnp.int32)]).reshape(-1, 128)
    batch_p = jnp.concatenate(
        [batch, jnp.full((NN_PAD - N_NODES,), DUMMY_MOL, jnp.int32)]
    ).reshape(-1, 128)
    x2 = jnp.concatenate(
        [x, jnp.zeros((NN_PAD - N_NODES,), jnp.int32)]
    ).astype(jnp.float32).reshape(NN_PAD, 1)

    zrows = jnp.zeros((NPT, H), jnp.float32)
    zmol = jnp.zeros((MOL_ROWS // NS, H), jnp.float32)

    tab3, embu = _tc_table_init(x2, tw_pad, tu_pad, bw4)
    agg = _edge_pass()(e4, dst_p, tab3.reshape(NC * NN_PAD * NBOND, H), zrows)
    for _ in range(3):
        tab = _tc_table_pass(embu, agg, w_agg, bu4).reshape(
            NC * NN_PAD * NBOND, H)
        agg = _edge_pass()(e4, dst_p, tab, zrows)

    mol_halves = _mol_reduce()(agg, batch_p, zmol)
    mol = jnp.concatenate([mol_halves[0], mol_halves[1]], axis=1)
    out = _tc_mlp(mol, W1, b1, W2, b2)
    return out[:, 0]

# --- scband reference (transcript-rebuilt; emitter-appended) ---
"""Pipeline reference for scband-basic-dmpnn-326417514982 (READ-ONLY COPY).

The authoritative reference and input builder live on the scoring server;
editing this copy changes nothing except your own understanding.
"""

import jax, jax.numpy as jnp
import numpy as np

N_NODES = 50000
N_EDGES = 800000
N_MOL = 512
ATOM_EMB = 64
BOND_EMB = 16
MSG_DIM = 64
OUT_HIDDEN = 128
MSG_PASSES = 3


def setup_inputs(seed: int = 0) -> dict:
    key = jax.random.key(seed)
    ks = jax.random.split(key, 12)
    x = jax.random.randint(ks[0], (N_NODES,), 0, 119)
    edge_index = jax.random.randint(ks[1], (2, N_EDGES), 0, N_NODES)
    edge_attr = jax.random.randint(ks[2], (N_EDGES,), 0, 4)
    batch = jnp.sort(jax.random.randint(ks[3], (N_NODES,), 0, N_MOL))
    batch = batch.at[-1].set(N_MOL - 1)

    def w(k, shape, scale=0.05):
        return (jax.random.normal(k, shape, dtype=jnp.float32) * scale).astype(jnp.float32)

    return {
        "x": x,
        "edge_index": edge_index,
        "edge_attr": edge_attr,
        "batch": batch,
        "atom_table": w(ks[4], (119, ATOM_EMB)),
        "bond_table": w(ks[5], (4, BOND_EMB)),
        "W_init": w(ks[6], (ATOM_EMB + BOND_EMB, MSG_DIM)),
        "b_init": jnp.zeros((MSG_DIM,), jnp.float32),
        "W_upd": w(ks[7], (ATOM_EMB + BOND_EMB + MSG_DIM, MSG_DIM)),
        "b_upd": jnp.zeros((MSG_DIM,), jnp.float32),
        "W1": w(ks[8], (MSG_DIM, OUT_HIDDEN)),
        "b1": jnp.zeros((OUT_HIDDEN,), jnp.float32),
        "W2": w(ks[9], (OUT_HIDDEN, 1)),
        "b2": jnp.zeros((1,), jnp.float32),
    }


def reference(x, edge_index, edge_attr, batch, atom_table, bond_table,
              W_init, b_init, W_upd, b_upd, W1, b1, W2, b2):
    n_nodes = x.shape[0]
    atom = jnp.take(atom_table, x, axis=0)          # embedding lookup
    bond = jnp.take(bond_table, edge_attr, axis=0)  # embedding lookup
    src = edge_index[0]
    dst = edge_index[1]
    atom_src = jnp.take(atom, src, axis=0)          # gather
    msg = jax.nn.relu(jnp.concatenate([atom_src, bond], axis=1) @ W_init + b_init)
    for _ in range(MSG_PASSES):
        agg = jax.ops.segment_sum(msg, dst, num_segments=n_nodes)  # scatter-add
        upd_in = jnp.concatenate([atom_src, bond, jnp.take(agg, src, axis=0)], axis=1)
        msg = jax.nn.relu(upd_in @ W_upd + b_upd)
    node_state = jax.ops.segment_sum(msg, dst, num_segments=n_nodes)
    mol_state = jax.ops.segment_sum(node_state, batch, num_segments=N_MOL)
    h = jax.nn.relu(mol_state @ W1 + b1)
    out = (h @ W2 + b2).squeeze(-1)
    return out

if __name__ == "__main__":
    import jax
    _d = setup_inputs()
    print(jax.jit(kernel)(*tuple(_d.values())))

</pallas_src>

<mosaic_0001>
#map = affine_map<(d0, d1) -> (0)>
#map1 = affine_map<(d0, d1) -> (0, 0)>
module attributes {stable_mosaic.version = 14 : i64} {
  func.func @_edge_pass_body(%arg0: i32, %arg1: i32, %arg2: memref<811008xi32, #tpu.memory_space<hbm>>, %arg3: memref<6336x128xi32, #tpu.memory_space<hbm>>, %arg4: memref<409600x32xf32, #tpu.memory_space<hbm>>, %arg5: memref<3200x32xf32, #tpu.memory_space<hbm>>, %arg6: memref<102400x32xf32, #tpu.memory_space<hbm>>, %arg7: memref<2x768xi32, #tpu.memory_space<vmem>>, %arg8: memref<2x6x128xi32, #tpu.memory_space<vmem>>, %arg9: memref<6x128x32xf32, #tpu.memory_space<vmem>>, %arg10: memref<51200x32xf32, #tpu.memory_space<vmem_shared>>, %arg11: memref<!tpu.dma_semaphore, #tpu.memory_space<semaphore_mem>>, %arg12: memref<!tpu.dma_semaphore, #tpu.memory_space<semaphore_mem>>, %arg13: memref<!tpu.dma_semaphore, #tpu.memory_space<semaphore_mem>>, %arg14: memref<!tpu.dma_semaphore, #tpu.memory_space<semaphore_mem>>, %arg15: memref<!tpu.dma_semaphore, #tpu.memory_space<semaphore_mem>>, %arg16: memref<!tpu.dma_semaphore, #tpu.memory_space<semaphore_mem>>, %arg17: memref<!tpu.dma_semaphore, #tpu.memory_space<semaphore_mem>>, %arg18: memref<!tpu.dma_semaphore, #tpu.memory_space<semaphore_mem>>, %arg19: memref<!tpu.dma_semaphore, #tpu.memory_space<semaphore_mem>>, %arg20: memref<!tpu.dma_semaphore, #tpu.memory_space<semaphore_mem>>, %arg21: memref<!tpu.dma_semaphore, #tpu.memory_space<semaphore_mem>>, %arg22: memref<!tpu.dma_semaphore, #tpu.memory_space<semaphore_mem>>) attributes {dimension_semantics = [#tpu.dimension_semantics<core_parallel>, #tpu.dimension_semantics<subcore_parallel>], iteration_bounds = array<i64: 2, 16>, scalar_prefetch = 0 : i64, scratch_operands = 16 : i64, tpu.core_type = #tpu.core_type<sc_vector_subcore>, window_params = [{transform_indices = #map}, {transform_indices = #map1}, {transform_indices = #map1}, {transform_indices = #map1}, {transform_indices = #map1}]} {
    %mul3A = arith.constant 3200 : i32
    %mul3A_0 = arith.muli %arg1, %mul3A : i32
    "tpu.region"() ({
      %run_scoped3A_102 = tpu.sem_alloc : memref<!tpu.dma_semaphore, #tpu.memory_space<semaphore_mem>>
      %dma_start3A_103 = arith.constant 0 : i32
      %dma_start3A_104 = tpu.memref_slice %arg10[%mul3A_0, %dma_start3A_103] : memref<51200x32xf32, #tpu.memory_space<vmem_shared>> -> memref<3200x32xf32, #tpu.memory_space<vmem_shared>>
      tpu.enqueue_dma source(%arg5 : memref<3200x32xf32, #tpu.memory_space<hbm>>) target(%dma_start3A_104 : memref<3200x32xf32, #tpu.memory_space<vmem_shared>>) target_semaphore(%run_scoped3A_102 : memref<!tpu.dma_semaphore, #tpu.memory_space<semaphore_mem>>)
      %dma_wait3A_105 = arith.constant 0 : i32
      %dma_wait3A_106 = tpu.memref_slice %arg10[%mul3A_0, %dma_wait3A_105] : memref<51200x32xf32, #tpu.memory_space<vmem_shared>> -> memref<3200x32xf32, #tpu.memory_space<vmem_shared>>
      tpu.wait_dma2 semaphore(%run_scoped3A_102 : memref<!tpu.dma_semaphore, #tpu.memory_space<semaphore_mem>>) src(%arg5 : memref<3200x32xf32, #tpu.memory_space<hbm>>) dst(%dma_wait3A_106 : memref<3200x32xf32, #tpu.memory_space<vmem_shared>>)
      tpu.yield
    }) : () -> ()
    %barrier3A = arith.constant 0 : index
    tpu.barrier barrier_id(%barrier3A)
    %mul3A_1 = arith.constant 204800 : i32
    %mul3A_2 = arith.muli %arg0, %mul3A_1 : i32
    %mul3A_3 = arith.constant 50688 : i32
    %mul3A_4 = arith.muli %arg1, %mul3A_3 : i32
    %add3A = arith.constant 0 : i32
    %add3A_5 = arith.addi %mul3A_4, %add3A : i32
    %run_scoped3A = arith.constant 0 : i32
    "tpu.region"() ({
      %run_scoped3A_102 = tpu.sem_alloc : memref<!tpu.dma_semaphore, #tpu.memory_space<semaphore_mem>>
      %dma_start3A_103 = arith.constant 0 : i32
      %dma_start3A_104 = tpu.memref_slice %arg7[%run_scoped3A, %dma_start3A_103] : memref<2x768xi32, #tpu.memory_space<vmem>> -> memref<1x768xi32, #tpu.memory_space<vmem>>
      %dma_start3A_105 = tpu.memref_squeeze %dma_start3A_104 : memref<1x768xi32, #tpu.memory_space<vmem>> -> memref<768xi32, #tpu.memory_space<vmem>>
      %dma_start3A_106 = tpu.memref_slice %arg2[%add3A_5] : memref<811008xi32, #tpu.memory_space<hbm>> -> memref<768xi32, #tpu.memory_space<hbm>>
      %dma_start3A_107 = arith.constant 0 : i32
      %dma_start3A_108 = tpu.memref_slice %arg7[%run_scoped3A, %dma_start3A_107] : memref<2x768xi32, #tpu.memory_space<vmem>> -> memref<1x768xi32, #tpu.memory_space<vmem>>
      %dma_start3A_109 = tpu.memref_squeeze %dma_start3A_108 : memref<1x768xi32, #tpu.memory_space<vmem>> -> memref<768xi32, #tpu.memory_space<vmem>>
      %dma_start3A_110 = tpu.memref_slice %arg2[%add3A_5] : memref<811008xi32, #tpu.memory_space<hbm>> -> memref<768xi32, #tpu.memory_space<hbm>>
      tpu.enqueue_dma source(%dma_start3A_110 : memref<768xi32, #tpu.memory_space<hbm>>) target(%dma_start3A_109 : memref<768xi32, #tpu.memory_space<vmem>>) target_semaphore(%run_scoped3A_102 : memref<!tpu.dma_semaphore, #tpu.memory_space<semaphore_mem>>)
      %dma_wait3A_111 = arith.constant 0 : i32
      %dma_wait3A_112 = tpu.memref_slice %arg7[%run_scoped3A, %dma_wait3A_111] : memref<2x768xi32, #tpu.memory_space<vmem>> -> memref<1x768xi32, #tpu.memory_space<vmem>>
      %dma_wait3A_113 = tpu.memref_squeeze %dma_wait3A_112 : memref<1x768xi32, #tpu.memory_space<vmem>> -> memref<768xi32, #tpu.memory_space<vmem>>
      %dma_wait3A_114 = tpu.memref_slice %arg2[%add3A_5] : memref<811008xi32, #tpu.memory_space<hbm>> -> memref<768xi32, #tpu.memory_space<hbm>>
      %dma_wait3A_115 = arith.constant 0 : i32
      %dma_wait3A_116 = tpu.memref_slice %arg7[%run_scoped3A, %dma_wait3A_115] : memref<2x768xi32, #tpu.memory_space<vmem>> -> memref<1x768xi32, #tpu.memory_space<vmem>>
      %dma_wait3A_117 = tpu.memref_squeeze %dma_wait3A_116 : memref<1x768xi32, #tpu.memory_space<vmem>> -> memref<768xi32, #tpu.memory_space<vmem>>
      %dma_wait3A_118 = tpu.memref_slice %arg2[%add3A_5] : memref<811008xi32, #tpu.memory_space<hbm>> -> memref<768xi32, #tpu.memory_space<hbm>>
      tpu.wait_dma2 semaphore(%run_scoped3A_102 : memref<!tpu.dma_semaphore, #tpu.memory_space<semaphore_mem>>) src(%dma_wait3A_118 : memref<768xi32, #tpu.memory_space<hbm>>) dst(%dma_wait3A_117 : memref<768xi32, #tpu.memory_space<vmem>>)
      tpu.yield
    }) : () -> ()
    %scan3A = arith.constant 0 : i32
    %scan3A_6 = arith.constant 0 : i32
    %scan3A_7 = arith.constant 48 : i32
    %scan3A_8 = arith.addi %scan3A_6, %scan3A_7 : i32
    %scan3A_9 = arith.constant 1 : i32
    scf.for %scan3A_102 = %scan3A_6 to %scan3A_8 step %scan3A_9  : i32 {
      %mul3A_103 = arith.constant 16 : i32
      %mul3A_104 = arith.muli %scan3A_102, %mul3A_103 : i32
      %get3A = arith.constant 0 : i32
      %get3A_105 = arith.index_cast %get3A : i32 to index
      %get3A_106 = arith.index_cast %mul3A_104 : i32 to index
      %get3A_107 = tpu.vector_load %arg7[%get3A_105, %get3A_106] {strides = array<i32>} : memref<2x768xi32, #tpu.memory_space<vmem>>, vector<1x16xi32>,
      %get3A_108 = vector.shape_cast %get3A_107 : vector<1x16xi32> to vector<16xi32>
      %add3A_109 = vector.broadcast %mul3A_2 : i32 to vector<16xi32>
      %add3A_110 = arith.addi %get3A_108, %add3A_109 : vector<16xi32>
      %swap3A = arith.constant 0 : i32
      %swap3A_111 = arith.index_cast %swap3A : i32 to index
      %swap3A_112 = arith.index_cast %mul3A_104 : i32 to index
      %swap3A_113 = tpu.vector_load %arg7[%swap3A_111, %swap3A_112] {strides = array<i32>} : memref<2x768xi32, #tpu.memory_space<vmem>>, vector<1x16xi32>,
      %swap3A_114 = vector.shape_cast %swap3A_113 : vector<1x16xi32> to vector<16xi32>
      %swap3A_115 = vector.shape_cast %add3A_110 : vector<16xi32> to vector<1x16xi32>
      tpu.vector_store %arg7[%swap3A_111, %swap3A_112], %swap3A_115 {strides = array<i32>} : memref<2x768xi32, #tpu.memory_space<vmem>>, vector<1x16xi32>,
    }
    %scan3A_10 = arith.constant 48 : i32
    %mul3A_11 = arith.constant 396 : i32
    %mul3A_12 = arith.muli %arg1, %mul3A_11 : i32
    %add3A_13 = arith.constant 0 : i32
    %add3A_14 = arith.addi %mul3A_12, %add3A_13 : i32
    %run_scoped3A_15 = arith.constant 0 : i32
    "tpu.region"() ({
      %run_scoped3A_102 = tpu.sem_alloc : memref<!tpu.dma_semaphore, #tpu.memory_space<semaphore_mem>>
      %dma_start3A_103 = arith.constant 0 : i32
      %dma_start3A_104 = arith.constant 0 : i32
      %dma_start3A_105 = tpu.memref_slice %arg8[%run_scoped3A_15, %dma_start3A_103, %dma_start3A_104] : memref<2x6x128xi32, #tpu.memory_space<vmem>> -> memref<1x6x128xi32, #tpu.memory_space<vmem>>
      %dma_start3A_106 = tpu.memref_squeeze %dma_start3A_105 : memref<1x6x128xi32, #tpu.memory_space<vmem>> -> memref<6x128xi32, #tpu.memory_space<vmem>>
      %dma_start3A_107 = arith.constant 0 : i32
      %dma_start3A_108 = tpu.memref_slice %arg3[%add3A_14, %dma_start3A_107] : memref<6336x128xi32, #tpu.memory_space<hbm>> -> memref<6x128xi32, #tpu.memory_space<hbm>>
      %dma_start3A_109 = arith.constant 0 : i32
      %dma_start3A_110 = arith.constant 0 : i32
      %dma_start3A_111 = tpu.memref_slice %arg8[%run_scoped3A_15, %dma_start3A_109, %dma_start3A_110] : memref<2x6x128xi32, #tpu.memory_space<vmem>> -> memref<1x6x128xi32, #tpu.memory_space<vmem>>
      %dma_start3A_112 = tpu.memref_squeeze %dma_start3A_111 : memref<1x6x128xi32, #tpu.memory_space<vmem>> -> memref<6x128xi32, #tpu.memory_space<vmem>>
      %dma_start3A_113 = arith.constant 0 : i32
      %dma_start3A_114 = tpu.memref_slice %arg3[%add3A_14, %dma_start3A_113] : memref<6336x128xi32, #tpu.memory_space<hbm>> -> memref<6x128xi32, #tpu.memory_space<hbm>>
      tpu.enqueue_dma source(%dma_start3A_114 : memref<6x128xi32, #tpu.memory_space<hbm>>) target(%dma_start3A_112 : memref<6x128xi32, #tpu.memory_space<vmem>>) target_semaphore(%run_scoped3A_102 : memref<!tpu.dma_semaphore, #tpu.memory_space<semaphore_mem>>)
      %dma_wait3A_115 = arith.constant 0 : i32
      %dma_wait3A_116 = arith.constant 0 : i32
      %dma_wait3A_117 = tpu.memref_slice %arg8[%run_scoped3A_15, %dma_wait3A_115, %dma_wait3A_116] : memref<2x6x128xi32, #tpu.memory_space<vmem>> -> memref<1x6x128xi32, #tpu.memory_space<vmem>>
      %dma_wait3A_118 = tpu.memref_squeeze %dma_wait3A_117 : memref<1x6x128xi32, #tpu.memory_space<vmem>> -> memref<6x128xi32, #tpu.memory_space<vmem>>
      %dma_wait3A_119 = arith.constant 0 : i32
      %dma_wait3A_120 = tpu.memref_slice %arg3[%add3A_14, %dma_wait3A_119] : memref<6336x128xi32, #tpu.memory_space<hbm>> -> memref<6x128xi32, #tpu.memory_space<hbm>>
      %dma_wait3A_121 = arith.constant 0 : i32
      %dma_wait3A_122 = arith.constant 0 : i32
      %dma_wait3A_123 = tpu.memref_slice %arg8[%run_scoped3A_15, %dma_wait3A_121, %dma_wait3A_122] : memref<2x6x128xi32, #tpu.memory_space<vmem>> -> memref<1x6x128xi32, #tpu.memory_space<vmem>>
      %dma_wait3A_124 = tpu.memref_squeeze %dma_wait3A_123 : memref<1x6x128xi32, #tpu.memory_space<vmem>> -> memref<6x128xi32, #tpu.memory_space<vmem>>
      %dma_wait3A_125 = arith.constant 0 : i32
      %dma_wait3A_126 = tpu.memref_slice %arg3[%add3A_14, %dma_wait3A_125] : memref<6336x128xi32, #tpu.memory_space<hbm>> -> memref<6x128xi32, #tpu.memory_space<hbm>>
      tpu.wait_dma2 semaphore(%run_scoped3A_102 : memref<!tpu.dma_semaphore, #tpu.memory_space<semaphore_mem>>) src(%dma_wait3A_126 : memref<6x128xi32, #tpu.memory_space<hbm>>) dst(%dma_wait3A_124 : memref<6x128xi32, #tpu.memory_space<vmem>>)
      tpu.yield
    }) : () -> ()
    %dma_start3A = arith.constant 0 : i32
    %dma_start3A_16 = arith.constant 0 : i32
    %dma_start3A_17 = arith.constant 0 : i32
    %dma_start3A_18 = arith.constant 0 : i32
    %dma_start3A_19 = tpu.memref_slice %arg9[%dma_start3A_16, %dma_start3A_17, %dma_start3A_18] : memref<6x128x32xf32, #tpu.memory_space<vmem>> -> memref<1x128x32xf32, #tpu.memory_space<vmem>>
    %dma_start3A_20 = tpu.memref_squeeze %dma_start3A_19 : memref<1x128x32xf32, #tpu.memory_space<vmem>> -> memref<128x32xf32, #tpu.memory_space<vmem>>
    %dma_start3A_21 = arith.constant 0 : i32
    %dma_start3A_22 = tpu.memref_slice %arg7[%dma_start3A, %dma_start3A_21] : memref<2x768xi32, #tpu.memory_space<vmem>> -> memref<1x128xi32, #tpu.memory_space<vmem>>
    %dma_start3A_23 = tpu.memref_squeeze %dma_start3A_22 : memref<1x128xi32, #tpu.memory_space<vmem>> -> memref<128xi32, #tpu.memory_space<vmem>>
    %dma_start3A_24 = arith.constant 0 : i32
    %dma_start3A_25 = arith.constant 0 : i32
    %dma_start3A_26 = tpu.memref_slice %arg4[%dma_start3A_24, %dma_start3A_25] : memref<409600x32xf32, #tpu.memory_space<hbm>> -> memref<409600x32xf32, #tpu.memory_space<hbm>>
    tpu.enqueue_indirect_dma source(%dma_start3A_26 : memref<409600x32xf32, #tpu.memory_space<hbm>>) target(%dma_start3A_20 : memref<128x32xf32, #tpu.memory_space<vmem>>) offsets(%dma_start3A_23 : memref<128xi32, #tpu.memory_space<vmem>>) semaphore(%arg11 : memref<!tpu.dma_semaphore, #tpu.memory_space<semaphore_mem>>)
    %dma_start3A_27 = arith.constant 0 : i32
    %dma_start3A_28 = arith.constant 1 : i32
    %dma_start3A_29 = arith.constant 0 : i32
    %dma_start3A_30 = arith.constant 0 : i32
    %dma_start3A_31 = tpu.memref_slice %arg9[%dma_start3A_28, %dma_start3A_29, %dma_start3A_30] : memref<6x128x32xf32, #tpu.memory_space<vmem>> -> memref<1x128x32xf32, #tpu.memory_space<vmem>>
    %dma_start3A_32 = tpu.memref_squeeze %dma_start3A_31 : memref<1x128x32xf32, #tpu.memory_space<vmem>> -> memref<128x32xf32, #tpu.memory_space<vmem>>
    %dma_start3A_33 = arith.constant 128 : i32
    %dma_start3A_34 = tpu.memref_slice %arg7[%dma_start3A_27, %dma_start3A_33] : memref<2x768xi32, #tpu.memory_space<vmem>> -> memref<1x128xi32, #tpu.memory_space<vmem>>
    %dma_start3A_35 = tpu.memref_squeeze %dma_start3A_34 : memref<1x128xi32, #tpu.memory_space<vmem>> -> memref<128xi32, #tpu.memory_space<vmem>>
    %dma_start3A_36 = arith.constant 0 : i32
    %dma_start3A_37 = arith.constant 0 : i32
    %dma_start3A_38 = tpu.memref_slice %arg4[%dma_start3A_36, %dma_start3A_37] : memref<409600x32xf32, #tpu.memory_space<hbm>> -> memref<409600x32xf32, #tpu.memory_space<hbm>>
    tpu.enqueue_indirect_dma source(%dma_start3A_38 : memref<409600x32xf32, #tpu.memory_space<hbm>>) target(%dma_start3A_32 : memref<128x32xf32, #tpu.memory_space<vmem>>) offsets(%dma_start3A_35 : memref<128xi32, #tpu.memory_space<vmem>>) semaphore(%arg12 : memref<!tpu.dma_semaphore, #tpu.memory_space<semaphore_mem>>)
    %dma_start3A_39 = arith.constant 0 : i32
    %dma_start3A_40 = arith.constant 2 : i32
    %dma_start3A_41 = arith.constant 0 : i32
    %dma_start3A_42 = arith.constant 0 : i32
    %dma_start3A_43 = tpu.memref_slice %arg9[%dma_start3A_40, %dma_start3A_41, %dma_start3A_42] : memref<6x128x32xf32, #tpu.memory_space<vmem>> -> memref<1x128x32xf32, #tpu.memory_space<vmem>>
    %dma_start3A_44 = tpu.memref_squeeze %dma_start3A_43 : memref<1x128x32xf32, #tpu.memory_space<vmem>> -> memref<128x32xf32, #tpu.memory_space<vmem>>
    %dma_start3A_45 = arith.constant 256 : i32
    %dma_start3A_46 = tpu.memref_slice %arg7[%dma_start3A_39, %dma_start3A_45] : memref<2x768xi32, #tpu.memory_space<vmem>> -> memref<1x128xi32, #tpu.memory_space<vmem>>
    %dma_start3A_47 = tpu.memref_squeeze %dma_start3A_46 : memref<1x128xi32, #tpu.memory_space<vmem>> -> memref<128xi32, #tpu.memory_space<vmem>>
    %dma_start3A_48 = arith.constant 0 : i32
    %dma_start3A_49 = arith.constant 0 : i32
    %dma_start3A_50 = tpu.memref_slice %arg4[%dma_start3A_48, %dma_start3A_49] : memref<409600x32xf32, #tpu.memory_space<hbm>> -> memref<409600x32xf32, #tpu.memory_space<hbm>>
    tpu.enqueue_indirect_dma source(%dma_start3A_50 : memref<409600x32xf32, #tpu.memory_space<hbm>>) target(%dma_start3A_44 : memref<128x32xf32, #tpu.memory_space<vmem>>) offsets(%dma_start3A_47 : memref<128xi32, #tpu.memory_space<vmem>>) semaphore(%arg13 : memref<!tpu.dma_semaphore, #tpu.memory_space<semaphore_mem>>)
    %dma_start3A_51 = arith.constant 0 : i32
    %dma_start3A_52 = arith.constant 3 : i32
    %dma_start3A_53 = arith.constant 0 : i32
    %dma_start3A_54 = arith.constant 0 : i32
    %dma_start3A_55 = tpu.memref_slice %arg9[%dma_start3A_52, %dma_start3A_53, %dma_start3A_54] : memref<6x128x32xf32, #tpu.memory_space<vmem>> -> memref<1x128x32xf32, #tpu.memory_space<vmem>>
    %dma_start3A_56 = tpu.memref_squeeze %dma_start3A_55 : memref<1x128x32xf32, #tpu.memory_space<vmem>> -> memref<128x32xf32, #tpu.memory_space<vmem>>
    %dma_start3A_57 = arith.constant 384 : i32
    %dma_start3A_58 = tpu.memref_slice %arg7[%dma_start3A_51, %dma_start3A_57] : memref<2x768xi32, #tpu.memory_space<vmem>> -> memref<1x128xi32, #tpu.memory_space<vmem>>
    %dma_start3A_59 = tpu.memref_squeeze %dma_start3A_58 : memref<1x128xi32, #tpu.memory_space<vmem>> -> memref<128xi32, #tpu.memory_space<vmem>>
    %dma_start3A_60 = arith.constant 0 : i32
    %dma_start3A_61 = arith.constant 0 : i32
    %dma_start3A_62 = tpu.memref_slice %arg4[%dma_start3A_60, %dma_start3A_61] : memref<409600x32xf32, #tpu.memory_space<hbm>> -> memref<409600x32xf32, #tpu.memory_space<hbm>>
    tpu.enqueue_indirect_dma source(%dma_start3A_62 : memref<409600x32xf32, #tpu.memory_space<hbm>>) target(%dma_start3A_56 : memref<128x32xf32, #tpu.memory_space<vmem>>) offsets(%dma_start3A_59 : memref<128xi32, #tpu.memory_space<vmem>>) semaphore(%arg14 : memref<!tpu.dma_semaphore, #tpu.memory_space<semaphore_mem>>)
    %scan3A_63 = arith.constant 0 : i32
    %scan3A_64 = arith.constant 0 : i32
    %scan3A_65 = arith.constant 66 : i32
    %scan3A_66 = arith.addi %scan3A_64, %scan3A_65 : i32
    %scan3A_67 = arith.constant 1 : i32
    scf.for %scan3A_102 = %scan3A_64 to %scan3A_66 step %scan3A_67  : i32 {
      %rem3A = arith.constant 2 : i32
      %rem3A_103 = arith.remsi %scan3A_102, %rem3A : i32
      %gt3A = arith.constant 0 : i32
      %gt3A_104 = arith.cmpi sgt, %scan3A_102, %gt3A : i32
      %convert_element_type3A = arith.extui %gt3A_104 : i1 to i32
      %cond3A = arith.constant 0 : i32
      %cond3A_105 = arith.cmpi ne, %convert_element_type3A, %cond3A : i32
      scf.if %cond3A_105 {
        %dma_wait3A_348 = arith.constant 4 : i32
        %dma_wait3A_349 = arith.constant 0 : i32
        %dma_wait3A_350 = arith.constant 0 : i32
        %dma_wait3A_351 = arith.constant 0 : i32
        %dma_wait3A_352 = arith.constant 0 : i32
        %dma_wait3A_353 = tpu.memref_slice %arg9[%dma_wait3A_348, %dma_wait3A_351, %dma_wait3A_352] : memref<6x128x32xf32, #tpu.memory_space<vmem>> -> memref<1x128x32xf32, #tpu.memory_space<vmem>>
        %dma_wait3A_354 = tpu.memref_squeeze %dma_wait3A_353 : memref<1x128x32xf32, #tpu.memory_space<vmem>> -> memref<128x32xf32, #tpu.memory_space<vmem>>
        %dma_wait3A_355 = arith.constant 0 : i32
        %dma_wait3A_356 = tpu.memref_slice %arg8[%dma_wait3A_349, %dma_wait3A_350, %dma_wait3A_355] : memref<2x6x128xi32, #tpu.memory_space<vmem>> -> memref<1x1x128xi32, #tpu.memory_space<vmem>>
        %dma_wait3A_357 = tpu.memref_squeeze %dma_wait3A_356 : memref<1x1x128xi32, #tpu.memory_space<vmem>> -> memref<128xi32, #tpu.memory_space<vmem>>
        %dma_wait3A_358 = arith.constant 0 : i32
        %dma_wait3A_359 = arith.constant 0 : i32
        %dma_wait3A_360 = tpu.memref_slice %arg10[%dma_wait3A_358, %dma_wait3A_359] : memref<51200x32xf32, #tpu.memory_space<vmem_shared>> -> memref<51200x32xf32, #tpu.memory_space<vmem_shared>>
        tpu.wait_indirect_dma semaphore(%arg21 : memref<!tpu.dma_semaphore, #tpu.memory_space<semaphore_mem>>) src(%dma_wait3A_354 : memref<128x32xf32, #tpu.memory_space<vmem>>) dst(%dma_wait3A_360 : memref<51200x32xf32, #tpu.memory_space<vmem_shared>>)
        %dma_wait3A_361 = arith.constant 5 : i32
        %dma_wait3A_362 = arith.constant 0 : i32
        %dma_wait3A_363 = arith.constant 0 : i32
        %dma_wait3A_364 = arith.constant 0 : i32
        %dma_wait3A_365 = arith.constant 0 : i32
        %dma_wait3A_366 = tpu.memref_slice %arg9[%dma_wait3A_361, %dma_wait3A_364, %dma_wait3A_365] : memref<6x128x32xf32, #tpu.memory_space<vmem>> -> memref<1x128x32xf32, #tpu.memory_space<vmem>>
        %dma_wait3A_367 = tpu.memref_squeeze %dma_wait3A_366 : memref<1x128x32xf32, #tpu.memory_space<vmem>> -> memref<128x32xf32, #tpu.memory_space<vmem>>
        %dma_wait3A_368 = arith.constant 0 : i32
        %dma_wait3A_369 = tpu.memref_slice %arg8[%dma_wait3A_362, %dma_wait3A_363, %dma_wait3A_368] : memref<2x6x128xi32, #tpu.memory_space<vmem>> -> memref<1x1x128xi32, #tpu.memory_space<vmem>>
        %dma_wait3A_370 = tpu.memref_squeeze %dma_wait3A_369 : memref<1x1x128xi32, #tpu.memory_space<vmem>> -> memref<128xi32, #tpu.memory_space<vmem>>
        %dma_wait3A_371 = arith.constant 0 : i32
        %dma_wait3A_372 = arith.constant 0 : i32
        %dma_wait3A_373 = tpu.memref_slice %arg10[%dma_wait3A_371, %dma_wait3A_372] : memref<51200x32xf32, #tpu.memory_space<vmem_shared>> -> memref<51200x32xf32, #tpu.memory_space<vmem_shared>>
        tpu.wait_indirect_dma semaphore(%arg22 : memref<!tpu.dma_semaphore, #tpu.memory_space<semaphore_mem>>) src(%dma_wait3A_367 : memref<128x32xf32, #tpu.memory_space<vmem>>) dst(%dma_wait3A_373 : memref<51200x32xf32, #tpu.memory_space<vmem_shared>>)
      } else {
      }
      %lt3A = arith.constant 65 : i32
      %lt3A_106 = arith.cmpi slt, %scan3A_102, %lt3A : i32
      %convert_element_type3A_107 = arith.extui %lt3A_106 : i1 to i32
      %cond3A_108 = arith.constant 0 : i32
      %cond3A_109 = arith.cmpi ne, %convert_element_type3A_107, %cond3A_108 : i32
      scf.if %cond3A_109 {
        %sub3A = arith.constant 1 : i32
        %sub3A_348 = arith.subi %sub3A, %rem3A_103 : i32
        %add3A_349 = arith.constant 1 : i32
        %add3A_350 = arith.addi %scan3A_102, %add3A_349 : i32
        %mul3A_351 = arith.constant 50688 : i32
        %mul3A_352 = arith.muli %arg1, %mul3A_351 : i32
        %mul3A_353 = arith.constant 768 : i32
        %mul3A_354 = arith.muli %add3A_350, %mul3A_353 : i32
        %add3A_355 = arith.addi %mul3A_352, %mul3A_354 : i32
        "tpu.region"() ({
          %run_scoped3A_367 = tpu.sem_alloc : memref<!tpu.dma_semaphore, #tpu.memory_space<semaphore_mem>>
          %dma_start3A_368 = arith.constant 0 : i32
          %dma_start3A_369 = tpu.memref_slice %arg7[%sub3A_348, %dma_start3A_368] : memref<2x768xi32, #tpu.memory_space<vmem>> -> memref<1x768xi32, #tpu.memory_space<vmem>>
          %dma_start3A_370 = tpu.memref_squeeze %dma_start3A_369 : memref<1x768xi32, #tpu.memory_space<vmem>> -> memref<768xi32, #tpu.memory_space<vmem>>
          %dma_start3A_371 = tpu.memref_slice %arg2[%add3A_355] : memref<811008xi32, #tpu.memory_space<hbm>> -> memref<768xi32, #tpu.memory_space<hbm>>
          %dma_start3A_372 = arith.constant 0 : i32
          %dma_start3A_373 = tpu.memref_slice %arg7[%sub3A_348, %dma_start3A_372] : memref<2x768xi32, #tpu.memory_space<vmem>> -> memref<1x768xi32, #tpu.memory_space<vmem>>
          %dma_start3A_374 = tpu.memref_squeeze %dma_start3A_373 : memref<1x768xi32, #tpu.memory_space<vmem>> -> memref<768xi32, #tpu.memory_space<vmem>>
          %dma_start3A_375 = tpu.memref_slice %arg2[%add3A_355] : memref<811008xi32, #tpu.memory_space<hbm>> -> memref<768xi32, #tpu.memory_space<hbm>>
          tpu.enqueue_dma source(%dma_start3A_375 : memref<768xi32, #tpu.memory_space<hbm>>) target(%dma_start3A_374 : memref<768xi32, #tpu.memory_space<vmem>>) target_semaphore(%run_scoped3A_367 : memref<!tpu.dma_semaphore, #tpu.memory_space<semaphore_mem>>)
          %dma_wait3A_376 = arith.constant 0 : i32
          %dma_wait3A_377 = tpu.memref_slice %arg7[%sub3A_348, %dma_wait3A_376] : memref<2x768xi32, #tpu.memory_space<vmem>> -> memref<1x768xi32, #tpu.memory_space<vmem>>
          %dma_wait3A_378 = tpu.memref_squeeze %dma_wait3A_377 : memref<1x768xi32, #tpu.memory_space<vmem>> -> memref<768xi32, #tpu.memory_space<vmem>>
          %dma_wait3A_379 = tpu.memref_slice %arg2[%add3A_355] : memref<811008xi32, #tpu.memory_space<hbm>> -> memref<768xi32, #tpu.memory_space<hbm>>
          %dma_wait3A_380 = arith.constant 0 : i32
          %dma_wait3A_381 = tpu.memref_slice %arg7[%sub3A_348, %dma_wait3A_380] : memref<2x768xi32, #tpu.memory_space<vmem>> -> memref<1x768xi32, #tpu.memory_space<vmem>>
          %dma_wait3A_382 = tpu.memref_squeeze %dma_wait3A_381 : memref<1x768xi32, #tpu.memory_space<vmem>> -> memref<768xi32, #tpu.memory_space<vmem>>
          %dma_wait3A_383 = tpu.memref_slice %arg2[%add3A_355] : memref<811008xi32, #tpu.memory_space<hbm>> -> memref<768xi32, #tpu.memory_space<hbm>>
          tpu.wait_dma2 semaphore(%run_scoped3A_367 : memref<!tpu.dma_semaphore, #tpu.memory_space<semaphore_mem>>) src(%dma_wait3A_383 : memref<768xi32, #tpu.memory_space<hbm>>) dst(%dma_wait3A_382 : memref<768xi32, #tpu.memory_space<vmem>>)
          tpu.yield
        }) : () -> ()
        %scan3A_356 = arith.constant 0 : i32
        %scan3A_357 = arith.constant 0 : i32
        %scan3A_358 = arith.constant 48 : i32
        %scan3A_359 = arith.addi %scan3A_357, %scan3A_358 : i32
        %scan3A_360 = arith.constant 1 : i32
        scf.for %scan3A_367 = %scan3A_357 to %scan3A_359 step %scan3A_360  : i32 {
          %mul3A_368 = arith.constant 16 : i32
          %mul3A_369 = arith.muli %scan3A_367, %mul3A_368 : i32
          %get3A = arith.index_cast %sub3A_348 : i32 to index
          %get3A_370 = arith.index_cast %mul3A_369 : i32 to index
          %get3A_371 = tpu.vector_load %arg7[%get3A, %get3A_370] {strides = array<i32>} : memref<2x768xi32, #tpu.memory_space<vmem>>, vector<1x16xi32>,
          %get3A_372 = vector.shape_cast %get3A_371 : vector<1x16xi32> to vector<16xi32>
          %add3A_373 = vector.broadcast %mul3A_2 : i32 to vector<16xi32>
          %add3A_374 = arith.addi %get3A_372, %add3A_373 : vector<16xi32>
          %swap3A = arith.index_cast %sub3A_348 : i32 to index
          %swap3A_375 = arith.index_cast %mul3A_369 : i32 to index
          %swap3A_376 = tpu.vector_load %arg7[%swap3A, %swap3A_375] {strides = array<i32>} : memref<2x768xi32, #tpu.memory_space<vmem>>, vector<1x16xi32>,
          %swap3A_377 = vector.shape_cast %swap3A_376 : vector<1x16xi32> to vector<16xi32>
          %swap3A_378 = vector.shape_cast %add3A_374 : vector<16xi32> to vector<1x16xi32>
          tpu.vector_store %arg7[%swap3A, %swap3A_375], %swap3A_378 {strides = array<i32>} : memref<2x768xi32, #tpu.memory_space<vmem>>, vector<1x16xi32>,
        }
        %scan3A_361 = arith.constant 48 : i32
        %mul3A_362 = arith.constant 396 : i32
        %mul3A_363 = arith.muli %arg1, %mul3A_362 : i32
        %mul3A_364 = arith.constant 6 : i32
        %mul3A_365 = arith.muli %add3A_350, %mul3A_364 : i32
        %add3A_366 = arith.addi %mul3A_363, %mul3A_365 : i32
        "tpu.region"() ({
          %run_scoped3A_367 = tpu.sem_alloc : memref<!tpu.dma_semaphore, #tpu.memory_space<semaphore_mem>>
          %dma_start3A_368 = arith.constant 0 : i32
          %dma_start3A_369 = arith.constant 0 : i32
          %dma_start3A_370 = tpu.memref_slice %arg8[%sub3A_348, %dma_start3A_368, %dma_start3A_369] : memref<2x6x128xi32, #tpu.memory_space<vmem>> -> memref<1x6x128xi32, #tpu.memory_space<vmem>>
          %dma_start3A_371 = tpu.memref_squeeze %dma_start3A_370 : memref<1x6x128xi32, #tpu.memory_space<vmem>> -> memref<6x128xi32, #tpu.memory_space<vmem>>
          %dma_start3A_372 = arith.constant 0 : i32
          %dma_start3A_373 = tpu.memref_slice %arg3[%add3A_366, %dma_start3A_372] : memref<6336x128xi32, #tpu.memory_space<hbm>> -> memref<6x128xi32, #tpu.memory_space<hbm>>
          %dma_start3A_374 = arith.constant 0 : i32
          %dma_start3A_375 = arith.constant 0 : i32
          %dma_start3A_376 = tpu.memref_slice %arg8[%sub3A_348, %dma_start3A_374, %dma_start3A_375] : memref<2x6x128xi32, #tpu.memory_space<vmem>> -> memref<1x6x128xi32, #tpu.memory_space<vmem>>
          %dma_start3A_377 = tpu.memref_squeeze %dma_start3A_376 : memref<1x6x128xi32, #tpu.memory_space<vmem>> -> memref<6x128xi32, #tpu.memory_space<vmem>>
          %dma_start3A_378 = arith.constant 0 : i32
          %dma_start3A_379 = tpu.memref_slice %arg3[%add3A_366, %dma_start3A_378] : memref<6336x128xi32, #tpu.memory_space<hbm>> -> memref<6x128xi32, #tpu.memory_space<hbm>>
          tpu.enqueue_dma source(%dma_start3A_379 : memref<6x128xi32, #tpu.memory_space<hbm>>) target(%dma_start3A_377 : memref<6x128xi32, #tpu.memory_space<vmem>>) target_semaphore(%run_scoped3A_367 : memref<!tpu.dma_semaphore, #tpu.memory_space<semaphore_mem>>)
          %dma_wait3A_380 = arith.constant 0 : i32
          %dma_wait3A_381 = arith.constant 0 : i32
          %dma_wait3A_382 = tpu.memref_slice %arg8[%sub3A_348, %dma_wait3A_380, %dma_wait3A_381] : memref<2x6x128xi32, #tpu.memory_space<vmem>> -> memref<1x6x128xi32, #tpu.memory_space<vmem>>
          %dma_wait3A_383 = tpu.memref_squeeze %dma_wait3A_382 : memref<1x6x128xi32, #tpu.memory_space<vmem>> -> memref<6x128xi32, #tpu.memory_space<vmem>>
          %dma_wait3A_384 = arith.constant 0 : i32
          %dma_wait3A_385 = tpu.memref_slice %arg3[%add3A_366, %dma_wait3A_384] : memref<6336x128xi32, #tpu.memory_space<hbm>> -> memref<6x128xi32, #tpu.memory_space<hbm>>
          %dma_wait3A_386 = arith.constant 0 : i32
          %dma_wait3A_387 = arith.constant 0 : i32
          %dma_wait3A_388 = tpu.memref_slice %arg8[%sub3A_348, %dma_wait3A_386, %dma_wait3A_387] : memref<2x6x128xi32, #tpu.memory_space<vmem>> -> memref<1x6x128xi32, #tpu.memory_space<vmem>>
          %dma_wait3A_389 = tpu.memref_squeeze %dma_wait3A_388 : memref<1x6x128xi32, #tpu.memory_space<vmem>> -> memref<6x128xi32, #tpu.memory_space<vmem>>
          %dma_wait3A_390 = arith.constant 0 : i32
          %dma_wait3A_391 = tpu.memref_slice %arg3[%add3A_366, %dma_wait3A_390] : memref<6336x128xi32, #tpu.memory_space<hbm>> -> memref<6x128xi32, #tpu.memory_space<hbm>>
          tpu.wait_dma2 semaphore(%run_scoped3A_367 : memref<!tpu.dma_semaphore, #tpu.memory_space<semaphore_mem>>) src(%dma_wait3A_391 : memref<6x128xi32, #tpu.memory_space<hbm>>) dst(%dma_wait3A_389 : memref<6x128xi32, #tpu.memory_space<vmem>>)
          tpu.yield
        }) : () -> ()
      } else {
      }
      %dma_wait3A_110 = arith.constant 0 : i32
      %dma_wait3A_111 = arith.constant 0 : i32
      %dma_wait3A_112 = arith.constant 0 : i32
      %dma_wait3A_113 = arith.constant 0 : i32
      %dma_wait3A_114 = tpu.memref_slice %arg9[%dma_wait3A_111, %dma_wait3A_112, %dma_wait3A_113] : memref<6x128x32xf32, #tpu.memory_space<vmem>> -> memref<1x128x32xf32, #tpu.memory_space<vmem>>
      %dma_wait3A_115 = tpu.memref_squeeze %dma_wait3A_114 : memref<1x128x32xf32, #tpu.memory_space<vmem>> -> memref<128x32xf32, #tpu.memory_space<vmem>>
      %dma_wait3A_116 = arith.constant 0 : i32
      %dma_wait3A_117 = tpu.memref_slice %arg7[%dma_wait3A_110, %dma_wait3A_116] : memref<2x768xi32, #tpu.memory_space<vmem>> -> memref<1x128xi32, #tpu.memory_space<vmem>>
      %dma_wait3A_118 = tpu.memref_squeeze %dma_wait3A_117 : memref<1x128xi32, #tpu.memory_space<vmem>> -> memref<128xi32, #tpu.memory_space<vmem>>
      %dma_wait3A_119 = arith.constant 0 : i32
      %dma_wait3A_120 = arith.constant 0 : i32
      %dma_wait3A_121 = tpu.memref_slice %arg4[%dma_wait3A_119, %dma_wait3A_120] : memref<409600x32xf32, #tpu.memory_space<hbm>> -> memref<409600x32xf32, #tpu.memory_space<hbm>>
      tpu.wait_indirect_dma semaphore(%arg11 : memref<!tpu.dma_semaphore, #tpu.memory_space<semaphore_mem>>) src(%dma_wait3A_121 : memref<409600x32xf32, #tpu.memory_space<hbm>>) dst(%dma_wait3A_115 : memref<128x32xf32, #tpu.memory_space<vmem>>)
      %dma_start3A_122 = arith.constant 0 : i32
      %dma_start3A_123 = arith.constant 0 : i32
      %dma_start3A_124 = arith.constant 0 : i32
      %dma_start3A_125 = arith.constant 0 : i32
      %dma_start3A_126 = tpu.memref_slice %arg9[%dma_start3A_122, %dma_start3A_124, %dma_start3A_125] : memref<6x128x32xf32, #tpu.memory_space<vmem>> -> memref<1x128x32xf32, #tpu.memory_space<vmem>>
      %dma_start3A_127 = tpu.memref_squeeze %dma_start3A_126 : memref<1x128x32xf32, #tpu.memory_space<vmem>> -> memref<128x32xf32, #tpu.memory_space<vmem>>
      %dma_start3A_128 = arith.constant 0 : i32
      %dma_start3A_129 = tpu.memref_slice %arg8[%rem3A_103, %dma_start3A_123, %dma_start3A_128] : memref<2x6x128xi32, #tpu.memory_space<vmem>> -> memref<1x1x128xi32, #tpu.memory_space<vmem>>
      %dma_start3A_130 = tpu.memref_squeeze %dma_start3A_129 : memref<1x1x128xi32, #tpu.memory_space<vmem>> -> memref<128xi32, #tpu.memory_space<vmem>>
      %dma_start3A_131 = arith.constant 0 : i32
      %dma_start3A_132 = arith.constant 0 : i32
      %dma_start3A_133 = tpu.memref_slice %arg10[%dma_start3A_131, %dma_start3A_132] : memref<51200x32xf32, #tpu.memory_space<vmem_shared>> -> memref<51200x32xf32, #tpu.memory_space<vmem_shared>>
      tpu.enqueue_indirect_dma source(%dma_start3A_127 : memref<128x32xf32, #tpu.memory_space<vmem>>) target(%dma_start3A_133 : memref<51200x32xf32, #tpu.memory_space<vmem_shared>>) offsets(%dma_start3A_130 : memref<128xi32, #tpu.memory_space<vmem>>) semaphore(%arg17 : memref<!tpu.dma_semaphore, #tpu.memory_space<semaphore_mem>>) {add = true}
      %dma_start3A_134 = arith.constant 4 : i32
      %dma_start3A_135 = arith.constant 0 : i32
      %dma_start3A_136 = arith.constant 0 : i32
      %dma_start3A_137 = tpu.memref_slice %arg9[%dma_start3A_134, %dma_start3A_135, %dma_start3A_136] : memref<6x128x32xf32, #tpu.memory_space<vmem>> -> memref<1x128x32xf32, #tpu.memory_space<vmem>>
      %dma_start3A_138 = tpu.memref_squeeze %dma_start3A_137 : memref<1x128x32xf32, #tpu.memory_space<vmem>> -> memref<128x32xf32, #tpu.memory_space<vmem>>
      %dma_start3A_139 = arith.constant 512 : i32
      %dma_start3A_140 = tpu.memref_slice %arg7[%rem3A_103, %dma_start3A_139] : memref<2x768xi32, #tpu.memory_space<vmem>> -> memref<1x128xi32, #tpu.memory_space<vmem>>
      %dma_start3A_141 = tpu.memref_squeeze %dma_start3A_140 : memref<1x128xi32, #tpu.memory_space<vmem>> -> memref<128xi32, #tpu.memory_space<vmem>>
      %dma_start3A_142 = arith.constant 0 : i32
      %dma_start3A_143 = arith.constant 0 : i32
      %dma_start3A_144 = tpu.memref_slice %arg4[%dma_start3A_142, %dma_start3A_143] : memref<409600x32xf32, #tpu.memory_space<hbm>> -> memref<409600x32xf32, #tpu.memory_space<hbm>>
      tpu.enqueue_indirect_dma source(%dma_start3A_144 : memref<409600x32xf32, #tpu.memory_space<hbm>>) target(%dma_start3A_138 : memref<128x32xf32, #tpu.memory_space<vmem>>) offsets(%dma_start3A_141 : memref<128xi32, #tpu.memory_space<vmem>>) semaphore(%arg15 : memref<!tpu.dma_semaphore, #tpu.memory_space<semaphore_mem>>)
      %dma_wait3A_145 = arith.constant 0 : i32
      %dma_wait3A_146 = arith.constant 1 : i32
      %dma_wait3A_147 = arith.constant 0 : i32
      %dma_wait3A_148 = arith.constant 0 : i32
      %dma_wait3A_149 = tpu.memref_slice %arg9[%dma_wait3A_146, %dma_wait3A_147, %dma_wait3A_148] : memref<6x128x32xf32, #tpu.memory_space<vmem>> -> memref<1x128x32xf32, #tpu.memory_space<vmem>>
      %dma_wait3A_150 = tpu.memref_squeeze %dma_wait3A_149 : memref<1x128x32xf32, #tpu.memory_space<vmem>> -> memref<128x32xf32, #tpu.memory_space<vmem>>
      %dma_wait3A_151 = arith.constant 0 : i32
      %dma_wait3A_152 = tpu.memref_slice %arg7[%dma_wait3A_145, %dma_wait3A_151] : memref<2x768xi32, #tpu.memory_space<vmem>> -> memref<1x128xi32, #tpu.memory_space<vmem>>
      %dma_wait3A_153 = tpu.memref_squeeze %dma_wait3A_152 : memref<1x128xi32, #tpu.memory_space<vmem>> -> memref<128xi32, #tpu.memory_space<vmem>>
      %dma_wait3A_154 = arith.constant 0 : i32
      %dma_wait3A_155 = arith.constant 0 : i32
      %dma_wait3A_156 = tpu.memref_slice %arg4[%dma_wait3A_154, %dma_wait3A_155] : memref<409600x32xf32, #tpu.memory_space<hbm>> -> memref<409600x32xf32, #tpu.memory_space<hbm>>
      tpu.wait_indirect_dma semaphore(%arg12 : memref<!tpu.dma_semaphore, #tpu.memory_space<semaphore_mem>>) src(%dma_wait3A_156 : memref<409600x32xf32, #tpu.memory_space<hbm>>) dst(%dma_wait3A_150 : memref<128x32xf32, #tpu.memory_space<vmem>>)
      %dma_start3A_157 = arith.constant 1 : i32
      %dma_start3A_158 = arith.constant 1 : i32
      %dma_start3A_159 = arith.constant 0 : i32
      %dma_start3A_160 = arith.constant 0 : i32
      %dma_start3A_161 = tpu.memref_slice %arg9[%dma_start3A_157, %dma_start3A_159, %dma_start3A_160] : memref<6x128x32xf32, #tpu.memory_space<vmem>> -> memref<1x128x32xf32, #tpu.memory_space<vmem>>
      %dma_start3A_162 = tpu.memref_squeeze %dma_start3A_161 : memref<1x128x32xf32, #tpu.memory_space<vmem>> -> memref<128x32xf32, #tpu.memory_space<vmem>>
      %dma_start3A_163 = arith.constant 0 : i32
      %dma_start3A_164 = tpu.memref_slice %arg8[%rem3A_103, %dma_start3A_158, %dma_start3A_163] : memref<2x6x128xi32, #tpu.memory_space<vmem>> -> memref<1x1x128xi32, #tpu.memory_space<vmem>>
      %dma_start3A_165 = tpu.memref_squeeze %dma_start3A_164 : memref<1x1x128xi32, #tpu.memory_space<vmem>> -> memref<128xi32, #tpu.memory_space<vmem>>
      %dma_start3A_166 = arith.constant 0 : i32
      %dma_start3A_167 = arith.constant 0 : i32
      %dma_start3A_168 = tpu.memref_slice %arg10[%dma_start3A_166, %dma_start3A_167] : memref<51200x32xf32, #tpu.memory_space<vmem_shared>> -> memref<51200x32xf32, #tpu.memory_space<vmem_shared>>
      tpu.enqueue_indirect_dma source(%dma_start3A_162 : memref<128x32xf32, #tpu.memory_space<vmem>>) target(%dma_start3A_168 : memref<51200x32xf32, #tpu.memory_space<vmem_shared>>) offsets(%dma_start3A_165 : memref<128xi32, #tpu.memory_space<vmem>>) semaphore(%arg18 : memref<!tpu.dma_semaphore, #tpu.memory_space<semaphore_mem>>) {add = true}
      %dma_start3A_169 = arith.constant 5 : i32
      %dma_start3A_170 = arith.constant 0 : i32
      %dma_start3A_171 = arith.constant 0 : i32
      %dma_start3A_172 = tpu.memref_slice %arg9[%dma_start3A_169, %dma_start3A_170, %dma_start3A_171] : memref<6x128x32xf32, #tpu.memory_space<vmem>> -> memref<1x128x32xf32, #tpu.memory_space<vmem>>
      %dma_start3A_173 = tpu.memref_squeeze %dma_start3A_172 : memref<1x128x32xf32, #tpu.memory_space<vmem>> -> memref<128x32xf32, #tpu.memory_space<vmem>>
      %dma_start3A_174 = arith.constant 640 : i32
      %dma_start3A_175 = tpu.memref_slice %arg7[%rem3A_103, %dma_start3A_174] : memref<2x768xi32, #tpu.memory_space<vmem>> -> memref<1x128xi32, #tpu.memory_space<vmem>>
      %dma_start3A_176 = tpu.memref_squeeze %dma_start3A_175 : memref<1x128xi32, #tpu.memory_space<vmem>> -> memref<128xi32, #tpu.memory_space<vmem>>
      %dma_start3A_177 = arith.constant 0 : i32
      %dma_start3A_178 = arith.constant 0 : i32
      %dma_start3A_179 = tpu.memref_slice %arg4[%dma_start3A_177, %dma_start3A_178] : memref<409600x32xf32, #tpu.memory_space<hbm>> -> memref<409600x32xf32, #tpu.memory_space<hbm>>
      tpu.enqueue_indirect_dma source(%dma_start3A_179 : memref<409600x32xf32, #tpu.memory_space<hbm>>) target(%dma_start3A_173 : memref<128x32xf32, #tpu.memory_space<vmem>>) offsets(%dma_start3A_176 : memref<128xi32, #tpu.memory_space<vmem>>) semaphore(%arg16 : memref<!tpu.dma_semaphore, #tpu.memory_space<semaphore_mem>>)
      %dma_wait3A_180 = arith.constant 0 : i32
      %dma_wait3A_181 = arith.constant 2 : i32
      %dma_wait3A_182 = arith.constant 0 : i32
      %dma_wait3A_183 = arith.constant 0 : i32
      %dma_wait3A_184 = tpu.memref_slice %arg9[%dma_wait3A_181, %dma_wait3A_182, %dma_wait3A_183] : memref<6x128x32xf32, #tpu.memory_space<vmem>> -> memref<1x128x32xf32, #tpu.memory_space<vmem>>
      %dma_wait3A_185 = tpu.memref_squeeze %dma_wait3A_184 : memref<1x128x32xf32, #tpu.memory_space<vmem>> -> memref<128x32xf32, #tpu.memory_space<vmem>>
      %dma_wait3A_186 = arith.constant 0 : i32
      %dma_wait3A_187 = tpu.memref_slice %arg7[%dma_wait3A_180, %dma_wait3A_186] : memref<2x768xi32, #tpu.memory_space<vmem>> -> memref<1x128xi32, #tpu.memory_space<vmem>>
      %dma_wait3A_188 = tpu.memref_squeeze %dma_wait3A_187 : memref<1x128xi32, #tpu.memory_space<vmem>> -> memref<128xi32, #tpu.memory_space<vmem>>
      %dma_wait3A_189 = arith.constant 0 : i32
      %dma_wait3A_190 = arith.constant 0 : i32
      %dma_wait3A_191 = tpu.memref_slice %arg4[%dma_wait3A_189, %dma_wait3A_190] : memref<409600x32xf32, #tpu.memory_space<hbm>> -> memref<409600x32xf32, #tpu.memory_space<hbm>>
      tpu.wait_indirect_dma semaphore(%arg13 : memref<!tpu.dma_semaphore, #tpu.memory_space<semaphore_mem>>) src(%dma_wait3A_191 : memref<409600x32xf32, #tpu.memory_space<hbm>>) dst(%dma_wait3A_185 : memref<128x32xf32, #tpu.memory_space<vmem>>)
      %dma_start3A_192 = arith.constant 2 : i32
      %dma_start3A_193 = arith.constant 2 : i32
      %dma_start3A_194 = arith.constant 0 : i32
      %dma_start3A_195 = arith.constant 0 : i32
      %dma_start3A_196 = tpu.memref_slice %arg9[%dma_start3A_192, %dma_start3A_194, %dma_start3A_195] : memref<6x128x32xf32, #tpu.memory_space<vmem>> -> memref<1x128x32xf32, #tpu.memory_space<vmem>>
      %dma_start3A_197 = tpu.memref_squeeze %dma_start3A_196 : memref<1x128x32xf32, #tpu.memory_space<vmem>> -> memref<128x32xf32, #tpu.memory_space<vmem>>
      %dma_start3A_198 = arith.constant 0 : i32
      %dma_start3A_199 = tpu.memref_slice %arg8[%rem3A_103, %dma_start3A_193, %dma_start3A_198] : memref<2x6x128xi32, #tpu.memory_space<vmem>> -> memref<1x1x128xi32, #tpu.memory_space<vmem>>
      %dma_start3A_200 = tpu.memref_squeeze %dma_start3A_199 : memref<1x1x128xi32, #tpu.memory_space<vmem>> -> memref<128xi32, #tpu.memory_space<vmem>>
      %dma_start3A_201 = arith.constant 0 : i32
      %dma_start3A_202 = arith.constant 0 : i32
      %dma_start3A_203 = tpu.memref_slice %arg10[%dma_start3A_201, %dma_start3A_202] : memref<51200x32xf32, #tpu.memory_space<vmem_shared>> -> memref<51200x32xf32, #tpu.memory_space<vmem_shared>>
      tpu.enqueue_indirect_dma source(%dma_start3A_197 : memref<128x32xf32, #tpu.memory_space<vmem>>) target(%dma_start3A_203 : memref<51200x32xf32, #tpu.memory_space<vmem_shared>>) offsets(%dma_start3A_200 : memref<128xi32, #tpu.memory_space<vmem>>) semaphore(%arg19 : memref<!tpu.dma_semaphore, #tpu.memory_space<semaphore_mem>>) {add = true}
      %dma_wait3A_204 = arith.constant 0 : i32
      %dma_wait3A_205 = arith.constant 0 : i32
      %dma_wait3A_206 = arith.constant 0 : i32
      %dma_wait3A_207 = arith.constant 0 : i32
      %dma_wait3A_208 = arith.constant 0 : i32
      %dma_wait3A_209 = tpu.memref_slice %arg9[%dma_wait3A_204, %dma_wait3A_207, %dma_wait3A_208] : memref<6x128x32xf32, #tpu.memory_space<vmem>> -> memref<1x128x32xf32, #tpu.memory_space<vmem>>
      %dma_wait3A_210 = tpu.memref_squeeze %dma_wait3A_209 : memref<1x128x32xf32, #tpu.memory_space<vmem>> -> memref<128x32xf32, #tpu.memory_space<vmem>>
      %dma_wait3A_211 = arith.constant 0 : i32
      %dma_wait3A_212 = tpu.memref_slice %arg8[%dma_wait3A_205, %dma_wait3A_206, %dma_wait3A_211] : memref<2x6x128xi32, #tpu.memory_space<vmem>> -> memref<1x1x128xi32, #tpu.memory_space<vmem>>
      %dma_wait3A_213 = tpu.memref_squeeze %dma_wait3A_212 : memref<1x1x128xi32, #tpu.memory_space<vmem>> -> memref<128xi32, #tpu.memory_space<vmem>>
      %dma_wait3A_214 = arith.constant 0 : i32
      %dma_wait3A_215 = arith.constant 0 : i32
      %dma_wait3A_216 = tpu.memref_slice %arg10[%dma_wait3A_214, %dma_wait3A_215] : memref<51200x32xf32, #tpu.memory_space<vmem_shared>> -> memref<51200x32xf32, #tpu.memory_space<vmem_shared>>
      tpu.wait_indirect_dma semaphore(%arg17 : memref<!tpu.dma_semaphore, #tpu.memory_space<semaphore_mem>>) src(%dma_wait3A_210 : memref<128x32xf32, #tpu.memory_space<vmem>>) dst(%dma_wait3A_216 : memref<51200x32xf32, #tpu.memory_space<vmem_shared>>)
      %lt3A_217 = arith.constant 65 : i32
      %lt3A_218 = arith.cmpi slt, %scan3A_102, %lt3A_217 : i32
      %convert_element_type3A_219 = arith.extui %lt3A_218 : i1 to i32
      %cond3A_220 = arith.constant 0 : i32
      %cond3A_221 = arith.cmpi ne, %convert_element_type3A_219, %cond3A_220 : i32
      scf.if %cond3A_221 {
        %sub3A = arith.constant 1 : i32
        %sub3A_348 = arith.subi %sub3A, %rem3A_103 : i32
        %dma_start3A_349 = arith.constant 0 : i32
        %dma_start3A_350 = arith.constant 0 : i32
        %dma_start3A_351 = arith.constant 0 : i32
        %dma_start3A_352 = tpu.memref_slice %arg9[%dma_start3A_349, %dma_start3A_350, %dma_start3A_351] : memref<6x128x32xf32, #tpu.memory_space<vmem>> -> memref<1x128x32xf32, #tpu.memory_space<vmem>>
        %dma_start3A_353 = tpu.memref_squeeze %dma_start3A_352 : memref<1x128x32xf32, #tpu.memory_space<vmem>> -> memref<128x32xf32, #tpu.memory_space<vmem>>
        %dma_start3A_354 = arith.constant 0 : i32
        %dma_start3A_355 = tpu.memref_slice %arg7[%sub3A_348, %dma_start3A_354] : memref<2x768xi32, #tpu.memory_space<vmem>> -> memref<1x128xi32, #tpu.memory_space<vmem>>
        %dma_start3A_356 = tpu.memref_squeeze %dma_start3A_355 : memref<1x128xi32, #tpu.memory_space<vmem>> -> memref<128xi32, #tpu.memory_space<vmem>>
        %dma_start3A_357 = arith.constant 0 : i32
        %dma_start3A_358 = arith.constant 0 : i32
        %dma_start3A_359 = tpu.memref_slice %arg4[%dma_start3A_357, %dma_start3A_358] : memref<409600x32xf32, #tpu.memory_space<hbm>> -> memref<409600x32xf32, #tpu.memory_space<hbm>>
        tpu.enqueue_indirect_dma source(%dma_start3A_359 : memref<409600x32xf32, #tpu.memory_space<hbm>>) target(%dma_start3A_353 : memref<128x32xf32, #tpu.memory_space<vmem>>) offsets(%dma_start3A_356 : memref<128xi32, #tpu.memory_space<vmem>>) semaphore(%arg11 : memref<!tpu.dma_semaphore, #tpu.memory_space<semaphore_mem>>)
      } else {
      }
      %dma_wait3A_222 = arith.constant 0 : i32
      %dma_wait3A_223 = arith.constant 3 : i32
      %dma_wait3A_224 = arith.constant 0 : i32
      %dma_wait3A_225 = arith.constant 0 : i32
      %dma_wait3A_226 = tpu.memref_slice %arg9[%dma_wait3A_223, %dma_wait3A_224, %dma_wait3A_225] : memref<6x128x32xf32, #tpu.memory_space<vmem>> -> memref<1x128x32xf32, #tpu.memory_space<vmem>>
      %dma_wait3A_227 = tpu.memref_squeeze %dma_wait3A_226 : memref<1x128x32xf32, #tpu.memory_space<vmem>> -> memref<128x32xf32, #tpu.memory_space<vmem>>
      %dma_wait3A_228 = arith.constant 0 : i32
      %dma_wait3A_229 = tpu.memref_slice %arg7[%dma_wait3A_222, %dma_wait3A_228] : memref<2x768xi32, #tpu.memory_space<vmem>> -> memref<1x128xi32, #tpu.memory_space<vmem>>
      %dma_wait3A_230 = tpu.memref_squeeze %dma_wait3A_229 : memref<1x128xi32, #tpu.memory_space<vmem>> -> memref<128xi32, #tpu.memory_space<vmem>>
      %dma_wait3A_231 = arith.constant 0 : i32
      %dma_wait3A_232 = arith.constant 0 : i32
      %dma_wait3A_233 = tpu.memref_slice %arg4[%dma_wait3A_231, %dma_wait3A_232] : memref<409600x32xf32, #tpu.memory_space<hbm>> -> memref<409600x32xf32, #tpu.memory_space<hbm>>
      tpu.wait_indirect_dma semaphore(%arg14 : memref<!tpu.dma_semaphore, #tpu.memory_space<semaphore_mem>>) src(%dma_wait3A_233 : memref<409600x32xf32, #tpu.memory_space<hbm>>) dst(%dma_wait3A_227 : memref<128x32xf32, #tpu.memory_space<vmem>>)
      %dma_start3A_234 = arith.constant 3 : i32
      %dma_start3A_235 = arith.constant 3 : i32
      %dma_start3A_236 = arith.constant 0 : i32
      %dma_start3A_237 = arith.constant 0 : i32
      %dma_start3A_238 = tpu.memref_slice %arg9[%dma_start3A_234, %dma_start3A_236, %dma_start3A_237] : memref<6x128x32xf32, #tpu.memory_space<vmem>> -> memref<1x128x32xf32, #tpu.memory_space<vmem>>
      %dma_start3A_239 = tpu.memref_squeeze %dma_start3A_238 : memref<1x128x32xf32, #tpu.memory_space<vmem>> -> memref<128x32xf32, #tpu.memory_space<vmem>>
      %dma_start3A_240 = arith.constant 0 : i32
      %dma_start3A_241 = tpu.memref_slice %arg8[%rem3A_103, %dma_start3A_235, %dma_start3A_240] : memref<2x6x128xi32, #tpu.memory_space<vmem>> -> memref<1x1x128xi32, #tpu.memory_space<vmem>>
      %dma_start3A_242 = tpu.memref_squeeze %dma_start3A_241 : memref<1x1x128xi32, #tpu.memory_space<vmem>> -> memref<128xi32, #tpu.memory_space<vmem>>
      %dma_start3A_243 = arith.constant 0 : i32
      %dma_start3A_244 = arith.constant 0 : i32
      %dma_start3A_245 = tpu.memref_slice %arg10[%dma_start3A_243, %dma_start3A_244] : memref<51200x32xf32, #tpu.memory_space<vmem_shared>> -> memref<51200x32xf32, #tpu.memory_space<vmem_shared>>
      tpu.enqueue_indirect_dma source(%dma_start3A_239 : memref<128x32xf32, #tpu.memory_space<vmem>>) target(%dma_start3A_245 : memref<51200x32xf32, #tpu.memory_space<vmem_shared>>) offsets(%dma_start3A_242 : memref<128xi32, #tpu.memory_space<vmem>>) semaphore(%arg20 : memref<!tpu.dma_semaphore, #tpu.memory_space<semaphore_mem>>) {add = true}
      %dma_wait3A_246 = arith.constant 1 : i32
      %dma_wait3A_247 = arith.constant 0 : i32
      %dma_wait3A_248 = arith.constant 0 : i32
      %dma_wait3A_249 = arith.constant 0 : i32
      %dma_wait3A_250 = arith.constant 0 : i32
      %dma_wait3A_251 = tpu.memref_slice %arg9[%dma_wait3A_246, %dma_wait3A_249, %dma_wait3A_250] : memref<6x128x32xf32, #tpu.memory_space<vmem>> -> memref<1x128x32xf32, #tpu.memory_space<vmem>>
      %dma_wait3A_252 = tpu.memref_squeeze %dma_wait3A_251 : memref<1x128x32xf32, #tpu.memory_space<vmem>> -> memref<128x32xf32, #tpu.memory_space<vmem>>
      %dma_wait3A_253 = arith.constant 0 : i32
      %dma_wait3A_254 = tpu.memref_slice %arg8[%dma_wait3A_247, %dma_wait3A_248, %dma_wait3A_253] : memref<2x6x128xi32, #tpu.memory_space<vmem>> -> memref<1x1x128xi32, #tpu.memory_space<vmem>>
      %dma_wait3A_255 = tpu.memref_squeeze %dma_wait3A_254 : memref<1x1x128xi32, #tpu.memory_space<vmem>> -> memref<128xi32, #tpu.memory_space<vmem>>
      %dma_wait3A_256 = arith.constant 0 : i32
      %dma_wait3A_257 = arith.constant 0 : i32
      %dma_wait3A_258 = tpu.memref_slice %arg10[%dma_wait3A_256, %dma_wait3A_257] : memref<51200x32xf32, #tpu.memory_space<vmem_shared>> -> memref<51200x32xf32, #tpu.memory_space<vmem_shared>>
      tpu.wait_indirect_dma semaphore(%arg18 : memref<!tpu.dma_semaphore, #tpu.memory_space<semaphore_mem>>) src(%dma_wait3A_252 : memref<128x32xf32, #tpu.memory_space<vmem>>) dst(%dma_wait3A_258 : memref<51200x32xf32, #tpu.memory_space<vmem_shared>>)
      %lt3A_259 = arith.constant 65 : i32
      %lt3A_260 = arith.cmpi slt, %scan3A_102, %lt3A_259 : i32
      %convert_element_type3A_261 = arith.extui %lt3A_260 : i1 to i32
      %cond3A_262 = arith.constant 0 : i32
      %cond3A_263 = arith.cmpi ne, %convert_element_type3A_261, %cond3A_262 : i32
      scf.if %cond3A_263 {
        %sub3A = arith.constant 1 : i32
        %sub3A_348 = arith.subi %sub3A, %rem3A_103 : i32
        %dma_start3A_349 = arith.constant 1 : i32
        %dma_start3A_350 = arith.constant 0 : i32
        %dma_start3A_351 = arith.constant 0 : i32
        %dma_start3A_352 = tpu.memref_slice %arg9[%dma_start3A_349, %dma_start3A_350, %dma_start3A_351] : memref<6x128x32xf32, #tpu.memory_space<vmem>> -> memref<1x128x32xf32, #tpu.memory_space<vmem>>
        %dma_start3A_353 = tpu.memref_squeeze %dma_start3A_352 : memref<1x128x32xf32, #tpu.memory_space<vmem>> -> memref<128x32xf32, #tpu.memory_space<vmem>>
        %dma_start3A_354 = arith.constant 128 : i32
        %dma_start3A_355 = tpu.memref_slice %arg7[%sub3A_348, %dma_start3A_354] : memref<2x768xi32, #tpu.memory_space<vmem>> -> memref<1x128xi32, #tpu.memory_space<vmem>>
        %dma_start3A_356 = tpu.memref_squeeze %dma_start3A_355 : memref<1x128xi32, #tpu.memory_space<vmem>> -> memref<128xi32, #tpu.memory_space<vmem>>
        %dma_start3A_357 = arith.constant 0 : i32
        %dma_start3A_358 = arith.constant 0 : i32
        %dma_start3A_359 = tpu.memref_slice %arg4[%dma_start3A_357, %dma_start3A_358] : memref<409600x32xf32, #tpu.memory_space<hbm>> -> memref<409600x32xf32, #tpu.memory_space<hbm>>
        tpu.enqueue_indirect_dma source(%dma_start3A_359 : memref<409600x32xf32, #tpu.memory_space<hbm>>) target(%dma_start3A_353 : memref<128x32xf32, #tpu.memory_space<vmem>>) offsets(%dma_start3A_356 : memref<128xi32, #tpu.memory_space<vmem>>) semaphore(%arg12 : memref<!tpu.dma_semaphore, #tpu.memory_space<semaphore_mem>>)
      } else {
      }
      %dma_wait3A_264 = arith.constant 0 : i32
      %dma_wait3A_265 = arith.constant 4 : i32
      %dma_wait3A_266 = arith.constant 0 : i32
      %dma_wait3A_267 = arith.constant 0 : i32
      %dma_wait3A_268 = tpu.memref_slice %arg9[%dma_wait3A_265, %dma_wait3A_266, %dma_wait3A_267] : memref<6x128x32xf32, #tpu.memory_space<vmem>> -> memref<1x128x32xf32, #tpu.memory_space<vmem>>
      %dma_wait3A_269 = tpu.memref_squeeze %dma_wait3A_268 : memref<1x128x32xf32, #tpu.memory_space<vmem>> -> memref<128x32xf32, #tpu.memory_space<vmem>>
      %dma_wait3A_270 = arith.constant 0 : i32
      %dma_wait3A_271 = tpu.memref_slice %arg7[%dma_wait3A_264, %dma_wait3A_270] : memref<2x768xi32, #tpu.memory_space<vmem>> -> memref<1x128xi32, #tpu.memory_space<vmem>>
      %dma_wait3A_272 = tpu.memref_squeeze %dma_wait3A_271 : memref<1x128xi32, #tpu.memory_space<vmem>> -> memref<128xi32, #tpu.memory_space<vmem>>
      %dma_wait3A_273 = arith.constant 0 : i32
      %dma_wait3A_274 = arith.constant 0 : i32
      %dma_wait3A_275 = tpu.memref_slice %arg4[%dma_wait3A_273, %dma_wait3A_274] : memref<409600x32xf32, #tpu.memory_space<hbm>> -> memref<409600x32xf32, #tpu.memory_space<hbm>>
      tpu.wait_indirect_dma semaphore(%arg15 : memref<!tpu.dma_semaphore, #tpu.memory_space<semaphore_mem>>) src(%dma_wait3A_275 : memref<409600x32xf32, #tpu.memory_space<hbm>>) dst(%dma_wait3A_269 : memref<128x32xf32, #tpu.memory_space<vmem>>)
      %dma_start3A_276 = arith.constant 4 : i32
      %dma_start3A_277 = arith.constant 4 : i32
      %dma_start3A_278 = arith.constant 0 : i32
      %dma_start3A_279 = arith.constant 0 : i32
      %dma_start3A_280 = tpu.memref_slice %arg9[%dma_start3A_276, %dma_start3A_278, %dma_start3A_279] : memref<6x128x32xf32, #tpu.memory_space<vmem>> -> memref<1x128x32xf32, #tpu.memory_space<vmem>>
      %dma_start3A_281 = tpu.memref_squeeze %dma_start3A_280 : memref<1x128x32xf32, #tpu.memory_space<vmem>> -> memref<128x32xf32, #tpu.memory_space<vmem>>
      %dma_start3A_282 = arith.constant 0 : i32
      %dma_start3A_283 = tpu.memref_slice %arg8[%rem3A_103, %dma_start3A_277, %dma_start3A_282] : memref<2x6x128xi32, #tpu.memory_space<vmem>> -> memref<1x1x128xi32, #tpu.memory_space<vmem>>
      %dma_start3A_284 = tpu.memref_squeeze %dma_start3A_283 : memref<1x1x128xi32, #tpu.memory_space<vmem>> -> memref<128xi32, #tpu.memory_space<vmem>>
      %dma_start3A_285 = arith.constant 0 : i32
      %dma_start3A_286 = arith.constant 0 : i32
      %dma_start3A_287 = tpu.memref_slice %arg10[%dma_start3A_285, %dma_start3A_286] : memref<51200x32xf32, #tpu.memory_space<vmem_shared>> -> memref<51200x32xf32, #tpu.memory_space<vmem_shared>>
      tpu.enqueue_indirect_dma source(%dma_start3A_281 : memref<128x32xf32, #tpu.memory_space<vmem>>) target(%dma_start3A_287 : memref<51200x32xf32, #tpu.memory_space<vmem_shared>>) offsets(%dma_start3A_284 : memref<128xi32, #tpu.memory_space<vmem>>) semaphore(%arg21 : memref<!tpu.dma_semaphore, #tpu.memory_space<semaphore_mem>>) {add = true}
      %dma_wait3A_288 = arith.constant 2 : i32
      %dma_wait3A_289 = arith.constant 0 : i32
      %dma_wait3A_290 = arith.constant 0 : i32
      %dma_wait3A_291 = arith.constant 0 : i32
      %dma_wait3A_292 = arith.constant 0 : i32
      %dma_wait3A_293 = tpu.memref_slice %arg9[%dma_wait3A_288, %dma_wait3A_291, %dma_wait3A_292] : memref<6x128x32xf32, #tpu.memory_space<vmem>> -> memref<1x128x32xf32, #tpu.memory_space<vmem>>
      %dma_wait3A_294 = tpu.memref_squeeze %dma_wait3A_293 : memref<1x128x32xf32, #tpu.memory_space<vmem>> -> memref<128x32xf32, #tpu.memory_space<vmem>>
      %dma_wait3A_295 = arith.constant 0 : i32
      %dma_wait3A_296 = tpu.memref_slice %arg8[%dma_wait3A_289, %dma_wait3A_290, %dma_wait3A_295] : memref<2x6x128xi32, #tpu.memory_space<vmem>> -> memref<1x1x128xi32, #tpu.memory_space<vmem>>
      %dma_wait3A_297 = tpu.memref_squeeze %dma_wait3A_296 : memref<1x1x128xi32, #tpu.memory_space<vmem>> -> memref<128xi32, #tpu.memory_space<vmem>>
      %dma_wait3A_298 = arith.constant 0 : i32
      %dma_wait3A_299 = arith.constant 0 : i32
      %dma_wait3A_300 = tpu.memref_slice %arg10[%dma_wait3A_298, %dma_wait3A_299] : memref<51200x32xf32, #tpu.memory_space<vmem_shared>> -> memref<51200x32xf32, #tpu.memory_space<vmem_shared>>
      tpu.wait_indirect_dma semaphore(%arg19 : memref<!tpu.dma_semaphore, #tpu.memory_space<semaphore_mem>>) src(%dma_wait3A_294 : memref<128x32xf32, #tpu.memory_space<vmem>>) dst(%dma_wait3A_300 : memref<51200x32xf32, #tpu.memory_space<vmem_shared>>)
      %lt3A_301 = arith.constant 65 : i32
      %lt3A_302 = arith.cmpi slt, %scan3A_102, %lt3A_301 : i32
      %convert_element_type3A_303 = arith.extui %lt3A_302 : i1 to i32
      %cond3A_304 = arith.constant 0 : i32
      %cond3A_305 = arith.cmpi ne, %convert_element_type3A_303, %cond3A_304 : i32
      scf.if %cond3A_305 {
        %sub3A = arith.constant 1 : i32
        %sub3A_348 = arith.subi %sub3A, %rem3A_103 : i32
        %dma_start3A_349 = arith.constant 2 : i32
        %dma_start3A_350 = arith.constant 0 : i32
        %dma_start3A_351 = arith.constant 0 : i32
        %dma_start3A_352 = tpu.memref_slice %arg9[%dma_start3A_349, %dma_start3A_350, %dma_start3A_351] : memref<6x128x32xf32, #tpu.memory_space<vmem>> -> memref<1x128x32xf32, #tpu.memory_space<vmem>>
        %dma_start3A_353 = tpu.memref_squeeze %dma_start3A_352 : memref<1x128x32xf32, #tpu.memory_space<vmem>> -> memref<128x32xf32, #tpu.memory_space<vmem>>
        %dma_start3A_354 = arith.constant 256 : i32
        %dma_start3A_355 = tpu.memref_slice %arg7[%sub3A_348, %dma_start3A_354] : memref<2x768xi32, #tpu.memory_space<vmem>> -> memref<1x128xi32, #tpu.memory_space<vmem>>
        %dma_start3A_356 = tpu.memref_squeeze %dma_start3A_355 : memref<1x128xi32, #tpu.memory_space<vmem>> -> memref<128xi32, #tpu.memory_space<vmem>>
        %dma_start3A_357 = arith.constant 0 : i32
        %dma_start3A_358 = arith.constant 0 : i32
        %dma_start3A_359 = tpu.memref_slice %arg4[%dma_start3A_357, %dma_start3A_358] : memref<409600x32xf32, #tpu.memory_space<hbm>> -> memref<409600x32xf32, #tpu.memory_space<hbm>>
        tpu.enqueue_indirect_dma source(%dma_start3A_359 : memref<409600x32xf32, #tpu.memory_space<hbm>>) target(%dma_start3A_353 : memref<128x32xf32, #tpu.memory_space<vmem>>) offsets(%dma_start3A_356 : memref<128xi32, #tpu.memory_space<vmem>>) semaphore(%arg13 : memref<!tpu.dma_semaphore, #tpu.memory_space<semaphore_mem>>)
      } else {
      }
      %dma_wait3A_306 = arith.constant 0 : i32
      %dma_wait3A_307 = arith.constant 5 : i32
      %dma_wait3A_308 = arith.constant 0 : i32
      %dma_wait3A_309 = arith.constant 0 : i32
      %dma_wait3A_310 = tpu.memref_slice %arg9[%dma_wait3A_307, %dma_wait3A_308, %dma_wait3A_309] : memref<6x128x32xf32, #tpu.memory_space<vmem>> -> memref<1x128x32xf32, #tpu.memory_space<vmem>>
      %dma_wait3A_311 = tpu.memref_squeeze %dma_wait3A_310 : memref<1x128x32xf32, #tpu.memory_space<vmem>> -> memref<128x32xf32, #tpu.memory_space<vmem>>
      %dma_wait3A_312 = arith.constant 0 : i32
      %dma_wait3A_313 = tpu.memref_slice %arg7[%dma_wait3A_306, %dma_wait3A_312] : memref<2x768xi32, #tpu.memory_space<vmem>> -> memref<1x128xi32, #tpu.memory_space<vmem>>
      %dma_wait3A_314 = tpu.memref_squeeze %dma_wait3A_313 : memref<1x128xi32, #tpu.memory_space<vmem>> -> memref<128xi32, #tpu.memory_space<vmem>>
      %dma_wait3A_315 = arith.constant 0 : i32
      %dma_wait3A_316 = arith.constant 0 : i32
      %dma_wait3A_317 = tpu.memref_slice %arg4[%dma_wait3A_315, %dma_wait3A_316] : memref<409600x32xf32, #tpu.memory_space<hbm>> -> memref<409600x32xf32, #tpu.memory_space<hbm>>
      tpu.wait_indirect_dma semaphore(%arg16 : memref<!tpu.dma_semaphore, #tpu.memory_space<semaphore_mem>>) src(%dma_wait3A_317 : memref<409600x32xf32, #tpu.memory_space<hbm>>) dst(%dma_wait3A_311 : memref<128x32xf32, #tpu.memory_space<vmem>>)
      %dma_start3A_318 = arith.constant 5 : i32
      %dma_start3A_319 = arith.constant 5 : i32
      %dma_start3A_320 = arith.constant 0 : i32
      %dma_start3A_321 = arith.constant 0 : i32
      %dma_start3A_322 = tpu.memref_slice %arg9[%dma_start3A_318, %dma_start3A_320, %dma_start3A_321] : memref<6x128x32xf32, #tpu.memory_space<vmem>> -> memref<1x128x32xf32, #tpu.memory_space<vmem>>
      %dma_start3A_323 = tpu.memref_squeeze %dma_start3A_322 : memref<1x128x32xf32, #tpu.memory_space<vmem>> -> memref<128x32xf32, #tpu.memory_space<vmem>>
      %dma_start3A_324 = arith.constant 0 : i32
      %dma_start3A_325 = tpu.memref_slice %arg8[%rem3A_103, %dma_start3A_319, %dma_start3A_324] : memref<2x6x128xi32, #tpu.memory_space<vmem>> -> memref<1x1x128xi32, #tpu.memory_space<vmem>>
      %dma_start3A_326 = tpu.memref_squeeze %dma_start3A_325 : memref<1x1x128xi32, #tpu.memory_space<vmem>> -> memref<128xi32, #tpu.memory_space<vmem>>
      %dma_start3A_327 = arith.constant 0 : i32
      %dma_start3A_328 = arith.constant 0 : i32
      %dma_start3A_329 = tpu.memref_slice %arg10[%dma_start3A_327, %dma_start3A_328] : memref<51200x32xf32, #tpu.memory_space<vmem_shared>> -> memref<51200x32xf32, #tpu.memory_space<vmem_shared>>
      tpu.enqueue_indirect_dma source(%dma_start3A_323 : memref<128x32xf32, #tpu.memory_space<vmem>>) target(%dma_start3A_329 : memref<51200x32xf32, #tpu.memory_space<vmem_shared>>) offsets(%dma_start3A_326 : memref<128xi32, #tpu.memory_space<vmem>>) semaphore(%arg22 : memref<!tpu.dma_semaphore, #tpu.memory_space<semaphore_mem>>) {add = true}
      %dma_wait3A_330 = arith.constant 3 : i32
      %dma_wait3A_331 = arith.constant 0 : i32
      %dma_wait3A_332 = arith.constant 0 : i32
      %dma_wait3A_333 = arith.constant 0 : i32
      %dma_wait3A_334 = arith.constant 0 : i32
      %dma_wait3A_335 = tpu.memref_slice %arg9[%dma_wait3A_330, %dma_wait3A_333, %dma_wait3A_334] : memref<6x128x32xf32, #tpu.memory_space<vmem>> -> memref<1x128x32xf32, #tpu.memory_space<vmem>>
      %dma_wait3A_336 = tpu.memref_squeeze %dma_wait3A_335 : memref<1x128x32xf32, #tpu.memory_space<vmem>> -> memref<128x32xf32, #tpu.memory_space<vmem>>
      %dma_wait3A_337 = arith.constant 0 : i32
      %dma_wait3A_338 = tpu.memref_slice %arg8[%dma_wait3A_331, %dma_wait3A_332, %dma_wait3A_337] : memref<2x6x128xi32, #tpu.memory_space<vmem>> -> memref<1x1x128xi32, #tpu.memory_space<vmem>>
      %dma_wait3A_339 = tpu.memref_squeeze %dma_wait3A_338 : memref<1x1x128xi32, #tpu.memory_space<vmem>> -> memref<128xi32, #tpu.memory_space<vmem>>
      %dma_wait3A_340 = arith.constant 0 : i32
      %dma_wait3A_341 = arith.constant 0 : i32
      %dma_wait3A_342 = tpu.memref_slice %arg10[%dma_wait3A_340, %dma_wait3A_341] : memref<51200x32xf32, #tpu.memory_space<vmem_shared>> -> memref<51200x32xf32, #tpu.memory_space<vmem_shared>>
      tpu.wait_indirect_dma semaphore(%arg20 : memref<!tpu.dma_semaphore, #tpu.memory_space<semaphore_mem>>) src(%dma_wait3A_336 : memref<128x32xf32, #tpu.memory_space<vmem>>) dst(%dma_wait3A_342 : memref<51200x32xf32, #tpu.memory_space<vmem_shared>>)
      %lt3A_343 = arith.constant 65 : i32
      %lt3A_344 = arith.cmpi slt, %scan3A_102, %lt3A_343 : i32
      %convert_element_type3A_345 = arith.extui %lt3A_344 : i1 to i32
      %cond3A_346 = arith.constant 0 : i32
      %cond3A_347 = arith.cmpi ne, %convert_element_type3A_345, %cond3A_346 : i32
      scf.if %cond3A_347 {
        %sub3A = arith.constant 1 : i32
        %sub3A_348 = arith.subi %sub3A, %rem3A_103 : i32
        %dma_start3A_349 = arith.constant 3 : i32
        %dma_start3A_350 = arith.constant 0 : i32
        %dma_start3A_351 = arith.constant 0 : i32
        %dma_start3A_352 = tpu.memref_slice %arg9[%dma_start3A_349, %dma_start3A_350, %dma_start3A_351] : memref<6x128x32xf32, #tpu.memory_space<vmem>> -> memref<1x128x32xf32, #tpu.memory_space<vmem>>
        %dma_start3A_353 = tpu.memref_squeeze %dma_start3A_352 : memref<1x128x32xf32, #tpu.memory_space<vmem>> -> memref<128x32xf32, #tpu.memory_space<vmem>>
        %dma_start3A_354 = arith.constant 384 : i32
        %dma_start3A_355 = tpu.memref_slice %arg7[%sub3A_348, %dma_start3A_354] : memref<2x768xi32, #tpu.memory_space<vmem>> -> memref<1x128xi32, #tpu.memory_space<vmem>>
        %dma_start3A_356 = tpu.memref_squeeze %dma_start3A_355 : memref<1x128xi32, #tpu.memory_space<vmem>> -> memref<128xi32, #tpu.memory_space<vmem>>
        %dma_start3A_357 = arith.constant 0 : i32
        %dma_start3A_358 = arith.constant 0 : i32
        %dma_start3A_359 = tpu.memref_slice %arg4[%dma_start3A_357, %dma_start3A_358] : memref<409600x32xf32, #tpu.memory_space<hbm>> -> memref<409600x32xf32, #tpu.memory_space<hbm>>
        tpu.enqueue_indirect_dma source(%dma_start3A_359 : memref<409600x32xf32, #tpu.memory_space<hbm>>) target(%dma_start3A_353 : memref<128x32xf32, #tpu.memory_space<vmem>>) offsets(%dma_start3A_356 : memref<128xi32, #tpu.memory_space<vmem>>) semaphore(%arg14 : memref<!tpu.dma_semaphore, #tpu.memory_space<semaphore_mem>>)
      } else {
      }
    }
    %scan3A_68 = arith.constant 66 : i32
    %dma_wait3A = arith.constant 4 : i32
    %dma_wait3A_69 = arith.constant 0 : i32
    %dma_wait3A_70 = arith.constant 0 : i32
    %dma_wait3A_71 = arith.constant 0 : i32
    %dma_wait3A_72 = arith.constant 0 : i32
    %dma_wait3A_73 = tpu.memref_slice %arg9[%dma_wait3A, %dma_wait3A_71, %dma_wait3A_72] : memref<6x128x32xf32, #tpu.memory_space<vmem>> -> memref<1x128x32xf32, #tpu.memory_space<vmem>>
    %dma_wait3A_74 = tpu.memref_squeeze %dma_wait3A_73 : memref<1x128x32xf32, #tpu.memory_space<vmem>> -> memref<128x32xf32, #tpu.memory_space<vmem>>
    %dma_wait3A_75 = arith.constant 0 : i32
    %dma_wait3A_76 = tpu.memref_slice %arg8[%dma_wait3A_69, %dma_wait3A_70, %dma_wait3A_75] : memref<2x6x128xi32, #tpu.memory_space<vmem>> -> memref<1x1x128xi32, #tpu.memory_space<vmem>>
    %dma_wait3A_77 = tpu.memref_squeeze %dma_wait3A_76 : memref<1x1x128xi32, #tpu.memory_space<vmem>> -> memref<128xi32, #tpu.memory_space<vmem>>
    %dma_wait3A_78 = arith.constant 0 : i32
    %dma_wait3A_79 = arith.constant 0 : i32
    %dma_wait3A_80 = tpu.memref_slice %arg10[%dma_wait3A_78, %dma_wait3A_79] : memref<51200x32xf32, #tpu.memory_space<vmem_shared>> -> memref<51200x32xf32, #tpu.memory_space<vmem_shared>>
    tpu.wait_indirect_dma semaphore(%arg21 : memref<!tpu.dma_semaphore, #tpu.memory_space<semaphore_mem>>) src(%dma_wait3A_74 : memref<128x32xf32, #tpu.memory_space<vmem>>) dst(%dma_wait3A_80 : memref<51200x32xf32, #tpu.memory_space<vmem_shared>>)
    %dma_wait3A_81 = arith.constant 5 : i32
    %dma_wait3A_82 = arith.constant 0 : i32
    %dma_wait3A_83 = arith.constant 0 : i32
    %dma_wait3A_84 = arith.constant 0 : i32
    %dma_wait3A_85 = arith.constant 0 : i32
    %dma_wait3A_86 = tpu.memref_slice %arg9[%dma_wait3A_81, %dma_wait3A_84, %dma_wait3A_85] : memref<6x128x32xf32, #tpu.memory_space<vmem>> -> memref<1x128x32xf32, #tpu.memory_space<vmem>>
    %dma_wait3A_87 = tpu.memref_squeeze %dma_wait3A_86 : memref<1x128x32xf32, #tpu.memory_space<vmem>> -> memref<128x32xf32, #tpu.memory_space<vmem>>
    %dma_wait3A_88 = arith.constant 0 : i32
    %dma_wait3A_89 = tpu.memref_slice %arg8[%dma_wait3A_82, %dma_wait3A_83, %dma_wait3A_88] : memref<2x6x128xi32, #tpu.memory_space<vmem>> -> memref<1x1x128xi32, #tpu.memory_space<vmem>>
    %dma_wait3A_90 = tpu.memref_squeeze %dma_wait3A_89 : memref<1x1x128xi32, #tpu.memory_space<vmem>> -> memref<128xi32, #tpu.memory_space<vmem>>
    %dma_wait3A_91 = arith.constant 0 : i32
    %dma_wait3A_92 = arith.constant 0 : i32
    %dma_wait3A_93 = tpu.memref_slice %arg10[%dma_wait3A_91, %dma_wait3A_92] : memref<51200x32xf32, #tpu.memory_space<vmem_shared>> -> memref<51200x32xf32, #tpu.memory_space<vmem_shared>>
    tpu.wait_indirect_dma semaphore(%arg22 : memref<!tpu.dma_semaphore, #tpu.memory_space<semaphore_mem>>) src(%dma_wait3A_87 : memref<128x32xf32, #tpu.memory_space<vmem>>) dst(%dma_wait3A_93 : memref<51200x32xf32, #tpu.memory_space<vmem_shared>>)
    %barrier3A_94 = arith.constant 0 : index
    tpu.barrier barrier_id(%barrier3A_94)
    %mul3A_95 = arith.constant 3200 : i32
    %mul3A_96 = arith.muli %arg1, %mul3A_95 : i32
    %mul3A_97 = arith.constant 51200 : i32
    %mul3A_98 = arith.muli %arg0, %mul3A_97 : i32
    %mul3A_99 = arith.constant 3200 : i32
    %mul3A_100 = arith.muli %arg1, %mul3A_99 : i32
    %add3A_101 = arith.addi %mul3A_98, %mul3A_100 : i32
    "tpu.region"() ({
      %run_scoped3A_102 = tpu.sem_alloc : memref<!tpu.dma_semaphore, #tpu.memory_space<semaphore_mem>>
      %dma_start3A_103 = arith.constant 0 : i32
      %dma_start3A_104 = tpu.memref_slice %arg6[%add3A_101, %dma_start3A_103] : memref<102400x32xf32, #tpu.memory_space<hbm>> -> memref<3200x32xf32, #tpu.memory_space<hbm>>
      %dma_start3A_105 = arith.constant 0 : i32
      %dma_start3A_106 = tpu.memref_slice %arg10[%mul3A_96, %dma_start3A_105] : memref<51200x32xf32, #tpu.memory_space<vmem_shared>> -> memref<3200x32xf32, #tpu.memory_space<vmem_shared>>
      tpu.enqueue_dma source(%dma_start3A_106 : memref<3200x32xf32, #tpu.memory_space<vmem_shared>>) target(%dma_start3A_104 : memref<3200x32xf32, #tpu.memory_space<hbm>>) target_semaphore(%run_scoped3A_102 : memref<!tpu.dma_semaphore, #tpu.memory_space<semaphore_mem>>)
      %dma_wait3A_107 = arith.constant 0 : i32
      %dma_wait3A_108 = tpu.memref_slice %arg6[%add3A_101, %dma_wait3A_107] : memref<102400x32xf32, #tpu.memory_space<hbm>> -> memref<3200x32xf32, #tpu.memory_space<hbm>>
      %dma_wait3A_109 = arith.constant 0 : i32
      %dma_wait3A_110 = tpu.memref_slice %arg10[%mul3A_96, %dma_wait3A_109] : memref<51200x32xf32, #tpu.memory_space<vmem_shared>> -> memref<3200x32xf32, #tpu.memory_space<vmem_shared>>
      tpu.wait_dma2 semaphore(%run_scoped3A_102 : memref<!tpu.dma_semaphore, #tpu.memory_space<semaphore_mem>>) src(%dma_wait3A_110 : memref<3200x32xf32, #tpu.memory_space<vmem_shared>>) dst(%dma_wait3A_108 : memref<3200x32xf32, #tpu.memory_space<hbm>>)
      tpu.yield
    }) : () -> ()
    return
  }
}

#map = affine_map<(d0, d1) -> (0)>
#map1 = affine_map<(d0, d1) -> (0, 0)>
module attributes {stable_mosaic.version = 14 : i64} {
  func.func @_edge_pass_body(%arg0: i32, %arg1: i32, %arg2: memref<811008xi32, #tpu.memory_space<hbm>>, %arg3: memref<6336x128xi32, #tpu.memory_space<hbm>>, %arg4: memref<409600x32xf32, #tpu.memory_space<hbm>>, %arg5: memref<3200x32xf32, #tpu.memory_space<hbm>>, %arg6: memref<102400x32xf32, #tpu.memory_space<hbm>>, %arg7: memref<2x768xi32, #tpu.memory_space<vmem>>, %arg8: memref<2x6x128xi32, #tpu.memory_space<vmem>>, %arg9: memref<6x128x32xf32, #tpu.memory_space<vmem>>, %arg10: memref<51200x32xf32, #tpu.memory_space<vmem_shared>>, %arg11: memref<!tpu.dma_semaphore, #tpu.memory_space<semaphore_mem>>, %arg12: memref<!tpu.dma_semaphore, #tpu.memory_space<semaphore_mem>>, %arg13: memref<!tpu.dma_semaphore, #tpu.memory_space<semaphore_mem>>, %arg14: memref<!tpu.dma_semaphore, #tpu.memory_space<semaphore_mem>>, %arg15: memref<!tpu.dma_semaphore, #tpu.memory_space<semaphore_mem>>, %arg16: memref<!tpu.dma_semaphore, #tpu.memory_space<semaphore_mem>>, %arg17: memref<!tpu.dma_semaphore, #tpu.memory_space<semaphore_mem>>, %arg18: memref<!tpu.dma_semaphore, #tpu.memory_space<semaphore_mem>>, %arg19: memref<!tpu.dma_semaphore, #tpu.memory_space<semaphore_mem>>, %arg20: memref<!tpu.dma_semaphore, #tpu.memory_space<semaphore_mem>>, %arg21: memref<!tpu.dma_semaphore, #tpu.memory_space<semaphore_mem>>, %arg22: memref<!tpu.dma_semaphore, #tpu.memory_space<semaphore_mem>>) attributes {dimension_semantics = [#tpu.dimension_semantics<core_parallel>, #tpu.dimension_semantics<subcore_parallel>], iteration_bounds = array<i64: 2, 16>, scalar_prefetch = 0 : i64, scratch_operands = 16 : i64, tpu.core_type = #tpu.core_type<sc_vector_subcore>, window_params = [{transform_indices = #map}, {transform_indices = #map1}, {transform_indices = #map1}, {transform_indices = #map1}, {transform_indices = #map1}]} {
    %mul3A = arith.constant 3200 : i32
    %mul3A_0 = arith.muli %arg1, %mul3A : i32
    "tpu.region"() ({
      %run_scoped3A_102 = tpu.sem_alloc : memref<!tpu.dma_semaphore, #tpu.memory_space<semaphore_mem>>
      %dma_start3A_103 = arith.constant 0 : i32
      %dma_start3A_104 = tpu.memref_slice %arg10[%mul3A_0, %dma_start3A_103] : memref<51200x32xf32, #tpu.memory_space<vmem_shared>> -> memref<3200x32xf32, #tpu.memory_space<vmem_shared>>
      tpu.enqueue_dma source(%arg5 : memref<3200x32xf32, #tpu.memory_space<hbm>>) target(%dma_start3A_104 : memref<3200x32xf32, #tpu.memory_space<vmem_shared>>) target_semaphore(%run_scoped3A_102 : memref<!tpu.dma_semaphore, #tpu.memory_space<semaphore_mem>>)
      %dma_wait3A_105 = arith.constant 0 : i32
      %dma_wait3A_106 = tpu.memref_slice %arg10[%mul3A_0, %dma_wait3A_105] : memref<51200x32xf32, #tpu.memory_space<vmem_shared>> -> memref<3200x32xf32, #tpu.memory_space<vmem_shared>>
      tpu.wait_dma2 semaphore(%run_scoped3A_102 : memref<!tpu.dma_semaphore, #tpu.memory_space<semaphore_mem>>) src(%arg5 : memref<3200x32xf32, #tpu.memory_space<hbm>>) dst(%dma_wait3A_106 : memref<3200x32xf32, #tpu.memory_space<vmem_shared>>)
      tpu.yield
    }) : () -> ()
    %barrier3A = arith.constant 0 : index
    tpu.barrier barrier_id(%barrier3A)
    %mul3A_1 = arith.constant 204800 : i32
    %mul3A_2 = arith.muli %arg0, %mul3A_1 : i32
    %mul3A_3 = arith.constant 50688 : i32
    %mul3A_4 = arith.muli %arg1, %mul3A_3 : i32
    %add3A = arith.constant 0 : i32
    %add3A_5 = arith.addi %mul3A_4, %add3A : i32
    %run_scoped3A = arith.constant 0 : i32
    "tpu.region"() ({
      %run_scoped3A_102 = tpu.sem_alloc : memref<!tpu.dma_semaphore, #tpu.memory_space<semaphore_mem>>
      %dma_start3A_103 = arith.constant 0 : i32
      %dma_start3A_104 = tpu.memref_slice %arg7[%run_scoped3A, %dma_start3A_103] : memref<2x768xi32, #tpu.memory_space<vmem>> -> memref<1x768xi32, #tpu.memory_space<vmem>>
      %dma_start3A_105 = tpu.memref_squeeze %dma_start3A_104 : memref<1x768xi32, #tpu.memory_space<vmem>> -> memref<768xi32, #tpu.memory_space<vmem>>
      %dma_start3A_106 = tpu.memref_slice %arg2[%add3A_5] : memref<811008xi32, #tpu.memory_space<hbm>> -> memref<768xi32, #tpu.memory_space<hbm>>
      %dma_start3A_107 = arith.constant 0 : i32
      %dma_start3A_108 = tpu.memref_slice %arg7[%run_scoped3A, %dma_start3A_107] : memref<2x768xi32, #tpu.memory_space<vmem>> -> memref<1x768xi32, #tpu.memory_space<vmem>>
      %dma_start3A_109 = tpu.memref_squeeze %dma_start3A_108 : memref<1x768xi32, #tpu.memory_space<vmem>> -> memref<768xi32, #tpu.memory_space<vmem>>
      %dma_start3A_110 = tpu.memref_slice %arg2[%add3A_5] : memref<811008xi32, #tpu.memory_space<hbm>> -> memref<768xi32, #tpu.memory_space<hbm>>
      tpu.enqueue_dma source(%dma_start3A_110 : memref<768xi32, #tpu.memory_space<hbm>>) target(%dma_start3A_109 : memref<768xi32, #tpu.memory_space<vmem>>) target_semaphore(%run_scoped3A_102 : memref<!tpu.dma_semaphore, #tpu.memory_space<semaphore_mem>>)
      %dma_wait3A_111 = arith.constant 0 : i32
      %dma_wait3A_112 = tpu.memref_slice %arg7[%run_scoped3A, %dma_wait3A_111] : memref<2x768xi32, #tpu.memory_space<vmem>> -> memref<1x768xi32, #tpu.memory_space<vmem>>
      %dma_wait3A_113 = tpu.memref_squeeze %dma_wait3A_112 : memref<1x768xi32, #tpu.memory_space<vmem>> -> memref<768xi32, #tpu.memory_space<vmem>>
      %dma_wait3A_114 = tpu.memref_slice %arg2[%add3A_5] : memref<811008xi32, #tpu.memory_space<hbm>> -> memref<768xi32, #tpu.memory_space<hbm>>
      %dma_wait3A_115 = arith.constant 0 : i32
      %dma_wait3A_116 = tpu.memref_slice %arg7[%run_scoped3A, %dma_wait3A_115] : memref<2x768xi32, #tpu.memory_space<vmem>> -> memref<1x768xi32, #tpu.memory_space<vmem>>
      %dma_wait3A_117 = tpu.memref_squeeze %dma_wait3A_116 : memref<1x768xi32, #tpu.memory_space<vmem>> -> memref<768xi32, #tpu.memory_space<vmem>>
      %dma_wait3A_118 = tpu.memref_slice %arg2[%add3A_5] : memref<811008xi32, #tpu.memory_space<hbm>> -> memref<768xi32, #tpu.memory_space<hbm>>
      tpu.wait_dma2 semaphore(%run_scoped3A_102 : memref<!tpu.dma_semaphore, #tpu.memory_space<semaphore_mem>>) src(%dma_wait3A_118 : memref<768xi32, #tpu.memory_space<hbm>>) dst(%dma_wait3A_117 : memref<768xi32, #tpu.memory_space<vmem>>)
      tpu.yield
    }) : () -> ()
    %scan3A = arith.constant 0 : i32
    %scan3A_6 = arith.constant 0 : i32
    %scan3A_7 = arith.constant 48 : i32
    %scan3A_8 = arith.addi %scan3A_6, %scan3A_7 : i32
    %scan3A_9 = arith.constant 1 : i32
    scf.for %scan3A_102 = %scan3A_6 to %scan3A_8 step %scan3A_9  : i32 {
      %mul3A_103 = arith.constant 16 : i32
      %mul3A_104 = arith.muli %scan3A_102, %mul3A_103 : i32
      %get3A = arith.constant 0 : i32
      %get3A_105 = arith.index_cast %get3A : i32 to index
      %get3A_106 = arith.index_cast %mul3A_104 : i32 to index
      %get3A_107 = tpu.vector_load %arg7[%get3A_105, %get3A_106] {strides = array<i32>} : memref<2x768xi32, #tpu.memory_space<vmem>>, vector<1x16xi32>,
      %get3A_108 = vector.shape_cast %get3A_107 : vector<1x16xi32> to vector<16xi32>
      %add3A_109 = vector.broadcast %mul3A_2 : i32 to vector<16xi32>
      %add3A_110 = arith.addi %get3A_108, %add3A_109 : vector<16xi32>
      %swap3A = arith.constant 0 : i32
      %swap3A_111 = arith.index_cast %swap3A : i32 to index
      %swap3A_112 = arith.index_cast %mul3A_104 : i32 to index
      %swap3A_113 = tpu.vector_load %arg7[%swap3A_111, %swap3A_112] {strides = array<i32>} : memref<2x768xi32, #tpu.memory_space<vmem>>, vector<1x16xi32>,
      %swap3A_114 = vector.shape_cast %swap3A_113 : vector<1x16xi32> to vector<16xi32>
      %swap3A_115 = vector.shape_cast %add3A_110 : vector<16xi32> to vector<1x16xi32>
      tpu.vector_store %arg7[%swap3A_111, %swap3A_112], %swap3A_115 {strides = array<i32>} : memref<2x768xi32, #tpu.memory_space<vmem>>, vector<1x16xi32>,
    }
    %scan3A_10 = arith.constant 48 : i32
    %mul3A_11 = arith.constant 396 : i32
    %mul3A_12 = arith.muli %arg1, %mul3A_11 : i32
    %add3A_13 = arith.constant 0 : i32
    %add3A_14 = arith.addi %mul3A_12, %add3A_13 : i32
    %run_scoped3A_15 = arith.constant 0 : i32
    "tpu.region"() ({
      %run_scoped3A_102 = tpu.sem_alloc : memref<!tpu.dma_semaphore, #tpu.memory_space<semaphore_mem>>
      %dma_start3A_103 = arith.constant 0 : i32
      %dma_start3A_104 = arith.constant 0 : i32
      %dma_start3A_105 = tpu.memref_slice %arg8[%run_scoped3A_15, %dma_start3A_103, %dma_start3A_104] : memref<2x6x128xi32, #tpu.memory_space<vmem>> -> memref<1x6x128xi32, #tpu.memory_space<vmem>>
      %dma_start3A_106 = tpu.memref_squeeze %dma_start3A_105 : memref<1x6x128xi32, #tpu.memory_space<vmem>> -> memref<6x128xi32, #tpu.memory_space<vmem>>
      %dma_start3A_107 = arith.constant 0 : i32
      %dma_start3A_108 = tpu.memref_slice %arg3[%add3A_14, %dma_start3A_107] : memref<6336x128xi32, #tpu.memory_space<hbm>> -> memref<6x128xi32, #tpu.memory_space<hbm>>
      %dma_start3A_109 = arith.constant 0 : i32
      %dma_start3A_110 = arith.constant 0 : i32
      %dma_start3A_111 = tpu.memref_slice %arg8[%run_scoped3A_15, %dma_start3A_109, %dma_start3A_110] : memref<2x6x128xi32, #tpu.memory_space<vmem>> -> memref<1x6x128xi32, #tpu.memory_space<vmem>>
      %dma_start3A_112 = tpu.memref_squeeze %dma_start3A_111 : memref<1x6x128xi32, #tpu.memory_space<vmem>> -> memref<6x128xi32, #tpu.memory_space<vmem>>
      %dma_start3A_113 = arith.constant 0 : i32
      %dma_start3A_114 = tpu.memref_slice %arg3[%add3A_14, %dma_start3A_113] : memref<6336x128xi32, #tpu.memory_space<hbm>> -> memref<6x128xi32, #tpu.memory_space<hbm>>
      tpu.enqueue_dma source(%dma_start3A_114 : memref<6x128xi32, #tpu.memory_space<hbm>>) target(%dma_start3A_112 : memref<6x128xi32, #tpu.memory_space<vmem>>) target_semaphore(%run_scoped3A_102 : memref<!tpu.dma_semaphore, #tpu.memory_space<semaphore_mem>>)
      %dma_wait3A_115 = arith.constant 0 : i32
      %dma_wait3A_116 = arith.constant 0 : i32
      %dma_wait3A_117 = tpu.memref_slice %arg8[%run_scoped3A_15, %dma_wait3A_115, %dma_wait3A_116] : memref<2x6x128xi32, #tpu.memory_space<vmem>> -> memref<1x6x128xi32, #tpu.memory_space<vmem>>
      %dma_wait3A_118 = tpu.memref_squeeze %dma_wait3A_117 : memref<1x6x128xi32, #tpu.memory_space<vmem>> -> memref<6x128xi32, #tpu.memory_space<vmem>>
      %dma_wait3A_119 = arith.constant 0 : i32
      %dma_wait3A_120 = tpu.memref_slice %arg3[%add3A_14, %dma_wait3A_119] : memref<6336x128xi32, #tpu.memory_space<hbm>> -> memref<6x128xi32, #tpu.memory_space<hbm>>
      %dma_wait3A_121 = arith.constant 0 : i32
      %dma_wait3A_122 = arith.constant 0 : i32
      %dma_wait3A_123 = tpu.memref_slice %arg8[%run_scoped3A_15, %dma_wait3A_121, %dma_wait3A_122] : memref<2x6x128xi32, #tpu.memory_space<vmem>> -> memref<1x6x128xi32, #tpu.memory_space<vmem>>
      %dma_wait3A_124 = tpu.memref_squeeze %dma_wait3A_123 : memref<1x6x128xi32, #tpu.memory_space<vmem>> -> memref<6x128xi32, #tpu.memory_space<vmem>>
      %dma_wait3A_125 = arith.constant 0 : i32
      %dma_wait3A_126 = tpu.memref_slice %arg3[%add3A_14, %dma_wait3A_125] : memref<6336x128xi32, #tpu.memory_space<hbm>> -> memref<6x128xi32, #tpu.memory_space<hbm>>
      tpu.wait_dma2 semaphore(%run_scoped3A_102 : memref<!tpu.dma_semaphore, #tpu.memory_space<semaphore_mem>>) src(%dma_wait3A_126 : memref<6x128xi32, #tpu.memory_space<hbm>>) dst(%dma_wait3A_124 : memref<6x128xi32, #tpu.memory_space<vmem>>)
      tpu.yield
    }) : () -> ()
    %dma_start3A = arith.constant 0 : i32
    %dma_start3A_16 = arith.constant 0 : i32
    %dma_start3A_17 = arith.constant 0 : i32
    %dma_start3A_18 = arith.constant 0 : i32
    %dma_start3A_19 = tpu.memref_slice %arg9[%dma_start3A_16, %dma_start3A_17, %dma_start3A_18] : memref<6x128x32xf32, #tpu.memory_space<vmem>> -> memref<1x128x32xf32, #tpu.memory_space<vmem>>
    %dma_start3A_20 = tpu.memref_squeeze %dma_start3A_19 : memref<1x128x32xf32, #tpu.memory_space<vmem>> -> memref<128x32xf32, #tpu.memory_space<vmem>>
    %dma_start3A_21 = arith.constant 0 : i32
    %dma_start3A_22 = tpu.memref_slice %arg7[%dma_start3A, %dma_start3A_21] : memref<2x768xi32, #tpu.memory_space<vmem>> -> memref<1x128xi32, #tpu.memory_space<vmem>>
    %dma_start3A_23 = tpu.memref_squeeze %dma_start3A_22 : memref<1x128xi32, #tpu.memory_space<vmem>> -> memref<128xi32, #tpu.memory_space<vmem>>
    %dma_start3A_24 = arith.constant 0 : i32
    %dma_start3A_25 = arith.constant 0 : i32
    %dma_start3A_26 = tpu.memref_slice %arg4[%dma_start3A_24, %dma_start3A_25] : memref<409600x32xf32, #tpu.memory_space<hbm>> -> memref<409600x32xf32, #tpu.memory_space<hbm>>
    tpu.enqueue_indirect_dma source(%dma_start3A_26 : memref<409600x32xf32, #tpu.memory_space<hbm>>) target(%dma_start3A_20 : memref<128x32xf32, #tpu.memory_space<vmem>>) offsets(%dma_start3A_23 : memref<128xi32, #tpu.memory_space<vmem>>) semaphore(%arg11 : memref<!tpu.dma_semaphore, #tpu.memory_space<semaphore_mem>>)
    %dma_start3A_27 = arith.constant 0 : i32
    %dma_start3A_28 = arith.constant 1 : i32
    %dma_start3A_29 = arith.constant 0 : i32
    %dma_start3A_30 = arith.constant 0 : i32
    %dma_start3A_31 = tpu.memref_slice %arg9[%dma_start3A_28, %dma_start3A_29, %dma_start3A_30] : memref<6x128x32xf32, #tpu.memory_space<vmem>> -> memref<1x128x32xf32, #tpu.memory_space<vmem>>
    %dma_start3A_32 = tpu.memref_squeeze %dma_start3A_31 : memref<1x128x32xf32, #tpu.memory_space<vmem>> -> memref<128x32xf32, #tpu.memory_space<vmem>>
    %dma_start3A_33 = arith.constant 128 : i32
    %dma_start3A_34 = tpu.memref_slice %arg7[%dma_start3A_27, %dma_start3A_33] : memref<2x768xi32, #tpu.memory_space<vmem>> -> memref<1x128xi32, #tpu.memory_space<vmem>>
    %dma_start3A_35 = tpu.memref_squeeze %dma_start3A_34 : memref<1x128xi32, #tpu.memory_space<vmem>> -> memref<128xi32, #tpu.memory_space<vmem>>
    %dma_start3A_36 = arith.constant 0 : i32
    %dma_start3A_37 = arith.constant 0 : i32
    %dma_start3A_38 = tpu.memref_slice %arg4[%dma_start3A_36, %dma_start3A_37] : memref<409600x32xf32, #tpu.memory_space<hbm>> -> memref<409600x32xf32, #tpu.memory_space<hbm>>
    tpu.enqueue_indirect_dma source(%dma_start3A_38 : memref<409600x32xf32, #tpu.memory_space<hbm>>) target(%dma_start3A_32 : memref<128x32xf32, #tpu.memory_space<vmem>>) offsets(%dma_start3A_35 : memref<128xi32, #tpu.memory_space<vmem>>) semaphore(%arg12 : memref<!tpu.dma_semaphore, #tpu.memory_space<semaphore_mem>>)
    %dma_start3A_39 = arith.constant 0 : i32
    %dma_start3A_40 = arith.constant 2 : i32
    %dma_start3A_41 = arith.constant 0 : i32
    %dma_start3A_42 = arith.constant 0 : i32
    %dma_start3A_43 = tpu.memref_slice %arg9[%dma_start3A_40, %dma_start3A_41, %dma_start3A_42] : memref<6x128x32xf32, #tpu.memory_space<vmem>> -> memref<1x128x32xf32, #tpu.memory_space<vmem>>
    %dma_start3A_44 = tpu.memref_squeeze %dma_start3A_43 : memref<1x128x32xf32, #tpu.memory_space<vmem>> -> memref<128x32xf32, #tpu.memory_space<vmem>>
    %dma_start3A_45 = arith.constant 256 : i32
    %dma_start3A_46 = tpu.memref_slice %arg7[%dma_start3A_39, %dma_start3A_45] : memref<2x768xi32, #tpu.memory_space<vmem>> -> memref<1x128xi32, #tpu.memory_space<vmem>>
    %dma_start3A_47 = tpu.memref_squeeze %dma_start3A_46 : memref<1x128xi32, #tpu.memory_space<vmem>> -> memref<128xi32, #tpu.memory_space<vmem>>
    %dma_start3A_48 = arith.constant 0 : i32
    %dma_start3A_49 = arith.constant 0 : i32
    %dma_start3A_50 = tpu.memref_slice %arg4[%dma_start3A_48, %dma_start3A_49] : memref<409600x32xf32, #tpu.memory_space<hbm>> -> memref<409600x32xf32, #tpu.memory_space<hbm>>
    tpu.enqueue_indirect_dma source(%dma_start3A_50 : memref<409600x32xf32, #tpu.memory_space<hbm>>) target(%dma_start3A_44 : memref<128x32xf32, #tpu.memory_space<vmem>>) offsets(%dma_start3A_47 : memref<128xi32, #tpu.memory_space<vmem>>) semaphore(%arg13 : memref<!tpu.dma_semaphore, #tpu.memory_space<semaphore_mem>>)
    %dma_start3A_51 = arith.constant 0 : i32
    %dma_start3A_52 = arith.constant 3 : i32
    %dma_start3A_53 = arith.constant 0 : i32
    %dma_start3A_54 = arith.constant 0 : i32
    %dma_start3A_55 = tpu.memref_slice %arg9[%dma_start3A_52, %dma_start3A_53, %dma_start3A_54] : memref<6x128x32xf32, #tpu.memory_space<vmem>> -> memref<1x128x32xf32, #tpu.memory_space<vmem>>
    %dma_start3A_56 = tpu.memref_squeeze %dma_start3A_55 : memref<1x128x32xf32, #tpu.memory_space<vmem>> -> memref<128x32xf32, #tpu.memory_space<vmem>>
    %dma_start3A_57 = arith.constant 384 : i32
    %dma_start3A_58 = tpu.memref_slice %arg7[%dma_start3A_51, %dma_start3A_57] : memref<2x768xi32, #tpu.memory_space<vmem>> -> memref<1x128xi32, #tpu.memory_space<vmem>>
    %dma_start3A_59 = tpu.memref_squeeze %dma_start3A_58 : memref<1x128xi32, #tpu.memory_space<vmem>> -> memref<128xi32, #tpu.memory_space<vmem>>
    %dma_start3A_60 = arith.constant 0 : i32
    %dma_start3A_61 = arith.constant 0 : i32
    %dma_start3A_62 = tpu.memref_slice %arg4[%dma_start3A_60, %dma_start3A_61] : memref<409600x32xf32, #tpu.memory_space<hbm>> -> memref<409600x32xf32, #tpu.memory_space<hbm>>
    tpu.enqueue_indirect_dma source(%dma_start3A_62 : memref<409600x32xf32, #tpu.memory_space<hbm>>) target(%dma_start3A_56 : memref<128x32xf32, #tpu.memory_space<vmem>>) offsets(%dma_start3A_59 : memref<128xi32, #tpu.memory_space<vmem>>) semaphore(%arg14 : memref<!tpu.dma_semaphore, #tpu.memory_space<semaphore_mem>>)
    %scan3A_63 = arith.constant 0 : i32
    %scan3A_64 = arith.constant 0 : i32
    %scan3A_65 = arith.constant 66 : i32
    %scan3A_66 = arith.addi %scan3A_64, %scan3A_65 : i32
    %scan3A_67 = arith.constant 1 : i32
    scf.for %scan3A_102 = %scan3A_64 to %scan3A_66 step %scan3A_67  : i32 {
      %rem3A = arith.constant 2 : i32
      %rem3A_103 = arith.remsi %scan3A_102, %rem3A : i32
      %gt3A = arith.constant 0 : i32
      %gt3A_104 = arith.cmpi sgt, %scan3A_102, %gt3A : i32
      %convert_element_type3A = arith.extui %gt3A_104 : i1 to i32
      %cond3A = arith.constant 0 : i32
      %cond3A_105 = arith.cmpi ne, %convert_element_type3A, %cond3A : i32
      scf.if %cond3A_105 {
        %dma_wait3A_348 = arith.constant 4 : i32
        %dma_wait3A_349 = arith.constant 0 : i32
        %dma_wait3A_350 = arith.constant 0 : i32
        %dma_wait3A_351 = arith.constant 0 : i32
        %dma_wait3A_352 = arith.constant 0 : i32
        %dma_wait3A_353 = tpu.memref_slice %arg9[%dma_wait3A_348, %dma_wait3A_351, %dma_wait3A_352] : memref<6x128x32xf32, #tpu.memory_space<vmem>> -> memref<1x128x32xf32, #tpu.memory_space<vmem>>
        %dma_wait3A_354 = tpu.memref_squeeze %dma_wait3A_353 : memref<1x128x32xf32, #tpu.memory_space<vmem>> -> memref<128x32xf32, #tpu.memory_space<vmem>>
        %dma_wait3A_355 = arith.constant 0 : i32
        %dma_wait3A_356 = tpu.memref_slice %arg8[%dma_wait3A_349, %dma_wait3A_350, %dma_wait3A_355] : memref<2x6x128xi32, #tpu.memory_space<vmem>> -> memref<1x1x128xi32, #tpu.memory_space<vmem>>
        %dma_wait3A_357 = tpu.memref_squeeze %dma_wait3A_356 : memref<1x1x128xi32, #tpu.memory_space<vmem>> -> memref<128xi32, #tpu.memory_space<vmem>>
        %dma_wait3A_358 = arith.constant 0 : i32
        %dma_wait3A_359 = arith.constant 0 : i32
        %dma_wait3A_360 = tpu.memref_slice %arg10[%dma_wait3A_358, %dma_wait3A_359] : memref<51200x32xf32, #tpu.memory_space<vmem_shared>> -> memref<51200x32xf32, #tpu.memory_space<vmem_shared>>
        tpu.wait_indirect_dma semaphore(%arg21 : memref<!tpu.dma_semaphore, #tpu.memory_space<semaphore_mem>>) src(%dma_wait3A_354 : memref<128x32xf32, #tpu.memory_space<vmem>>) dst(%dma_wait3A_360 : memref<51200x32xf32, #tpu.memory_space<vmem_shared>>)
        %dma_wait3A_361 = arith.constant 5 : i32
        %dma_wait3A_362 = arith.constant 0 : i32
        %dma_wait3A_363 = arith.constant 0 : i32
        %dma_wait3A_364 = arith.constant 0 : i32
        %dma_wait3A_365 = arith.constant 0 : i32
        %dma_wait3A_366 = tpu.memref_slice %arg9[%dma_wait3A_361, %dma_wait3A_364, %dma_wait3A_365] : memref<6x128x32xf32, #tpu.memory_space<vmem>> -> memref<1x128x32xf32, #tpu.memory_space<vmem>>
        %dma_wait3A_367 = tpu.memref_squeeze %dma_wait3A_366 : memref<1x128x32xf32, #tpu.memory_space<vmem>> -> memref<128x32xf32, #tpu.memory_space<vmem>>
        %dma_wait3A_368 = arith.constant 0 : i32
        %dma_wait3A_369 = tpu.memref_slice %arg8[%dma_wait3A_362, %dma_wait3A_363, %dma_wait3A_368] : memref<2x6x128xi32, #tpu.memory_space<vmem>> -> memref<1x1x128xi32, #tpu.memory_space<vmem>>
        %dma_wait3A_370 = tpu.memref_squeeze %dma_wait3A_369 : memref<1x1x128xi32, #tpu.memory_space<vmem>> -> memref<128xi32, #tpu.memory_space<vmem>>
        %dma_wait3A_371 = arith.constant 0 : i32
        %dma_wait3A_372 = arith.constant 0 : i32
        %dma_wait3A_373 = tpu.memref_slice %arg10[%dma_wait3A_371, %dma_wait3A_372] : memref<51200x32xf32, #tpu.memory_space<vmem_shared>> -> memref<51200x32xf32, #tpu.memory_space<vmem_shared>>
        tpu.wait_indirect_dma semaphore(%arg22 : memref<!tpu.dma_semaphore, #tpu.memory_space<semaphore_mem>>) src(%dma_wait3A_367 : memref<128x32xf32, #tpu.memory_space<vmem>>) dst(%dma_wait3A_373 : memref<51200x32xf32, #tpu.memory_space<vmem_shared>>)
      } else {
      }
      %lt3A = arith.constant 65 : i32
      %lt3A_106 = arith.cmpi slt, %scan3A_102, %lt3A : i32
      %convert_element_type3A_107 = arith.extui %lt3A_106 : i1 to i32
      %cond3A_108 = arith.constant 0 : i32
      %cond3A_109 = arith.cmpi ne, %convert_element_type3A_107, %cond3A_108 : i32
      scf.if %cond3A_109 {
        %sub3A = arith.constant 1 : i32
        %sub3A_348 = arith.subi %sub3A, %rem3A_103 : i32
        %add3A_349 = arith.constant 1 : i32
        %add3A_350 = arith.addi %scan3A_102, %add3A_349 : i32
        %mul3A_351 = arith.constant 50688 : i32
        %mul3A_352 = arith.muli %arg1, %mul3A_351 : i32
        %mul3A_353 = arith.constant 768 : i32
        %mul3A_354 = arith.muli %add3A_350, %mul3A_353 : i32
        %add3A_355 = arith.addi %mul3A_352, %mul3A_354 : i32
        "tpu.region"() ({
          %run_scoped3A_367 = tpu.sem_alloc : memref<!tpu.dma_semaphore, #tpu.memory_space<semaphore_mem>>
          %dma_start3A_368 = arith.constant 0 : i32
          %dma_start3A_369 = tpu.memref_slice %arg7[%sub3A_348, %dma_start3A_368] : memref<2x768xi32, #tpu.memory_space<vmem>> -> memref<1x768xi32, #tpu.memory_space<vmem>>
          %dma_start3A_370 = tpu.memref_squeeze %dma_start3A_369 : memref<1x768xi32, #tpu.memory_space<vmem>> -> memref<768xi32, #tpu.memory_space<vmem>>
          %dma_start3A_371 = tpu.memref_slice %arg2[%add3A_355] : memref<811008xi32, #tpu.memory_space<hbm>> -> memref<768xi32, #tpu.memory_space<hbm>>
          %dma_start3A_372 = arith.constant 0 : i32
          %dma_start3A_373 = tpu.memref_slice %arg7[%sub3A_348, %dma_start3A_372] : memref<2x768xi32, #tpu.memory_space<vmem>> -> memref<1x768xi32, #tpu.memory_space<vmem>>
          %dma_start3A_374 = tpu.memref_squeeze %dma_start3A_373 : memref<1x768xi32, #tpu.memory_space<vmem>> -> memref<768xi32, #tpu.memory_space<vmem>>
          %dma_start3A_375 = tpu.memref_slice %arg2[%add3A_355] : memref<811008xi32, #tpu.memory_space<hbm>> -> memref<768xi32, #tpu.memory_space<hbm>>
          tpu.enqueue_dma source(%dma_start3A_375 : memref<768xi32, #tpu.memory_space<hbm>>) target(%dma_start3A_374 : memref<768xi32, #tpu.memory_space<vmem>>) target_semaphore(%run_scoped3A_367 : memref<!tpu.dma_semaphore, #tpu.memory_space<semaphore_mem>>)
          %dma_wait3A_376 = arith.constant 0 : i32
          %dma_wait3A_377 = tpu.memref_slice %arg7[%sub3A_348, %dma_wait3A_376] : memref<2x768xi32, #tpu.memory_space<vmem>> -> memref<1x768xi32, #tpu.memory_space<vmem>>
          %dma_wait3A_378 = tpu.memref_squeeze %dma_wait3A_377 : memref<1x768xi32, #tpu.memory_space<vmem>> -> memref<768xi32, #tpu.memory_space<vmem>>
          %dma_wait3A_379 = tpu.memref_slice %arg2[%add3A_355] : memref<811008xi32, #tpu.memory_space<hbm>> -> memref<768xi32, #tpu.memory_space<hbm>>
          %dma_wait3A_380 = arith.constant 0 : i32
          %dma_wait3A_381 = tpu.memref_slice %arg7[%sub3A_348, %dma_wait3A_380] : memref<2x768xi32, #tpu.memory_space<vmem>> -> memref<1x768xi32, #tpu.memory_space<vmem>>
          %dma_wait3A_382 = tpu.memref_squeeze %dma_wait3A_381 : memref<1x768xi32, #tpu.memory_space<vmem>> -> memref<768xi32, #tpu.memory_space<vmem>>
          %dma_wait3A_383 = tpu.memref_slice %arg2[%add3A_355] : memref<811008xi32, #tpu.memory_space<hbm>> -> memref<768xi32, #tpu.memory_space<hbm>>
          tpu.wait_dma2 semaphore(%run_scoped3A_367 : memref<!tpu.dma_semaphore, #tpu.memory_space<semaphore_mem>>) src(%dma_wait3A_383 : memref<768xi32, #tpu.memory_space<hbm>>) dst(%dma_wait3A_382 : memref<768xi32, #tpu.memory_space<vmem>>)
          tpu.yield
        }) : () -> ()
        %scan3A_356 = arith.constant 0 : i32
        %scan3A_357 = arith.constant 0 : i32
        %scan3A_358 = arith.constant 48 : i32
        %scan3A_359 = arith.addi %scan3A_357, %scan3A_358 : i32
        %scan3A_360 = arith.constant 1 : i32
        scf.for %scan3A_367 = %scan3A_357 to %scan3A_359 step %scan3A_360  : i32 {
          %mul3A_368 = arith.constant 16 : i32
          %mul3A_369 = arith.muli %scan3A_367, %mul3A_368 : i32
          %get3A = arith.index_cast %sub3A_348 : i32 to index
          %get3A_370 = arith.index_cast %mul3A_369 : i32 to index
          %get3A_371 = tpu.vector_load %arg7[%get3A, %get3A_370] {strides = array<i32>} : memref<2x768xi32, #tpu.memory_space<vmem>>, vector<1x16xi32>,
          %get3A_372 = vector.shape_cast %get3A_371 : vector<1x16xi32> to vector<16xi32>
          %add3A_373 = vector.broadcast %mul3A_2 : i32 to vector<16xi32>
          %add3A_374 = arith.addi %get3A_372, %add3A_373 : vector<16xi32>
          %swap3A = arith.index_cast %sub3A_348 : i32 to index
          %swap3A_375 = arith.index_cast %mul3A_369 : i32 to index
          %swap3A_376 = tpu.vector_load %arg7[%swap3A, %swap3A_375] {strides = array<i32>} : memref<2x768xi32, #tpu.memory_space<vmem>>, vector<1x16xi32>,
          %swap3A_377 = vector.shape_cast %swap3A_376 : vector<1x16xi32> to vector<16xi32>
          %swap3A_378 = vector.shape_cast %add3A_374 : vector<16xi32> to vector<1x16xi32>
          tpu.vector_store %arg7[%swap3A, %swap3A_375], %swap3A_378 {strides = array<i32>} : memref<2x768xi32, #tpu.memory_space<vmem>>, vector<1x16xi32>,
        }
        %scan3A_361 = arith.constant 48 : i32
        %mul3A_362 = arith.constant 396 : i32
        %mul3A_363 = arith.muli %arg1, %mul3A_362 : i32
        %mul3A_364 = arith.constant 6 : i32
        %mul3A_365 = arith.muli %add3A_350, %mul3A_364 : i32
        %add3A_366 = arith.addi %mul3A_363, %mul3A_365 : i32
        "tpu.region"() ({
          %run_scoped3A_367 = tpu.sem_alloc : memref<!tpu.dma_semaphore, #tpu.memory_space<semaphore_mem>>
          %dma_start3A_368 = arith.constant 0 : i32
          %dma_start3A_369 = arith.constant 0 : i32
          %dma_start3A_370 = tpu.memref_slice %arg8[%sub3A_348, %dma_start3A_368, %dma_start3A_369] : memref<2x6x128xi32, #tpu.memory_space<vmem>> -> memref<1x6x128xi32, #tpu.memory_space<vmem>>
          %dma_start3A_371 = tpu.memref_squeeze %dma_start3A_370 : memref<1x6x128xi32, #tpu.memory_space<vmem>> -> memref<6x128xi32, #tpu.memory_space<vmem>>
          %dma_start3A_372 = arith.constant 0 : i32
          %dma_start3A_373 = tpu.memref_slice %arg3[%add3A_366, %dma_start3A_372] : memref<6336x128xi32, #tpu.memory_space<hbm>> -> memref<6x128xi32, #tpu.memory_space<hbm>>
          %dma_start3A_374 = arith.constant 0 : i32
          %dma_start3A_375 = arith.constant 0 : i32
          %dma_start3A_376 = tpu.memref_slice %arg8[%sub3A_348, %dma_start3A_374, %dma_start3A_375] : memref<2x6x128xi32, #tpu.memory_space<vmem>> -> memref<1x6x128xi32, #tpu.memory_space<vmem>>
          %dma_start3A_377 = tpu.memref_squeeze %dma_start3A_376 : memref<1x6x128xi32, #tpu.memory_space<vmem>> -> memref<6x128xi32, #tpu.memory_space<vmem>>
          %dma_start3A_378 = arith.constant 0 : i32
          %dma_start3A_379 = tpu.memref_slice %arg3[%add3A_366, %dma_start3A_378] : memref<6336x128xi32, #tpu.memory_space<hbm>> -> memref<6x128xi32, #tpu.memory_space<hbm>>
          tpu.enqueue_dma source(%dma_start3A_379 : memref<6x128xi32, #tpu.memory_space<hbm>>) target(%dma_start3A_377 : memref<6x128xi32, #tpu.memory_space<vmem>>) target_semaphore(%run_scoped3A_367 : memref<!tpu.dma_semaphore, #tpu.memory_space<semaphore_mem>>)
          %dma_wait3A_380 = arith.constant 0 : i32
          %dma_wait3A_381 = arith.constant 0 : i32
          %dma_wait3A_382 = tpu.memref_slice %arg8[%sub3A_348, %dma_wait3A_380, %dma_wait3A_381] : memref<2x6x128xi32, #tpu.memory_space<vmem>> -> memref<1x6x128xi32, #tpu.memory_space<vmem>>
          %dma_wait3A_383 = tpu.memref_squeeze %dma_wait3A_382 : memref<1x6x128xi32, #tpu.memory_space<vmem>> -> memref<6x128xi32, #tpu.memory_space<vmem>>
          %dma_wait3A_384 = arith.constant 0 : i32
          %dma_wait3A_385 = tpu.memref_slice %arg3[%add3A_366, %dma_wait3A_384] : memref<6336x128xi32, #tpu.memory_space<hbm>> -> memref<6x128xi32, #tpu.memory_space<hbm>>
          %dma_wait3A_386 = arith.constant 0 : i32
          %dma_wait3A_387 = arith.constant 0 : i32
          %dma_wait3A_388 = tpu.memref_slice %arg8[%sub3A_348, %dma_wait3A_386, %dma_wait3A_387] : memref<2x6x128xi32, #tpu.memory_space<vmem>> -> memref<1x6x128xi32, #tpu.memory_space<vmem>>
          %dma_wait3A_389 = tpu.memref_squeeze %dma_wait3A_388 : memref<1x6x128xi32, #tpu.memory_space<vmem>> -> memref<6x128xi32, #tpu.memory_space<vmem>>
          %dma_wait3A_390 = arith.constant 0 : i32
          %dma_wait3A_391 = tpu.memref_slice %arg3[%add3A_366, %dma_wait3A_390] : memref<6336x128xi32, #tpu.memory_space<hbm>> -> memref<6x128xi32, #tpu.memory_space<hbm>>
          tpu.wait_dma2 semaphore(%run_scoped3A_367 : memref<!tpu.dma_semaphore, #tpu.memory_space<semaphore_mem>>) src(%dma_wait3A_391 : memref<6x128xi32, #tpu.memory_space<hbm>>) dst(%dma_wait3A_389 : memref<6x128xi32, #tpu.memory_space<vmem>>)
          tpu.yield
        }) : () -> ()
      } else {
      }
      %dma_wait3A_110 = arith.constant 0 : i32
      %dma_wait3A_111 = arith.constant 0 : i32
      %dma_wait3A_112 = arith.constant 0 : i32
      %dma_wait3A_113 = arith.constant 0 : i32
      %dma_wait3A_114 = tpu.memref_slice %arg9[%dma_wait3A_111, %dma_wait3A_112, %dma_wait3A_113] : memref<6x128x32xf32, #tpu.memory_space<vmem>> -> memref<1x128x32xf32, #tpu.memory_space<vmem>>
      %dma_wait3A_115 = tpu.memref_squeeze %dma_wait3A_114 : memref<1x128x32xf32, #tpu.memory_space<vmem>> -> memref<128x32xf32, #tpu.memory_space<vmem>>
      %dma_wait3A_116 = arith.constant 0 : i32
      %dma_wait3A_117 = tpu.memref_slice %arg7[%dma_wait3A_110, %dma_wait3A_116] : memref<2x768xi32, #tpu.memory_space<vmem>> -> memref<1x128xi32, #tpu.memory_space<vmem>>
      %dma_wait3A_118 = tpu.memref_squeeze %dma_wait3A_117 : memref<1x128xi32, #tpu.memory_space<vmem>> -> memref<128xi32, #tpu.memory_space<vmem>>
      %dma_wait3A_119 = arith.constant 0 : i32
      %dma_wait3A_120 = arith.constant 0 : i32
      %dma_wait3A_121 = tpu.memref_slice %arg4[%dma_wait3A_119, %dma_wait3A_120] : memref<409600x32xf32, #tpu.memory_space<hbm>> -> memref<409600x32xf32, #tpu.memory_space<hbm>>
      tpu.wait_indirect_dma semaphore(%arg11 : memref<!tpu.dma_semaphore, #tpu.memory_space<semaphore_mem>>) src(%dma_wait3A_121 : memref<409600x32xf32, #tpu.memory_space<hbm>>) dst(%dma_wait3A_115 : memref<128x32xf32, #tpu.memory_space<vmem>>)
      %dma_start3A_122 = arith.constant 0 : i32
      %dma_start3A_123 = arith.constant 0 : i32
      %dma_start3A_124 = arith.constant 0 : i32
      %dma_start3A_125 = arith.constant 0 : i32
      %dma_start3A_126 = tpu.memref_slice %arg9[%dma_start3A_122, %dma_start3A_124, %dma_start3A_125] : memref<6x128x32xf32, #tpu.memory_space<vmem>> -> memref<1x128x32xf32, #tpu.memory_space<vmem>>
      %dma_start3A_127 = tpu.memref_squeeze %dma_start3A_126 : memref<1x128x32xf32, #tpu.memory_space<vmem>> -> memref<128x32xf32, #tpu.memory_space<vmem>>
      %dma_start3A_128 = arith.constant 0 : i32
      %dma_start3A_129 = tpu.memref_slice %arg8[%rem3A_103, %dma_start3A_123, %dma_start3A_128] : memref<2x6x128xi32, #tpu.memory_space<vmem>> -> memref<1x1x128xi32, #tpu.memory_space<vmem>>
      %dma_start3A_130 = tpu.memref_squeeze %dma_start3A_129 : memref<1x1x128xi32, #tpu.memory_space<vmem>> -> memref<128xi32, #tpu.memory_space<vmem>>
      %dma_start3A_131 = arith.constant 0 : i32
      %dma_start3A_132 = arith.constant 0 : i32
      %dma_start3A_133 = tpu.memref_slice %arg10[%dma_start3A_131, %dma_start3A_132] : memref<51200x32xf32, #tpu.memory_space<vmem_shared>> -> memref<51200x32xf32, #tpu.memory_space<vmem_shared>>
      tpu.enqueue_indirect_dma source(%dma_start3A_127 : memref<128x32xf32, #tpu.memory_space<vmem>>) target(%dma_start3A_133 : memref<51200x32xf32, #tpu.memory_space<vmem_shared>>) offsets(%dma_start3A_130 : memref<128xi32, #tpu.memory_space<vmem>>) semaphore(%arg17 : memref<!tpu.dma_semaphore, #tpu.memory_space<semaphore_mem>>) {add = true}
      %dma_start3A_134 = arith.constant 4 : i32
      %dma_start3A_135 = arith.constant 0 : i32
      %dma_start3A_136 = arith.constant 0 : i32
      %dma_start3A_137 = tpu.memref_slice %arg9[%dma_start3A_134, %dma_start3A_135, %dma_start3A_136] : memref<6x128x32xf32, #tpu.memory_space<vmem>> -> memref<1x128x32xf32, #tpu.memory_space<vmem>>
      %dma_start3A_138 = tpu.memref_squeeze %dma_start3A_137 : memref<1x128x32xf32, #tpu.memory_space<vmem>> -> memref<128x32xf32, #tpu.memory_space<vmem>>
      %dma_start3A_139 = arith.constant 512 : i32
      %dma_start3A_140 = tpu.memref_slice %arg7[%rem3A_103, %dma_start3A_139] : memref<2x768xi32, #tpu.memory_space<vmem>> -> memref<1x128xi32, #tpu.memory_space<vmem>>
      %dma_start3A_141 = tpu.memref_squeeze %dma_start3A_140 : memref<1x128xi32, #tpu.memory_space<vmem>> -> memref<128xi32, #tpu.memory_space<vmem>>
      %dma_start3A_142 = arith.constant 0 : i32
      %dma_start3A_143 = arith.constant 0 : i32
      %dma_start3A_144 = tpu.memref_slice %arg4[%dma_start3A_142, %dma_start3A_143] : memref<409600x32xf32, #tpu.memory_space<hbm>> -> memref<409600x32xf32, #tpu.memory_space<hbm>>
      tpu.enqueue_indirect_dma source(%dma_start3A_144 : memref<409600x32xf32, #tpu.memory_space<hbm>>) target(%dma_start3A_138 : memref<128x32xf32, #tpu.memory_space<vmem>>) offsets(%dma_start3A_141 : memref<128xi32, #tpu.memory_space<vmem>>) semaphore(%arg15 : memref<!tpu.dma_semaphore, #tpu.memory_space<semaphore_mem>>)
      %dma_wait3A_145 = arith.constant 0 : i32
      %dma_wait3A_146 = arith.constant 1 : i32
      %dma_wait3A_147 = arith.constant 0 : i32
      %dma_wait3A_148 = arith.constant 0 : i32
      %dma_wait3A_149 = tpu.memref_slice %arg9[%dma_wait3A_146, %dma_wait3A_147, %dma_wait3A_148] : memref<6x128x32xf32, #tpu.memory_space<vmem>> -> memref<1x128x32xf32, #tpu.memory_space<vmem>>
      %dma_wait3A_150 = tpu.memref_squeeze %dma_wait3A_149 : memref<1x128x32xf32, #tpu.memory_space<vmem>> -> memref<128x32xf32, #tpu.memory_space<vmem>>
      %dma_wait3A_151 = arith.constant 0 : i32
      %dma_wait3A_152 = tpu.memref_slice %arg7[%dma_wait3A_145, %dma_wait3A_151] : memref<2x768xi32, #tpu.memory_space<vmem>> -> memref<1x128xi32, #tpu.memory_space<vmem>>
      %dma_wait3A_153 = tpu.memref_squeeze %dma_wait3A_152 : memref<1x128xi32, #tpu.memory_space<vmem>> -> memref<128xi32, #tpu.memory_space<vmem>>
      %dma_wait3A_154 = arith.constant 0 : i32
      %dma_wait3A_155 = arith.constant 0 : i32
      %dma_wait3A_156 = tpu.memref_slice %arg4[%dma_wait3A_154, %dma_wait3A_155] : memref<409600x32xf32, #tpu.memory_space<hbm>> -> memref<409600x32xf32, #tpu.memory_space<hbm>>
      tpu.wait_indirect_dma semaphore(%arg12 : memref<!tpu.dma_semaphore, #tpu.memory_space<semaphore_mem>>) src(%dma_wait3A_156 : memref<409600x32xf32, #tpu.memory_space<hbm>>) dst(%dma_wait3A_150 : memref<128x32xf32, #tpu.memory_space<vmem>>)
      %dma_start3A_157 = arith.constant 1 : i32
      %dma_start3A_158 = arith.constant 1 : i32
      %dma_start3A_159 = arith.constant 0 : i32
      %dma_start3A_160 = arith.constant 0 : i32
      %dma_start3A_161 = tpu.memref_slice %arg9[%dma_start3A_157, %dma_start3A_159, %dma_start3A_160] : memref<6x128x32xf32, #tpu.memory_space<vmem>> -> memref<1x128x32xf32, #tpu.memory_space<vmem>>
      %dma_start3A_162 = tpu.memref_squeeze %dma_start3A_161 : memref<1x128x32xf32, #tpu.memory_space<vmem>> -> memref<128x32xf32, #tpu.memory_space<vmem>>
      %dma_start3A_163 = arith.constant 0 : i32
      %dma_start3A_164 = tpu.memref_slice %arg8[%rem3A_103, %dma_start3A_158, %dma_start3A_163] : memref<2x6x128xi32, #tpu.memory_space<vmem>> -> memref<1x1x128xi32, #tpu.memory_space<vmem>>
      %dma_start3A_165 = tpu.memref_squeeze %dma_start3A_164 : memref<1x1x128xi32, #tpu.memory_space<vmem>> -> memref<128xi32, #tpu.memory_space<vmem>>
      %dma_start3A_166 = arith.constant 0 : i32
      %dma_start3A_167 = arith.constant 0 : i32
      %dma_start3A_168 = tpu.memref_slice %arg10[%dma_start3A_166, %dma_start3A_167] : memref<51200x32xf32, #tpu.memory_space<vmem_shared>> -> memref<51200x32xf32, #tpu.memory_space<vmem_shared>>
      tpu.enqueue_indirect_dma source(%dma_start3A_162 : memref<128x32xf32, #tpu.memory_space<vmem>>) target(%dma_start3A_168 : memref<51200x32xf32, #tpu.memory_space<vmem_shared>>) offsets(%dma_start3A_165 : memref<128xi32, #tpu.memory_space<vmem>>) semaphore(%arg18 : memref<!tpu.dma_semaphore, #tpu.memory_space<semaphore_mem>>) {add = true}
      %dma_start3A_169 = arith.constant 5 : i32
      %dma_start3A_170 = arith.constant 0 : i32
      %dma_start3A_171 = arith.constant 0 : i32
      %dma_start3A_172 = tpu.memref_slice %arg9[%dma_start3A_169, %dma_start3A_170, %dma_start3A_171] : memref<6x128x32xf32, #tpu.memory_space<vmem>> -> memref<1x128x32xf32, #tpu.memory_space<vmem>>
      %dma_start3A_173 = tpu.memref_squeeze %dma_start3A_172 : memref<1x128x32xf32, #tpu.memory_space<vmem>> -> memref<128x32xf32, #tpu.memory_space<vmem>>
      %dma_start3A_174 = arith.constant 640 : i32
      %dma_start3A_175 = tpu.memref_slice %arg7[%rem3A_103, %dma_start3A_174] : memref<2x768xi32, #tpu.memory_space<vmem>> -> memref<1x128xi32, #tpu.memory_space<vmem>>
      %dma_start3A_176 = tpu.memref_squeeze %dma_start3A_175 : memref<1x128xi32, #tpu.memory_space<vmem>> -> memref<128xi32, #tpu.memory_space<vmem>>
      %dma_start3A_177 = arith.constant 0 : i32
      %dma_start3A_178 = arith.constant 0 : i32
      %dma_start3A_179 = tpu.memref_slice %arg4[%dma_start3A_177, %dma_start3A_178] : memref<409600x32xf32, #tpu.memory_space<hbm>> -> memref<409600x32xf32, #tpu.memory_space<hbm>>
      tpu.enqueue_indirect_dma source(%dma_start3A_179 : memref<409600x32xf32, #tpu.memory_space<hbm>>) target(%dma_start3A_173 : memref<128x32xf32, #tpu.memory_space<vmem>>) offsets(%dma_start3A_176 : memref<128xi32, #tpu.memory_space<vmem>>) semaphore(%arg16 : memref<!tpu.dma_semaphore, #tpu.memory_space<semaphore_mem>>)
      %dma_wait3A_180 = arith.constant 0 : i32
      %dma_wait3A_181 = arith.constant 2 : i32
      %dma_wait3A_182 = arith.constant 0 : i32
      %dma_wait3A_183 = arith.constant 0 : i32
      %dma_wait3A_184 = tpu.memref_slice %arg9[%dma_wait3A_181, %dma_wait3A_182, %dma_wait3A_183] : memref<6x128x32xf32, #tpu.memory_space<vmem>> -> memref<1x128x32xf32, #tpu.memory_space<vmem>>
      %dma_wait3A_185 = tpu.memref_squeeze %dma_wait3A_184 : memref<1x128x32xf32, #tpu.memory_space<vmem>> -> memref<128x32xf32, #tpu.memory_space<vmem>>
      %dma_wait3A_186 = arith.constant 0 : i32
      %dma_wait3A_187 = tpu.memref_slice %arg7[%dma_wait3A_180, %dma_wait3A_186] : memref<2x768xi32, #tpu.memory_space<vmem>> -> memref<1x128xi32, #tpu.memory_space<vmem>>
      %dma_wait3A_188 = tpu.memref_squeeze %dma_wait3A_187 : memref<1x128xi32, #tpu.memory_space<vmem>> -> memref<128xi32, #tpu.memory_space<vmem>>
      %dma_wait3A_189 = arith.constant 0 : i32
      %dma_wait3A_190 = arith.constant 0 : i32
      %dma_wait3A_191 = tpu.memref_slice %arg4[%dma_wait3A_189, %dma_wait3A_190] : memref<409600x32xf32, #tpu.memory_space<hbm>> -> memref<409600x32xf32, #tpu.memory_space<hbm>>
      tpu.wait_indirect_dma semaphore(%arg13 : memref<!tpu.dma_semaphore, #tpu.memory_space<semaphore_mem>>) src(%dma_wait3A_191 : memref<409600x32xf32, #tpu.memory_space<hbm>>) dst(%dma_wait3A_185 : memref<128x32xf32, #tpu.memory_space<vmem>>)
      %dma_start3A_192 = arith.constant 2 : i32
      %dma_start3A_193 = arith.constant 2 : i32
      %dma_start3A_194 = arith.constant 0 : i32
      %dma_start3A_195 = arith.constant 0 : i32
      %dma_start3A_196 = tpu.memref_slice %arg9[%dma_start3A_192, %dma_start3A_194, %dma_start3A_195] : memref<6x128x32xf32, #tpu.memory_space<vmem>> -> memref<1x128x32xf32, #tpu.memory_space<vmem>>
      %dma_start3A_197 = tpu.memref_squeeze %dma_start3A_196 : memref<1x128x32xf32, #tpu.memory_space<vmem>> -> memref<128x32xf32, #tpu.memory_space<vmem>>
      %dma_start3A_198 = arith.constant 0 : i32
      %dma_start3A_199 = tpu.memref_slice %arg8[%rem3A_103, %dma_start3A_193, %dma_start3A_198] : memref<2x6x128xi32, #tpu.memory_space<vmem>> -> memref<1x1x128xi32, #tpu.memory_space<vmem>>
      %dma_start3A_200 = tpu.memref_squeeze %dma_start3A_199 : memref<1x1x128xi32, #tpu.memory_space<vmem>> -> memref<128xi32, #tpu.memory_space<vmem>>
      %dma_start3A_201 = arith.constant 0 : i32
      %dma_start3A_202 = arith.constant 0 : i32
      %dma_start3A_203 = tpu.memref_slice %arg10[%dma_start3A_201, %dma_start3A_202] : memref<51200x32xf32, #tpu.memory_space<vmem_shared>> -> memref<51200x32xf32, #tpu.memory_space<vmem_shared>>
      tpu.enqueue_indirect_dma source(%dma_start3A_197 : memref<128x32xf32, #tpu.memory_space<vmem>>) target(%dma_start3A_203 : memref<51200x32xf32, #tpu.memory_space<vmem_shared>>) offsets(%dma_start3A_200 : memref<128xi32, #tpu.memory_space<vmem>>) semaphore(%arg19 : memref<!tpu.dma_semaphore, #tpu.memory_space<semaphore_mem>>) {add = true}
      %dma_wait3A_204 = arith.constant 0 : i32
      %dma_wait3A_205 = arith.constant 0 : i32
      %dma_wait3A_206 = arith.constant 0 : i32
      %dma_wait3A_207 = arith.constant 0 : i32
      %dma_wait3A_208 = arith.constant 0 : i32
      %dma_wait3A_209 = tpu.memref_slice %arg9[%dma_wait3A_204, %dma_wait3A_207, %dma_wait3A_208] : memref<6x128x32xf32, #tpu.memory_space<vmem>> -> memref<1x128x32xf32, #tpu.memory_space<vmem>>
      %dma_wait3A_210 = tpu.memref_squeeze %dma_wait3A_209 : memref<1x128x32xf32, #tpu.memory_space<vmem>> -> memref<128x32xf32, #tpu.memory_space<vmem>>
      %dma_wait3A_211 = arith.constant 0 : i32
      %dma_wait3A_212 = tpu.memref_slice %arg8[%dma_wait3A_205, %dma_wait3A_206, %dma_wait3A_211] : memref<2x6x128xi32, #tpu.memory_space<vmem>> -> memref<1x1x128xi32, #tpu.memory_space<vmem>>
      %dma_wait3A_213 = tpu.memref_squeeze %dma_wait3A_212 : memref<1x1x128xi32, #tpu.memory_space<vmem>> -> memref<128xi32, #tpu.memory_space<vmem>>
      %dma_wait3A_214 = arith.constant 0 : i32
      %dma_wait3A_215 = arith.constant 0 : i32
      %dma_wait3A_216 = tpu.memref_slice %arg10[%dma_wait3A_214, %dma_wait3A_215] : memref<51200x32xf32, #tpu.memory_space<vmem_shared>> -> memref<51200x32xf32, #tpu.memory_space<vmem_shared>>
      tpu.wait_indirect_dma semaphore(%arg17 : memref<!tpu.dma_semaphore, #tpu.memory_space<semaphore_mem>>) src(%dma_wait3A_210 : memref<128x32xf32, #tpu.memory_space<vmem>>) dst(%dma_wait3A_216 : memref<51200x32xf32, #tpu.memory_space<vmem_shared>>)
      %lt3A_217 = arith.constant 65 : i32
      %lt3A_218 = arith.cmpi slt, %scan3A_102, %lt3A_217 : i32
      %convert_element_type3A_219 = arith.extui %lt3A_218 : i1 to i32
      %cond3A_220 = arith.constant 0 : i32
      %cond3A_221 = arith.cmpi ne, %convert_element_type3A_219, %cond3A_220 : i32
      scf.if %cond3A_221 {
        %sub3A = arith.constant 1 : i32
        %sub3A_348 = arith.subi %sub3A, %rem3A_103 : i32
        %dma_start3A_349 = arith.constant 0 : i32
        %dma_start3A_350 = arith.constant 0 : i32
        %dma_start3A_351 = arith.constant 0 : i32
        %dma_start3A_352 = tpu.memref_slice %arg9[%dma_start3A_349, %dma_start3A_350, %dma_start3A_351] : memref<6x128x32xf32, #tpu.memory_space<vmem>> -> memref<1x128x32xf32, #tpu.memory_space<vmem>>
        %dma_start3A_353 = tpu.memref_squeeze %dma_start3A_352 : memref<1x128x32xf32, #tpu.memory_space<vmem>> -> memref<128x32xf32, #tpu.memory_space<vmem>>
        %dma_start3A_354 = arith.constant 0 : i32
        %dma_start3A_355 = tpu.memref_slice %arg7[%sub3A_348, %dma_start3A_354] : memref<2x768xi32, #tpu.memory_space<vmem>> -> memref<1x128xi32, #tpu.memory_space<vmem>>
        %dma_start3A_356 = tpu.memref_squeeze %dma_start3A_355 : memref<1x128xi32, #tpu.memory_space<vmem>> -> memref<128xi32, #tpu.memory_space<vmem>>
        %dma_start3A_357 = arith.constant 0 : i32
        %dma_start3A_358 = arith.constant 0 : i32
        %dma_start3A_359 = tpu.memref_slice %arg4[%dma_start3A_357, %dma_start3A_358] : memref<409600x32xf32, #tpu.memory_space<hbm>> -> memref<409600x32xf32, #tpu.memory_space<hbm>>
        tpu.enqueue_indirect_dma source(%dma_start3A_359 : memref<409600x32xf32, #tpu.memory_space<hbm>>) target(%dma_start3A_353 : memref<128x32xf32, #tpu.memory_space<vmem>>) offsets(%dma_start3A_356 : memref<128xi32, #tpu.memory_space<vmem>>) semaphore(%arg11 : memref<!tpu.dma_semaphore, #tpu.memory_space<semaphore_mem>>)
      } else {
      }
      %dma_wait3A_222 = arith.constant 0 : i32
      %dma_wait3A_223 = arith.constant 3 : i32
      %dma_wait3A_224 = arith.constant 0 : i32
      %dma_wait3A_225 = arith.constant 0 : i32
      %dma_wait3A_226 = tpu.memref_slice %arg9[%dma_wait3A_223, %dma_wait3A_224, %dma_wait3A_225] : memref<6x128x32xf32, #tpu.memory_space<vmem>> -> memref<1x128x32xf32, #tpu.memory_space<vmem>>
      %dma_wait3A_227 = tpu.memref_squeeze %dma_wait3A_226 : memref<1x128x32xf32, #tpu.memory_space<vmem>> -> memref<128x32xf32, #tpu.memory_space<vmem>>
      %dma_wait3A_228 = arith.constant 0 : i32
      %dma_wait3A_229 = tpu.memref_slice %arg7[%dma_wait3A_222, %dma_wait3A_228] : memref<2x768xi32, #tpu.memory_space<vmem>> -> memref<1x128xi32, #tpu.memory_space<vmem>>
      %dma_wait3A_230 = tpu.memref_squeeze %dma_wait3A_229 : memref<1x128xi32, #tpu.memory_space<vmem>> -> memref<128xi32, #tpu.memory_space<vmem>>
      %dma_wait3A_231 = arith.constant 0 : i32
      %dma_wait3A_232 = arith.constant 0 : i32
      %dma_wait3A_233 = tpu.memref_slice %arg4[%dma_wait3A_231, %dma_wait3A_232] : memref<409600x32xf32, #tpu.memory_space<hbm>> -> memref<409600x32xf32, #tpu.memory_space<hbm>>
      tpu.wait_indirect_dma semaphore(%arg14 : memref<!tpu.dma_semaphore, #tpu.memory_space<semaphore_mem>>) src(%dma_wait3A_233 : memref<409600x32xf32, #tpu.memory_space<hbm>>) dst(%dma_wait3A_227 : memref<128x32xf32, #tpu.memory_space<vmem>>)
      %dma_start3A_234 = arith.constant 3 : i32
      %dma_start3A_235 = arith.constant 3 : i32
      %dma_start3A_236 = arith.constant 0 : i32
      %dma_start3A_237 = arith.constant 0 : i32
      %dma_start3A_238 = tpu.memref_slice %arg9[%dma_start3A_234, %dma_start3A_236, %dma_start3A_237] : memref<6x128x32xf32, #tpu.memory_space<vmem>> -> memref<1x128x32xf32, #tpu.memory_space<vmem>>
      %dma_start3A_239 = tpu.memref_squeeze %dma_start3A_238 : memref<1x128x32xf32, #tpu.memory_space<vmem>> -> memref<128x32xf32, #tpu.memory_space<vmem>>
      %dma_start3A_240 = arith.constant 0 : i32
      %dma_start3A_241 = tpu.memref_slice %arg8[%rem3A_103, %dma_start3A_235, %dma_start3A_240] : memref<2x6x128xi32, #tpu.memory_space<vmem>> -> memref<1x1x128xi32, #tpu.memory_space<vmem>>
      %dma_start3A_242 = tpu.memref_squeeze %dma_start3A_241 : memref<1x1x128xi32, #tpu.memory_space<vmem>> -> memref<128xi32, #tpu.memory_space<vmem>>
      %dma_start3A_243 = arith.constant 0 : i32
      %dma_start3A_244 = arith.constant 0 : i32
      %dma_start3A_245 = tpu.memref_slice %arg10[%dma_start3A_243, %dma_start3A_244] : memref<51200x32xf32, #tpu.memory_space<vmem_shared>> -> memref<51200x32xf32, #tpu.memory_space<vmem_shared>>
      tpu.enqueue_indirect_dma source(%dma_start3A_239 : memref<128x32xf32, #tpu.memory_space<vmem>>) target(%dma_start3A_245 : memref<51200x32xf32, #tpu.memory_space<vmem_shared>>) offsets(%dma_start3A_242 : memref<128xi32, #tpu.memory_space<vmem>>) semaphore(%arg20 : memref<!tpu.dma_semaphore, #tpu.memory_space<semaphore_mem>>) {add = true}
      %dma_wait3A_246 = arith.constant 1 : i32
      %dma_wait3A_247 = arith.constant 0 : i32
      %dma_wait3A_248 = arith.constant 0 : i32
      %dma_wait3A_249 = arith.constant 0 : i32
      %dma_wait3A_250 = arith.constant 0 : i32
      %dma_wait3A_251 = tpu.memref_slice %arg9[%dma_wait3A_246, %dma_wait3A_249, %dma_wait3A_250] : memref<6x128x32xf32, #tpu.memory_space<vmem>> -> memref<1x128x32xf32, #tpu.memory_space<vmem>>
      %dma_wait3A_252 = tpu.memref_squeeze %dma_wait3A_251 : memref<1x128x32xf32, #tpu.memory_space<vmem>> -> memref<128x32xf32, #tpu.memory_space<vmem>>
      %dma_wait3A_253 = arith.constant 0 : i32
      %dma_wait3A_254 = tpu.memref_slice %arg8[%dma_wait3A_247, %dma_wait3A_248, %dma_wait3A_253] : memref<2x6x128xi32, #tpu.memory_space<vmem>> -> memref<1x1x128xi32, #tpu.memory_space<vmem>>
      %dma_wait3A_255 = tpu.memref_squeeze %dma_wait3A_254 : memref<1x1x128xi32, #tpu.memory_space<vmem>> -> memref<128xi32, #tpu.memory_space<vmem>>
      %dma_wait3A_256 = arith.constant 0 : i32
      %dma_wait3A_257 = arith.constant 0 : i32
      %dma_wait3A_258 = tpu.memref_slice %arg10[%dma_wait3A_256, %dma_wait3A_257] : memref<51200x32xf32, #tpu.memory_space<vmem_shared>> -> memref<51200x32xf32, #tpu.memory_space<vmem_shared>>
      tpu.wait_indirect_dma semaphore(%arg18 : memref<!tpu.dma_semaphore, #tpu.memory_space<semaphore_mem>>) src(%dma_wait3A_252 : memref<128x32xf32, #tpu.memory_space<vmem>>) dst(%dma_wait3A_258 : memref<51200x32xf32, #tpu.memory_space<vmem_shared>>)
      %lt3A_259 = arith.constant 65 : i32
      %lt3A_260 = arith.cmpi slt, %scan3A_102, %lt3A_259 : i32
      %convert_element_type3A_261 = arith.extui %lt3A_260 : i1 to i32
      %cond3A_262 = arith.constant 0 : i32
      %cond3A_263 = arith.cmpi ne, %convert_element_type3A_261, %cond3A_262 : i32
      scf.if %cond3A_263 {
        %sub3A = arith.constant 1 : i32
        %sub3A_348 = arith.subi %sub3A, %rem3A_103 : i32
        %dma_start3A_349 = arith.constant 1 : i32
        %dma_start3A_350 = arith.constant 0 : i32
        %dma_start3A_351 = arith.constant 0 : i32
        %dma_start3A_352 = tpu.memref_slice %arg9[%dma_start3A_349, %dma_start3A_350, %dma_start3A_351] : memref<6x128x32xf32, #tpu.memory_space<vmem>> -> memref<1x128x32xf32, #tpu.memory_space<vmem>>
        %dma_start3A_353 = tpu.memref_squeeze %dma_start3A_352 : memref<1x128x32xf32, #tpu.memory_space<vmem>> -> memref<128x32xf32, #tpu.memory_space<vmem>>
        %dma_start3A_354 = arith.constant 128 : i32
        %dma_start3A_355 = tpu.memref_slice %arg7[%sub3A_348, %dma_start3A_354] : memref<2x768xi32, #tpu.memory_space<vmem>> -> memref<1x128xi32, #tpu.memory_space<vmem>>
        %dma_start3A_356 = tpu.memref_squeeze %dma_start3A_355 : memref<1x128xi32, #tpu.memory_space<vmem>> -> memref<128xi32, #tpu.memory_space<vmem>>
        %dma_start3A_357 = arith.constant 0 : i32
        %dma_start3A_358 = arith.constant 0 : i32
        %dma_start3A_359 = tpu.memref_slice %arg4[%dma_start3A_357, %dma_start3A_358] : memref<409600x32xf32, #tpu.memory_space<hbm>> -> memref<409600x32xf32, #tpu.memory_space<hbm>>
        tpu.enqueue_indirect_dma source(%dma_start3A_359 : memref<409600x32xf32, #tpu.memory_space<hbm>>) target(%dma_start3A_353 : memref<128x32xf32, #tpu.memory_space<vmem>>) offsets(%dma_start3A_356 : memref<128xi32, #tpu.memory_space<vmem>>) semaphore(%arg12 : memref<!tpu.dma_semaphore, #tpu.memory_space<semaphore_mem>>)
      } else {
      }
      %dma_wait3A_264 = arith.constant 0 : i32
      %dma_wait3A_265 = arith.constant 4 : i32
      %dma_wait3A_266 = arith.constant 0 : i32
      %dma_wait3A_267 = arith.constant 0 : i32
      %dma_wait3A_268 = tpu.memref_slice %arg9[%dma_wait3A_265, %dma_wait3A_266, %dma_wait3A_267] : memref<6x128x32xf32, #tpu.memory_space<vmem>> -> memref<1x128x32xf32, #tpu.memory_space<vmem>>
      %dma_wait3A_269 = tpu.memref_squeeze %dma_wait3A_268 : memref<1x128x32xf32, #tpu.memory_space<vmem>> -> memref<128x32xf32, #tpu.memory_space<vmem>>
      %dma_wait3A_270 = arith.constant 0 : i32
      %dma_wait3A_271 = tpu.memref_slice %arg7[%dma_wait3A_264, %dma_wait3A_270] : memref<2x768xi32, #tpu.memory_space<vmem>> -> memref<1x128xi32, #tpu.memory_space<vmem>>
      %dma_wait3A_272 = tpu.memref_squeeze %dma_wait3A_271 : memref<1x128xi32, #tpu.memory_space<vmem>> -> memref<128xi32, #tpu.memory_space<vmem>>
      %dma_wait3A_273 = arith.constant 0 : i32
      %dma_wait3A_274 = arith.constant 0 : i32
      %dma_wait3A_275 = tpu.memref_slice %arg4[%dma_wait3A_273, %dma_wait3A_274] : memref<409600x32xf32, #tpu.memory_space<hbm>> -> memref<409600x32xf32, #tpu.memory_space<hbm>>
      tpu.wait_indirect_dma semaphore(%arg15 : memref<!tpu.dma_semaphore, #tpu.memory_space<semaphore_mem>>) src(%dma_wait3A_275 : memref<409600x32xf32, #tpu.memory_space<hbm>>) dst(%dma_wait3A_269 : memref<128x32xf32, #tpu.memory_space<vmem>>)
      %dma_start3A_276 = arith.constant 4 : i32
      %dma_start3A_277 = arith.constant 4 : i32
      %dma_start3A_278 = arith.constant 0 : i32
      %dma_start3A_279 = arith.constant 0 : i32
      %dma_start3A_280 = tpu.memref_slice %arg9[%dma_start3A_276, %dma_start3A_278, %dma_start3A_279] : memref<6x128x32xf32, #tpu.memory_space<vmem>> -> memref<1x128x32xf32, #tpu.memory_space<vmem>>
      %dma_start3A_281 = tpu.memref_squeeze %dma_start3A_280 : memref<1x128x32xf32, #tpu.memory_space<vmem>> -> memref<128x32xf32, #tpu.memory_space<vmem>>
      %dma_start3A_282 = arith.constant 0 : i32
      %dma_start3A_283 = tpu.memref_slice %arg8[%rem3A_103, %dma_start3A_277, %dma_start3A_282] : memref<2x6x128xi32, #tpu.memory_space<vmem>> -> memref<1x1x128xi32, #tpu.memory_space<vmem>>
      %dma_start3A_284 = tpu.memref_squeeze %dma_start3A_283 : memref<1x1x128xi32, #tpu.memory_space<vmem>> -> memref<128xi32, #tpu.memory_space<vmem>>
      %dma_start3A_285 = arith.constant 0 : i32
      %dma_start3A_286 = arith.constant 0 : i32
      %dma_start3A_287 = tpu.memref_slice %arg10[%dma_start3A_285, %dma_start3A_286] : memref<51200x32xf32, #tpu.memory_space<vmem_shared>> -> memref<51200x32xf32, #tpu.memory_space<vmem_shared>>
      tpu.enqueue_indirect_dma source(%dma_start3A_281 : memref<128x32xf32, #tpu.memory_space<vmem>>) target(%dma_start3A_287 : memref<51200x32xf32, #tpu.memory_space<vmem_shared>>) offsets(%dma_start3A_284 : memref<128xi32, #tpu.memory_space<vmem>>) semaphore(%arg21 : memref<!tpu.dma_semaphore, #tpu.memory_space<semaphore_mem>>) {add = true}
      %dma_wait3A_288 = arith.constant 2 : i32
      %dma_wait3A_289 = arith.constant 0 : i32
      %dma_wait3A_290 = arith.constant 0 : i32
      %dma_wait3A_291 = arith.constant 0 : i32
      %dma_wait3A_292 = arith.constant 0 : i32
      %dma_wait3A_293 = tpu.memref_slice %arg9[%dma_wait3A_288, %dma_wait3A_291, %dma_wait3A_292] : memref<6x128x32xf32, #tpu.memory_space<vmem>> -> memref<1x128x32xf32, #tpu.memory_space<vmem>>
      %dma_wait3A_294 = tpu.memref_squeeze %dma_wait3A_293 : memref<1x128x32xf32, #tpu.memory_space<vmem>> -> memref<128x32xf32, #tpu.memory_space<vmem>>
      %dma_wait3A_295 = arith.constant 0 : i32
      %dma_wait3A_296 = tpu.memref_slice %arg8[%dma_wait3A_289, %dma_wait3A_290, %dma_wait3A_295] : memref<2x6x128xi32, #tpu.memory_space<vmem>> -> memref<1x1x128xi32, #tpu.memory_space<vmem>>
      %dma_wait3A_297 = tpu.memref_squeeze %dma_wait3A_296 : memref<1x1x128xi32, #tpu.memory_space<vmem>> -> memref<128xi32, #tpu.memory_space<vmem>>
      %dma_wait3A_298 = arith.constant 0 : i32
      %dma_wait3A_299 = arith.constant 0 : i32
      %dma_wait3A_300 = tpu.memref_slice %arg10[%dma_wait3A_298, %dma_wait3A_299] : memref<51200x32xf32, #tpu.memory_space<vmem_shared>> -> memref<51200x32xf32, #tpu.memory_space<vmem_shared>>
      tpu.wait_indirect_dma semaphore(%arg19 : memref<!tpu.dma_semaphore, #tpu.memory_space<semaphore_mem>>) src(%dma_wait3A_294 : memref<128x32xf32, #tpu.memory_space<vmem>>) dst(%dma_wait3A_300 : memref<51200x32xf32, #tpu.memory_space<vmem_shared>>)
      %lt3A_301 = arith.constant 65 : i32
      %lt3A_302 = arith.cmpi slt, %scan3A_102, %lt3A_301 : i32
      %convert_element_type3A_303 = arith.extui %lt3A_302 : i1 to i32
      %cond3A_304 = arith.constant 0 : i32
      %cond3A_305 = arith.cmpi ne, %convert_element_type3A_303, %cond3A_304 : i32
      scf.if %cond3A_305 {
        %sub3A = arith.constant 1 : i32
        %sub3A_348 = arith.subi %sub3A, %rem3A_103 : i32
        %dma_start3A_349 = arith.constant 2 : i32
        %dma_start3A_350 = arith.constant 0 : i32
        %dma_start3A_351 = arith.constant 0 : i32
        %dma_start3A_352 = tpu.memref_slice %arg9[%dma_start3A_349, %dma_start3A_350, %dma_start3A_351] : memref<6x128x32xf32, #tpu.memory_space<vmem>> -> memref<1x128x32xf32, #tpu.memory_space<vmem>>
        %dma_start3A_353 = tpu.memref_squeeze %dma_start3A_352 : memref<1x128x32xf32, #tpu.memory_space<vmem>> -> memref<128x32xf32, #tpu.memory_space<vmem>>
        %dma_start3A_354 = arith.constant 256 : i32
        %dma_start3A_355 = tpu.memref_slice %arg7[%sub3A_348, %dma_start3A_354] : memref<2x768xi32, #tpu.memory_space<vmem>> -> memref<1x128xi32, #tpu.memory_space<vmem>>
        %dma_start3A_356 = tpu.memref_squeeze %dma_start3A_355 : memref<1x128xi32, #tpu.memory_space<vmem>> -> memref<128xi32, #tpu.memory_space<vmem>>
        %dma_start3A_357 = arith.constant 0 : i32
        %dma_start3A_358 = arith.constant 0 : i32
        %dma_start3A_359 = tpu.memref_slice %arg4[%dma_start3A_357, %dma_start3A_358] : memref<409600x32xf32, #tpu.memory_space<hbm>> -> memref<409600x32xf32, #tpu.memory_space<hbm>>
        tpu.enqueue_indirect_dma source(%dma_start3A_359 : memref<409600x32xf32, #tpu.memory_space<hbm>>) target(%dma_start3A_353 : memref<128x32xf32, #tpu.memory_space<vmem>>) offsets(%dma_start3A_356 : memref<128xi32, #tpu.memory_space<vmem>>) semaphore(%arg13 : memref<!tpu.dma_semaphore, #tpu.memory_space<semaphore_mem>>)
      } else {
      }
      %dma_wait3A_306 = arith.constant 0 : i32
      %dma_wait3A_307 = arith.constant 5 : i32
      %dma_wait3A_308 = arith.constant 0 : i32
      %dma_wait3A_309 = arith.constant 0 : i32
      %dma_wait3A_310 = tpu.memref_slice %arg9[%dma_wait3A_307, %dma_wait3A_308, %dma_wait3A_309] : memref<6x128x32xf32, #tpu.memory_space<vmem>> -> memref<1x128x32xf32, #tpu.memory_space<vmem>>
      %dma_wait3A_311 = tpu.memref_squeeze %dma_wait3A_310 : memref<1x128x32xf32, #tpu.memory_space<vmem>> -> memref<128x32xf32, #tpu.memory_space<vmem>>
      %dma_wait3A_312 = arith.constant 0 : i32
      %dma_wait3A_313 = tpu.memref_slice %arg7[%dma_wait3A_306, %dma_wait3A_312] : memref<2x768xi32, #tpu.memory_space<vmem>> -> memref<1x128xi32, #tpu.memory_space<vmem>>
      %dma_wait3A_314 = tpu.memref_squeeze %dma_wait3A_313 : memref<1x128xi32, #tpu.memory_space<vmem>> -> memref<128xi32, #tpu.memory_space<vmem>>
      %dma_wait3A_315 = arith.constant 0 : i32
      %dma_wait3A_316 = arith.constant 0 : i32
      %dma_wait3A_317 = tpu.memref_slice %arg4[%dma_wait3A_315, %dma_wait3A_316] : memref<409600x32xf32, #tpu.memory_space<hbm>> -> memref<409600x32xf32, #tpu.memory_space<hbm>>
      tpu.wait_indirect_dma semaphore(%arg16 : memref<!tpu.dma_semaphore, #tpu.memory_space<semaphore_mem>>) src(%dma_wait3A_317 : memref<409600x32xf32, #tpu.memory_space<hbm>>) dst(%dma_wait3A_311 : memref<128x32xf32, #tpu.memory_space<vmem>>)
      %dma_start3A_318 = arith.constant 5 : i32
      %dma_start3A_319 = arith.constant 5 : i32
      %dma_start3A_320 = arith.constant 0 : i32
      %dma_start3A_321 = arith.constant 0 : i32
      %dma_start3A_322 = tpu.memref_slice %arg9[%dma_start3A_318, %dma_start3A_320, %dma_start3A_321] : memref<6x128x32xf32, #tpu.memory_space<vmem>> -> memref<1x128x32xf32, #tpu.memory_space<vmem>>
      %dma_start3A_323 = tpu.memref_squeeze %dma_start3A_322 : memref<1x128x32xf32, #tpu.memory_space<vmem>> -> memref<128x32xf32, #tpu.memory_space<vmem>>
      %dma_start3A_324 = arith.constant 0 : i32
      %dma_start3A_325 = tpu.memref_slice %arg8[%rem3A_103, %dma_start3A_319, %dma_start3A_324] : memref<2x6x128xi32, #tpu.memory_space<vmem>> -> memref<1x1x128xi32, #tpu.memory_space<vmem>>
      %dma_start3A_326 = tpu.memref_squeeze %dma_start3A_325 : memref<1x1x128xi32, #tpu.memory_space<vmem>> -> memref<128xi32, #tpu.memory_space<vmem>>
      %dma_start3A_327 = arith.constant 0 : i32
      %dma_start3A_328 = arith.constant 0 : i32
      %dma_start3A_329 = tpu.memref_slice %arg10[%dma_start3A_327, %dma_start3A_328] : memref<51200x32xf32, #tpu.memory_space<vmem_shared>> -> memref<51200x32xf32, #tpu.memory_space<vmem_shared>>
      tpu.enqueue_indirect_dma source(%dma_start3A_323 : memref<128x32xf32, #tpu.memory_space<vmem>>) target(%dma_start3A_329 : memref<51200x32xf32, #tpu.memory_space<vmem_shared>>) offsets(%dma_start3A_326 : memref<128xi32, #tpu.memory_space<vmem>>) semaphore(%arg22 : memref<!tpu.dma_semaphore, #tpu.memory_space<semaphore_mem>>) {add = true}
      %dma_wait3A_330 = arith.constant 3 : i32
      %dma_wait3A_331 = arith.constant 0 : i32
      %dma_wait3A_332 = arith.constant 0 : i32
      %dma_wait3A_333 = arith.constant 0 : i32
      %dma_wait3A_334 = arith.constant 0 : i32
      %dma_wait3A_335 = tpu.memref_slice %arg9[%dma_wait3A_330, %dma_wait3A_333, %dma_wait3A_334] : memref<6x128x32xf32, #tpu.memory_space<vmem>> -> memref<1x128x32xf32, #tpu.memory_space<vmem>>
      %dma_wait3A_336 = tpu.memref_squeeze %dma_wait3A_335 : memref<1x128x32xf32, #tpu.memory_space<vmem>> -> memref<128x32xf32, #tpu.memory_space<vmem>>
      %dma_wait3A_337 = arith.constant 0 : i32
      %dma_wait3A_338 = tpu.memref_slice %arg8[%dma_wait3A_331, %dma_wait3A_332, %dma_wait3A_337] : memref<2x6x128xi32, #tpu.memory_space<vmem>> -> memref<1x1x128xi32, #tpu.memory_space<vmem>>
      %dma_wait3A_339 = tpu.memref_squeeze %dma_wait3A_338 : memref<1x1x128xi32, #tpu.memory_space<vmem>> -> memref<128xi32, #tpu.memory_space<vmem>>
      %dma_wait3A_340 = arith.constant 0 : i32
      %dma_wait3A_341 = arith.constant 0 : i32
      %dma_wait3A_342 = tpu.memref_slice %arg10[%dma_wait3A_340, %dma_wait3A_341] : memref<51200x32xf32, #tpu.memory_space<vmem_shared>> -> memref<51200x32xf32, #tpu.memory_space<vmem_shared>>
      tpu.wait_indirect_dma semaphore(%arg20 : memref<!tpu.dma_semaphore, #tpu.memory_space<semaphore_mem>>) src(%dma_wait3A_336 : memref<128x32xf32, #tpu.memory_space<vmem>>) dst(%dma_wait3A_342 : memref<51200x32xf32, #tpu.memory_space<vmem_shared>>)
      %lt3A_343 = arith.constant 65 : i32
      %lt3A_344 = arith.cmpi slt, %scan3A_102, %lt3A_343 : i32
      %convert_element_type3A_345 = arith.extui %lt3A_344 : i1 to i32
      %cond3A_346 = arith.constant 0 : i32
      %cond3A_347 = arith.cmpi ne, %convert_element_type3A_345, %cond3A_346 : i32
      scf.if %cond3A_347 {
        %sub3A = arith.constant 1 : i32
        %sub3A_348 = arith.subi %sub3A, %rem3A_103 : i32
        %dma_start3A_349 = arith.constant 3 : i32
        %dma_start3A_350 = arith.constant 0 : i32
        %dma_start3A_351 = arith.constant 0 : i32
        %dma_start3A_352 = tpu.memref_slice %arg9[%dma_start3A_349, %dma_start3A_350, %dma_start3A_351] : memref<6x128x32xf32, #tpu.memory_space<vmem>> -> memref<1x128x32xf32, #tpu.memory_space<vmem>>
        %dma_start3A_353 = tpu.memref_squeeze %dma_start3A_352 : memref<1x128x32xf32, #tpu.memory_space<vmem>> -> memref<128x32xf32, #tpu.memory_space<vmem>>
        %dma_start3A_354 = arith.constant 384 : i32
        %dma_start3A_355 = tpu.memref_slice %arg7[%sub3A_348, %dma_start3A_354] : memref<2x768xi32, #tpu.memory_space<vmem>> -> memref<1x128xi32, #tpu.memory_space<vmem>>
        %dma_start3A_356 = tpu.memref_squeeze %dma_start3A_355 : memref<1x128xi32, #tpu.memory_space<vmem>> -> memref<128xi32, #tpu.memory_space<vmem>>
        %dma_start3A_357 = arith.constant 0 : i32
        %dma_start3A_358 = arith.constant 0 : i32
        %dma_start3A_359 = tpu.memref_slice %arg4[%dma_start3A_357, %dma_start3A_358] : memref<409600x32xf32, #tpu.memory_space<hbm>> -> memref<409600x32xf32, #tpu.memory_space<hbm>>
        tpu.enqueue_indirect_dma source(%dma_start3A_359 : memref<409600x32xf32, #tpu.memory_space<hbm>>) target(%dma_start3A_353 : memref<128x32xf32, #tpu.memory_space<vmem>>) offsets(%dma_start3A_356 : memref<128xi32, #tpu.memory_space<vmem>>) semaphore(%arg14 : memref<!tpu.dma_semaphore, #tpu.memory_space<semaphore_mem>>)
      } else {
      }
    }
    %scan3A_68 = arith.constant 66 : i32
    %dma_wait3A = arith.constant 4 : i32
    %dma_wait3A_69 = arith.constant 0 : i32
    %dma_wait3A_70 = arith.constant 0 : i32
    %dma_wait3A_71 = arith.constant 0 : i32
    %dma_wait3A_72 = arith.constant 0 : i32
    %dma_wait3A_73 = tpu.memref_slice %arg9[%dma_wait3A, %dma_wait3A_71, %dma_wait3A_72] : memref<6x128x32xf32, #tpu.memory_space<vmem>> -> memref<1x128x32xf32, #tpu.memory_space<vmem>>
    %dma_wait3A_74 = tpu.memref_squeeze %dma_wait3A_73 : memref<1x128x32xf32, #tpu.memory_space<vmem>> -> memref<128x32xf32, #tpu.memory_space<vmem>>
    %dma_wait3A_75 = arith.constant 0 : i32
    %dma_wait3A_76 = tpu.memref_slice %arg8[%dma_wait3A_69, %dma_wait3A_70, %dma_wait3A_75] : memref<2x6x128xi32, #tpu.memory_space<vmem>> -> memref<1x1x128xi32, #tpu.memory_space<vmem>>
    %dma_wait3A_77 = tpu.memref_squeeze %dma_wait3A_76 : memref<1x1x128xi32, #tpu.memory_space<vmem>> -> memref<128xi32, #tpu.memory_space<vmem>>
    %dma_wait3A_78 = arith.constant 0 : i32
    %dma_wait3A_79 = arith.constant 0 : i32
    %dma_wait3A_80 = tpu.memref_slice %arg10[%dma_wait3A_78, %dma_wait3A_79] : memref<51200x32xf32, #tpu.memory_space<vmem_shared>> -> memref<51200x32xf32, #tpu.memory_space<vmem_shared>>
    tpu.wait_indirect_dma semaphore(%arg21 : memref<!tpu.dma_semaphore, #tpu.memory_space<semaphore_mem>>) src(%dma_wait3A_74 : memref<128x32xf32, #tpu.memory_space<vmem>>) dst(%dma_wait3A_80 : memref<51200x32xf32, #tpu.memory_space<vmem_shared>>)
    %dma_wait3A_81 = arith.constant 5 : i32
    %dma_wait3A_82 = arith.constant 0 : i32
    %dma_wait3A_83 = arith.constant 0 : i32
    %dma_wait3A_84 = arith.constant 0 : i32
    %dma_wait3A_85 = arith.constant 0 : i32
    %dma_wait3A_86 = tpu.memref_slice %arg9[%dma_wait3A_81, %dma_wait3A_84, %dma_wait3A_85] : memref<6x128x32xf32, #tpu.memory_space<vmem>> -> memref<1x128x32xf32, #tpu.memory_space<vmem>>
    %dma_wait3A_87 = tpu.memref_squeeze %dma_wait3A_86 : memref<1x128x32xf32, #tpu.memory_space<vmem>> -> memref<128x32xf32, #tpu.memory_space<vmem>>
    %dma_wait3A_88 = arith.constant 0 : i32
    %dma_wait3A_89 = tpu.memref_slice %arg8[%dma_wait3A_82, %dma_wait3A_83, %dma_wait3A_88] : memref<2x6x128xi32, #tpu.memory_space<vmem>> -> memref<1x1x128xi32, #tpu.memory_space<vmem>>
    %dma_wait3A_90 = tpu.memref_squeeze %dma_wait3A_89 : memref<1x1x128xi32, #tpu.memory_space<vmem>> -> memref<128xi32, #tpu.memory_space<vmem>>
    %dma_wait3A_91 = arith.constant 0 : i32
    %dma_wait3A_92 = arith.constant 0 : i32
    %dma_wait3A_93 = tpu.memref_slice %arg10[%dma_wait3A_91, %dma_wait3A_92] : memref<51200x32xf32, #tpu.memory_space<vmem_shared>> -> memref<51200x32xf32, #tpu.memory_space<vmem_shared>>
    tpu.wait_indirect_dma semaphore(%arg22 : memref<!tpu.dma_semaphore, #tpu.memory_space<semaphore_mem>>) src(%dma_wait3A_87 : memref<128x32xf32, #tpu.memory_space<vmem>>) dst(%dma_wait3A_93 : memref<51200x32xf32, #tpu.memory_space<vmem_shared>>)
    %barrier3A_94 = arith.constant 0 : index
    tpu.barrier barrier_id(%barrier3A_94)
    %mul3A_95 = arith.constant 3200 : i32
    %mul3A_96 = arith.muli %arg1, %mul3A_95 : i32
    %mul3A_97 = arith.constant 51200 : i32
    %mul3A_98 = arith.muli %arg0, %mul3A_97 : i32
    %mul3A_99 = arith.constant 3200 : i32
    %mul3A_100 = arith.muli %arg1, %mul3A_99 : i32
    %add3A_101 = arith.addi %mul3A_98, %mul3A_100 : i32
    "tpu.region"() ({
      %run_scoped3A_102 = tpu.sem_alloc : memref<!tpu.dma_semaphore, #tpu.memory_space<semaphore_mem>>
      %dma_start3A_103 = arith.constant 0 : i32
      %dma_start3A_104 = tpu.memref_slice %arg6[%add3A_101, %dma_start3A_103] : memref<102400x32xf32, #tpu.memory_space<hbm>> -> memref<3200x32xf32, #tpu.memory_space<hbm>>
      %dma_start3A_105 = arith.constant 0 : i32
      %dma_start3A_106 = tpu.memref_slice %arg10[%mul3A_96, %dma_start3A_105] : memref<51200x32xf32, #tpu.memory_space<vmem_shared>> -> memref<3200x32xf32, #tpu.memory_space<vmem_shared>>
      tpu.enqueue_dma source(%dma_start3A_106 : memref<3200x32xf32, #tpu.memory_space<vmem_shared>>) target(%dma_start3A_104 : memref<3200x32xf32, #tpu.memory_space<hbm>>) target_semaphore(%run_scoped3A_102 : memref<!tpu.dma_semaphore, #tpu.memory_space<semaphore_mem>>)
      %dma_wait3A_107 = arith.constant 0 : i32
      %dma_wait3A_108 = tpu.memref_slice %arg6[%add3A_101, %dma_wait3A_107] : memref<102400x32xf32, #tpu.memory_space<hbm>> -> memref<3200x32xf32, #tpu.memory_space<hbm>>
      %dma_wait3A_109 = arith.constant 0 : i32
      %dma_wait3A_110 = tpu.memref_slice %arg10[%mul3A_96, %dma_wait3A_109] : memref<51200x32xf32, #tpu.memory_space<vmem_shared>> -> memref<3200x32xf32, #tpu.memory_space<vmem_shared>>
      tpu.wait_dma2 semaphore(%run_scoped3A_102 : memref<!tpu.dma_semaphore, #tpu.memory_space<semaphore_mem>>) src(%dma_wait3A_110 : memref<3200x32xf32, #tpu.memory_space<vmem_shared>>) dst(%dma_wait3A_108 : memref<3200x32xf32, #tpu.memory_space<hbm>>)
      tpu.yield
    }) : () -> ()
    return
  }
}

#map = affine_map<(d0, d1) -> (0)>
#map1 = affine_map<(d0, d1) -> (0, 0)>
module attributes {stable_mosaic.version = 14 : i64} {
  func.func @_edge_pass_body(%arg0: i32, %arg1: i32, %arg2: memref<811008xi32, #tpu.memory_space<hbm>>, %arg3: memref<6336x128xi32, #tpu.memory_space<hbm>>, %arg4: memref<409600x32xf32, #tpu.memory_space<hbm>>, %arg5: memref<3200x32xf32, #tpu.memory_space<hbm>>, %arg6: memref<102400x32xf32, #tpu.memory_space<hbm>>, %arg7: memref<2x768xi32, #tpu.memory_space<vmem>>, %arg8: memref<2x6x128xi32, #tpu.memory_space<vmem>>, %arg9: memref<6x128x32xf32, #tpu.memory_space<vmem>>, %arg10: memref<51200x32xf32, #tpu.memory_space<vmem_shared>>, %arg11: memref<!tpu.dma_semaphore, #tpu.memory_space<semaphore_mem>>, %arg12: memref<!tpu.dma_semaphore, #tpu.memory_space<semaphore_mem>>, %arg13: memref<!tpu.dma_semaphore, #tpu.memory_space<semaphore_mem>>, %arg14: memref<!tpu.dma_semaphore, #tpu.memory_space<semaphore_mem>>, %arg15: memref<!tpu.dma_semaphore, #tpu.memory_space<semaphore_mem>>, %arg16: memref<!tpu.dma_semaphore, #tpu.memory_space<semaphore_mem>>, %arg17: memref<!tpu.dma_semaphore, #tpu.memory_space<semaphore_mem>>, %arg18: memref<!tpu.dma_semaphore, #tpu.memory_space<semaphore_mem>>, %arg19: memref<!tpu.dma_semaphore, #tpu.memory_space<semaphore_mem>>, %arg20: memref<!tpu.dma_semaphore, #tpu.memory_space<semaphore_mem>>, %arg21: memref<!tpu.dma_semaphore, #tpu.memory_space<semaphore_mem>>, %arg22: memref<!tpu.dma_semaphore, #tpu.memory_space<semaphore_mem>>) attributes {dimension_semantics = [#tpu.dimension_semantics<core_parallel>, #tpu.dimension_semantics<subcore_parallel>], iteration_bounds = array<i64: 2, 16>, scalar_prefetch = 0 : i64, scratch_operands = 16 : i64, tpu.core_type = #tpu.core_type<sc_vector_subcore>, window_params = [{transform_indices = #map}, {transform_indices = #map1}, {transform_indices = #map1}, {transform_indices = #map1}, {transform_indices = #map1}]} {
    %mul3A = arith.constant 3200 : i32
    %mul3A_0 = arith.muli %arg1, %mul3A : i32
    "tpu.region"() ({
      %run_scoped3A_102 = tpu.sem_alloc : memref<!tpu.dma_semaphore, #tpu.memory_space<semaphore_mem>>
      %dma_start3A_103 = arith.constant 0 : i32
      %dma_start3A_104 = tpu.memref_slice %arg10[%mul3A_0, %dma_start3A_103] : memref<51200x32xf32, #tpu.memory_space<vmem_shared>> -> memref<3200x32xf32, #tpu.memory_space<vmem_shared>>
      tpu.enqueue_dma source(%arg5 : memref<3200x32xf32, #tpu.memory_space<hbm>>) target(%dma_start3A_104 : memref<3200x32xf32, #tpu.memory_space<vmem_shared>>) target_semaphore(%run_scoped3A_102 : memref<!tpu.dma_semaphore, #tpu.memory_space<semaphore_mem>>)
      %dma_wait3A_105 = arith.constant 0 : i32
      %dma_wait3A_106 = tpu.memref_slice %arg10[%mul3A_0, %dma_wait3A_105] : memref<51200x32xf32, #tpu.memory_space<vmem_shared>> -> memref<3200x32xf32, #tpu.memory_space<vmem_shared>>
      tpu.wait_dma2 semaphore(%run_scoped3A_102 : memref<!tpu.dma_semaphore, #tpu.memory_space<semaphore_mem>>) src(%arg5 : memref<3200x32xf32, #tpu.memory_space<hbm>>) dst(%dma_wait3A_106 : memref<3200x32xf32, #tpu.memory_space<vmem_shared>>)
      tpu.yield
    }) : () -> ()
    %barrier3A = arith.constant 0 : index
    tpu.barrier barrier_id(%barrier3A)
    %mul3A_1 = arith.constant 204800 : i32
    %mul3A_2 = arith.muli %arg0, %mul3A_1 : i32
    %mul3A_3 = arith.constant 50688 : i32
    %mul3A_4 = arith.muli %arg1, %mul3A_3 : i32
    %add3A = arith.constant 0 : i32
    %add3A_5 = arith.addi %mul3A_4, %add3A : i32
    %run_scoped3A = arith.constant 0 : i32
    "tpu.region"() ({
      %run_scoped3A_102 = tpu.sem_alloc : memref<!tpu.dma_semaphore, #tpu.memory_space<semaphore_mem>>
      %dma_start3A_103 = arith.constant 0 : i32
      %dma_start3A_104 = tpu.memref_slice %arg7[%run_scoped3A, %dma_start3A_103] : memref<2x768xi32, #tpu.memory_space<vmem>> -> memref<1x768xi32, #tpu.memory_space<vmem>>
      %dma_start3A_105 = tpu.memref_squeeze %dma_start3A_104 : memref<1x768xi32, #tpu.memory_space<vmem>> -> memref<768xi32, #tpu.memory_space<vmem>>
      %dma_start3A_106 = tpu.memref_slice %arg2[%add3A_5] : memref<811008xi32, #tpu.memory_space<hbm>> -> memref<768xi32, #tpu.memory_space<hbm>>
      %dma_start3A_107 = arith.constant 0 : i32
      %dma_start3A_108 = tpu.memref_slice %arg7[%run_scoped3A, %dma_start3A_107] : memref<2x768xi32, #tpu.memory_space<vmem>> -> memref<1x768xi32, #tpu.memory_space<vmem>>
      %dma_start3A_109 = tpu.memref_squeeze %dma_start3A_108 : memref<1x768xi32, #tpu.memory_space<vmem>> -> memref<768xi32, #tpu.memory_space<vmem>>
      %dma_start3A_110 = tpu.memref_slice %arg2[%add3A_5] : memref<811008xi32, #tpu.memory_space<hbm>> -> memref<768xi32, #tpu.memory_space<hbm>>
      tpu.enqueue_dma source(%dma_start3A_110 : memref<768xi32, #tpu.memory_space<hbm>>) target(%dma_start3A_109 : memref<768xi32, #tpu.memory_space<vmem>>) target_semaphore(%run_scoped3A_102 : memref<!tpu.dma_semaphore, #tpu.memory_space<semaphore_mem>>)
      %dma_wait3A_111 = arith.constant 0 : i32
      %dma_wait3A_112 = tpu.memref_slice %arg7[%run_scoped3A, %dma_wait3A_111] : memref<2x768xi32, #tpu.memory_space<vmem>> -> memref<1x768xi32, #tpu.memory_space<vmem>>
      %dma_wait3A_113 = tpu.memref_squeeze %dma_wait3A_112 : memref<1x768xi32, #tpu.memory_space<vmem>> -> memref<768xi32, #tpu.memory_space<vmem>>
      %dma_wait3A_114 = tpu.memref_slice %arg2[%add3A_5] : memref<811008xi32, #tpu.memory_space<hbm>> -> memref<768xi32, #tpu.memory_space<hbm>>
      %dma_wait3A_115 = arith.constant 0 : i32
      %dma_wait3A_116 = tpu.memref_slice %arg7[%run_scoped3A, %dma_wait3A_115] : memref<2x768xi32, #tpu.memory_space<vmem>> -> memref<1x768xi32, #tpu.memory_space<vmem>>
      %dma_wait3A_117 = tpu.memref_squeeze %dma_wait3A_116 : memref<1x768xi32, #tpu.memory_space<vmem>> -> memref<768xi32, #tpu.memory_space<vmem>>
      %dma_wait3A_118 = tpu.memref_slice %arg2[%add3A_5] : memref<811008xi32, #tpu.memory_space<hbm>> -> memref<768xi32, #tpu.memory_space<hbm>>
      tpu.wait_dma2 semaphore(%run_scoped3A_102 : memref<!tpu.dma_semaphore, #tpu.memory_space<semaphore_mem>>) src(%dma_wait3A_118 : memref<768xi32, #tpu.memory_space<hbm>>) dst(%dma_wait3A_117 : memref<768xi32, #tpu.memory_space<vmem>>)
      tpu.yield
    }) : () -> ()
    %scan3A = arith.constant 0 : i32
    %scan3A_6 = arith.constant 0 : i32
    %scan3A_7 = arith.constant 48 : i32
    %scan3A_8 = arith.addi %scan3A_6, %scan3A_7 : i32
    %scan3A_9 = arith.constant 1 : i32
    scf.for %scan3A_102 = %scan3A_6 to %scan3A_8 step %scan3A_9  : i32 {
      %mul3A_103 = arith.constant 16 : i32
      %mul3A_104 = arith.muli %scan3A_102, %mul3A_103 : i32
      %get3A = arith.constant 0 : i32
      %get3A_105 = arith.index_cast %get3A : i32 to index
      %get3A_106 = arith.index_cast %mul3A_104 : i32 to index
      %get3A_107 = tpu.vector_load %arg7[%get3A_105, %get3A_106] {strides = array<i32>} : memref<2x768xi32, #tpu.memory_space<vmem>>, vector<1x16xi32>,
      %get3A_108 = vector.shape_cast %get3A_107 : vector<1x16xi32> to vector<16xi32>
      %add3A_109 = vector.broadcast %mul3A_2 : i32 to vector<16xi32>
      %add3A_110 = arith.addi %get3A_108, %add3A_109 : vector<16xi32>
      %swap3A = arith.constant 0 : i32
      %swap3A_111 = arith.index_cast %swap3A : i32 to index
      %swap3A_112 = arith.index_cast %mul3A_104 : i32 to index
      %swap3A_113 = tpu.vector_load %arg7[%swap3A_111, %swap3A_112] {strides = array<i32>} : memref<2x768xi32, #tpu.memory_space<vmem>>, vector<1x16xi32>,
      %swap3A_114 = vector.shape_cast %swap3A_113 : vector<1x16xi32> to vector<16xi32>
      %swap3A_115 = vector.shape_cast %add3A_110 : vector<16xi32> to vector<1x16xi32>
      tpu.vector_store %arg7[%swap3A_111, %swap3A_112], %swap3A_115 {strides = array<i32>} : memref<2x768xi32, #tpu.memory_space<vmem>>, vector<1x16xi32>,
    }
    %scan3A_10 = arith.constant 48 : i32
    %mul3A_11 = arith.constant 396 : i32
    %mul3A_12 = arith.muli %arg1, %mul3A_11 : i32
    %add3A_13 = arith.constant 0 : i32
    %add3A_14 = arith.addi %mul3A_12, %add3A_13 : i32
    %run_scoped3A_15 = arith.constant 0 : i32
    "tpu.region"() ({
      %run_scoped3A_102 = tpu.sem_alloc : memref<!tpu.dma_semaphore, #tpu.memory_space<semaphore_mem>>
      %dma_start3A_103 = arith.constant 0 : i32
      %dma_start3A_104 = arith.constant 0 : i32
      %dma_start3A_105 = tpu.memref_slice %arg8[%run_scoped3A_15, %dma_start3A_103, %dma_start3A_104] : memref<2x6x128xi32, #tpu.memory_space<vmem>> -> memref<1x6x128xi32, #tpu.memory_space<vmem>>
      %dma_start3A_106 = tpu.memref_squeeze %dma_start3A_105 : memref<1x6x128xi32, #tpu.memory_space<vmem>> -> memref<6x128xi32, #tpu.memory_space<vmem>>
      %dma_start3A_107 = arith.constant 0 : i32
      %dma_start3A_108 = tpu.memref_slice %arg3[%add3A_14, %dma_start3A_107] : memref<6336x128xi32, #tpu.memory_space<hbm>> -> memref<6x128xi32, #tpu.memory_space<hbm>>
      %dma_start3A_109 = arith.constant 0 : i32
      %dma_start3A_110 = arith.constant 0 : i32
      %dma_start3A_111 = tpu.memref_slice %arg8[%run_scoped3A_15, %dma_start3A_109, %dma_start3A_110] : memref<2x6x128xi32, #tpu.memory_space<vmem>> -> memref<1x6x128xi32, #tpu.memory_space<vmem>>
      %dma_start3A_112 = tpu.memref_squeeze %dma_start3A_111 : memref<1x6x128xi32, #tpu.memory_space<vmem>> -> memref<6x128xi32, #tpu.memory_space<vmem>>
      %dma_start3A_113 = arith.constant 0 : i32
      %dma_start3A_114 = tpu.memref_slice %arg3[%add3A_14, %dma_start3A_113] : memref<6336x128xi32, #tpu.memory_space<hbm>> -> memref<6x128xi32, #tpu.memory_space<hbm>>
      tpu.enqueue_dma source(%dma_start3A_114 : memref<6x128xi32, #tpu.memory_space<hbm>>) target(%dma_start3A_112 : memref<6x128xi32, #tpu.memory_space<vmem>>) target_semaphore(%run_scoped3A_102 : memref<!tpu.dma_semaphore, #tpu.memory_space<semaphore_mem>>)
      %dma_wait3A_115 = arith.constant 0 : i32
      %dma_wait3A_116 = arith.constant 0 : i32
      %dma_wait3A_117 = tpu.memref_slice %arg8[%run_scoped3A_15, %dma_wait3A_115, %dma_wait3A_116] : memref<2x6x128xi32, #tpu.memory_space<vmem>> -> memref<1x6x128xi32, #tpu.memory_space<vmem>>
      %dma_wait3A_118 = tpu.memref_squeeze %dma_wait3A_117 : memref<1x6x128xi32, #tpu.memory_space<vmem>> -> memref<6x128xi32, #tpu.memory_space<vmem>>
      %dma_wait3A_119 = arith.constant 0 : i32
      %dma_wait3A_120 = tpu.memref_slice %arg3[%add3A_14, %dma_wait3A_119] : memref<6336x128xi32, #tpu.memory_space<hbm>> -> memref<6x128xi32, #tpu.memory_space<hbm>>
      %dma_wait3A_121 = arith.constant 0 : i32
      %dma_wait3A_122 = arith.constant 0 : i32
      %dma_wait3A_123 = tpu.memref_slice %arg8[%run_scoped3A_15, %dma_wait3A_121, %dma_wait3A_122] : memref<2x6x128xi32, #tpu.memory_space<vmem>> -> memref<1x6x128xi32, #tpu.memory_space<vmem>>
      %dma_wait3A_124 = tpu.memref_squeeze %dma_wait3A_123 : memref<1x6x128xi32, #tpu.memory_space<vmem>> -> memref<6x128xi32, #tpu.memory_space<vmem>>
      %dma_wait3A_125 = arith.constant 0 : i32
      %dma_wait3A_126 = tpu.memref_slice %arg3[%add3A_14, %dma_wait3A_125] : memref<6336x128xi32, #tpu.memory_space<hbm>> -> memref<6x128xi32, #tpu.memory_space<hbm>>
      tpu.wait_dma2 semaphore(%run_scoped3A_102 : memref<!tpu.dma_semaphore, #tpu.memory_space<semaphore_mem>>) src(%dma_wait3A_126 : memref<6x128xi32, #tpu.memory_space<hbm>>) dst(%dma_wait3A_124 : memref<6x128xi32, #tpu.memory_space<vmem>>)
      tpu.yield
    }) : () -> ()
    %dma_start3A = arith.constant 0 : i32
    %dma_start3A_16 = arith.constant 0 : i32
    %dma_start3A_17 = arith.constant 0 : i32
    %dma_start3A_18 = arith.constant 0 : i32
    %dma_start3A_19 = tpu.memref_slice %arg9[%dma_start3A_16, %dma_start3A_17, %dma_start3A_18] : memref<6x128x32xf32, #tpu.memory_space<vmem>> -> memref<1x128x32xf32, #tpu.memory_space<vmem>>
    %dma_start3A_20 = tpu.memref_squeeze %dma_start3A_19 : memref<1x128x32xf32, #tpu.memory_space<vmem>> -> memref<128x32xf32, #tpu.memory_space<vmem>>
    %dma_start3A_21 = arith.constant 0 : i32
    %dma_start3A_22 = tpu.memref_slice %arg7[%dma_start3A, %dma_start3A_21] : memref<2x768xi32, #tpu.memory_space<vmem>> -> memref<1x128xi32, #tpu.memory_space<vmem>>
    %dma_start3A_23 = tpu.memref_squeeze %dma_start3A_22 : memref<1x128xi32, #tpu.memory_space<vmem>> -> memref<128xi32, #tpu.memory_space<vmem>>
    %dma_start3A_24 = arith.constant 0 : i32
    %dma_start3A_25 = arith.constant 0 : i32
    %dma_start3A_26 = tpu.memref_slice %arg4[%dma_start3A_24, %dma_start3A_25] : memref<409600x32xf32, #tpu.memory_space<hbm>> -> memref<409600x32xf32, #tpu.memory_space<hbm>>
    tpu.enqueue_indirect_dma source(%dma_start3A_26 : memref<409600x32xf32, #tpu.memory_space<hbm>>) target(%dma_start3A_20 : memref<128x32xf32, #tpu.memory_space<vmem>>) offsets(%dma_start3A_23 : memref<128xi32, #tpu.memory_space<vmem>>) semaphore(%arg11 : memref<!tpu.dma_semaphore, #tpu.memory_space<semaphore_mem>>)
    %dma_start3A_27 = arith.constant 0 : i32
    %dma_start3A_28 = arith.constant 1 : i32
    %dma_start3A_29 = arith.constant 0 : i32
    %dma_start3A_30 = arith.constant 0 : i32
    %dma_start3A_31 = tpu.memref_slice %arg9[%dma_start3A_28, %dma_start3A_29, %dma_start3A_30] : memref<6x128x32xf32, #tpu.memory_space<vmem>> -> memref<1x128x32xf32, #tpu.memory_space<vmem>>
    %dma_start3A_32 = tpu.memref_squeeze %dma_start3A_31 : memref<1x128x32xf32, #tpu.memory_space<vmem>> -> memref<128x32xf32, #tpu.memory_space<vmem>>
    %dma_start3A_33 = arith.constant 128 : i32
    %dma_start3A_34 = tpu.memref_slice %arg7[%dma_start3A_27, %dma_start3A_33] : memref<2x768xi32, #tpu.memory_space<vmem>> -> memref<1x128xi32, #tpu.memory_space<vmem>>
    %dma_start3A_35 = tpu.memref_squeeze %dma_start3A_34 : memref<1x128xi32, #tpu.memory_space<vmem>> -> memref<128xi32, #tpu.memory_space<vmem>>
    %dma_start3A_36 = arith.constant 0 : i32
    %dma_start3A_37 = arith.constant 0 : i32
    %dma_start3A_38 = tpu.memref_slice %arg4[%dma_start3A_36, %dma_start3A_37] : memref<409600x32xf32, #tpu.memory_space<hbm>> -> memref<409600x32xf32, #tpu.memory_space<hbm>>
    tpu.enqueue_indirect_dma source(%dma_start3A_38 : memref<409600x32xf32, #tpu.memory_space<hbm>>) target(%dma_start3A_32 : memref<128x32xf32, #tpu.memory_space<vmem>>) offsets(%dma_start3A_35 : memref<128xi32, #tpu.memory_space<vmem>>) semaphore(%arg12 : memref<!tpu.dma_semaphore, #tpu.memory_space<semaphore_mem>>)
    %dma_start3A_39 = arith.constant 0 : i32
    %dma_start3A_40 = arith.constant 2 : i32
    %dma_start3A_41 = arith.constant 0 : i32
    %dma_start3A_42 = arith.constant 0 : i32
    %dma_start3A_43 = tpu.memref_slice %arg9[%dma_start3A_40, %dma_start3A_41, %dma_start3A_42] : memref<6x128x32xf32, #tpu.memory_space<vmem>> -> memref<1x128x32xf32, #tpu.memory_space<vmem>>
    %dma_start3A_44 = tpu.memref_squeeze %dma_start3A_43 : memref<1x128x32xf32, #tpu.memory_space<vmem>> -> memref<128x32xf32, #tpu.memory_space<vmem>>
    %dma_start3A_45 = arith.constant 256 : i32
    %dma_start3A_46 = tpu.memref_slice %arg7[%dma_start3A_39, %dma_start3A_45] : memref<2x768xi32, #tpu.memory_space<vmem>> -> memref<1x128xi32, #tpu.memory_space<vmem>>
    %dma_start3A_47 = tpu.memref_squeeze %dma_start3A_46 : memref<1x128xi32, #tpu.memory_space<vmem>> -> memref<128xi32, #tpu.memory_space<vmem>>
    %dma_start3A_48 = arith.constant 0 : i32
    %dma_start3A_49 = arith.constant 0 : i32
    %dma_start3A_50 = tpu.memref_slice %arg4[%dma_start3A_48, %dma_start3A_49] : memref<409600x32xf32, #tpu.memory_space<hbm>> -> memref<409600x32xf32, #tpu.memory_space<hbm>>
    tpu.enqueue_indirect_dma source(%dma_start3A_50 : memref<409600x32xf32, #tpu.memory_space<hbm>>) target(%dma_start3A_44 : memref<128x32xf32, #tpu.memory_space<vmem>>) offsets(%dma_start3A_47 : memref<128xi32, #tpu.memory_space<vmem>>) semaphore(%arg13 : memref<!tpu.dma_semaphore, #tpu.memory_space<semaphore_mem>>)
    %dma_start3A_51 = arith.constant 0 : i32
    %dma_start3A_52 = arith.constant 3 : i32
    %dma_start3A_53 = arith.constant 0 : i32
    %dma_start3A_54 = arith.constant 0 : i32
    %dma_start3A_55 = tpu.memref_slice %arg9[%dma_start3A_52, %dma_start3A_53, %dma_start3A_54] : memref<6x128x32xf32, #tpu.memory_space<vmem>> -> memref<1x128x32xf32, #tpu.memory_space<vmem>>
    %dma_start3A_56 = tpu.memref_squeeze %dma_start3A_55 : memref<1x128x32xf32, #tpu.memory_space<vmem>> -> memref<128x32xf32, #tpu.memory_space<vmem>>
    %dma_start3A_57 = arith.constant 384 : i32
    %dma_start3A_58 = tpu.memref_slice %arg7[%dma_start3A_51, %dma_start3A_57] : memref<2x768xi32, #tpu.memory_space<vmem>> -> memref<1x128xi32, #tpu.memory_space<vmem>>
    %dma_start3A_59 = tpu.memref_squeeze %dma_start3A_58 : memref<1x128xi32, #tpu.memory_space<vmem>> -> memref<128xi32, #tpu.memory_space<vmem>>
    %dma_start3A_60 = arith.constant 0 : i32
    %dma_start3A_61 = arith.constant 0 : i32
    %dma_start3A_62 = tpu.memref_slice %arg4[%dma_start3A_60, %dma_start3A_61] : memref<409600x32xf32, #tpu.memory_space<hbm>> -> memref<409600x32xf32, #tpu.memory_space<hbm>>
    tpu.enqueue_indirect_dma source(%dma_start3A_62 : memref<409600x32xf32, #tpu.memory_space<hbm>>) target(%dma_start3A_56 : memref<128x32xf32, #tpu.memory_space<vmem>>) offsets(%dma_start3A_59 : memref<128xi32, #tpu.memory_space<vmem>>) semaphore(%arg14 : memref<!tpu.dma_semaphore, #tpu.memory_space<semaphore_mem>>)
    %scan3A_63 = arith.constant 0 : i32
    %scan3A_64 = arith.constant 0 : i32
    %scan3A_65 = arith.constant 66 : i32
    %scan3A_66 = arith.addi %scan3A_64, %scan3A_65 : i32
    %scan3A_67 = arith.constant 1 : i32
    scf.for %scan3A_102 = %scan3A_64 to %scan3A_66 step %scan3A_67  : i32 {
      %rem3A = arith.constant 2 : i32
      %rem3A_103 = arith.remsi %scan3A_102, %rem3A : i32
      %gt3A = arith.constant 0 : i32
      %gt3A_104 = arith.cmpi sgt, %scan3A_102, %gt3A : i32
      %convert_element_type3A = arith.extui %gt3A_104 : i1 to i32
      %cond3A = arith.constant 0 : i32
      %cond3A_105 = arith.cmpi ne, %convert_element_type3A, %cond3A : i32
      scf.if %cond3A_105 {
        %dma_wait3A_348 = arith.constant 4 : i32
        %dma_wait3A_349 = arith.constant 0 : i32
        %dma_wait3A_350 = arith.constant 0 : i32
        %dma_wait3A_351 = arith.constant 0 : i32
        %dma_wait3A_352 = arith.constant 0 : i32
        %dma_wait3A_353 = tpu.memref_slice %arg9[%dma_wait3A_348, %dma_wait3A_351, %dma_wait3A_352] : memref<6x128x32xf32, #tpu.memory_space<vmem>> -> memref<1x128x32xf32, #tpu.memory_space<vmem>>
        %dma_wait3A_354 = tpu.memref_squeeze %dma_wait3A_353 : memref<1x128x32xf32, #tpu.memory_space<vmem>> -> memref<128x32xf32, #tpu.memory_space<vmem>>
        %dma_wait3A_355 = arith.constant 0 : i32
        %dma_wait3A_356 = tpu.memref_slice %arg8[%dma_wait3A_349, %dma_wait3A_350, %dma_wait3A_355] : memref<2x6x128xi32, #tpu.memory_space<vmem>> -> memref<1x1x128xi32, #tpu.memory_space<vmem>>
        %dma_wait3A_357 = tpu.memref_squeeze %dma_wait3A_356 : memref<1x1x128xi32, #tpu.memory_space<vmem>> -> memref<128xi32, #tpu.memory_space<vmem>>
        %dma_wait3A_358 = arith.constant 0 : i32
        %dma_wait3A_359 = arith.constant 0 : i32
        %dma_wait3A_360 = tpu.memref_slice %arg10[%dma_wait3A_358, %dma_wait3A_359] : memref<51200x32xf32, #tpu.memory_space<vmem_shared>> -> memref<51200x32xf32, #tpu.memory_space<vmem_shared>>
        tpu.wait_indirect_dma semaphore(%arg21 : memref<!tpu.dma_semaphore, #tpu.memory_space<semaphore_mem>>) src(%dma_wait3A_354 : memref<128x32xf32, #tpu.memory_space<vmem>>) dst(%dma_wait3A_360 : memref<51200x32xf32, #tpu.memory_space<vmem_shared>>)
        %dma_wait3A_361 = arith.constant 5 : i32
        %dma_wait3A_362 = arith.constant 0 : i32
        %dma_wait3A_363 = arith.constant 0 : i32
        %dma_wait3A_364 = arith.constant 0 : i32
        %dma_wait3A_365 = arith.constant 0 : i32
        %dma_wait3A_366 = tpu.memref_slice %arg9[%dma_wait3A_361, %dma_wait3A_364, %dma_wait3A_365] : memref<6x128x32xf32, #tpu.memory_space<vmem>> -> memref<1x128x32xf32, #tpu.memory_space<vmem>>
        %dma_wait3A_367 = tpu.memref_squeeze %dma_wait3A_366 : memref<1x128x32xf32, #tpu.memory_space<vmem>> -> memref<128x32xf32, #tpu.memory_space<vmem>>
        %dma_wait3A_368 = arith.constant 0 : i32
        %dma_wait3A_369 = tpu.memref_slice %arg8[%dma_wait3A_362, %dma_wait3A_363, %dma_wait3A_368] : memref<2x6x128xi32, #tpu.memory_space<vmem>> -> memref<1x1x128xi32, #tpu.memory_space<vmem>>
        %dma_wait3A_370 = tpu.memref_squeeze %dma_wait3A_369 : memref<1x1x128xi32, #tpu.memory_space<vmem>> -> memref<128xi32, #tpu.memory_space<vmem>>
        %dma_wait3A_371 = arith.constant 0 : i32
        %dma_wait3A_372 = arith.constant 0 : i32
        %dma_wait3A_373 = tpu.memref_slice %arg10[%dma_wait3A_371, %dma_wait3A_372] : memref<51200x32xf32, #tpu.memory_space<vmem_shared>> -> memref<51200x32xf32, #tpu.memory_space<vmem_shared>>
        tpu.wait_indirect_dma semaphore(%arg22 : memref<!tpu.dma_semaphore, #tpu.memory_space<semaphore_mem>>) src(%dma_wait3A_367 : memref<128x32xf32, #tpu.memory_space<vmem>>) dst(%dma_wait3A_373 : memref<51200x32xf32, #tpu.memory_space<vmem_shared>>)
      } else {
      }
      %lt3A = arith.constant 65 : i32
      %lt3A_106 = arith.cmpi slt, %scan3A_102, %lt3A : i32
      %convert_element_type3A_107 = arith.extui %lt3A_106 : i1 to i32
      %cond3A_108 = arith.constant 0 : i32
      %cond3A_109 = arith.cmpi ne, %convert_element_type3A_107, %cond3A_108 : i32
      scf.if %cond3A_109 {
        %sub3A = arith.constant 1 : i32
        %sub3A_348 = arith.subi %sub3A, %rem3A_103 : i32
        %add3A_349 = arith.constant 1 : i32
        %add3A_350 = arith.addi %scan3A_102, %add3A_349 : i32
        %mul3A_351 = arith.constant 50688 : i32
        %mul3A_352 = arith.muli %arg1, %mul3A_351 : i32
        %mul3A_353 = arith.constant 768 : i32
        %mul3A_354 = arith.muli %add3A_350, %mul3A_353 : i32
        %add3A_355 = arith.addi %mul3A_352, %mul3A_354 : i32
        "tpu.region"() ({
          %run_scoped3A_367 = tpu.sem_alloc : memref<!tpu.dma_semaphore, #tpu.memory_space<semaphore_mem>>
          %dma_start3A_368 = arith.constant 0 : i32
          %dma_start3A_369 = tpu.memref_slice %arg7[%sub3A_348, %dma_start3A_368] : memref<2x768xi32, #tpu.memory_space<vmem>> -> memref<1x768xi32, #tpu.memory_space<vmem>>
          %dma_start3A_370 = tpu.memref_squeeze %dma_start3A_369 : memref<1x768xi32, #tpu.memory_space<vmem>> -> memref<768xi32, #tpu.memory_space<vmem>>
          %dma_start3A_371 = tpu.memref_slice %arg2[%add3A_355] : memref<811008xi32, #tpu.memory_space<hbm>> -> memref<768xi32, #tpu.memory_space<hbm>>
          %dma_start3A_372 = arith.constant 0 : i32
          %dma_start3A_373 = tpu.memref_slice %arg7[%sub3A_348, %dma_start3A_372] : memref<2x768xi32, #tpu.memory_space<vmem>> -> memref<1x768xi32, #tpu.memory_space<vmem>>
          %dma_start3A_374 = tpu.memref_squeeze %dma_start3A_373 : memref<1x768xi32, #tpu.memory_space<vmem>> -> memref<768xi32, #tpu.memory_space<vmem>>
          %dma_start3A_375 = tpu.memref_slice %arg2[%add3A_355] : memref<811008xi32, #tpu.memory_space<hbm>> -> memref<768xi32, #tpu.memory_space<hbm>>
          tpu.enqueue_dma source(%dma_start3A_375 : memref<768xi32, #tpu.memory_space<hbm>>) target(%dma_start3A_374 : memref<768xi32, #tpu.memory_space<vmem>>) target_semaphore(%run_scoped3A_367 : memref<!tpu.dma_semaphore, #tpu.memory_space<semaphore_mem>>)
          %dma_wait3A_376 = arith.constant 0 : i32
          %dma_wait3A_377 = tpu.memref_slice %arg7[%sub3A_348, %dma_wait3A_376] : memref<2x768xi32, #tpu.memory_space<vmem>> -> memref<1x768xi32, #tpu.memory_space<vmem>>
          %dma_wait3A_378 = tpu.memref_squeeze %dma_wait3A_377 : memref<1x768xi32, #tpu.memory_space<vmem>> -> memref<768xi32, #tpu.memory_space<vmem>>
          %dma_wait3A_379 = tpu.memref_slice %arg2[%add3A_355] : memref<811008xi32, #tpu.memory_space<hbm>> -> memref<768xi32, #tpu.memory_space<hbm>>
          %dma_wait3A_380 = arith.constant 0 : i32
          %dma_wait3A_381 = tpu.memref_slice %arg7[%sub3A_348, %dma_wait3A_380] : memref<2x768xi32, #tpu.memory_space<vmem>> -> memref<1x768xi32, #tpu.memory_space<vmem>>
          %dma_wait3A_382 = tpu.memref_squeeze %dma_wait3A_381 : memref<1x768xi32, #tpu.memory_space<vmem>> -> memref<768xi32, #tpu.memory_space<vmem>>
          %dma_wait3A_383 = tpu.memref_slice %arg2[%add3A_355] : memref<811008xi32, #tpu.memory_space<hbm>> -> memref<768xi32, #tpu.memory_space<hbm>>
          tpu.wait_dma2 semaphore(%run_scoped3A_367 : memref<!tpu.dma_semaphore, #tpu.memory_space<semaphore_mem>>) src(%dma_wait3A_383 : memref<768xi32, #tpu.memory_space<hbm>>) dst(%dma_wait3A_382 : memref<768xi32, #tpu.memory_space<vmem>>)
          tpu.yield
        }) : () -> ()
        %scan3A_356 = arith.constant 0 : i32
        %scan3A_357 = arith.constant 0 : i32
        %scan3A_358 = arith.constant 48 : i32
        %scan3A_359 = arith.addi %scan3A_357, %scan3A_358 : i32
        %scan3A_360 = arith.constant 1 : i32
        scf.for %scan3A_367 = %scan3A_357 to %scan3A_359 step %scan3A_360  : i32 {
          %mul3A_368 = arith.constant 16 : i32
          %mul3A_369 = arith.muli %scan3A_367, %mul3A_368 : i32
          %get3A = arith.index_cast %sub3A_348 : i32 to index
          %get3A_370 = arith.index_cast %mul3A_369 : i32 to index
          %get3A_371 = tpu.vector_load %arg7[%get3A, %get3A_370] {strides = array<i32>} : memref<2x768xi32, #tpu.memory_space<vmem>>, vector<1x16xi32>,
          %get3A_372 = vector.shape_cast %get3A_371 : vector<1x16xi32> to vector<16xi32>
          %add3A_373 = vector.broadcast %mul3A_2 : i32 to vector<16xi32>
          %add3A_374 = arith.addi %get3A_372, %add3A_373 : vector<16xi32>
          %swap3A = arith.index_cast %sub3A_348 : i32 to index
          %swap3A_375 = arith.index_cast %mul3A_369 : i32 to index
          %swap3A_376 = tpu.vector_load %arg7[%swap3A, %swap3A_375] {strides = array<i32>} : memref<2x768xi32, #tpu.memory_space<vmem>>, vector<1x16xi32>,
          %swap3A_377 = vector.shape_cast %swap3A_376 : vector<1x16xi32> to vector<16xi32>
          %swap3A_378 = vector.shape_cast %add3A_374 : vector<16xi32> to vector<1x16xi32>
          tpu.vector_store %arg7[%swap3A, %swap3A_375], %swap3A_378 {strides = array<i32>} : memref<2x768xi32, #tpu.memory_space<vmem>>, vector<1x16xi32>,
        }
        %scan3A_361 = arith.constant 48 : i32
        %mul3A_362 = arith.constant 396 : i32
        %mul3A_363 = arith.muli %arg1, %mul3A_362 : i32
        %mul3A_364 = arith.constant 6 : i32
        %mul3A_365 = arith.muli %add3A_350, %mul3A_364 : i32
        %add3A_366 = arith.addi %mul3A_363, %mul3A_365 : i32
        "tpu.region"() ({
          %run_scoped3A_367 = tpu.sem_alloc : memref<!tpu.dma_semaphore, #tpu.memory_space<semaphore_mem>>
          %dma_start3A_368 = arith.constant 0 : i32
          %dma_start3A_369 = arith.constant 0 : i32
          %dma_start3A_370 = tpu.memref_slice %arg8[%sub3A_348, %dma_start3A_368, %dma_start3A_369] : memref<2x6x128xi32, #tpu.memory_space<vmem>> -> memref<1x6x128xi32, #tpu.memory_space<vmem>>
          %dma_start3A_371 = tpu.memref_squeeze %dma_start3A_370 : memref<1x6x128xi32, #tpu.memory_space<vmem>> -> memref<6x128xi32, #tpu.memory_space<vmem>>
          %dma_start3A_372 = arith.constant 0 : i32
          %dma_start3A_373 = tpu.memref_slice %arg3[%add3A_366, %dma_start3A_372] : memref<6336x128xi32, #tpu.memory_space<hbm>> -> memref<6x128xi32, #tpu.memory_space<hbm>>
          %dma_start3A_374 = arith.constant 0 : i32
          %dma_start3A_375 = arith.constant 0 : i32
          %dma_start3A_376 = tpu.memref_slice %arg8[%sub3A_348, %dma_start3A_374, %dma_start3A_375] : memref<2x6x128xi32, #tpu.memory_space<vmem>> -> memref<1x6x128xi32, #tpu.memory_space<vmem>>
          %dma_start3A_377 = tpu.memref_squeeze %dma_start3A_376 : memref<1x6x128xi32, #tpu.memory_space<vmem>> -> memref<6x128xi32, #tpu.memory_space<vmem>>
          %dma_start3A_378 = arith.constant 0 : i32
          %dma_start3A_379 = tpu.memref_slice %arg3[%add3A_366, %dma_start3A_378] : memref<6336x128xi32, #tpu.memory_space<hbm>> -> memref<6x128xi32, #tpu.memory_space<hbm>>
          tpu.enqueue_dma source(%dma_start3A_379 : memref<6x128xi32, #tpu.memory_space<hbm>>) target(%dma_start3A_377 : memref<6x128xi32, #tpu.memory_space<vmem>>) target_semaphore(%run_scoped3A_367 : memref<!tpu.dma_semaphore, #tpu.memory_space<semaphore_mem>>)
          %dma_wait3A_380 = arith.constant 0 : i32
          %dma_wait3A_381 = arith.constant 0 : i32
          %dma_wait3A_382 = tpu.memref_slice %arg8[%sub3A_348, %dma_wait3A_380, %dma_wait3A_381] : memref<2x6x128xi32, #tpu.memory_space<vmem>> -> memref<1x6x128xi32, #tpu.memory_space<vmem>>
          %dma_wait3A_383 = tpu.memref_squeeze %dma_wait3A_382 : memref<1x6x128xi32, #tpu.memory_space<vmem>> -> memref<6x128xi32, #tpu.memory_space<vmem>>
          %dma_wait3A_384 = arith.constant 0 : i32
          %dma_wait3A_385 = tpu.memref_slice %arg3[%add3A_366, %dma_wait3A_384] : memref<6336x128xi32, #tpu.memory_space<hbm>> -> memref<6x128xi32, #tpu.memory_space<hbm>>
          %dma_wait3A_386 = arith.constant 0 : i32
          %dma_wait3A_387 = arith.constant 0 : i32
          %dma_wait3A_388 = tpu.memref_slice %arg8[%sub3A_348, %dma_wait3A_386, %dma_wait3A_387] : memref<2x6x128xi32, #tpu.memory_space<vmem>> -> memref<1x6x128xi32, #tpu.memory_space<vmem>>
          %dma_wait3A_389 = tpu.memref_squeeze %dma_wait3A_388 : memref<1x6x128xi32, #tpu.memory_space<vmem>> -> memref<6x128xi32, #tpu.memory_space<vmem>>
          %dma_wait3A_390 = arith.constant 0 : i32
          %dma_wait3A_391 = tpu.memref_slice %arg3[%add3A_366, %dma_wait3A_390] : memref<6336x128xi32, #tpu.memory_space<hbm>> -> memref<6x128xi32, #tpu.memory_space<hbm>>
          tpu.wait_dma2 semaphore(%run_scoped3A_367 : memref<!tpu.dma_semaphore, #tpu.memory_space<semaphore_mem>>) src(%dma_wait3A_391 : memref<6x128xi32, #tpu.memory_space<hbm>>) dst(%dma_wait3A_389 : memref<6x128xi32, #tpu.memory_space<vmem>>)
          tpu.yield
        }) : () -> ()
      } else {
      }
      %dma_wait3A_110 = arith.constant 0 : i32
      %dma_wait3A_111 = arith.constant 0 : i32
      %dma_wait3A_112 = arith.constant 0 : i32
      %dma_wait3A_113 = arith.constant 0 : i32
      %dma_wait3A_114 = tpu.memref_slice %arg9[%dma_wait3A_111, %dma_wait3A_112, %dma_wait3A_113] : memref<6x128x32xf32, #tpu.memory_space<vmem>> -> memref<1x128x32xf32, #tpu.memory_space<vmem>>
      %dma_wait3A_115 = tpu.memref_squeeze %dma_wait3A_114 : memref<1x128x32xf32, #tpu.memory_space<vmem>> -> memref<128x32xf32, #tpu.memory_space<vmem>>
      %dma_wait3A_116 = arith.constant 0 : i32
      %dma_wait3A_117 = tpu.memref_slice %arg7[%dma_wait3A_110, %dma_wait3A_116] : memref<2x768xi32, #tpu.memory_space<vmem>> -> memref<1x128xi32, #tpu.memory_space<vmem>>
      %dma_wait3A_118 = tpu.memref_squeeze %dma_wait3A_117 : memref<1x128xi32, #tpu.memory_space<vmem>> -> memref<128xi32, #tpu.memory_space<vmem>>
      %dma_wait3A_119 = arith.constant 0 : i32
      %dma_wait3A_120 = arith.constant 0 : i32
      %dma_wait3A_121 = tpu.memref_slice %arg4[%dma_wait3A_119, %dma_wait3A_120] : memref<409600x32xf32, #tpu.memory_space<hbm>> -> memref<409600x32xf32, #tpu.memory_space<hbm>>
      tpu.wait_indirect_dma semaphore(%arg11 : memref<!tpu.dma_semaphore, #tpu.memory_space<semaphore_mem>>) src(%dma_wait3A_121 : memref<409600x32xf32, #tpu.memory_space<hbm>>) dst(%dma_wait3A_115 : memref<128x32xf32, #tpu.memory_space<vmem>>)
      %dma_start3A_122 = arith.constant 0 : i32
      %dma_start3A_123 = arith.constant 0 : i32
      %dma_start3A_124 = arith.constant 0 : i32
      %dma_start3A_125 = arith.constant 0 : i32
      %dma_start3A_126 = tpu.memref_slice %arg9[%dma_start3A_122, %dma_start3A_124, %dma_start3A_125] : memref<6x128x32xf32, #tpu.memory_space<vmem>> -> memref<1x128x32xf32, #tpu.memory_space<vmem>>
      %dma_start3A_127 = tpu.memref_squeeze %dma_start3A_126 : memref<1x128x32xf32, #tpu.memory_space<vmem>> -> memref<128x32xf32, #tpu.memory_space<vmem>>
      %dma_start3A_128 = arith.constant 0 : i32
      %dma_start3A_129 = tpu.memref_slice %arg8[%rem3A_103, %dma_start3A_123, %dma_start3A_128] : memref<2x6x128xi32, #tpu.memory_space<vmem>> -> memref<1x1x128xi32, #tpu.memory_space<vmem>>
      %dma_start3A_130 = tpu.memref_squeeze %dma_start3A_129 : memref<1x1x128xi32, #tpu.memory_space<vmem>> -> memref<128xi32, #tpu.memory_space<vmem>>
      %dma_start3A_131 = arith.constant 0 : i32
      %dma_start3A_132 = arith.constant 0 : i32
      %dma_start3A_133 = tpu.memref_slice %arg10[%dma_start3A_131, %dma_start3A_132] : memref<51200x32xf32, #tpu.memory_space<vmem_shared>> -> memref<51200x32xf32, #tpu.memory_space<vmem_shared>>
      tpu.enqueue_indirect_dma source(%dma_start3A_127 : memref<128x32xf32, #tpu.memory_space<vmem>>) target(%dma_start3A_133 : memref<51200x32xf32, #tpu.memory_space<vmem_shared>>) offsets(%dma_start3A_130 : memref<128xi32, #tpu.memory_space<vmem>>) semaphore(%arg17 : memref<!tpu.dma_semaphore, #tpu.memory_space<semaphore_mem>>) {add = true}
      %dma_start3A_134 = arith.constant 4 : i32
      %dma_start3A_135 = arith.constant 0 : i32
      %dma_start3A_136 = arith.constant 0 : i32
      %dma_start3A_137 = tpu.memref_slice %arg9[%dma_start3A_134, %dma_start3A_135, %dma_start3A_136] : memref<6x128x32xf32, #tpu.memory_space<vmem>> -> memref<1x128x32xf32, #tpu.memory_space<vmem>>
      %dma_start3A_138 = tpu.memref_squeeze %dma_start3A_137 : memref<1x128x32xf32, #tpu.memory_space<vmem>> -> memref<128x32xf32, #tpu.memory_space<vmem>>
      %dma_start3A_139 = arith.constant 512 : i32
      %dma_start3A_140 = tpu.memref_slice %arg7[%rem3A_103, %dma_start3A_139] : memref<2x768xi32, #tpu.memory_space<vmem>> -> memref<1x128xi32, #tpu.memory_space<vmem>>
      %dma_start3A_141 = tpu.memref_squeeze %dma_start3A_140 : memref<1x128xi32, #tpu.memory_space<vmem>> -> memref<128xi32, #tpu.memory_space<vmem>>
      %dma_start3A_142 = arith.constant 0 : i32
      %dma_start3A_143 = arith.constant 0 : i32
      %dma_start3A_144 = tpu.memref_slice %arg4[%dma_start3A_142, %dma_start3A_143] : memref<409600x32xf32, #tpu.memory_space<hbm>> -> memref<409600x32xf32, #tpu.memory_space<hbm>>
      tpu.enqueue_indirect_dma source(%dma_start3A_144 : memref<409600x32xf32, #tpu.memory_space<hbm>>) target(%dma_start3A_138 : memref<128x32xf32, #tpu.memory_space<vmem>>) offsets(%dma_start3A_141 : memref<128xi32, #tpu.memory_space<vmem>>) semaphore(%arg15 : memref<!tpu.dma_semaphore, #tpu.memory_space<semaphore_mem>>)
      %dma_wait3A_145 = arith.constant 0 : i32
      %dma_wait3A_146 = arith.constant 1 : i32
      %dma_wait3A_147 = arith.constant 0 : i32
      %dma_wait3A_148 = arith.constant 0 : i32
      %dma_wait3A_149 = tpu.memref_slice %arg9[%dma_wait3A_146, %dma_wait3A_147, %dma_wait3A_148] : memref<6x128x32xf32, #tpu.memory_space<vmem>> -> memref<1x128x32xf32, #tpu.memory_space<vmem>>
      %dma_wait3A_150 = tpu.memref_squeeze %dma_wait3A_149 : memref<1x128x32xf32, #tpu.memory_space<vmem>> -> memref<128x32xf32, #tpu.memory_space<vmem>>
      %dma_wait3A_151 = arith.constant 0 : i32
      %dma_wait3A_152 = tpu.memref_slice %arg7[%dma_wait3A_145, %dma_wait3A_151] : memref<2x768xi32, #tpu.memory_space<vmem>> -> memref<1x128xi32, #tpu.memory_space<vmem>>
      %dma_wait3A_153 = tpu.memref_squeeze %dma_wait3A_152 : memref<1x128xi32, #tpu.memory_space<vmem>> -> memref<128xi32, #tpu.memory_space<vmem>>
      %dma_wait3A_154 = arith.constant 0 : i32
      %dma_wait3A_155 = arith.constant 0 : i32
      %dma_wait3A_156 = tpu.memref_slice %arg4[%dma_wait3A_154, %dma_wait3A_155] : memref<409600x32xf32, #tpu.memory_space<hbm>> -> memref<409600x32xf32, #tpu.memory_space<hbm>>
      tpu.wait_indirect_dma semaphore(%arg12 : memref<!tpu.dma_semaphore, #tpu.memory_space<semaphore_mem>>) src(%dma_wait3A_156 : memref<409600x32xf32, #tpu.memory_space<hbm>>) dst(%dma_wait3A_150 : memref<128x32xf32, #tpu.memory_space<vmem>>)
      %dma_start3A_157 = arith.constant 1 : i32
      %dma_start3A_158 = arith.constant 1 : i32
      %dma_start3A_159 = arith.constant 0 : i32
      %dma_start3A_160 = arith.constant 0 : i32
      %dma_start3A_161 = tpu.memref_slice %arg9[%dma_start3A_157, %dma_start3A_159, %dma_start3A_160] : memref<6x128x32xf32, #tpu.memory_space<vmem>> -> memref<1x128x32xf32, #tpu.memory_space<vmem>>
      %dma_start3A_162 = tpu.memref_squeeze %dma_start3A_161 : memref<1x128x32xf32, #tpu.memory_space<vmem>> -> memref<128x32xf32, #tpu.memory_space<vmem>>
      %dma_start3A_163 = arith.constant 0 : i32
      %dma_start3A_164 = tpu.memref_slice %arg8[%rem3A_103, %dma_start3A_158, %dma_start3A_163] : memref<2x6x128xi32, #tpu.memory_space<vmem>> -> memref<1x1x128xi32, #tpu.memory_space<vmem>>
      %dma_start3A_165 = tpu.memref_squeeze %dma_start3A_164 : memref<1x1x128xi32, #tpu.memory_space<vmem>> -> memref<128xi32, #tpu.memory_space<vmem>>
      %dma_start3A_166 = arith.constant 0 : i32
      %dma_start3A_167 = arith.constant 0 : i32
      %dma_start3A_168 = tpu.memref_slice %arg10[%dma_start3A_166, %dma_start3A_167] : memref<51200x32xf32, #tpu.memory_space<vmem_shared>> -> memref<51200x32xf32, #tpu.memory_space<vmem_shared>>
      tpu.enqueue_indirect_dma source(%dma_start3A_162 : memref<128x32xf32, #tpu.memory_space<vmem>>) target(%dma_start3A_168 : memref<51200x32xf32, #tpu.memory_space<vmem_shared>>) offsets(%dma_start3A_165 : memref<128xi32, #tpu.memory_space<vmem>>) semaphore(%arg18 : memref<!tpu.dma_semaphore, #tpu.memory_space<semaphore_mem>>) {add = true}
      %dma_start3A_169 = arith.constant 5 : i32
      %dma_start3A_170 = arith.constant 0 : i32
      %dma_start3A_171 = arith.constant 0 : i32
      %dma_start3A_172 = tpu.memref_slice %arg9[%dma_start3A_169, %dma_start3A_170, %dma_start3A_171] : memref<6x128x32xf32, #tpu.memory_space<vmem>> -> memref<1x128x32xf32, #tpu.memory_space<vmem>>
      %dma_start3A_173 = tpu.memref_squeeze %dma_start3A_172 : memref<1x128x32xf32, #tpu.memory_space<vmem>> -> memref<128x32xf32, #tpu.memory_space<vmem>>
      %dma_start3A_174 = arith.constant 640 : i32
      %dma_start3A_175 = tpu.memref_slice %arg7[%rem3A_103, %dma_start3A_174] : memref<2x768xi32, #tpu.memory_space<vmem>> -> memref<1x128xi32, #tpu.memory_space<vmem>>
      %dma_start3A_176 = tpu.memref_squeeze %dma_start3A_175 : memref<1x128xi32, #tpu.memory_space<vmem>> -> memref<128xi32, #tpu.memory_space<vmem>>
      %dma_start3A_177 = arith.constant 0 : i32
      %dma_start3A_178 = arith.constant 0 : i32
      %dma_start3A_179 = tpu.memref_slice %arg4[%dma_start3A_177, %dma_start3A_178] : memref<409600x32xf32, #tpu.memory_space<hbm>> -> memref<409600x32xf32, #tpu.memory_space<hbm>>
      tpu.enqueue_indirect_dma source(%dma_start3A_179 : memref<409600x32xf32, #tpu.memory_space<hbm>>) target(%dma_start3A_173 : memref<128x32xf32, #tpu.memory_space<vmem>>) offsets(%dma_start3A_176 : memref<128xi32, #tpu.memory_space<vmem>>) semaphore(%arg16 : memref<!tpu.dma_semaphore, #tpu.memory_space<semaphore_mem>>)
      %dma_wait3A_180 = arith.constant 0 : i32
      %dma_wait3A_181 = arith.constant 2 : i32
      %dma_wait3A_182 = arith.constant 0 : i32
      %dma_wait3A_183 = arith.constant 0 : i32
      %dma_wait3A_184 = tpu.memref_slice %arg9[%dma_wait3A_181, %dma_wait3A_182, %dma_wait3A_183] : memref<6x128x32xf32, #tpu.memory_space<vmem>> -> memref<1x128x32xf32, #tpu.memory_space<vmem>>
      %dma_wait3A_185 = tpu.memref_squeeze %dma_wait3A_184 : memref<1x128x32xf32, #tpu.memory_space<vmem>> -> memref<128x32xf32, #tpu.memory_space<vmem>>
      %dma_wait3A_186 = arith.constant 0 : i32
      %dma_wait3A_187 = tpu.memref_slice %arg7[%dma_wait3A_180, %dma_wait3A_186] : memref<2x768xi32, #tpu.memory_space<vmem>> -> memref<1x128xi32, #tpu.memory_space<vmem>>
      %dma_wait3A_188 = tpu.memref_squeeze %dma_wait3A_187 : memref<1x128xi32, #tpu.memory_space<vmem>> -> memref<128xi32, #tpu.memory_space<vmem>>
      %dma_wait3A_189 = arith.constant 0 : i32
      %dma_wait3A_190 = arith.constant 0 : i32
      %dma_wait3A_191 = tpu.memref_slice %arg4[%dma_wait3A_189, %dma_wait3A_190] : memref<409600x32xf32, #tpu.memory_space<hbm>> -> memref<409600x32xf32, #tpu.memory_space<hbm>>
      tpu.wait_indirect_dma semaphore(%arg13 : memref<!tpu.dma_semaphore, #tpu.memory_space<semaphore_mem>>) src(%dma_wait3A_191 : memref<409600x32xf32, #tpu.memory_space<hbm>>) dst(%dma_wait3A_185 : memref<128x32xf32, #tpu.memory_space<vmem>>)
      %dma_start3A_192 = arith.constant 2 : i32
      %dma_start3A_193 = arith.constant 2 : i32
      %dma_start3A_194 = arith.constant 0 : i32
      %dma_start3A_195 = arith.constant 0 : i32
      %dma_start3A_196 = tpu.memref_slice %arg9[%dma_start3A_192, %dma_start3A_194, %dma_start3A_195] : memref<6x128x32xf32, #tpu.memory_space<vmem>> -> memref<1x128x32xf32, #tpu.memory_space<vmem>>
      %dma_start3A_197 = tpu.memref_squeeze %dma_start3A_196 : memref<1x128x32xf32, #tpu.memory_space<vmem>> -> memref<128x32xf32, #tpu.memory_space<vmem>>
      %dma_start3A_198 = arith.constant 0 : i32
      %dma_start3A_199 = tpu.memref_slice %arg8[%rem3A_103, %dma_start3A_193, %dma_start3A_198] : memref<2x6x128xi32, #tpu.memory_space<vmem>> -> memref<1x1x128xi32, #tpu.memory_space<vmem>>
      %dma_start3A_200 = tpu.memref_squeeze %dma_start3A_199 : memref<1x1x128xi32, #tpu.memory_space<vmem>> -> memref<128xi32, #tpu.memory_space<vmem>>
      %dma_start3A_201 = arith.constant 0 : i32
      %dma_start3A_202 = arith.constant 0 : i32
      %dma_start3A_203 = tpu.memref_slice %arg10[%dma_start3A_201, %dma_start3A_202] : memref<51200x32xf32, #tpu.memory_space<vmem_shared>> -> memref<51200x32xf32, #tpu.memory_space<vmem_shared>>
      tpu.enqueue_indirect_dma source(%dma_start3A_197 : memref<128x32xf32, #tpu.memory_space<vmem>>) target(%dma_start3A_203 : memref<51200x32xf32, #tpu.memory_space<vmem_shared>>) offsets(%dma_start3A_200 : memref<128xi32, #tpu.memory_space<vmem>>) semaphore(%arg19 : memref<!tpu.dma_semaphore, #tpu.memory_space<semaphore_mem>>) {add = true}
      %dma_wait3A_204 = arith.constant 0 : i32
      %dma_wait3A_205 = arith.constant 0 : i32
      %dma_wait3A_206 = arith.constant 0 : i32
      %dma_wait3A_207 = arith.constant 0 : i32
      %dma_wait3A_208 = arith.constant 0 : i32
      %dma_wait3A_209 = tpu.memref_slice %arg9[%dma_wait3A_204, %dma_wait3A_207, %dma_wait3A_208] : memref<6x128x32xf32, #tpu.memory_space<vmem>> -> memref<1x128x32xf32, #tpu.memory_space<vmem>>
      %dma_wait3A_210 = tpu.memref_squeeze %dma_wait3A_209 : memref<1x128x32xf32, #tpu.memory_space<vmem>> -> memref<128x32xf32, #tpu.memory_space<vmem>>
      %dma_wait3A_211 = arith.constant 0 : i32
      %dma_wait3A_212 = tpu.memref_slice %arg8[%dma_wait3A_205, %dma_wait3A_206, %dma_wait3A_211] : memref<2x6x128xi32, #tpu.memory_space<vmem>> -> memref<1x1x128xi32, #tpu.memory_space<vmem>>
      %dma_wait3A_213 = tpu.memref_squeeze %dma_wait3A_212 : memref<1x1x128xi32, #tpu.memory_space<vmem>> -> memref<128xi32, #tpu.memory_space<vmem>>
      %dma_wait3A_214 = arith.constant 0 : i32
      %dma_wait3A_215 = arith.constant 0 : i32
      %dma_wait3A_216 = tpu.memref_slice %arg10[%dma_wait3A_214, %dma_wait3A_215] : memref<51200x32xf32, #tpu.memory_space<vmem_shared>> -> memref<51200x32xf32, #tpu.memory_space<vmem_shared>>
      tpu.wait_indirect_dma semaphore(%arg17 : memref<!tpu.dma_semaphore, #tpu.memory_space<semaphore_mem>>) src(%dma_wait3A_210 : memref<128x32xf32, #tpu.memory_space<vmem>>) dst(%dma_wait3A_216 : memref<51200x32xf32, #tpu.memory_space<vmem_shared>>)
      %lt3A_217 = arith.constant 65 : i32
      %lt3A_218 = arith.cmpi slt, %scan3A_102, %lt3A_217 : i32
      %convert_element_type3A_219 = arith.extui %lt3A_218 : i1 to i32
      %cond3A_220 = arith.constant 0 : i32
      %cond3A_221 = arith.cmpi ne, %convert_element_type3A_219, %cond3A_220 : i32
      scf.if %cond3A_221 {
        %sub3A = arith.constant 1 : i32
        %sub3A_348 = arith.subi %sub3A, %rem3A_103 : i32
        %dma_start3A_349 = arith.constant 0 : i32
        %dma_start3A_350 = arith.constant 0 : i32
        %dma_start3A_351 = arith.constant 0 : i32
        %dma_start3A_352 = tpu.memref_slice %arg9[%dma_start3A_349, %dma_start3A_350, %dma_start3A_351] : memref<6x128x32xf32, #tpu.memory_space<vmem>> -> memref<1x128x32xf32, #tpu.memory_space<vmem>>
        %dma_start3A_353 = tpu.memref_squeeze %dma_start3A_352 : memref<1x128x32xf32, #tpu.memory_space<vmem>> -> memref<128x32xf32, #tpu.memory_space<vmem>>
        %dma_start3A_354 = arith.constant 0 : i32
        %dma_start3A_355 = tpu.memref_slice %arg7[%sub3A_348, %dma_start3A_354] : memref<2x768xi32, #tpu.memory_space<vmem>> -> memref<1x128xi32, #tpu.memory_space<vmem>>
        %dma_start3A_356 = tpu.memref_squeeze %dma_start3A_355 : memref<1x128xi32, #tpu.memory_space<vmem>> -> memref<128xi32, #tpu.memory_space<vmem>>
        %dma_start3A_357 = arith.constant 0 : i32
        %dma_start3A_358 = arith.constant 0 : i32
        %dma_start3A_359 = tpu.memref_slice %arg4[%dma_start3A_357, %dma_start3A_358] : memref<409600x32xf32, #tpu.memory_space<hbm>> -> memref<409600x32xf32, #tpu.memory_space<hbm>>
        tpu.enqueue_indirect_dma source(%dma_start3A_359 : memref<409600x32xf32, #tpu.memory_space<hbm>>) target(%dma_start3A_353 : memref<128x32xf32, #tpu.memory_space<vmem>>) offsets(%dma_start3A_356 : memref<128xi32, #tpu.memory_space<vmem>>) semaphore(%arg11 : memref<!tpu.dma_semaphore, #tpu.memory_space<semaphore_mem>>)
      } else {
      }
      %dma_wait3A_222 = arith.constant 0 : i32
      %dma_wait3A_223 = arith.constant 3 : i32
      %dma_wait3A_224 = arith.constant 0 : i32
      %dma_wait3A_225 = arith.constant 0 : i32
      %dma_wait3A_226 = tpu.memref_slice %arg9[%dma_wait3A_223, %dma_wait3A_224, %dma_wait3A_225] : memref<6x128x32xf32, #tpu.memory_space<vmem>> -> memref<1x128x32xf32, #tpu.memory_space<vmem>>
      %dma_wait3A_227 = tpu.memref_squeeze %dma_wait3A_226 : memref<1x128x32xf32, #tpu.memory_space<vmem>> -> memref<128x32xf32, #tpu.memory_space<vmem>>
      %dma_wait3A_228 = arith.constant 0 : i32
      %dma_wait3A_229 = tpu.memref_slice %arg7[%dma_wait3A_222, %dma_wait3A_228] : memref<2x768xi32, #tpu.memory_space<vmem>> -> memref<1x128xi32, #tpu.memory_space<vmem>>
      %dma_wait3A_230 = tpu.memref_squeeze %dma_wait3A_229 : memref<1x128xi32, #tpu.memory_space<vmem>> -> memref<128xi32, #tpu.memory_space<vmem>>
      %dma_wait3A_231 = arith.constant 0 : i32
      %dma_wait3A_232 = arith.constant 0 : i32
      %dma_wait3A_233 = tpu.memref_slice %arg4[%dma_wait3A_231, %dma_wait3A_232] : memref<409600x32xf32, #tpu.memory_space<hbm>> -> memref<409600x32xf32, #tpu.memory_space<hbm>>
      tpu.wait_indirect_dma semaphore(%arg14 : memref<!tpu.dma_semaphore, #tpu.memory_space<semaphore_mem>>) src(%dma_wait3A_233 : memref<409600x32xf32, #tpu.memory_space<hbm>>) dst(%dma_wait3A_227 : memref<128x32xf32, #tpu.memory_space<vmem>>)
      %dma_start3A_234 = arith.constant 3 : i32
      %dma_start3A_235 = arith.constant 3 : i32
      %dma_start3A_236 = arith.constant 0 : i32
      %dma_start3A_237 = arith.constant 0 : i32
      %dma_start3A_238 = tpu.memref_slice %arg9[%dma_start3A_234, %dma_start3A_236, %dma_start3A_237] : memref<6x128x32xf32, #tpu.memory_space<vmem>> -> memref<1x128x32xf32, #tpu.memory_space<vmem>>
      %dma_start3A_239 = tpu.memref_squeeze %dma_start3A_238 : memref<1x128x32xf32, #tpu.memory_space<vmem>> -> memref<128x32xf32, #tpu.memory_space<vmem>>
      %dma_start3A_240 = arith.constant 0 : i32
      %dma_start3A_241 = tpu.memref_slice %arg8[%rem3A_103, %dma_start3A_235, %dma_start3A_240] : memref<2x6x128xi32, #tpu.memory_space<vmem>> -> memref<1x1x128xi32, #tpu.memory_space<vmem>>
      %dma_start3A_242 = tpu.memref_squeeze %dma_start3A_241 : memref<1x1x128xi32, #tpu.memory_space<vmem>> -> memref<128xi32, #tpu.memory_space<vmem>>
      %dma_start3A_243 = arith.constant 0 : i32
      %dma_start3A_244 = arith.constant 0 : i32
      %dma_start3A_245 = tpu.memref_slice %arg10[%dma_start3A_243, %dma_start3A_244] : memref<51200x32xf32, #tpu.memory_space<vmem_shared>> -> memref<51200x32xf32, #tpu.memory_space<vmem_shared>>
      tpu.enqueue_indirect_dma source(%dma_start3A_239 : memref<128x32xf32, #tpu.memory_space<vmem>>) target(%dma_start3A_245 : memref<51200x32xf32, #tpu.memory_space<vmem_shared>>) offsets(%dma_start3A_242 : memref<128xi32, #tpu.memory_space<vmem>>) semaphore(%arg20 : memref<!tpu.dma_semaphore, #tpu.memory_space<semaphore_mem>>) {add = true}
      %dma_wait3A_246 = arith.constant 1 : i32
      %dma_wait3A_247 = arith.constant 0 : i32
      %dma_wait3A_248 = arith.constant 0 : i32
      %dma_wait3A_249 = arith.constant 0 : i32
      %dma_wait3A_250 = arith.constant 0 : i32
      %dma_wait3A_251 = tpu.memref_slice %arg9[%dma_wait3A_246, %dma_wait3A_249, %dma_wait3A_250] : memref<6x128x32xf32, #tpu.memory_space<vmem>> -> memref<1x128x32xf32, #tpu.memory_space<vmem>>
      %dma_wait3A_252 = tpu.memref_squeeze %dma_wait3A_251 : memref<1x128x32xf32, #tpu.memory_space<vmem>> -> memref<128x32xf32, #tpu.memory_space<vmem>>
      %dma_wait3A_253 = arith.constant 0 : i32
      %dma_wait3A_254 = tpu.memref_slice %arg8[%dma_wait3A_247, %dma_wait3A_248, %dma_wait3A_253] : memref<2x6x128xi32, #tpu.memory_space<vmem>> -> memref<1x1x128xi32, #tpu.memory_space<vmem>>
      %dma_wait3A_255 = tpu.memref_squeeze %dma_wait3A_254 : memref<1x1x128xi32, #tpu.memory_space<vmem>> -> memref<128xi32, #tpu.memory_space<vmem>>
      %dma_wait3A_256 = arith.constant 0 : i32
      %dma_wait3A_257 = arith.constant 0 : i32
      %dma_wait3A_258 = tpu.memref_slice %arg10[%dma_wait3A_256, %dma_wait3A_257] : memref<51200x32xf32, #tpu.memory_space<vmem_shared>> -> memref<51200x32xf32, #tpu.memory_space<vmem_shared>>
      tpu.wait_indirect_dma semaphore(%arg18 : memref<!tpu.dma_semaphore, #tpu.memory_space<semaphore_mem>>) src(%dma_wait3A_252 : memref<128x32xf32, #tpu.memory_space<vmem>>) dst(%dma_wait3A_258 : memref<51200x32xf32, #tpu.memory_space<vmem_shared>>)
      %lt3A_259 = arith.constant 65 : i32
      %lt3A_260 = arith.cmpi slt, %scan3A_102, %lt3A_259 : i32
      %convert_element_type3A_261 = arith.extui %lt3A_260 : i1 to i32
      %cond3A_262 = arith.constant 0 : i32
      %cond3A_263 = arith.cmpi ne, %convert_element_type3A_261, %cond3A_262 : i32
      scf.if %cond3A_263 {
        %sub3A = arith.constant 1 : i32
        %sub3A_348 = arith.subi %sub3A, %rem3A_103 : i32
        %dma_start3A_349 = arith.constant 1 : i32
        %dma_start3A_350 = arith.constant 0 : i32
        %dma_start3A_351 = arith.constant 0 : i32
        %dma_start3A_352 = tpu.memref_slice %arg9[%dma_start3A_349, %dma_start3A_350, %dma_start3A_351] : memref<6x128x32xf32, #tpu.memory_space<vmem>> -> memref<1x128x32xf32, #tpu.memory_space<vmem>>
        %dma_start3A_353 = tpu.memref_squeeze %dma_start3A_352 : memref<1x128x32xf32, #tpu.memory_space<vmem>> -> memref<128x32xf32, #tpu.memory_space<vmem>>
        %dma_start3A_354 = arith.constant 128 : i32
        %dma_start3A_355 = tpu.memref_slice %arg7[%sub3A_348, %dma_start3A_354] : memref<2x768xi32, #tpu.memory_space<vmem>> -> memref<1x128xi32, #tpu.memory_space<vmem>>
        %dma_start3A_356 = tpu.memref_squeeze %dma_start3A_355 : memref<1x128xi32, #tpu.memory_space<vmem>> -> memref<128xi32, #tpu.memory_space<vmem>>
        %dma_start3A_357 = arith.constant 0 : i32
        %dma_start3A_358 = arith.constant 0 : i32
        %dma_start3A_359 = tpu.memref_slice %arg4[%dma_start3A_357, %dma_start3A_358] : memref<409600x32xf32, #tpu.memory_space<hbm>> -> memref<409600x32xf32, #tpu.memory_space<hbm>>
        tpu.enqueue_indirect_dma source(%dma_start3A_359 : memref<409600x32xf32, #tpu.memory_space<hbm>>) target(%dma_start3A_353 : memref<128x32xf32, #tpu.memory_space<vmem>>) offsets(%dma_start3A_356 : memref<128xi32, #tpu.memory_space<vmem>>) semaphore(%arg12 : memref<!tpu.dma_semaphore, #tpu.memory_space<semaphore_mem>>)
      } else {
      }
      %dma_wait3A_264 = arith.constant 0 : i32
      %dma_wait3A_265 = arith.constant 4 : i32
      %dma_wait3A_266 = arith.constant 0 : i32
      %dma_wait3A_267 = arith.constant 0 : i32
      %dma_wait3A_268 = tpu.memref_slice %arg9[%dma_wait3A_265, %dma_wait3A_266, %dma_wait3A_267] : memref<6x128x32xf32, #tpu.memory_space<vmem>> -> memref<1x128x32xf32, #tpu.memory_space<vmem>>
      %dma_wait3A_269 = tpu.memref_squeeze %dma_wait3A_268 : memref<1x128x32xf32, #tpu.memory_space<vmem>> -> memref<128x32xf32, #tpu.memory_space<vmem>>
      %dma_wait3A_270 = arith.constant 0 : i32
      %dma_wait3A_271 = tpu.memref_slice %arg7[%dma_wait3A_264, %dma_wait3A_270] : memref<2x768xi32, #tpu.memory_space<vmem>> -> memref<1x128xi32, #tpu.memory_space<vmem>>
      %dma_wait3A_272 = tpu.memref_squeeze %dma_wait3A_271 : memref<1x128xi32, #tpu.memory_space<vmem>> -> memref<128xi32, #tpu.memory_space<vmem>>
      %dma_wait3A_273 = arith.constant 0 : i32
      %dma_wait3A_274 = arith.constant 0 : i32
      %dma_wait3A_275 = tpu.memref_slice %arg4[%dma_wait3A_273, %dma_wait3A_274] : memref<409600x32xf32, #tpu.memory_space<hbm>> -> memref<409600x32xf32, #tpu.memory_space<hbm>>
      tpu.wait_indirect_dma semaphore(%arg15 : memref<!tpu.dma_semaphore, #tpu.memory_space<semaphore_mem>>) src(%dma_wait3A_275 : memref<409600x32xf32, #tpu.memory_space<hbm>>) dst(%dma_wait3A_269 : memref<128x32xf32, #tpu.memory_space<vmem>>)
      %dma_start3A_276 = arith.constant 4 : i32
      %dma_start3A_277 = arith.constant 4 : i32
      %dma_start3A_278 = arith.constant 0 : i32
      %dma_start3A_279 = arith.constant 0 : i32
      %dma_start3A_280 = tpu.memref_slice %arg9[%dma_start3A_276, %dma_start3A_278, %dma_start3A_279] : memref<6x128x32xf32, #tpu.memory_space<vmem>> -> memref<1x128x32xf32, #tpu.memory_space<vmem>>
      %dma_start3A_281 = tpu.memref_squeeze %dma_start3A_280 : memref<1x128x32xf32, #tpu.memory_space<vmem>> -> memref<128x32xf32, #tpu.memory_space<vmem>>
      %dma_start3A_282 = arith.constant 0 : i32
      %dma_start3A_283 = tpu.memref_slice %arg8[%rem3A_103, %dma_start3A_277, %dma_start3A_282] : memref<2x6x128xi32, #tpu.memory_space<vmem>> -> memref<1x1x128xi32, #tpu.memory_space<vmem>>
      %dma_start3A_284 = tpu.memref_squeeze %dma_start3A_283 : memref<1x1x128xi32, #tpu.memory_space<vmem>> -> memref<128xi32, #tpu.memory_space<vmem>>
      %dma_start3A_285 = arith.constant 0 : i32
      %dma_start3A_286 = arith.constant 0 : i32
      %dma_start3A_287 = tpu.memref_slice %arg10[%dma_start3A_285, %dma_start3A_286] : memref<51200x32xf32, #tpu.memory_space<vmem_shared>> -> memref<51200x32xf32, #tpu.memory_space<vmem_shared>>
      tpu.enqueue_indirect_dma source(%dma_start3A_281 : memref<128x32xf32, #tpu.memory_space<vmem>>) target(%dma_start3A_287 : memref<51200x32xf32, #tpu.memory_space<vmem_shared>>) offsets(%dma_start3A_284 : memref<128xi32, #tpu.memory_space<vmem>>) semaphore(%arg21 : memref<!tpu.dma_semaphore, #tpu.memory_space<semaphore_mem>>) {add = true}
      %dma_wait3A_288 = arith.constant 2 : i32
      %dma_wait3A_289 = arith.constant 0 : i32
      %dma_wait3A_290 = arith.constant 0 : i32
      %dma_wait3A_291 = arith.constant 0 : i32
      %dma_wait3A_292 = arith.constant 0 : i32
      %dma_wait3A_293 = tpu.memref_slice %arg9[%dma_wait3A_288, %dma_wait3A_291, %dma_wait3A_292] : memref<6x128x32xf32, #tpu.memory_space<vmem>> -> memref<1x128x32xf32, #tpu.memory_space<vmem>>
      %dma_wait3A_294 = tpu.memref_squeeze %dma_wait3A_293 : memref<1x128x32xf32, #tpu.memory_space<vmem>> -> memref<128x32xf32, #tpu.memory_space<vmem>>
      %dma_wait3A_295 = arith.constant 0 : i32
      %dma_wait3A_296 = tpu.memref_slice %arg8[%dma_wait3A_289, %dma_wait3A_290, %dma_wait3A_295] : memref<2x6x128xi32, #tpu.memory_space<vmem>> -> memref<1x1x128xi32, #tpu.memory_space<vmem>>
      %dma_wait3A_297 = tpu.memref_squeeze %dma_wait3A_296 : memref<1x1x128xi32, #tpu.memory_space<vmem>> -> memref<128xi32, #tpu.memory_space<vmem>>
      %dma_wait3A_298 = arith.constant 0 : i32
      %dma_wait3A_299 = arith.constant 0 : i32
      %dma_wait3A_300 = tpu.memref_slice %arg10[%dma_wait3A_298, %dma_wait3A_299] : memref<51200x32xf32, #tpu.memory_space<vmem_shared>> -> memref<51200x32xf32, #tpu.memory_space<vmem_shared>>
      tpu.wait_indirect_dma semaphore(%arg19 : memref<!tpu.dma_semaphore, #tpu.memory_space<semaphore_mem>>) src(%dma_wait3A_294 : memref<128x32xf32, #tpu.memory_space<vmem>>) dst(%dma_wait3A_300 : memref<51200x32xf32, #tpu.memory_space<vmem_shared>>)
      %lt3A_301 = arith.constant 65 : i32
      %lt3A_302 = arith.cmpi slt, %scan3A_102, %lt3A_301 : i32
      %convert_element_type3A_303 = arith.extui %lt3A_302 : i1 to i32
      %cond3A_304 = arith.constant 0 : i32
      %cond3A_305 = arith.cmpi ne, %convert_element_type3A_303, %cond3A_304 : i32
      scf.if %cond3A_305 {
        %sub3A = arith.constant 1 : i32
        %sub3A_348 = arith.subi %sub3A, %rem3A_103 : i32
        %dma_start3A_349 = arith.constant 2 : i32
        %dma_start3A_350 = arith.constant 0 : i32
        %dma_start3A_351 = arith.constant 0 : i32
        %dma_start3A_352 = tpu.memref_slice %arg9[%dma_start3A_349, %dma_start3A_350, %dma_start3A_351] : memref<6x128x32xf32, #tpu.memory_space<vmem>> -> memref<1x128x32xf32, #tpu.memory_space<vmem>>
        %dma_start3A_353 = tpu.memref_squeeze %dma_start3A_352 : memref<1x128x32xf32, #tpu.memory_space<vmem>> -> memref<128x32xf32, #tpu.memory_space<vmem>>
        %dma_start3A_354 = arith.constant 256 : i32
        %dma_start3A_355 = tpu.memref_slice %arg7[%sub3A_348, %dma_start3A_354] : memref<2x768xi32, #tpu.memory_space<vmem>> -> memref<1x128xi32, #tpu.memory_space<vmem>>
        %dma_start3A_356 = tpu.memref_squeeze %dma_start3A_355 : memref<1x128xi32, #tpu.memory_space<vmem>> -> memref<128xi32, #tpu.memory_space<vmem>>
        %dma_start3A_357 = arith.constant 0 : i32
        %dma_start3A_358 = arith.constant 0 : i32
        %dma_start3A_359 = tpu.memref_slice %arg4[%dma_start3A_357, %dma_start3A_358] : memref<409600x32xf32, #tpu.memory_space<hbm>> -> memref<409600x32xf32, #tpu.memory_space<hbm>>
        tpu.enqueue_indirect_dma source(%dma_start3A_359 : memref<409600x32xf32, #tpu.memory_space<hbm>>) target(%dma_start3A_353 : memref<128x32xf32, #tpu.memory_space<vmem>>) offsets(%dma_start3A_356 : memref<128xi32, #tpu.memory_space<vmem>>) semaphore(%arg13 : memref<!tpu.dma_semaphore, #tpu.memory_space<semaphore_mem>>)
      } else {
      }
      %dma_wait3A_306 = arith.constant 0 : i32
      %dma_wait3A_307 = arith.constant 5 : i32
      %dma_wait3A_308 = arith.constant 0 : i32
      %dma_wait3A_309 = arith.constant 0 : i32
      %dma_wait3A_310 = tpu.memref_slice %arg9[%dma_wait3A_307, %dma_wait3A_308, %dma_wait3A_309] : memref<6x128x32xf32, #tpu.memory_space<vmem>> -> memref<1x128x32xf32, #tpu.memory_space<vmem>>
      %dma_wait3A_311 = tpu.memref_squeeze %dma_wait3A_310 : memref<1x128x32xf32, #tpu.memory_space<vmem>> -> memref<128x32xf32, #tpu.memory_space<vmem>>
      %dma_wait3A_312 = arith.constant 0 : i32
      %dma_wait3A_313 = tpu.memref_slice %arg7[%dma_wait3A_306, %dma_wait3A_312] : memref<2x768xi32, #tpu.memory_space<vmem>> -> memref<1x128xi32, #tpu.memory_space<vmem>>
      %dma_wait3A_314 = tpu.memref_squeeze %dma_wait3A_313 : memref<1x128xi32, #tpu.memory_space<vmem>> -> memref<128xi32, #tpu.memory_space<vmem>>
      %dma_wait3A_315 = arith.constant 0 : i32
      %dma_wait3A_316 = arith.constant 0 : i32
      %dma_wait3A_317 = tpu.memref_slice %arg4[%dma_wait3A_315, %dma_wait3A_316] : memref<409600x32xf32, #tpu.memory_space<hbm>> -> memref<409600x32xf32, #tpu.memory_space<hbm>>
      tpu.wait_indirect_dma semaphore(%arg16 : memref<!tpu.dma_semaphore, #tpu.memory_space<semaphore_mem>>) src(%dma_wait3A_317 : memref<409600x32xf32, #tpu.memory_space<hbm>>) dst(%dma_wait3A_311 : memref<128x32xf32, #tpu.memory_space<vmem>>)
      %dma_start3A_318 = arith.constant 5 : i32
      %dma_start3A_319 = arith.constant 5 : i32
      %dma_start3A_320 = arith.constant 0 : i32
      %dma_start3A_321 = arith.constant 0 : i32
      %dma_start3A_322 = tpu.memref_slice %arg9[%dma_start3A_318, %dma_start3A_320, %dma_start3A_321] : memref<6x128x32xf32, #tpu.memory_space<vmem>> -> memref<1x128x32xf32, #tpu.memory_space<vmem>>
      %dma_start3A_323 = tpu.memref_squeeze %dma_start3A_322 : memref<1x128x32xf32, #tpu.memory_space<vmem>> -> memref<128x32xf32, #tpu.memory_space<vmem>>
      %dma_start3A_324 = arith.constant 0 : i32
      %dma_start3A_325 = tpu.memref_slice %arg8[%rem3A_103, %dma_start3A_319, %dma_start3A_324] : memref<2x6x128xi32, #tpu.memory_space<vmem>> -> memref<1x1x128xi32, #tpu.memory_space<vmem>>
      %dma_start3A_326 = tpu.memref_squeeze %dma_start3A_325 : memref<1x1x128xi32, #tpu.memory_space<vmem>> -> memref<128xi32, #tpu.memory_space<vmem>>
      %dma_start3A_327 = arith.constant 0 : i32
      %dma_start3A_328 = arith.constant 0 : i32
      %dma_start3A_329 = tpu.memref_slice %arg10[%dma_start3A_327, %dma_start3A_328] : memref<51200x32xf32, #tpu.memory_space<vmem_shared>> -> memref<51200x32xf32, #tpu.memory_space<vmem_shared>>
      tpu.enqueue_indirect_dma source(%dma_start3A_323 : memref<128x32xf32, #tpu.memory_space<vmem>>) target(%dma_start3A_329 : memref<51200x32xf32, #tpu.memory_space<vmem_shared>>) offsets(%dma_start3A_326 : memref<128xi32, #tpu.memory_space<vmem>>) semaphore(%arg22 : memref<!tpu.dma_semaphore, #tpu.memory_space<semaphore_mem>>) {add = true}
      %dma_wait3A_330 = arith.constant 3 : i32
      %dma_wait3A_331 = arith.constant 0 : i32
      %dma_wait3A_332 = arith.constant 0 : i32
      %dma_wait3A_333 = arith.constant 0 : i32
      %dma_wait3A_334 = arith.constant 0 : i32
      %dma_wait3A_335 = tpu.memref_slice %arg9[%dma_wait3A_330, %dma_wait3A_333, %dma_wait3A_334] : memref<6x128x32xf32, #tpu.memory_space<vmem>> -> memref<1x128x32xf32, #tpu.memory_space<vmem>>
      %dma_wait3A_336 = tpu.memref_squeeze %dma_wait3A_335 : memref<1x128x32xf32, #tpu.memory_space<vmem>> -> memref<128x32xf32, #tpu.memory_space<vmem>>
      %dma_wait3A_337 = arith.constant 0 : i32
      %dma_wait3A_338 = tpu.memref_slice %arg8[%dma_wait3A_331, %dma_wait3A_332, %dma_wait3A_337] : memref<2x6x128xi32, #tpu.memory_space<vmem>> -> memref<1x1x128xi32, #tpu.memory_space<vmem>>
      %dma_wait3A_339 = tpu.memref_squeeze %dma_wait3A_338 : memref<1x1x128xi32, #tpu.memory_space<vmem>> -> memref<128xi32, #tpu.memory_space<vmem>>
      %dma_wait3A_340 = arith.constant 0 : i32
      %dma_wait3A_341 = arith.constant 0 : i32
      %dma_wait3A_342 = tpu.memref_slice %arg10[%dma_wait3A_340, %dma_wait3A_341] : memref<51200x32xf32, #tpu.memory_space<vmem_shared>> -> memref<51200x32xf32, #tpu.memory_space<vmem_shared>>
      tpu.wait_indirect_dma semaphore(%arg20 : memref<!tpu.dma_semaphore, #tpu.memory_space<semaphore_mem>>) src(%dma_wait3A_336 : memref<128x32xf32, #tpu.memory_space<vmem>>) dst(%dma_wait3A_342 : memref<51200x32xf32, #tpu.memory_space<vmem_shared>>)
      %lt3A_343 = arith.constant 65 : i32
      %lt3A_344 = arith.cmpi slt, %scan3A_102, %lt3A_343 : i32
      %convert_element_type3A_345 = arith.extui %lt3A_344 : i1 to i32
      %cond3A_346 = arith.constant 0 : i32
      %cond3A_347 = arith.cmpi ne, %convert_element_type3A_345, %cond3A_346 : i32
      scf.if %cond3A_347 {
        %sub3A = arith.constant 1 : i32
        %sub3A_348 = arith.subi %sub3A, %rem3A_103 : i32
        %dma_start3A_349 = arith.constant 3 : i32
        %dma_start3A_350 = arith.constant 0 : i32
        %dma_start3A_351 = arith.constant 0 : i32
        %dma_start3A_352 = tpu.memref_slice %arg9[%dma_start3A_349, %dma_start3A_350, %dma_start3A_351] : memref<6x128x32xf32, #tpu.memory_space<vmem>> -> memref<1x128x32xf32, #tpu.memory_space<vmem>>
        %dma_start3A_353 = tpu.memref_squeeze %dma_start3A_352 : memref<1x128x32xf32, #tpu.memory_space<vmem>> -> memref<128x32xf32, #tpu.memory_space<vmem>>
        %dma_start3A_354 = arith.constant 384 : i32
        %dma_start3A_355 = tpu.memref_slice %arg7[%sub3A_348, %dma_start3A_354] : memref<2x768xi32, #tpu.memory_space<vmem>> -> memref<1x128xi32, #tpu.memory_space<vmem>>
        %dma_start3A_356 = tpu.memref_squeeze %dma_start3A_355 : memref<1x128xi32, #tpu.memory_space<vmem>> -> memref<128xi32, #tpu.memory_space<vmem>>
        %dma_start3A_357 = arith.constant 0 : i32
        %dma_start3A_358 = arith.constant 0 : i32
        %dma_start3A_359 = tpu.memref_slice %arg4[%dma_start3A_357, %dma_start3A_358] : memref<409600x32xf32, #tpu.memory_space<hbm>> -> memref<409600x32xf32, #tpu.memory_space<hbm>>
        tpu.enqueue_indirect_dma source(%dma_start3A_359 : memref<409600x32xf32, #tpu.memory_space<hbm>>) target(%dma_start3A_353 : memref<128x32xf32, #tpu.memory_space<vmem>>) offsets(%dma_start3A_356 : memref<128xi32, #tpu.memory_space<vmem>>) semaphore(%arg14 : memref<!tpu.dma_semaphore, #tpu.memory_space<semaphore_mem>>)
      } else {
      }
    }
    %scan3A_68 = arith.constant 66 : i32
    %dma_wait3A = arith.constant 4 : i32
    %dma_wait3A_69 = arith.constant 0 : i32
    %dma_wait3A_70 = arith.constant 0 : i32
    %dma_wait3A_71 = arith.constant 0 : i32
    %dma_wait3A_72 = arith.constant 0 : i32
    %dma_wait3A_73 = tpu.memref_slice %arg9[%dma_wait3A, %dma_wait3A_71, %dma_wait3A_72] : memref<6x128x32xf32, #tpu.memory_space<vmem>> -> memref<1x128x32xf32, #tpu.memory_space<vmem>>
    %dma_wait3A_74 = tpu.memref_squeeze %dma_wait3A_73 : memref<1x128x32xf32, #tpu.memory_space<vmem>> -> memref<128x32xf32, #tpu.memory_space<vmem>>
    %dma_wait3A_75 = arith.constant 0 : i32
    %dma_wait3A_76 = tpu.memref_slice %arg8[%dma_wait3A_69, %dma_wait3A_70, %dma_wait3A_75] : memref<2x6x128xi32, #tpu.memory_space<vmem>> -> memref<1x1x128xi32, #tpu.memory_space<vmem>>
    %dma_wait3A_77 = tpu.memref_squeeze %dma_wait3A_76 : memref<1x1x128xi32, #tpu.memory_space<vmem>> -> memref<128xi32, #tpu.memory_space<vmem>>
    %dma_wait3A_78 = arith.constant 0 : i32
    %dma_wait3A_79 = arith.constant 0 : i32
    %dma_wait3A_80 = tpu.memref_slice %arg10[%dma_wait3A_78, %dma_wait3A_79] : memref<51200x32xf32, #tpu.memory_space<vmem_shared>> -> memref<51200x32xf32, #tpu.memory_space<vmem_shared>>
    tpu.wait_indirect_dma semaphore(%arg21 : memref<!tpu.dma_semaphore, #tpu.memory_space<semaphore_mem>>) src(%dma_wait3A_74 : memref<128x32xf32, #tpu.memory_space<vmem>>) dst(%dma_wait3A_80 : memref<51200x32xf32, #tpu.memory_space<vmem_shared>>)
    %dma_wait3A_81 = arith.constant 5 : i32
    %dma_wait3A_82 = arith.constant 0 : i32
    %dma_wait3A_83 = arith.constant 0 : i32
    %dma_wait3A_84 = arith.constant 0 : i32
    %dma_wait3A_85 = arith.constant 0 : i32
    %dma_wait3A_86 = tpu.memref_slice %arg9[%dma_wait3A_81, %dma_wait3A_84, %dma_wait3A_85] : memref<6x128x32xf32, #tpu.memory_space<vmem>> -> memref<1x128x32xf32, #tpu.memory_space<vmem>>
    %dma_wait3A_87 = tpu.memref_squeeze %dma_wait3A_86 : memref<1x128x32xf32, #tpu.memory_space<vmem>> -> memref<128x32xf32, #tpu.memory_space<vmem>>
    %dma_wait3A_88 = arith.constant 0 : i32
    %dma_wait3A_89 = tpu.memref_slice %arg8[%dma_wait3A_82, %dma_wait3A_83, %dma_wait3A_88] : memref<2x6x128xi32, #tpu.memory_space<vmem>> -> memref<1x1x128xi32, #tpu.memory_space<vmem>>
    %dma_wait3A_90 = tpu.memref_squeeze %dma_wait3A_89 : memref<1x1x128xi32, #tpu.memory_space<vmem>> -> memref<128xi32, #tpu.memory_space<vmem>>
    %dma_wait3A_91 = arith.constant 0 : i32
    %dma_wait3A_92 = arith.constant 0 : i32
    %dma_wait3A_93 = tpu.memref_slice %arg10[%dma_wait3A_91, %dma_wait3A_92] : memref<51200x32xf32, #tpu.memory_space<vmem_shared>> -> memref<51200x32xf32, #tpu.memory_space<vmem_shared>>
    tpu.wait_indirect_dma semaphore(%arg22 : memref<!tpu.dma_semaphore, #tpu.memory_space<semaphore_mem>>) src(%dma_wait3A_87 : memref<128x32xf32, #tpu.memory_space<vmem>>) dst(%dma_wait3A_93 : memref<51200x32xf32, #tpu.memory_space<vmem_shared>>)
    %barrier3A_94 = arith.constant 0 : index
    tpu.barrier barrier_id(%barrier3A_94)
    %mul3A_95 = arith.constant 3200 : i32
    %mul3A_96 = arith.muli %arg1, %mul3A_95 : i32
    %mul3A_97 = arith.constant 51200 : i32
    %mul3A_98 = arith.muli %arg0, %mul3A_97 : i32
    %mul3A_99 = arith.constant 3200 : i32
    %mul3A_100 = arith.muli %arg1, %mul3A_99 : i32
    %add3A_101 = arith.addi %mul3A_98, %mul3A_100 : i32
    "tpu.region"() ({
      %run_scoped3A_102 = tpu.sem_alloc : memref<!tpu.dma_semaphore, #tpu.memory_space<semaphore_mem>>
      %dma_start3A_103 = arith.constant 0 : i32
      %dma_start3A_104 = tpu.memref_slice %arg6[%add3A_101, %dma_start3A_103] : memref<102400x32xf32, #tpu.memory_space<hbm>> -> memref<3200x32xf32, #tpu.memory_space<hbm>>
      %dma_start3A_105 = arith.constant 0 : i32
      %dma_start3A_106 = tpu.memref_slice %arg10[%mul3A_96, %dma_start3A_105] : memref<51200x32xf32, #tpu.memory_space<vmem_shared>> -> memref<3200x32xf32, #tpu.memory_space<vmem_shared>>
      tpu.enqueue_dma source(%dma_start3A_106 : memref<3200x32xf32, #tpu.memory_space<vmem_shared>>) target(%dma_start3A_104 : memref<3200x32xf32, #tpu.memory_space<hbm>>) target_semaphore(%run_scoped3A_102 : memref<!tpu.dma_semaphore, #tpu.memory_space<semaphore_mem>>)
      %dma_wait3A_107 = arith.constant 0 : i32
      %dma_wait3A_108 = tpu.memref_slice %arg6[%add3A_101, %dma_wait3A_107] : memref<102400x32xf32, #tpu.memory_space<hbm>> -> memref<3200x32xf32, #tpu.memory_space<hbm>>
      %dma_wait3A_109 = arith.constant 0 : i32
      %dma_wait3A_110 = tpu.memref_slice %arg10[%mul3A_96, %dma_wait3A_109] : memref<51200x32xf32, #tpu.memory_space<vmem_shared>> -> memref<3200x32xf32, #tpu.memory_space<vmem_shared>>
      tpu.wait_dma2 semaphore(%run_scoped3A_102 : memref<!tpu.dma_semaphore, #tpu.memory_space<semaphore_mem>>) src(%dma_wait3A_110 : memref<3200x32xf32, #tpu.memory_space<vmem_shared>>) dst(%dma_wait3A_108 : memref<3200x32xf32, #tpu.memory_space<hbm>>)
      tpu.yield
    }) : () -> ()
    return
  }
}

#map = affine_map<(d0, d1) -> (0)>
#map1 = affine_map<(d0, d1) -> (0, 0)>
module attributes {stable_mosaic.version = 14 : i64} {
  func.func @_edge_pass_body(%arg0: i32, %arg1: i32, %arg2: memref<811008xi32, #tpu.memory_space<hbm>>, %arg3: memref<6336x128xi32, #tpu.memory_space<hbm>>, %arg4: memref<409600x32xf32, #tpu.memory_space<hbm>>, %arg5: memref<3200x32xf32, #tpu.memory_space<hbm>>, %arg6: memref<102400x32xf32, #tpu.memory_space<hbm>>, %arg7: memref<2x768xi32, #tpu.memory_space<vmem>>, %arg8: memref<2x6x128xi32, #tpu.memory_space<vmem>>, %arg9: memref<6x128x32xf32, #tpu.memory_space<vmem>>, %arg10: memref<51200x32xf32, #tpu.memory_space<vmem_shared>>, %arg11: memref<!tpu.dma_semaphore, #tpu.memory_space<semaphore_mem>>, %arg12: memref<!tpu.dma_semaphore, #tpu.memory_space<semaphore_mem>>, %arg13: memref<!tpu.dma_semaphore, #tpu.memory_space<semaphore_mem>>, %arg14: memref<!tpu.dma_semaphore, #tpu.memory_space<semaphore_mem>>, %arg15: memref<!tpu.dma_semaphore, #tpu.memory_space<semaphore_mem>>, %arg16: memref<!tpu.dma_semaphore, #tpu.memory_space<semaphore_mem>>, %arg17: memref<!tpu.dma_semaphore, #tpu.memory_space<semaphore_mem>>, %arg18: memref<!tpu.dma_semaphore, #tpu.memory_space<semaphore_mem>>, %arg19: memref<!tpu.dma_semaphore, #tpu.memory_space<semaphore_mem>>, %arg20: memref<!tpu.dma_semaphore, #tpu.memory_space<semaphore_mem>>, %arg21: memref<!tpu.dma_semaphore, #tpu.memory_space<semaphore_mem>>, %arg22: memref<!tpu.dma_semaphore, #tpu.memory_space<semaphore_mem>>) attributes {dimension_semantics = [#tpu.dimension_semantics<core_parallel>, #tpu.dimension_semantics<subcore_parallel>], iteration_bounds = array<i64: 2, 16>, scalar_prefetch = 0 : i64, scratch_operands = 16 : i64, tpu.core_type = #tpu.core_type<sc_vector_subcore>, window_params = [{transform_indices = #map}, {transform_indices = #map1}, {transform_indices = #map1}, {transform_indices = #map1}, {transform_indices = #map1}]} {
    %mul3A = arith.constant 3200 : i32
    %mul3A_0 = arith.muli %arg1, %mul3A : i32
    "tpu.region"() ({
      %run_scoped3A_102 = tpu.sem_alloc : memref<!tpu.dma_semaphore, #tpu.memory_space<semaphore_mem>>
      %dma_start3A_103 = arith.constant 0 : i32
      %dma_start3A_104 = tpu.memref_slice %arg10[%mul3A_0, %dma_start3A_103] : memref<51200x32xf32, #tpu.memory_space<vmem_shared>> -> memref<3200x32xf32, #tpu.memory_space<vmem_shared>>
      tpu.enqueue_dma source(%arg5 : memref<3200x32xf32, #tpu.memory_space<hbm>>) target(%dma_start3A_104 : memref<3200x32xf32, #tpu.memory_space<vmem_shared>>) target_semaphore(%run_scoped3A_102 : memref<!tpu.dma_semaphore, #tpu.memory_space<semaphore_mem>>)
      %dma_wait3A_105 = arith.constant 0 : i32
      %dma_wait3A_106 = tpu.memref_slice %arg10[%mul3A_0, %dma_wait3A_105] : memref<51200x32xf32, #tpu.memory_space<vmem_shared>> -> memref<3200x32xf32, #tpu.memory_space<vmem_shared>>
      tpu.wait_dma2 semaphore(%run_scoped3A_102 : memref<!tpu.dma_semaphore, #tpu.memory_space<semaphore_mem>>) src(%arg5 : memref<3200x32xf32, #tpu.memory_space<hbm>>) dst(%dma_wait3A_106 : memref<3200x32xf32, #tpu.memory_space<vmem_shared>>)
      tpu.yield
    }) : () -> ()
    %barrier3A = arith.constant 0 : index
    tpu.barrier barrier_id(%barrier3A)
    %mul3A_1 = arith.constant 204800 : i32
    %mul3A_2 = arith.muli %arg0, %mul3A_1 : i32
    %mul3A_3 = arith.constant 50688 : i32
    %mul3A_4 = arith.muli %arg1, %mul3A_3 : i32
    %add3A = arith.constant 0 : i32
    %add3A_5 = arith.addi %mul3A_4, %add3A : i32
    %run_scoped3A = arith.constant 0 : i32
    "tpu.region"() ({
      %run_scoped3A_102 = tpu.sem_alloc : memref<!tpu.dma_semaphore, #tpu.memory_space<semaphore_mem>>
      %dma_start3A_103 = arith.constant 0 : i32
      %dma_start3A_104 = tpu.memref_slice %arg7[%run_scoped3A, %dma_start3A_103] : memref<2x768xi32, #tpu.memory_space<vmem>> -> memref<1x768xi32, #tpu.memory_space<vmem>>
      %dma_start3A_105 = tpu.memref_squeeze %dma_start3A_104 : memref<1x768xi32, #tpu.memory_space<vmem>> -> memref<768xi32, #tpu.memory_space<vmem>>
      %dma_start3A_106 = tpu.memref_slice %arg2[%add3A_5] : memref<811008xi32, #tpu.memory_space<hbm>> -> memref<768xi32, #tpu.memory_space<hbm>>
      %dma_start3A_107 = arith.constant 0 : i32
      %dma_start3A_108 = tpu.memref_slice %arg7[%run_scoped3A, %dma_start3A_107] : memref<2x768xi32, #tpu.memory_space<vmem>> -> memref<1x768xi32, #tpu.memory_space<vmem>>
      %dma_start3A_109 = tpu.memref_squeeze %dma_start3A_108 : memref<1x768xi32, #tpu.memory_space<vmem>> -> memref<768xi32, #tpu.memory_space<vmem>>
      %dma_start3A_110 = tpu.memref_slice %arg2[%add3A_5] : memref<811008xi32, #tpu.memory_space<hbm>> -> memref<768xi32, #tpu.memory_space<hbm>>
      tpu.enqueue_dma source(%dma_start3A_110 : memref<768xi32, #tpu.memory_space<hbm>>) target(%dma_start3A_109 : memref<768xi32, #tpu.memory_space<vmem>>) target_semaphore(%run_scoped3A_102 : memref<!tpu.dma_semaphore, #tpu.memory_space<semaphore_mem>>)
      %dma_wait3A_111 = arith.constant 0 : i32
      %dma_wait3A_112 = tpu.memref_slice %arg7[%run_scoped3A, %dma_wait3A_111] : memref<2x768xi32, #tpu.memory_space<vmem>> -> memref<1x768xi32, #tpu.memory_space<vmem>>
      %dma_wait3A_113 = tpu.memref_squeeze %dma_wait3A_112 : memref<1x768xi32, #tpu.memory_space<vmem>> -> memref<768xi32, #tpu.memory_space<vmem>>
      %dma_wait3A_114 = tpu.memref_slice %arg2[%add3A_5] : memref<811008xi32, #tpu.memory_space<hbm>> -> memref<768xi32, #tpu.memory_space<hbm>>
      %dma_wait3A_115 = arith.constant 0 : i32
      %dma_wait3A_116 = tpu.memref_slice %arg7[%run_scoped3A, %dma_wait3A_115] : memref<2x768xi32, #tpu.memory_space<vmem>> -> memref<1x768xi32, #tpu.memory_space<vmem>>
      %dma_wait3A_117 = tpu.memref_squeeze %dma_wait3A_116 : memref<1x768xi32, #tpu.memory_space<vmem>> -> memref<768xi32, #tpu.memory_space<vmem>>
      %dma_wait3A_118 = tpu.memref_slice %arg2[%add3A_5] : memref<811008xi32, #tpu.memory_space<hbm>> -> memref<768xi32, #tpu.memory_space<hbm>>
      tpu.wait_dma2 semaphore(%run_scoped3A_102 : memref<!tpu.dma_semaphore, #tpu.memory_space<semaphore_mem>>) src(%dma_wait3A_118 : memref<768xi32, #tpu.memory_space<hbm>>) dst(%dma_wait3A_117 : memref<768xi32, #tpu.memory_space<vmem>>)
      tpu.yield
    }) : () -> ()
    %scan3A = arith.constant 0 : i32
    %scan3A_6 = arith.constant 0 : i32
    %scan3A_7 = arith.constant 48 : i32
    %scan3A_8 = arith.addi %scan3A_6, %scan3A_7 : i32
    %scan3A_9 = arith.constant 1 : i32
    scf.for %scan3A_102 = %scan3A_6 to %scan3A_8 step %scan3A_9  : i32 {
      %mul3A_103 = arith.constant 16 : i32
      %mul3A_104 = arith.muli %scan3A_102, %mul3A_103 : i32
      %get3A = arith.constant 0 : i32
      %get3A_105 = arith.index_cast %get3A : i32 to index
      %get3A_106 = arith.index_cast %mul3A_104 : i32 to index
      %get3A_107 = tpu.vector_load %arg7[%get3A_105, %get3A_106] {strides = array<i32>} : memref<2x768xi32, #tpu.memory_space<vmem>>, vector<1x16xi32>,
      %get3A_108 = vector.shape_cast %get3A_107 : vector<1x16xi32> to vector<16xi32>
      %add3A_109 = vector.broadcast %mul3A_2 : i32 to vector<16xi32>
      %add3A_110 = arith.addi %get3A_108, %add3A_109 : vector<16xi32>
      %swap3A = arith.constant 0 : i32
      %swap3A_111 = arith.index_cast %swap3A : i32 to index
      %swap3A_112 = arith.index_cast %mul3A_104 : i32 to index
      %swap3A_113 = tpu.vector_load %arg7[%swap3A_111, %swap3A_112] {strides = array<i32>} : memref<2x768xi32, #tpu.memory_space<vmem>>, vector<1x16xi32>,
      %swap3A_114 = vector.shape_cast %swap3A_113 : vector<1x16xi32> to vector<16xi32>
      %swap3A_115 = vector.shape_cast %add3A_110 : vector<16xi32> to vector<1x16xi32>
      tpu.vector_store %arg7[%swap3A_111, %swap3A_112], %swap3A_115 {strides = array<i32>} : memref<2x768xi32, #tpu.memory_space<vmem>>, vector<1x16xi32>,
    }
    %scan3A_10 = arith.constant 48 : i32
    %mul3A_11 = arith.constant 396 : i32
    %mul3A_12 = arith.muli %arg1, %mul3A_11 : i32
    %add3A_13 = arith.constant 0 : i32
    %add3A_14 = arith.addi %mul3A_12, %add3A_13 : i32
    %run_scoped3A_15 = arith.constant 0 : i32
    "tpu.region"() ({
      %run_scoped3A_102 = tpu.sem_alloc : memref<!tpu.dma_semaphore, #tpu.memory_space<semaphore_mem>>
      %dma_start3A_103 = arith.constant 0 : i32
      %dma_start3A_104 = arith.constant 0 : i32
      %dma_start3A_105 = tpu.memref_slice %arg8[%run_scoped3A_15, %dma_start3A_103, %dma_start3A_104] : memref<2x6x128xi32, #tpu.memory_space<vmem>> -> memref<1x6x128xi32, #tpu.memory_space<vmem>>
      %dma_start3A_106 = tpu.memref_squeeze %dma_start3A_105 : memref<1x6x128xi32, #tpu.memory_space<vmem>> -> memref<6x128xi32, #tpu.memory_space<vmem>>
      %dma_start3A_107 = arith.constant 0 : i32
      %dma_start3A_108 = tpu.memref_slice %arg3[%add3A_14, %dma_start3A_107] : memref<6336x128xi32, #tpu.memory_space<hbm>> -> memref<6x128xi32, #tpu.memory_space<hbm>>
      %dma_start3A_109 = arith.constant 0 : i32
      %dma_start3A_110 = arith.constant 0 : i32
      %dma_start3A_111 = tpu.memref_slice %arg8[%run_scoped3A_15, %dma_start3A_109, %dma_start3A_110] : memref<2x6x128xi32, #tpu.memory_space<vmem>> -> memref<1x6x128xi32, #tpu.memory_space<vmem>>
      %dma_start3A_112 = tpu.memref_squeeze %dma_start3A_111 : memref<1x6x128xi32, #tpu.memory_space<vmem>> -> memref<6x128xi32, #tpu.memory_space<vmem>>
      %dma_start3A_113 = arith.constant 0 : i32
      %dma_start3A_114 = tpu.memref_slice %arg3[%add3A_14, %dma_start3A_113] : memref<6336x128xi32, #tpu.memory_space<hbm>> -> memref<6x128xi32, #tpu.memory_space<hbm>>
      tpu.enqueue_dma source(%dma_start3A_114 : memref<6x128xi32, #tpu.memory_space<hbm>>) target(%dma_start3A_112 : memref<6x128xi32, #tpu.memory_space<vmem>>) target_semaphore(%run_scoped3A_102 : memref<!tpu.dma_semaphore, #tpu.memory_space<semaphore_mem>>)
      %dma_wait3A_115 = arith.constant 0 : i32
      %dma_wait3A_116 = arith.constant 0 : i32
      %dma_wait3A_117 = tpu.memref_slice %arg8[%run_scoped3A_15, %dma_wait3A_115, %dma_wait3A_116] : memref<2x6x128xi32, #tpu.memory_space<vmem>> -> memref<1x6x128xi32, #tpu.memory_space<vmem>>
      %dma_wait3A_118 = tpu.memref_squeeze %dma_wait3A_117 : memref<1x6x128xi32, #tpu.memory_space<vmem>> -> memref<6x128xi32, #tpu.memory_space<vmem>>
      %dma_wait3A_119 = arith.constant 0 : i32
      %dma_wait3A_120 = tpu.memref_slice %arg3[%add3A_14, %dma_wait3A_119] : memref<6336x128xi32, #tpu.memory_space<hbm>> -> memref<6x128xi32, #tpu.memory_space<hbm>>
      %dma_wait3A_121 = arith.constant 0 : i32
      %dma_wait3A_122 = arith.constant 0 : i32
      %dma_wait3A_123 = tpu.memref_slice %arg8[%run_scoped3A_15, %dma_wait3A_121, %dma_wait3A_122] : memref<2x6x128xi32, #tpu.memory_space<vmem>> -> memref<1x6x128xi32, #tpu.memory_space<vmem>>
      %dma_wait3A_124 = tpu.memref_squeeze %dma_wait3A_123 : memref<1x6x128xi32, #tpu.memory_space<vmem>> -> memref<6x128xi32, #tpu.memory_space<vmem>>
      %dma_wait3A_125 = arith.constant 0 : i32
      %dma_wait3A_126 = tpu.memref_slice %arg3[%add3A_14, %dma_wait3A_125] : memref<6336x128xi32, #tpu.memory_space<hbm>> -> memref<6x128xi32, #tpu.memory_space<hbm>>
      tpu.wait_dma2 semaphore(%run_scoped3A_102 : memref<!tpu.dma_semaphore, #tpu.memory_space<semaphore_mem>>) src(%dma_wait3A_126 : memref<6x128xi32, #tpu.memory_space<hbm>>) dst(%dma_wait3A_124 : memref<6x128xi32, #tpu.memory_space<vmem>>)
      tpu.yield
    }) : () -> ()
    %dma_start3A = arith.constant 0 : i32
    %dma_start3A_16 = arith.constant 0 : i32
    %dma_start3A_17 = arith.constant 0 : i32
    %dma_start3A_18 = arith.constant 0 : i32
    %dma_start3A_19 = tpu.memref_slice %arg9[%dma_start3A_16, %dma_start3A_17, %dma_start3A_18] : memref<6x128x32xf32, #tpu.memory_space<vmem>> -> memref<1x128x32xf32, #tpu.memory_space<vmem>>
    %dma_start3A_20 = tpu.memref_squeeze %dma_start3A_19 : memref<1x128x32xf32, #tpu.memory_space<vmem>> -> memref<128x32xf32, #tpu.memory_space<vmem>>
    %dma_start3A_21 = arith.constant 0 : i32
    %dma_start3A_22 = tpu.memref_slice %arg7[%dma_start3A, %dma_start3A_21] : memref<2x768xi32, #tpu.memory_space<vmem>> -> memref<1x128xi32, #tpu.memory_space<vmem>>
    %dma_start3A_23 = tpu.memref_squeeze %dma_start3A_22 : memref<1x128xi32, #tpu.memory_space<vmem>> -> memref<128xi32, #tpu.memory_space<vmem>>
    %dma_start3A_24 = arith.constant 0 : i32
    %dma_start3A_25 = arith.constant 0 : i32
    %dma_start3A_26 = tpu.memref_slice %arg4[%dma_start3A_24, %dma_start3A_25] : memref<409600x32xf32, #tpu.memory_space<hbm>> -> memref<409600x32xf32, #tpu.memory_space<hbm>>
    tpu.enqueue_indirect_dma source(%dma_start3A_26 : memref<409600x32xf32, #tpu.memory_space<hbm>>) target(%dma_start3A_20 : memref<128x32xf32, #tpu.memory_space<vmem>>) offsets(%dma_start3A_23 : memref<128xi32, #tpu.memory_space<vmem>>) semaphore(%arg11 : memref<!tpu.dma_semaphore, #tpu.memory_space<semaphore_mem>>)
    %dma_start3A_27 = arith.constant 0 : i32
    %dma_start3A_28 = arith.constant 1 : i32
    %dma_start3A_29 = arith.constant 0 : i32
    %dma_start3A_30 = arith.constant 0 : i32
    %dma_start3A_31 = tpu.memref_slice %arg9[%dma_start3A_28, %dma_start3A_29, %dma_start3A_30] : memref<6x128x32xf32, #tpu.memory_space<vmem>> -> memref<1x128x32xf32, #tpu.memory_space<vmem>>
    %dma_start3A_32 = tpu.memref_squeeze %dma_start3A_31 : memref<1x128x32xf32, #tpu.memory_space<vmem>> -> memref<128x32xf32, #tpu.memory_space<vmem>>
    %dma_start3A_33 = arith.constant 128 : i32
    %dma_start3A_34 = tpu.memref_slice %arg7[%dma_start3A_27, %dma_start3A_33] : memref<2x768xi32, #tpu.memory_space<vmem>> -> memref<1x128xi32, #tpu.memory_space<vmem>>
    %dma_start3A_35 = tpu.memref_squeeze %dma_start3A_34 : memref<1x128xi32, #tpu.memory_space<vmem>> -> memref<128xi32, #tpu.memory_space<vmem>>
    %dma_start3A_36 = arith.constant 0 : i32
    %dma_start3A_37 = arith.constant 0 : i32
    %dma_start3A_38 = tpu.memref_slice %arg4[%dma_start3A_36, %dma_start3A_37] : memref<409600x32xf32, #tpu.memory_space<hbm>> -> memref<409600x32xf32, #tpu.memory_space<hbm>>
    tpu.enqueue_indirect_dma source(%dma_start3A_38 : memref<409600x32xf32, #tpu.memory_space<hbm>>) target(%dma_start3A_32 : memref<128x32xf32, #tpu.memory_space<vmem>>) offsets(%dma_start3A_35 : memref<128xi32, #tpu.memory_space<vmem>>) semaphore(%arg12 : memref<!tpu.dma_semaphore, #tpu.memory_space<semaphore_mem>>)
    %dma_start3A_39 = arith.constant 0 : i32
    %dma_start3A_40 = arith.constant 2 : i32
    %dma_start3A_41 = arith.constant 0 : i32
    %dma_start3A_42 = arith.constant 0 : i32
    %dma_start3A_43 = tpu.memref_slice %arg9[%dma_start3A_40, %dma_start3A_41, %dma_start3A_42] : memref<6x128x32xf32, #tpu.memory_space<vmem>> -> memref<1x128x32xf32, #tpu.memory_space<vmem>>
    %dma_start3A_44 = tpu.memref_squeeze %dma_start3A_43 : memref<1x128x32xf32, #tpu.memory_space<vmem>> -> memref<128x32xf32, #tpu.memory_space<vmem>>
    %dma_start3A_45 = arith.constant 256 : i32
    %dma_start3A_46 = tpu.memref_slice %arg7[%dma_start3A_39, %dma_start3A_45] : memref<2x768xi32, #tpu.memory_space<vmem>> -> memref<1x128xi32, #tpu.memory_space<vmem>>
    %dma_start3A_47 = tpu.memref_squeeze %dma_start3A_46 : memref<1x128xi32, #tpu.memory_space<vmem>> -> memref<128xi32, #tpu.memory_space<vmem>>
    %dma_start3A_48 = arith.constant 0 : i32
    %dma_start3A_49 = arith.constant 0 : i32
    %dma_start3A_50 = tpu.memref_slice %arg4[%dma_start3A_48, %dma_start3A_49] : memref<409600x32xf32, #tpu.memory_space<hbm>> -> memref<409600x32xf32, #tpu.memory_space<hbm>>
    tpu.enqueue_indirect_dma source(%dma_start3A_50 : memref<409600x32xf32, #tpu.memory_space<hbm>>) target(%dma_start3A_44 : memref<128x32xf32, #tpu.memory_space<vmem>>) offsets(%dma_start3A_47 : memref<128xi32, #tpu.memory_space<vmem>>) semaphore(%arg13 : memref<!tpu.dma_semaphore, #tpu.memory_space<semaphore_mem>>)
    %dma_start3A_51 = arith.constant 0 : i32
    %dma_start3A_52 = arith.constant 3 : i32
    %dma_start3A_53 = arith.constant 0 : i32
    %dma_start3A_54 = arith.constant 0 : i32
    %dma_start3A_55 = tpu.memref_slice %arg9[%dma_start3A_52, %dma_start3A_53, %dma_start3A_54] : memref<6x128x32xf32, #tpu.memory_space<vmem>> -> memref<1x128x32xf32, #tpu.memory_space<vmem>>
    %dma_start3A_56 = tpu.memref_squeeze %dma_start3A_55 : memref<1x128x32xf32, #tpu.memory_space<vmem>> -> memref<128x32xf32, #tpu.memory_space<vmem>>
    %dma_start3A_57 = arith.constant 384 : i32
    %dma_start3A_58 = tpu.memref_slice %arg7[%dma_start3A_51, %dma_start3A_57] : memref<2x768xi32, #tpu.memory_space<vmem>> -> memref<1x128xi32, #tpu.memory_space<vmem>>
    %dma_start3A_59 = tpu.memref_squeeze %dma_start3A_58 : memref<1x128xi32, #tpu.memory_space<vmem>> -> memref<128xi32, #tpu.memory_space<vmem>>
    %dma_start3A_60 = arith.constant 0 : i32
    %dma_start3A_61 = arith.constant 0 : i32
    %dma_start3A_62 = tpu.memref_slice %arg4[%dma_start3A_60, %dma_start3A_61] : memref<409600x32xf32, #tpu.memory_space<hbm>> -> memref<409600x32xf32, #tpu.memory_space<hbm>>
    tpu.enqueue_indirect_dma source(%dma_start3A_62 : memref<409600x32xf32, #tpu.memory_space<hbm>>) target(%dma_start3A_56 : memref<128x32xf32, #tpu.memory_space<vmem>>) offsets(%dma_start3A_59 : memref<128xi32, #tpu.memory_space<vmem>>) semaphore(%arg14 : memref<!tpu.dma_semaphore, #tpu.memory_space<semaphore_mem>>)
    %scan3A_63 = arith.constant 0 : i32
    %scan3A_64 = arith.constant 0 : i32
    %scan3A_65 = arith.constant 66 : i32
    %scan3A_66 = arith.addi %scan3A_64, %scan3A_65 : i32
    %scan3A_67 = arith.constant 1 : i32
    scf.for %scan3A_102 = %scan3A_64 to %scan3A_66 step %scan3A_67  : i32 {
      %rem3A = arith.constant 2 : i32
      %rem3A_103 = arith.remsi %scan3A_102, %rem3A : i32
      %gt3A = arith.constant 0 : i32
      %gt3A_104 = arith.cmpi sgt, %scan3A_102, %gt3A : i32
      %convert_element_type3A = arith.extui %gt3A_104 : i1 to i32
      %cond3A = arith.constant 0 : i32
      %cond3A_105 = arith.cmpi ne, %convert_element_type3A, %cond3A : i32
      scf.if %cond3A_105 {
        %dma_wait3A_348 = arith.constant 4 : i32
        %dma_wait3A_349 = arith.constant 0 : i32
        %dma_wait3A_350 = arith.constant 0 : i32
        %dma_wait3A_351 = arith.constant 0 : i32
        %dma_wait3A_352 = arith.constant 0 : i32
        %dma_wait3A_353 = tpu.memref_slice %arg9[%dma_wait3A_348, %dma_wait3A_351, %dma_wait3A_352] : memref<6x128x32xf32, #tpu.memory_space<vmem>> -> memref<1x128x32xf32, #tpu.memory_space<vmem>>
        %dma_wait3A_354 = tpu.memref_squeeze %dma_wait3A_353 : memref<1x128x32xf32, #tpu.memory_space<vmem>> -> memref<128x32xf32, #tpu.memory_space<vmem>>
        %dma_wait3A_355 = arith.constant 0 : i32
        %dma_wait3A_356 = tpu.memref_slice %arg8[%dma_wait3A_349, %dma_wait3A_350, %dma_wait3A_355] : memref<2x6x128xi32, #tpu.memory_space<vmem>> -> memref<1x1x128xi32, #tpu.memory_space<vmem>>
        %dma_wait3A_357 = tpu.memref_squeeze %dma_wait3A_356 : memref<1x1x128xi32, #tpu.memory_space<vmem>> -> memref<128xi32, #tpu.memory_space<vmem>>
        %dma_wait3A_358 = arith.constant 0 : i32
        %dma_wait3A_359 = arith.constant 0 : i32
        %dma_wait3A_360 = tpu.memref_slice %arg10[%dma_wait3A_358, %dma_wait3A_359] : memref<51200x32xf32, #tpu.memory_space<vmem_shared>> -> memref<51200x32xf32, #tpu.memory_space<vmem_shared>>
        tpu.wait_indirect_dma semaphore(%arg21 : memref<!tpu.dma_semaphore, #tpu.memory_space<semaphore_mem>>) src(%dma_wait3A_354 : memref<128x32xf32, #tpu.memory_space<vmem>>) dst(%dma_wait3A_360 : memref<51200x32xf32, #tpu.memory_space<vmem_shared>>)
        %dma_wait3A_361 = arith.constant 5 : i32
        %dma_wait3A_362 = arith.constant 0 : i32
        %dma_wait3A_363 = arith.constant 0 : i32
        %dma_wait3A_364 = arith.constant 0 : i32
        %dma_wait3A_365 = arith.constant 0 : i32
        %dma_wait3A_366 = tpu.memref_slice %arg9[%dma_wait3A_361, %dma_wait3A_364, %dma_wait3A_365] : memref<6x128x32xf32, #tpu.memory_space<vmem>> -> memref<1x128x32xf32, #tpu.memory_space<vmem>>
        %dma_wait3A_367 = tpu.memref_squeeze %dma_wait3A_366 : memref<1x128x32xf32, #tpu.memory_space<vmem>> -> memref<128x32xf32, #tpu.memory_space<vmem>>
        %dma_wait3A_368 = arith.constant 0 : i32
        %dma_wait3A_369 = tpu.memref_slice %arg8[%dma_wait3A_362, %dma_wait3A_363, %dma_wait3A_368] : memref<2x6x128xi32, #tpu.memory_space<vmem>> -> memref<1x1x128xi32, #tpu.memory_space<vmem>>
        %dma_wait3A_370 = tpu.memref_squeeze %dma_wait3A_369 : memref<1x1x128xi32, #tpu.memory_space<vmem>> -> memref<128xi32, #tpu.memory_space<vmem>>
        %dma_wait3A_371 = arith.constant 0 : i32
        %dma_wait3A_372 = arith.constant 0 : i32
        %dma_wait3A_373 = tpu.memref_slice %arg10[%dma_wait3A_371, %dma_wait3A_372] : memref<51200x32xf32, #tpu.memory_space<vmem_shared>> -> memref<51200x32xf32, #tpu.memory_space<vmem_shared>>
        tpu.wait_indirect_dma semaphore(%arg22 : memref<!tpu.dma_semaphore, #tpu.memory_space<semaphore_mem>>) src(%dma_wait3A_367 : memref<128x32xf32, #tpu.memory_space<vmem>>) dst(%dma_wait3A_373 : memref<51200x32xf32, #tpu.memory_space<vmem_shared>>)
      } else {
      }
      %lt3A = arith.constant 65 : i32
      %lt3A_106 = arith.cmpi slt, %scan3A_102, %lt3A : i32
      %convert_element_type3A_107 = arith.extui %lt3A_106 : i1 to i32
      %cond3A_108 = arith.constant 0 : i32
      %cond3A_109 = arith.cmpi ne, %convert_element_type3A_107, %cond3A_108 : i32
      scf.if %cond3A_109 {
        %sub3A = arith.constant 1 : i32
        %sub3A_348 = arith.subi %sub3A, %rem3A_103 : i32
        %add3A_349 = arith.constant 1 : i32
        %add3A_350 = arith.addi %scan3A_102, %add3A_349 : i32
        %mul3A_351 = arith.constant 50688 : i32
        %mul3A_352 = arith.muli %arg1, %mul3A_351 : i32
        %mul3A_353 = arith.constant 768 : i32
        %mul3A_354 = arith.muli %add3A_350, %mul3A_353 : i32
        %add3A_355 = arith.addi %mul3A_352, %mul3A_354 : i32
        "tpu.region"() ({
          %run_scoped3A_367 = tpu.sem_alloc : memref<!tpu.dma_semaphore, #tpu.memory_space<semaphore_mem>>
          %dma_start3A_368 = arith.constant 0 : i32
          %dma_start3A_369 = tpu.memref_slice %arg7[%sub3A_348, %dma_start3A_368] : memref<2x768xi32, #tpu.memory_space<vmem>> -> memref<1x768xi32, #tpu.memory_space<vmem>>
          %dma_start3A_370 = tpu.memref_squeeze %dma_start3A_369 : memref<1x768xi32, #tpu.memory_space<vmem>> -> memref<768xi32, #tpu.memory_space<vmem>>
          %dma_start3A_371 = tpu.memref_slice %arg2[%add3A_355] : memref<811008xi32, #tpu.memory_space<hbm>> -> memref<768xi32, #tpu.memory_space<hbm>>
          %dma_start3A_372 = arith.constant 0 : i32
          %dma_start3A_373 = tpu.memref_slice %arg7[%sub3A_348, %dma_start3A_372] : memref<2x768xi32, #tpu.memory_space<vmem>> -> memref<1x768xi32, #tpu.memory_space<vmem>>
          %dma_start3A_374 = tpu.memref_squeeze %dma_start3A_373 : memref<1x768xi32, #tpu.memory_space<vmem>> -> memref<768xi32, #tpu.memory_space<vmem>>
          %dma_start3A_375 = tpu.memref_slice %arg2[%add3A_355] : memref<811008xi32, #tpu.memory_space<hbm>> -> memref<768xi32, #tpu.memory_space<hbm>>
          tpu.enqueue_dma source(%dma_start3A_375 : memref<768xi32, #tpu.memory_space<hbm>>) target(%dma_start3A_374 : memref<768xi32, #tpu.memory_space<vmem>>) target_semaphore(%run_scoped3A_367 : memref<!tpu.dma_semaphore, #tpu.memory_space<semaphore_mem>>)
          %dma_wait3A_376 = arith.constant 0 : i32
          %dma_wait3A_377 = tpu.memref_slice %arg7[%sub3A_348, %dma_wait3A_376] : memref<2x768xi32, #tpu.memory_space<vmem>> -> memref<1x768xi32, #tpu.memory_space<vmem>>
          %dma_wait3A_378 = tpu.memref_squeeze %dma_wait3A_377 : memref<1x768xi32, #tpu.memory_space<vmem>> -> memref<768xi32, #tpu.memory_space<vmem>>
          %dma_wait3A_379 = tpu.memref_slice %arg2[%add3A_355] : memref<811008xi32, #tpu.memory_space<hbm>> -> memref<768xi32, #tpu.memory_space<hbm>>
          %dma_wait3A_380 = arith.constant 0 : i32
          %dma_wait3A_381 = tpu.memref_slice %arg7[%sub3A_348, %dma_wait3A_380] : memref<2x768xi32, #tpu.memory_space<vmem>> -> memref<1x768xi32, #tpu.memory_space<vmem>>
          %dma_wait3A_382 = tpu.memref_squeeze %dma_wait3A_381 : memref<1x768xi32, #tpu.memory_space<vmem>> -> memref<768xi32, #tpu.memory_space<vmem>>
          %dma_wait3A_383 = tpu.memref_slice %arg2[%add3A_355] : memref<811008xi32, #tpu.memory_space<hbm>> -> memref<768xi32, #tpu.memory_space<hbm>>
          tpu.wait_dma2 semaphore(%run_scoped3A_367 : memref<!tpu.dma_semaphore, #tpu.memory_space<semaphore_mem>>) src(%dma_wait3A_383 : memref<768xi32, #tpu.memory_space<hbm>>) dst(%dma_wait3A_382 : memref<768xi32, #tpu.memory_space<vmem>>)
          tpu.yield
        }) : () -> ()
        %scan3A_356 = arith.constant 0 : i32
        %scan3A_357 = arith.constant 0 : i32
        %scan3A_358 = arith.constant 48 : i32
        %scan3A_359 = arith.addi %scan3A_357, %scan3A_358 : i32
        %scan3A_360 = arith.constant 1 : i32
        scf.for %scan3A_367 = %scan3A_357 to %scan3A_359 step %scan3A_360  : i32 {
          %mul3A_368 = arith.constant 16 : i32
          %mul3A_369 = arith.muli %scan3A_367, %mul3A_368 : i32
          %get3A = arith.index_cast %sub3A_348 : i32 to index
          %get3A_370 = arith.index_cast %mul3A_369 : i32 to index
          %get3A_371 = tpu.vector_load %arg7[%get3A, %get3A_370] {strides = array<i32>} : memref<2x768xi32, #tpu.memory_space<vmem>>, vector<1x16xi32>,
          %get3A_372 = vector.shape_cast %get3A_371 : vector<1x16xi32> to vector<16xi32>
          %add3A_373 = vector.broadcast %mul3A_2 : i32 to vector<16xi32>
          %add3A_374 = arith.addi %get3A_372, %add3A_373 : vector<16xi32>
          %swap3A = arith.index_cast %sub3A_348 : i32 to index
          %swap3A_375 = arith.index_cast %mul3A_369 : i32 to index
          %swap3A_376 = tpu.vector_load %arg7[%swap3A, %swap3A_375] {strides = array<i32>} : memref<2x768xi32, #tpu.memory_space<vmem>>, vector<1x16xi32>,
          %swap3A_377 = vector.shape_cast %swap3A_376 : vector<1x16xi32> to vector<16xi32>
          %swap3A_378 = vector.shape_cast %add3A_374 : vector<16xi32> to vector<1x16xi32>
          tpu.vector_store %arg7[%swap3A, %swap3A_375], %swap3A_378 {strides = array<i32>} : memref<2x768xi32, #tpu.memory_space<vmem>>, vector<1x16xi32>,
        }
        %scan3A_361 = arith.constant 48 : i32
        %mul3A_362 = arith.constant 396 : i32
        %mul3A_363 = arith.muli %arg1, %mul3A_362 : i32
        %mul3A_364 = arith.constant 6 : i32
        %mul3A_365 = arith.muli %add3A_350, %mul3A_364 : i32
        %add3A_366 = arith.addi %mul3A_363, %mul3A_365 : i32
        "tpu.region"() ({
          %run_scoped3A_367 = tpu.sem_alloc : memref<!tpu.dma_semaphore, #tpu.memory_space<semaphore_mem>>
          %dma_start3A_368 = arith.constant 0 : i32
          %dma_start3A_369 = arith.constant 0 : i32
          %dma_start3A_370 = tpu.memref_slice %arg8[%sub3A_348, %dma_start3A_368, %dma_start3A_369] : memref<2x6x128xi32, #tpu.memory_space<vmem>> -> memref<1x6x128xi32, #tpu.memory_space<vmem>>
          %dma_start3A_371 = tpu.memref_squeeze %dma_start3A_370 : memref<1x6x128xi32, #tpu.memory_space<vmem>> -> memref<6x128xi32, #tpu.memory_space<vmem>>
          %dma_start3A_372 = arith.constant 0 : i32
          %dma_start3A_373 = tpu.memref_slice %arg3[%add3A_366, %dma_start3A_372] : memref<6336x128xi32, #tpu.memory_space<hbm>> -> memref<6x128xi32, #tpu.memory_space<hbm>>
          %dma_start3A_374 = arith.constant 0 : i32
          %dma_start3A_375 = arith.constant 0 : i32
          %dma_start3A_376 = tpu.memref_slice %arg8[%sub3A_348, %dma_start3A_374, %dma_start3A_375] : memref<2x6x128xi32, #tpu.memory_space<vmem>> -> memref<1x6x128xi32, #tpu.memory_space<vmem>>
          %dma_start3A_377 = tpu.memref_squeeze %dma_start3A_376 : memref<1x6x128xi32, #tpu.memory_space<vmem>> -> memref<6x128xi32, #tpu.memory_space<vmem>>
          %dma_start3A_378 = arith.constant 0 : i32
          %dma_start3A_379 = tpu.memref_slice %arg3[%add3A_366, %dma_start3A_378] : memref<6336x128xi32, #tpu.memory_space<hbm>> -> memref<6x128xi32, #tpu.memory_space<hbm>>
          tpu.enqueue_dma source(%dma_start3A_379 : memref<6x128xi32, #tpu.memory_space<hbm>>) target(%dma_start3A_377 : memref<6x128xi32, #tpu.memory_space<vmem>>) target_semaphore(%run_scoped3A_367 : memref<!tpu.dma_semaphore, #tpu.memory_space<semaphore_mem>>)
          %dma_wait3A_380 = arith.constant 0 : i32
          %dma_wait3A_381 = arith.constant 0 : i32
          %dma_wait3A_382 = tpu.memref_slice %arg8[%sub3A_348, %dma_wait3A_380, %dma_wait3A_381] : memref<2x6x128xi32, #tpu.memory_space<vmem>> -> memref<1x6x128xi32, #tpu.memory_space<vmem>>
          %dma_wait3A_383 = tpu.memref_squeeze %dma_wait3A_382 : memref<1x6x128xi32, #tpu.memory_space<vmem>> -> memref<6x128xi32, #tpu.memory_space<vmem>>
          %dma_wait3A_384 = arith.constant 0 : i32
          %dma_wait3A_385 = tpu.memref_slice %arg3[%add3A_366, %dma_wait3A_384] : memref<6336x128xi32, #tpu.memory_space<hbm>> -> memref<6x128xi32, #tpu.memory_space<hbm>>
          %dma_wait3A_386 = arith.constant 0 : i32
          %dma_wait3A_387 = arith.constant 0 : i32
          %dma_wait3A_388 = tpu.memref_slice %arg8[%sub3A_348, %dma_wait3A_386, %dma_wait3A_387] : memref<2x6x128xi32, #tpu.memory_space<vmem>> -> memref<1x6x128xi32, #tpu.memory_space<vmem>>
          %dma_wait3A_389 = tpu.memref_squeeze %dma_wait3A_388 : memref<1x6x128xi32, #tpu.memory_space<vmem>> -> memref<6x128xi32, #tpu.memory_space<vmem>>
          %dma_wait3A_390 = arith.constant 0 : i32
          %dma_wait3A_391 = tpu.memref_slice %arg3[%add3A_366, %dma_wait3A_390] : memref<6336x128xi32, #tpu.memory_space<hbm>> -> memref<6x128xi32, #tpu.memory_space<hbm>>
          tpu.wait_dma2 semaphore(%run_scoped3A_367 : memref<!tpu.dma_semaphore, #tpu.memory_space<semaphore_mem>>) src(%dma_wait3A_391 : memref<6x128xi32, #tpu.memory_space<hbm>>) dst(%dma_wait3A_389 : memref<6x128xi32, #tpu.memory_space<vmem>>)
          tpu.yield
        }) : () -> ()
      } else {
      }
      %dma_wait3A_110 = arith.constant 0 : i32
      %dma_wait3A_111 = arith.constant 0 : i32
      %dma_wait3A_112 = arith.constant 0 : i32
      %dma_wait3A_113 = arith.constant 0 : i32
      %dma_wait3A_114 = tpu.memref_slice %arg9[%dma_wait3A_111, %dma_wait3A_112, %dma_wait3A_113] : memref<6x128x32xf32, #tpu.memory_space<vmem>> -> memref<1x128x32xf32, #tpu.memory_space<vmem>>
      %dma_wait3A_115 = tpu.memref_squeeze %dma_wait3A_114 : memref<1x128x32xf32, #tpu.memory_space<vmem>> -> memref<128x32xf32, #tpu.memory_space<vmem>>
      %dma_wait3A_116 = arith.constant 0 : i32
      %dma_wait3A_117 = tpu.memref_slice %arg7[%dma_wait3A_110, %dma_wait3A_116] : memref<2x768xi32, #tpu.memory_space<vmem>> -> memref<1x128xi32, #tpu.memory_space<vmem>>
      %dma_wait3A_118 = tpu.memref_squeeze %dma_wait3A_117 : memref<1x128xi32, #tpu.memory_space<vmem>> -> memref<128xi32, #tpu.memory_space<vmem>>
      %dma_wait3A_119 = arith.constant 0 : i32
      %dma_wait3A_120 = arith.constant 0 : i32
      %dma_wait3A_121 = tpu.memref_slice %arg4[%dma_wait3A_119, %dma_wait3A_120] : memref<409600x32xf32, #tpu.memory_space<hbm>> -> memref<409600x32xf32, #tpu.memory_space<hbm>>
      tpu.wait_indirect_dma semaphore(%arg11 : memref<!tpu.dma_semaphore, #tpu.memory_space<semaphore_mem>>) src(%dma_wait3A_121 : memref<409600x32xf32, #tpu.memory_space<hbm>>) dst(%dma_wait3A_115 : memref<128x32xf32, #tpu.memory_space<vmem>>)
      %dma_start3A_122 = arith.constant 0 : i32
      %dma_start3A_123 = arith.constant 0 : i32
      %dma_start3A_124 = arith.constant 0 : i32
      %dma_start3A_125 = arith.constant 0 : i32
      %dma_start3A_126 = tpu.memref_slice %arg9[%dma_start3A_122, %dma_start3A_124, %dma_start3A_125] : memref<6x128x32xf32, #tpu.memory_space<vmem>> -> memref<1x128x32xf32, #tpu.memory_space<vmem>>
      %dma_start3A_127 = tpu.memref_squeeze %dma_start3A_126 : memref<1x128x32xf32, #tpu.memory_space<vmem>> -> memref<128x32xf32, #tpu.memory_space<vmem>>
      %dma_start3A_128 = arith.constant 0 : i32
      %dma_start3A_129 = tpu.memref_slice %arg8[%rem3A_103, %dma_start3A_123, %dma_start3A_128] : memref<2x6x128xi32, #tpu.memory_space<vmem>> -> memref<1x1x128xi32, #tpu.memory_space<vmem>>
      %dma_start3A_130 = tpu.memref_squeeze %dma_start3A_129 : memref<1x1x128xi32, #tpu.memory_space<vmem>> -> memref<128xi32, #tpu.memory_space<vmem>>
      %dma_start3A_131 = arith.constant 0 : i32
      %dma_start3A_132 = arith.constant 0 : i32
      %dma_start3A_133 = tpu.memref_slice %arg10[%dma_start3A_131, %dma_start3A_132] : memref<51200x32xf32, #tpu.memory_space<vmem_shared>> -> memref<51200x32xf32, #tpu.memory_space<vmem_shared>>
      tpu.enqueue_indirect_dma source(%dma_start3A_127 : memref<128x32xf32, #tpu.memory_space<vmem>>) target(%dma_start3A_133 : memref<51200x32xf32, #tpu.memory_space<vmem_shared>>) offsets(%dma_start3A_130 : memref<128xi32, #tpu.memory_space<vmem>>) semaphore(%arg17 : memref<!tpu.dma_semaphore, #tpu.memory_space<semaphore_mem>>) {add = true}
      %dma_start3A_134 = arith.constant 4 : i32
      %dma_start3A_135 = arith.constant 0 : i32
      %dma_start3A_136 = arith.constant 0 : i32
      %dma_start3A_137 = tpu.memref_slice %arg9[%dma_start3A_134, %dma_start3A_135, %dma_start3A_136] : memref<6x128x32xf32, #tpu.memory_space<vmem>> -> memref<1x128x32xf32, #tpu.memory_space<vmem>>
      %dma_start3A_138 = tpu.memref_squeeze %dma_start3A_137 : memref<1x128x32xf32, #tpu.memory_space<vmem>> -> memref<128x32xf32, #tpu.memory_space<vmem>>
      %dma_start3A_139 = arith.constant 512 : i32
      %dma_start3A_140 = tpu.memref_slice %arg7[%rem3A_103, %dma_start3A_139] : memref<2x768xi32, #tpu.memory_space<vmem>> -> memref<1x128xi32, #tpu.memory_space<vmem>>
      %dma_start3A_141 = tpu.memref_squeeze %dma_start3A_140 : memref<1x128xi32, #tpu.memory_space<vmem>> -> memref<128xi32, #tpu.memory_space<vmem>>
      %dma_start3A_142 = arith.constant 0 : i32
      %dma_start3A_143 = arith.constant 0 : i32
      %dma_start3A_144 = tpu.memref_slice %arg4[%dma_start3A_142, %dma_start3A_143] : memref<409600x32xf32, #tpu.memory_space<hbm>> -> memref<409600x32xf32, #tpu.memory_space<hbm>>
      tpu.enqueue_indirect_dma source(%dma_start3A_144 : memref<409600x32xf32, #tpu.memory_space<hbm>>) target(%dma_start3A_138 : memref<128x32xf32, #tpu.memory_space<vmem>>) offsets(%dma_start3A_141 : memref<128xi32, #tpu.memory_space<vmem>>) semaphore(%arg15 : memref<!tpu.dma_semaphore, #tpu.memory_space<semaphore_mem>>)
      %dma_wait3A_145 = arith.constant 0 : i32
      %dma_wait3A_146 = arith.constant 1 : i32
      %dma_wait3A_147 = arith.constant 0 : i32
      %dma_wait3A_148 = arith.constant 0 : i32
      %dma_wait3A_149 = tpu.memref_slice %arg9[%dma_wait3A_146, %dma_wait3A_147, %dma_wait3A_148] : memref<6x128x32xf32, #tpu.memory_space<vmem>> -> memref<1x128x32xf32, #tpu.memory_space<vmem>>
      %dma_wait3A_150 = tpu.memref_squeeze %dma_wait3A_149 : memref<1x128x32xf32, #tpu.memory_space<vmem>> -> memref<128x32xf32, #tpu.memory_space<vmem>>
      %dma_wait3A_151 = arith.constant 0 : i32
      %dma_wait3A_152 = tpu.memref_slice %arg7[%dma_wait3A_145, %dma_wait3A_151] : memref<2x768xi32, #tpu.memory_space<vmem>> -> memref<1x128xi32, #tpu.memory_space<vmem>>
      %dma_wait3A_153 = tpu.memref_squeeze %dma_wait3A_152 : memref<1x128xi32, #tpu.memory_space<vmem>> -> memref<128xi32, #tpu.memory_space<vmem>>
      %dma_wait3A_154 = arith.constant 0 : i32
      %dma_wait3A_155 = arith.constant 0 : i32
      %dma_wait3A_156 = tpu.memref_slice %arg4[%dma_wait3A_154, %dma_wait3A_155] : memref<409600x32xf32, #tpu.memory_space<hbm>> -> memref<409600x32xf32, #tpu.memory_space<hbm>>
      tpu.wait_indirect_dma semaphore(%arg12 : memref<!tpu.dma_semaphore, #tpu.memory_space<semaphore_mem>>) src(%dma_wait3A_156 : memref<409600x32xf32, #tpu.memory_space<hbm>>) dst(%dma_wait3A_150 : memref<128x32xf32, #tpu.memory_space<vmem>>)
      %dma_start3A_157 = arith.constant 1 : i32
      %dma_start3A_158 = arith.constant 1 : i32
      %dma_start3A_159 = arith.constant 0 : i32
      %dma_start3A_160 = arith.constant 0 : i32
      %dma_start3A_161 = tpu.memref_slice %arg9[%dma_start3A_157, %dma_start3A_159, %dma_start3A_160] : memref<6x128x32xf32, #tpu.memory_space<vmem>> -> memref<1x128x32xf32, #tpu.memory_space<vmem>>
      %dma_start3A_162 = tpu.memref_squeeze %dma_start3A_161 : memref<1x128x32xf32, #tpu.memory_space<vmem>> -> memref<128x32xf32, #tpu.memory_space<vmem>>
      %dma_start3A_163 = arith.constant 0 : i32
      %dma_start3A_164 = tpu.memref_slice %arg8[%rem3A_103, %dma_start3A_158, %dma_start3A_163] : memref<2x6x128xi32, #tpu.memory_space<vmem>> -> memref<1x1x128xi32, #tpu.memory_space<vmem>>
      %dma_start3A_165 = tpu.memref_squeeze %dma_start3A_164 : memref<1x1x128xi32, #tpu.memory_space<vmem>> -> memref<128xi32, #tpu.memory_space<vmem>>
      %dma_start3A_166 = arith.constant 0 : i32
      %dma_start3A_167 = arith.constant 0 : i32
      %dma_start3A_168 = tpu.memref_slice %arg10[%dma_start3A_166, %dma_start3A_167] : memref<51200x32xf32, #tpu.memory_space<vmem_shared>> -> memref<51200x32xf32, #tpu.memory_space<vmem_shared>>
      tpu.enqueue_indirect_dma source(%dma_start3A_162 : memref<128x32xf32, #tpu.memory_space<vmem>>) target(%dma_start3A_168 : memref<51200x32xf32, #tpu.memory_space<vmem_shared>>) offsets(%dma_start3A_165 : memref<128xi32, #tpu.memory_space<vmem>>) semaphore(%arg18 : memref<!tpu.dma_semaphore, #tpu.memory_space<semaphore_mem>>) {add = true}
      %dma_start3A_169 = arith.constant 5 : i32
      %dma_start3A_170 = arith.constant 0 : i32
      %dma_start3A_171 = arith.constant 0 : i32
      %dma_start3A_172 = tpu.memref_slice %arg9[%dma_start3A_169, %dma_start3A_170, %dma_start3A_171] : memref<6x128x32xf32, #tpu.memory_space<vmem>> -> memref<1x128x32xf32, #tpu.memory_space<vmem>>
      %dma_start3A_173 = tpu.memref_squeeze %dma_start3A_172 : memref<1x128x32xf32, #tpu.memory_space<vmem>> -> memref<128x32xf32, #tpu.memory_space<vmem>>
      %dma_start3A_174 = arith.constant 640 : i32
      %dma_start3A_175 = tpu.memref_slice %arg7[%rem3A_103, %dma_start3A_174] : memref<2x768xi32, #tpu.memory_space<vmem>> -> memref<1x128xi32, #tpu.memory_space<vmem>>
      %dma_start3A_176 = tpu.memref_squeeze %dma_start3A_175 : memref<1x128xi32, #tpu.memory_space<vmem>> -> memref<128xi32, #tpu.memory_space<vmem>>
      %dma_start3A_177 = arith.constant 0 : i32
      %dma_start3A_178 = arith.constant 0 : i32
      %dma_start3A_179 = tpu.memref_slice %arg4[%dma_start3A_177, %dma_start3A_178] : memref<409600x32xf32, #tpu.memory_space<hbm>> -> memref<409600x32xf32, #tpu.memory_space<hbm>>
      tpu.enqueue_indirect_dma source(%dma_start3A_179 : memref<409600x32xf32, #tpu.memory_space<hbm>>) target(%dma_start3A_173 : memref<128x32xf32, #tpu.memory_space<vmem>>) offsets(%dma_start3A_176 : memref<128xi32, #tpu.memory_space<vmem>>) semaphore(%arg16 : memref<!tpu.dma_semaphore, #tpu.memory_space<semaphore_mem>>)
      %dma_wait3A_180 = arith.constant 0 : i32
      %dma_wait3A_181 = arith.constant 2 : i32
      %dma_wait3A_182 = arith.constant 0 : i32
      %dma_wait3A_183 = arith.constant 0 : i32
      %dma_wait3A_184 = tpu.memref_slice %arg9[%dma_wait3A_181, %dma_wait3A_182, %dma_wait3A_183] : memref<6x128x32xf32, #tpu.memory_space<vmem>> -> memref<1x128x32xf32, #tpu.memory_space<vmem>>
      %dma_wait3A_185 = tpu.memref_squeeze %dma_wait3A_184 : memref<1x128x32xf32, #tpu.memory_space<vmem>> -> memref<128x32xf32, #tpu.memory_space<vmem>>
      %dma_wait3A_186 = arith.constant 0 : i32
      %dma_wait3A_187 = tpu.memref_slice %arg7[%dma_wait3A_180, %dma_wait3A_186] : memref<2x768xi32, #tpu.memory_space<vmem>> -> memref<1x128xi32, #tpu.memory_space<vmem>>
      %dma_wait3A_188 = tpu.memref_squeeze %dma_wait3A_187 : memref<1x128xi32, #tpu.memory_space<vmem>> -> memref<128xi32, #tpu.memory_space<vmem>>
      %dma_wait3A_189 = arith.constant 0 : i32
      %dma_wait3A_190 = arith.constant 0 : i32
      %dma_wait3A_191 = tpu.memref_slice %arg4[%dma_wait3A_189, %dma_wait3A_190] : memref<409600x32xf32, #tpu.memory_space<hbm>> -> memref<409600x32xf32, #tpu.memory_space<hbm>>
      tpu.wait_indirect_dma semaphore(%arg13 : memref<!tpu.dma_semaphore, #tpu.memory_space<semaphore_mem>>) src(%dma_wait3A_191 : memref<409600x32xf32, #tpu.memory_space<hbm>>) dst(%dma_wait3A_185 : memref<128x32xf32, #tpu.memory_space<vmem>>)
      %dma_start3A_192 = arith.constant 2 : i32
      %dma_start3A_193 = arith.constant 2 : i32
      %dma_start3A_194 = arith.constant 0 : i32
      %dma_start3A_195 = arith.constant 0 : i32
      %dma_start3A_196 = tpu.memref_slice %arg9[%dma_start3A_192, %dma_start3A_194, %dma_start3A_195] : memref<6x128x32xf32, #tpu.memory_space<vmem>> -> memref<1x128x32xf32, #tpu.memory_space<vmem>>
      %dma_start3A_197 = tpu.memref_squeeze %dma_start3A_196 : memref<1x128x32xf32, #tpu.memory_space<vmem>> -> memref<128x32xf32, #tpu.memory_space<vmem>>
      %dma_start3A_198 = arith.constant 0 : i32
      %dma_start3A_199 = tpu.memref_slice %arg8[%rem3A_103, %dma_start3A_193, %dma_start3A_198] : memref<2x6x128xi32, #tpu.memory_space<vmem>> -> memref<1x1x128xi32, #tpu.memory_space<vmem>>
      %dma_start3A_200 = tpu.memref_squeeze %dma_start3A_199 : memref<1x1x128xi32, #tpu.memory_space<vmem>> -> memref<128xi32, #tpu.memory_space<vmem>>
      %dma_start3A_201 = arith.constant 0 : i32
      %dma_start3A_202 = arith.constant 0 : i32
      %dma_start3A_203 = tpu.memref_slice %arg10[%dma_start3A_201, %dma_start3A_202] : memref<51200x32xf32, #tpu.memory_space<vmem_shared>> -> memref<51200x32xf32, #tpu.memory_space<vmem_shared>>
      tpu.enqueue_indirect_dma source(%dma_start3A_197 : memref<128x32xf32, #tpu.memory_space<vmem>>) target(%dma_start3A_203 : memref<51200x32xf32, #tpu.memory_space<vmem_shared>>) offsets(%dma_start3A_200 : memref<128xi32, #tpu.memory_space<vmem>>) semaphore(%arg19 : memref<!tpu.dma_semaphore, #tpu.memory_space<semaphore_mem>>) {add = true}
      %dma_wait3A_204 = arith.constant 0 : i32
      %dma_wait3A_205 = arith.constant 0 : i32
      %dma_wait3A_206 = arith.constant 0 : i32
      %dma_wait3A_207 = arith.constant 0 : i32
      %dma_wait3A_208 = arith.constant 0 : i32
      %dma_wait3A_209 = tpu.memref_slice %arg9[%dma_wait3A_204, %dma_wait3A_207, %dma_wait3A_208] : memref<6x128x32xf32, #tpu.memory_space<vmem>> -> memref<1x128x32xf32, #tpu.memory_space<vmem>>
      %dma_wait3A_210 = tpu.memref_squeeze %dma_wait3A_209 : memref<1x128x32xf32, #tpu.memory_space<vmem>> -> memref<128x32xf32, #tpu.memory_space<vmem>>
      %dma_wait3A_211 = arith.constant 0 : i32
      %dma_wait3A_212 = tpu.memref_slice %arg8[%dma_wait3A_205, %dma_wait3A_206, %dma_wait3A_211] : memref<2x6x128xi32, #tpu.memory_space<vmem>> -> memref<1x1x128xi32, #tpu.memory_space<vmem>>
      %dma_wait3A_213 = tpu.memref_squeeze %dma_wait3A_212 : memref<1x1x128xi32, #tpu.memory_space<vmem>> -> memref<128xi32, #tpu.memory_space<vmem>>
      %dma_wait3A_214 = arith.constant 0 : i32
      %dma_wait3A_215 = arith.constant 0 : i32
      %dma_wait3A_216 = tpu.memref_slice %arg10[%dma_wait3A_214, %dma_wait3A_215] : memref<51200x32xf32, #tpu.memory_space<vmem_shared>> -> memref<51200x32xf32, #tpu.memory_space<vmem_shared>>
      tpu.wait_indirect_dma semaphore(%arg17 : memref<!tpu.dma_semaphore, #tpu.memory_space<semaphore_mem>>) src(%dma_wait3A_210 : memref<128x32xf32, #tpu.memory_space<vmem>>) dst(%dma_wait3A_216 : memref<51200x32xf32, #tpu.memory_space<vmem_shared>>)
      %lt3A_217 = arith.constant 65 : i32
      %lt3A_218 = arith.cmpi slt, %scan3A_102, %lt3A_217 : i32
      %convert_element_type3A_219 = arith.extui %lt3A_218 : i1 to i32
      %cond3A_220 = arith.constant 0 : i32
      %cond3A_221 = arith.cmpi ne, %convert_element_type3A_219, %cond3A_220 : i32
      scf.if %cond3A_221 {
        %sub3A = arith.constant 1 : i32
        %sub3A_348 = arith.subi %sub3A, %rem3A_103 : i32
        %dma_start3A_349 = arith.constant 0 : i32
        %dma_start3A_350 = arith.constant 0 : i32
        %dma_start3A_351 = arith.constant 0 : i32
        %dma_start3A_352 = tpu.memref_slice %arg9[%dma_start3A_349, %dma_start3A_350, %dma_start3A_351] : memref<6x128x32xf32, #tpu.memory_space<vmem>> -> memref<1x128x32xf32, #tpu.memory_space<vmem>>
        %dma_start3A_353 = tpu.memref_squeeze %dma_start3A_352 : memref<1x128x32xf32, #tpu.memory_space<vmem>> -> memref<128x32xf32, #tpu.memory_space<vmem>>
        %dma_start3A_354 = arith.constant 0 : i32
        %dma_start3A_355 = tpu.memref_slice %arg7[%sub3A_348, %dma_start3A_354] : memref<2x768xi32, #tpu.memory_space<vmem>> -> memref<1x128xi32, #tpu.memory_space<vmem>>
        %dma_start3A_356 = tpu.memref_squeeze %dma_start3A_355 : memref<1x128xi32, #tpu.memory_space<vmem>> -> memref<128xi32, #tpu.memory_space<vmem>>
        %dma_start3A_357 = arith.constant 0 : i32
        %dma_start3A_358 = arith.constant 0 : i32
        %dma_start3A_359 = tpu.memref_slice %arg4[%dma_start3A_357, %dma_start3A_358] : memref<409600x32xf32, #tpu.memory_space<hbm>> -> memref<409600x32xf32, #tpu.memory_space<hbm>>
        tpu.enqueue_indirect_dma source(%dma_start3A_359 : memref<409600x32xf32, #tpu.memory_space<hbm>>) target(%dma_start3A_353 : memref<128x32xf32, #tpu.memory_space<vmem>>) offsets(%dma_start3A_356 : memref<128xi32, #tpu.memory_space<vmem>>) semaphore(%arg11 : memref<!tpu.dma_semaphore, #tpu.memory_space<semaphore_mem>>)
      } else {
      }
      %dma_wait3A_222 = arith.constant 0 : i32
      %dma_wait3A_223 = arith.constant 3 : i32
      %dma_wait3A_224 = arith.constant 0 : i32
      %dma_wait3A_225 = arith.constant 0 : i32
      %dma_wait3A_226 = tpu.memref_slice %arg9[%dma_wait3A_223, %dma_wait3A_224, %dma_wait3A_225] : memref<6x128x32xf32, #tpu.memory_space<vmem>> -> memref<1x128x32xf32, #tpu.memory_space<vmem>>
      %dma_wait3A_227 = tpu.memref_squeeze %dma_wait3A_226 : memref<1x128x32xf32, #tpu.memory_space<vmem>> -> memref<128x32xf32, #tpu.memory_space<vmem>>
      %dma_wait3A_228 = arith.constant 0 : i32
      %dma_wait3A_229 = tpu.memref_slice %arg7[%dma_wait3A_222, %dma_wait3A_228] : memref<2x768xi32, #tpu.memory_space<vmem>> -> memref<1x128xi32, #tpu.memory_space<vmem>>
      %dma_wait3A_230 = tpu.memref_squeeze %dma_wait3A_229 : memref<1x128xi32, #tpu.memory_space<vmem>> -> memref<128xi32, #tpu.memory_space<vmem>>
      %dma_wait3A_231 = arith.constant 0 : i32
      %dma_wait3A_232 = arith.constant 0 : i32
      %dma_wait3A_233 = tpu.memref_slice %arg4[%dma_wait3A_231, %dma_wait3A_232] : memref<409600x32xf32, #tpu.memory_space<hbm>> -> memref<409600x32xf32, #tpu.memory_space<hbm>>
      tpu.wait_indirect_dma semaphore(%arg14 : memref<!tpu.dma_semaphore, #tpu.memory_space<semaphore_mem>>) src(%dma_wait3A_233 : memref<409600x32xf32, #tpu.memory_space<hbm>>) dst(%dma_wait3A_227 : memref<128x32xf32, #tpu.memory_space<vmem>>)
      %dma_start3A_234 = arith.constant 3 : i32
      %dma_start3A_235 = arith.constant 3 : i32
      %dma_start3A_236 = arith.constant 0 : i32
      %dma_start3A_237 = arith.constant 0 : i32
      %dma_start3A_238 = tpu.memref_slice %arg9[%dma_start3A_234, %dma_start3A_236, %dma_start3A_237] : memref<6x128x32xf32, #tpu.memory_space<vmem>> -> memref<1x128x32xf32, #tpu.memory_space<vmem>>
      %dma_start3A_239 = tpu.memref_squeeze %dma_start3A_238 : memref<1x128x32xf32, #tpu.memory_space<vmem>> -> memref<128x32xf32, #tpu.memory_space<vmem>>
      %dma_start3A_240 = arith.constant 0 : i32
      %dma_start3A_241 = tpu.memref_slice %arg8[%rem3A_103, %dma_start3A_235, %dma_start3A_240] : memref<2x6x128xi32, #tpu.memory_space<vmem>> -> memref<1x1x128xi32, #tpu.memory_space<vmem>>
      %dma_start3A_242 = tpu.memref_squeeze %dma_start3A_241 : memref<1x1x128xi32, #tpu.memory_space<vmem>> -> memref<128xi32, #tpu.memory_space<vmem>>
      %dma_start3A_243 = arith.constant 0 : i32
      %dma_start3A_244 = arith.constant 0 : i32
      %dma_start3A_245 = tpu.memref_slice %arg10[%dma_start3A_243, %dma_start3A_244] : memref<51200x32xf32, #tpu.memory_space<vmem_shared>> -> memref<51200x32xf32, #tpu.memory_space<vmem_shared>>
      tpu.enqueue_indirect_dma source(%dma_start3A_239 : memref<128x32xf32, #tpu.memory_space<vmem>>) target(%dma_start3A_245 : memref<51200x32xf32, #tpu.memory_space<vmem_shared>>) offsets(%dma_start3A_242 : memref<128xi32, #tpu.memory_space<vmem>>) semaphore(%arg20 : memref<!tpu.dma_semaphore, #tpu.memory_space<semaphore_mem>>) {add = true}
      %dma_wait3A_246 = arith.constant 1 : i32
      %dma_wait3A_247 = arith.constant 0 : i32
      %dma_wait3A_248 = arith.constant 0 : i32
      %dma_wait3A_249 = arith.constant 0 : i32
      %dma_wait3A_250 = arith.constant 0 : i32
      %dma_wait3A_251 = tpu.memref_slice %arg9[%dma_wait3A_246, %dma_wait3A_249, %dma_wait3A_250] : memref<6x128x32xf32, #tpu.memory_space<vmem>> -> memref<1x128x32xf32, #tpu.memory_space<vmem>>
      %dma_wait3A_252 = tpu.memref_squeeze %dma_wait3A_251 : memref<1x128x32xf32, #tpu.memory_space<vmem>> -> memref<128x32xf32, #tpu.memory_space<vmem>>
      %dma_wait3A_253 = arith.constant 0 : i32
      %dma_wait3A_254 = tpu.memref_slice %arg8[%dma_wait3A_247, %dma_wait3A_248, %dma_wait3A_253] : memref<2x6x128xi32, #tpu.memory_space<vmem>> -> memref<1x1x128xi32, #tpu.memory_space<vmem>>
      %dma_wait3A_255 = tpu.memref_squeeze %dma_wait3A_254 : memref<1x1x128xi32, #tpu.memory_space<vmem>> -> memref<128xi32, #tpu.memory_space<vmem>>
      %dma_wait3A_256 = arith.constant 0 : i32
      %dma_wait3A_257 = arith.constant 0 : i32
      %dma_wait3A_258 = tpu.memref_slice %arg10[%dma_wait3A_256, %dma_wait3A_257] : memref<51200x32xf32, #tpu.memory_space<vmem_shared>> -> memref<51200x32xf32, #tpu.memory_space<vmem_shared>>
      tpu.wait_indirect_dma semaphore(%arg18 : memref<!tpu.dma_semaphore, #tpu.memory_space<semaphore_mem>>) src(%dma_wait3A_252 : memref<128x32xf32, #tpu.memory_space<vmem>>) dst(%dma_wait3A_258 : memref<51200x32xf32, #tpu.memory_space<vmem_shared>>)
      %lt3A_259 = arith.constant 65 : i32
      %lt3A_260 = arith.cmpi slt, %scan3A_102, %lt3A_259 : i32
      %convert_element_type3A_261 = arith.extui %lt3A_260 : i1 to i32
      %cond3A_262 = arith.constant 0 : i32
      %cond3A_263 = arith.cmpi ne, %convert_element_type3A_261, %cond3A_262 : i32
      scf.if %cond3A_263 {
        %sub3A = arith.constant 1 : i32
        %sub3A_348 = arith.subi %sub3A, %rem3A_103 : i32
        %dma_start3A_349 = arith.constant 1 : i32
        %dma_start3A_350 = arith.constant 0 : i32
        %dma_start3A_351 = arith.constant 0 : i32
        %dma_start3A_352 = tpu.memref_slice %arg9[%dma_start3A_349, %dma_start3A_350, %dma_start3A_351] : memref<6x128x32xf32, #tpu.memory_space<vmem>> -> memref<1x128x32xf32, #tpu.memory_space<vmem>>
        %dma_start3A_353 = tpu.memref_squeeze %dma_start3A_352 : memref<1x128x32xf32, #tpu.memory_space<vmem>> -> memref<128x32xf32, #tpu.memory_space<vmem>>
        %dma_start3A_354 = arith.constant 128 : i32
        %dma_start3A_355 = tpu.memref_slice %arg7[%sub3A_348, %dma_start3A_354] : memref<2x768xi32, #tpu.memory_space<vmem>> -> memref<1x128xi32, #tpu.memory_space<vmem>>
        %dma_start3A_356 = tpu.memref_squeeze %dma_start3A_355 : memref<1x128xi32, #tpu.memory_space<vmem>> -> memref<128xi32, #tpu.memory_space<vmem>>
        %dma_start3A_357 = arith.constant 0 : i32
        %dma_start3A_358 = arith.constant 0 : i32
        %dma_start3A_359 = tpu.memref_slice %arg4[%dma_start3A_357, %dma_start3A_358] : memref<409600x32xf32, #tpu.memory_space<hbm>> -> memref<409600x32xf32, #tpu.memory_space<hbm>>
        tpu.enqueue_indirect_dma source(%dma_start3A_359 : memref<409600x32xf32, #tpu.memory_space<hbm>>) target(%dma_start3A_353 : memref<128x32xf32, #tpu.memory_space<vmem>>) offsets(%dma_start3A_356 : memref<128xi32, #tpu.memory_space<vmem>>) semaphore(%arg12 : memref<!tpu.dma_semaphore, #tpu.memory_space<semaphore_mem>>)
      } else {
      }
      %dma_wait3A_264 = arith.constant 0 : i32
      %dma_wait3A_265 = arith.constant 4 : i32
      %dma_wait3A_266 = arith.constant 0 : i32
      %dma_wait3A_267 = arith.constant 0 : i32
      %dma_wait3A_268 = tpu.memref_slice %arg9[%dma_wait3A_265, %dma_wait3A_266, %dma_wait3A_267] : memref<6x128x32xf32, #tpu.memory_space<vmem>> -> memref<1x128x32xf32, #tpu.memory_space<vmem>>
      %dma_wait3A_269 = tpu.memref_squeeze %dma_wait3A_268 : memref<1x128x32xf32, #tpu.memory_space<vmem>> -> memref<128x32xf32, #tpu.memory_space<vmem>>
      %dma_wait3A_270 = arith.constant 0 : i32
      %dma_wait3A_271 = tpu.memref_slice %arg7[%dma_wait3A_264, %dma_wait3A_270] : memref<2x768xi32, #tpu.memory_space<vmem>> -> memref<1x128xi32, #tpu.memory_space<vmem>>
      %dma_wait3A_272 = tpu.memref_squeeze %dma_wait3A_271 : memref<1x128xi32, #tpu.memory_space<vmem>> -> memref<128xi32, #tpu.memory_space<vmem>>
      %dma_wait3A_273 = arith.constant 0 : i32
      %dma_wait3A_274 = arith.constant 0 : i32
      %dma_wait3A_275 = tpu.memref_slice %arg4[%dma_wait3A_273, %dma_wait3A_274] : memref<409600x32xf32, #tpu.memory_space<hbm>> -> memref<409600x32xf32, #tpu.memory_space<hbm>>
      tpu.wait_indirect_dma semaphore(%arg15 : memref<!tpu.dma_semaphore, #tpu.memory_space<semaphore_mem>>) src(%dma_wait3A_275 : memref<409600x32xf32, #tpu.memory_space<hbm>>) dst(%dma_wait3A_269 : memref<128x32xf32, #tpu.memory_space<vmem>>)
      %dma_start3A_276 = arith.constant 4 : i32
      %dma_start3A_277 = arith.constant 4 : i32
      %dma_start3A_278 = arith.constant 0 : i32
      %dma_start3A_279 = arith.constant 0 : i32
      %dma_start3A_280 = tpu.memref_slice %arg9[%dma_start3A_276, %dma_start3A_278, %dma_start3A_279] : memref<6x128x32xf32, #tpu.memory_space<vmem>> -> memref<1x128x32xf32, #tpu.memory_space<vmem>>
      %dma_start3A_281 = tpu.memref_squeeze %dma_start3A_280 : memref<1x128x32xf32, #tpu.memory_space<vmem>> -> memref<128x32xf32, #tpu.memory_space<vmem>>
      %dma_start3A_282 = arith.constant 0 : i32
      %dma_start3A_283 = tpu.memref_slice %arg8[%rem3A_103, %dma_start3A_277, %dma_start3A_282] : memref<2x6x128xi32, #tpu.memory_space<vmem>> -> memref<1x1x128xi32, #tpu.memory_space<vmem>>
      %dma_start3A_284 = tpu.memref_squeeze %dma_start3A_283 : memref<1x1x128xi32, #tpu.memory_space<vmem>> -> memref<128xi32, #tpu.memory_space<vmem>>
      %dma_start3A_285 = arith.constant 0 : i32
      %dma_start3A_286 = arith.constant 0 : i32
      %dma_start3A_287 = tpu.memref_slice %arg10[%dma_start3A_285, %dma_start3A_286] : memref<51200x32xf32, #tpu.memory_space<vmem_shared>> -> memref<51200x32xf32, #tpu.memory_space<vmem_shared>>
      tpu.enqueue_indirect_dma source(%dma_start3A_281 : memref<128x32xf32, #tpu.memory_space<vmem>>) target(%dma_start3A_287 : memref<51200x32xf32, #tpu.memory_space<vmem_shared>>) offsets(%dma_start3A_284 : memref<128xi32, #tpu.memory_space<vmem>>) semaphore(%arg21 : memref<!tpu.dma_semaphore, #tpu.memory_space<semaphore_mem>>) {add = true}
      %dma_wait3A_288 = arith.constant 2 : i32
      %dma_wait3A_289 = arith.constant 0 : i32
      %dma_wait3A_290 = arith.constant 0 : i32
      %dma_wait3A_291 = arith.constant 0 : i32
      %dma_wait3A_292 = arith.constant 0 : i32
      %dma_wait3A_293 = tpu.memref_slice %arg9[%dma_wait3A_288, %dma_wait3A_291, %dma_wait3A_292] : memref<6x128x32xf32, #tpu.memory_space<vmem>> -> memref<1x128x32xf32, #tpu.memory_space<vmem>>
      %dma_wait3A_294 = tpu.memref_squeeze %dma_wait3A_293 : memref<1x128x32xf32, #tpu.memory_space<vmem>> -> memref<128x32xf32, #tpu.memory_space<vmem>>
      %dma_wait3A_295 = arith.constant 0 : i32
      %dma_wait3A_296 = tpu.memref_slice %arg8[%dma_wait3A_289, %dma_wait3A_290, %dma_wait3A_295] : memref<2x6x128xi32, #tpu.memory_space<vmem>> -> memref<1x1x128xi32, #tpu.memory_space<vmem>>
      %dma_wait3A_297 = tpu.memref_squeeze %dma_wait3A_296 : memref<1x1x128xi32, #tpu.memory_space<vmem>> -> memref<128xi32, #tpu.memory_space<vmem>>
      %dma_wait3A_298 = arith.constant 0 : i32
      %dma_wait3A_299 = arith.constant 0 : i32
      %dma_wait3A_300 = tpu.memref_slice %arg10[%dma_wait3A_298, %dma_wait3A_299] : memref<51200x32xf32, #tpu.memory_space<vmem_shared>> -> memref<51200x32xf32, #tpu.memory_space<vmem_shared>>
      tpu.wait_indirect_dma semaphore(%arg19 : memref<!tpu.dma_semaphore, #tpu.memory_space<semaphore_mem>>) src(%dma_wait3A_294 : memref<128x32xf32, #tpu.memory_space<vmem>>) dst(%dma_wait3A_300 : memref<51200x32xf32, #tpu.memory_space<vmem_shared>>)
      %lt3A_301 = arith.constant 65 : i32
      %lt3A_302 = arith.cmpi slt, %scan3A_102, %lt3A_301 : i32
      %convert_element_type3A_303 = arith.extui %lt3A_302 : i1 to i32
      %cond3A_304 = arith.constant 0 : i32
      %cond3A_305 = arith.cmpi ne, %convert_element_type3A_303, %cond3A_304 : i32
      scf.if %cond3A_305 {
        %sub3A = arith.constant 1 : i32
        %sub3A_348 = arith.subi %sub3A, %rem3A_103 : i32
        %dma_start3A_349 = arith.constant 2 : i32
        %dma_start3A_350 = arith.constant 0 : i32
        %dma_start3A_351 = arith.constant 0 : i32
        %dma_start3A_352 = tpu.memref_slice %arg9[%dma_start3A_349, %dma_start3A_350, %dma_start3A_351] : memref<6x128x32xf32, #tpu.memory_space<vmem>> -> memref<1x128x32xf32, #tpu.memory_space<vmem>>
        %dma_start3A_353 = tpu.memref_squeeze %dma_start3A_352 : memref<1x128x32xf32, #tpu.memory_space<vmem>> -> memref<128x32xf32, #tpu.memory_space<vmem>>
        %dma_start3A_354 = arith.constant 256 : i32
        %dma_start3A_355 = tpu.memref_slice %arg7[%sub3A_348, %dma_start3A_354] : memref<2x768xi32, #tpu.memory_space<vmem>> -> memref<1x128xi32, #tpu.memory_space<vmem>>
        %dma_start3A_356 = tpu.memref_squeeze %dma_start3A_355 : memref<1x128xi32, #tpu.memory_space<vmem>> -> memref<128xi32, #tpu.memory_space<vmem>>
        %dma_start3A_357 = arith.constant 0 : i32
        %dma_start3A_358 = arith.constant 0 : i32
        %dma_start3A_359 = tpu.memref_slice %arg4[%dma_start3A_357, %dma_start3A_358] : memref<409600x32xf32, #tpu.memory_space<hbm>> -> memref<409600x32xf32, #tpu.memory_space<hbm>>
        tpu.enqueue_indirect_dma source(%dma_start3A_359 : memref<409600x32xf32, #tpu.memory_space<hbm>>) target(%dma_start3A_353 : memref<128x32xf32, #tpu.memory_space<vmem>>) offsets(%dma_start3A_356 : memref<128xi32, #tpu.memory_space<vmem>>) semaphore(%arg13 : memref<!tpu.dma_semaphore, #tpu.memory_space<semaphore_mem>>)
      } else {
      }
      %dma_wait3A_306 = arith.constant 0 : i32
      %dma_wait3A_307 = arith.constant 5 : i32
      %dma_wait3A_308 = arith.constant 0 : i32
      %dma_wait3A_309 = arith.constant 0 : i32
      %dma_wait3A_310 = tpu.memref_slice %arg9[%dma_wait3A_307, %dma_wait3A_308, %dma_wait3A_309] : memref<6x128x32xf32, #tpu.memory_space<vmem>> -> memref<1x128x32xf32, #tpu.memory_space<vmem>>
      %dma_wait3A_311 = tpu.memref_squeeze %dma_wait3A_310 : memref<1x128x32xf32, #tpu.memory_space<vmem>> -> memref<128x32xf32, #tpu.memory_space<vmem>>
      %dma_wait3A_312 = arith.constant 0 : i32
      %dma_wait3A_313 = tpu.memref_slice %arg7[%dma_wait3A_306, %dma_wait3A_312] : memref<2x768xi32, #tpu.memory_space<vmem>> -> memref<1x128xi32, #tpu.memory_space<vmem>>
      %dma_wait3A_314 = tpu.memref_squeeze %dma_wait3A_313 : memref<1x128xi32, #tpu.memory_space<vmem>> -> memref<128xi32, #tpu.memory_space<vmem>>
      %dma_wait3A_315 = arith.constant 0 : i32
      %dma_wait3A_316 = arith.constant 0 : i32
      %dma_wait3A_317 = tpu.memref_slice %arg4[%dma_wait3A_315, %dma_wait3A_316] : memref<409600x32xf32, #tpu.memory_space<hbm>> -> memref<409600x32xf32, #tpu.memory_space<hbm>>
      tpu.wait_indirect_dma semaphore(%arg16 : memref<!tpu.dma_semaphore, #tpu.memory_space<semaphore_mem>>) src(%dma_wait3A_317 : memref<409600x32xf32, #tpu.memory_space<hbm>>) dst(%dma_wait3A_311 : memref<128x32xf32, #tpu.memory_space<vmem>>)
      %dma_start3A_318 = arith.constant 5 : i32
      %dma_start3A_319 = arith.constant 5 : i32
      %dma_start3A_320 = arith.constant 0 : i32
      %dma_start3A_321 = arith.constant 0 : i32
      %dma_start3A_322 = tpu.memref_slice %arg9[%dma_start3A_318, %dma_start3A_320, %dma_start3A_321] : memref<6x128x32xf32, #tpu.memory_space<vmem>> -> memref<1x128x32xf32, #tpu.memory_space<vmem>>
      %dma_start3A_323 = tpu.memref_squeeze %dma_start3A_322 : memref<1x128x32xf32, #tpu.memory_space<vmem>> -> memref<128x32xf32, #tpu.memory_space<vmem>>
      %dma_start3A_324 = arith.constant 0 : i32
      %dma_start3A_325 = tpu.memref_slice %arg8[%rem3A_103, %dma_start3A_319, %dma_start3A_324] : memref<2x6x128xi32, #tpu.memory_space<vmem>> -> memref<1x1x128xi32, #tpu.memory_space<vmem>>
      %dma_start3A_326 = tpu.memref_squeeze %dma_start3A_325 : memref<1x1x128xi32, #tpu.memory_space<vmem>> -> memref<128xi32, #tpu.memory_space<vmem>>
      %dma_start3A_327 = arith.constant 0 : i32
      %dma_start3A_328 = arith.constant 0 : i32
      %dma_start3A_329 = tpu.memref_slice %arg10[%dma_start3A_327, %dma_start3A_328] : memref<51200x32xf32, #tpu.memory_space<vmem_shared>> -> memref<51200x32xf32, #tpu.memory_space<vmem_shared>>
      tpu.enqueue_indirect_dma source(%dma_start3A_323 : memref<128x32xf32, #tpu.memory_space<vmem>>) target(%dma_start3A_329 : memref<51200x32xf32, #tpu.memory_space<vmem_shared>>) offsets(%dma_start3A_326 : memref<128xi32, #tpu.memory_space<vmem>>) semaphore(%arg22 : memref<!tpu.dma_semaphore, #tpu.memory_space<semaphore_mem>>) {add = true}
      %dma_wait3A_330 = arith.constant 3 : i32
      %dma_wait3A_331 = arith.constant 0 : i32
      %dma_wait3A_332 = arith.constant 0 : i32
      %dma_wait3A_333 = arith.constant 0 : i32
      %dma_wait3A_334 = arith.constant 0 : i32
      %dma_wait3A_335 = tpu.memref_slice %arg9[%dma_wait3A_330, %dma_wait3A_333, %dma_wait3A_334] : memref<6x128x32xf32, #tpu.memory_space<vmem>> -> memref<1x128x32xf32, #tpu.memory_space<vmem>>
      %dma_wait3A_336 = tpu.memref_squeeze %dma_wait3A_335 : memref<1x128x32xf32, #tpu.memory_space<vmem>> -> memref<128x32xf32, #tpu.memory_space<vmem>>
      %dma_wait3A_337 = arith.constant 0 : i32
      %dma_wait3A_338 = tpu.memref_slice %arg8[%dma_wait3A_331, %dma_wait3A_332, %dma_wait3A_337] : memref<2x6x128xi32, #tpu.memory_space<vmem>> -> memref<1x1x128xi32, #tpu.memory_space<vmem>>
      %dma_wait3A_339 = tpu.memref_squeeze %dma_wait3A_338 : memref<1x1x128xi32, #tpu.memory_space<vmem>> -> memref<128xi32, #tpu.memory_space<vmem>>
      %dma_wait3A_340 = arith.constant 0 : i32
      %dma_wait3A_341 = arith.constant 0 : i32
      %dma_wait3A_342 = tpu.memref_slice %arg10[%dma_wait3A_340, %dma_wait3A_341] : memref<51200x32xf32, #tpu.memory_space<vmem_shared>> -> memref<51200x32xf32, #tpu.memory_space<vmem_shared>>
      tpu.wait_indirect_dma semaphore(%arg20 : memref<!tpu.dma_semaphore, #tpu.memory_space<semaphore_mem>>) src(%dma_wait3A_336 : memref<128x32xf32, #tpu.memory_space<vmem>>) dst(%dma_wait3A_342 : memref<51200x32xf32, #tpu.memory_space<vmem_shared>>)
      %lt3A_343 = arith.constant 65 : i32
      %lt3A_344 = arith.cmpi slt, %scan3A_102, %lt3A_343 : i32
      %convert_element_type3A_345 = arith.extui %lt3A_344 : i1 to i32
      %cond3A_346 = arith.constant 0 : i32
      %cond3A_347 = arith.cmpi ne, %convert_element_type3A_345, %cond3A_346 : i32
      scf.if %cond3A_347 {
        %sub3A = arith.constant 1 : i32
        %sub3A_348 = arith.subi %sub3A, %rem3A_103 : i32
        %dma_start3A_349 = arith.constant 3 : i32
        %dma_start3A_350 = arith.constant 0 : i32
        %dma_start3A_351 = arith.constant 0 : i32
        %dma_start3A_352 = tpu.memref_slice %arg9[%dma_start3A_349, %dma_start3A_350, %dma_start3A_351] : memref<6x128x32xf32, #tpu.memory_space<vmem>> -> memref<1x128x32xf32, #tpu.memory_space<vmem>>
        %dma_start3A_353 = tpu.memref_squeeze %dma_start3A_352 : memref<1x128x32xf32, #tpu.memory_space<vmem>> -> memref<128x32xf32, #tpu.memory_space<vmem>>
        %dma_start3A_354 = arith.constant 384 : i32
        %dma_start3A_355 = tpu.memref_slice %arg7[%sub3A_348, %dma_start3A_354] : memref<2x768xi32, #tpu.memory_space<vmem>> -> memref<1x128xi32, #tpu.memory_space<vmem>>
        %dma_start3A_356 = tpu.memref_squeeze %dma_start3A_355 : memref<1x128xi32, #tpu.memory_space<vmem>> -> memref<128xi32, #tpu.memory_space<vmem>>
        %dma_start3A_357 = arith.constant 0 : i32
        %dma_start3A_358 = arith.constant 0 : i32
        %dma_start3A_359 = tpu.memref_slice %arg4[%dma_start3A_357, %dma_start3A_358] : memref<409600x32xf32, #tpu.memory_space<hbm>> -> memref<409600x32xf32, #tpu.memory_space<hbm>>
        tpu.enqueue_indirect_dma source(%dma_start3A_359 : memref<409600x32xf32, #tpu.memory_space<hbm>>) target(%dma_start3A_353 : memref<128x32xf32, #tpu.memory_space<vmem>>) offsets(%dma_start3A_356 : memref<128xi32, #tpu.memory_space<vmem>>) semaphore(%arg14 : memref<!tpu.dma_semaphore, #tpu.memory_space<semaphore_mem>>)
      } else {
      }
    }
    %scan3A_68 = arith.constant 66 : i32
    %dma_wait3A = arith.constant 4 : i32
    %dma_wait3A_69 = arith.constant 0 : i32
    %dma_wait3A_70 = arith.constant 0 : i32
    %dma_wait3A_71 = arith.constant 0 : i32
    %dma_wait3A_72 = arith.constant 0 : i32
    %dma_wait3A_73 = tpu.memref_slice %arg9[%dma_wait3A, %dma_wait3A_71, %dma_wait3A_72] : memref<6x128x32xf32, #tpu.memory_space<vmem>> -> memref<1x128x32xf32, #tpu.memory_space<vmem>>
    %dma_wait3A_74 = tpu.memref_squeeze %dma_wait3A_73 : memref<1x128x32xf32, #tpu.memory_space<vmem>> -> memref<128x32xf32, #tpu.memory_space<vmem>>
    %dma_wait3A_75 = arith.constant 0 : i32
    %dma_wait3A_76 = tpu.memref_slice %arg8[%dma_wait3A_69, %dma_wait3A_70, %dma_wait3A_75] : memref<2x6x128xi32, #tpu.memory_space<vmem>> -> memref<1x1x128xi32, #tpu.memory_space<vmem>>
    %dma_wait3A_77 = tpu.memref_squeeze %dma_wait3A_76 : memref<1x1x128xi32, #tpu.memory_space<vmem>> -> memref<128xi32, #tpu.memory_space<vmem>>
    %dma_wait3A_78 = arith.constant 0 : i32
    %dma_wait3A_79 = arith.constant 0 : i32
    %dma_wait3A_80 = tpu.memref_slice %arg10[%dma_wait3A_78, %dma_wait3A_79] : memref<51200x32xf32, #tpu.memory_space<vmem_shared>> -> memref<51200x32xf32, #tpu.memory_space<vmem_shared>>
    tpu.wait_indirect_dma semaphore(%arg21 : memref<!tpu.dma_semaphore, #tpu.memory_space<semaphore_mem>>) src(%dma_wait3A_74 : memref<128x32xf32, #tpu.memory_space<vmem>>) dst(%dma_wait3A_80 : memref<51200x32xf32, #tpu.memory_space<vmem_shared>>)
    %dma_wait3A_81 = arith.constant 5 : i32
    %dma_wait3A_82 = arith.constant 0 : i32
    %dma_wait3A_83 = arith.constant 0 : i32
    %dma_wait3A_84 = arith.constant 0 : i32
    %dma_wait3A_85 = arith.constant 0 : i32
    %dma_wait3A_86 = tpu.memref_slice %arg9[%dma_wait3A_81, %dma_wait3A_84, %dma_wait3A_85] : memref<6x128x32xf32, #tpu.memory_space<vmem>> -> memref<1x128x32xf32, #tpu.memory_space<vmem>>
    %dma_wait3A_87 = tpu.memref_squeeze %dma_wait3A_86 : memref<1x128x32xf32, #tpu.memory_space<vmem>> -> memref<128x32xf32, #tpu.memory_space<vmem>>
    %dma_wait3A_88 = arith.constant 0 : i32
    %dma_wait3A_89 = tpu.memref_slice %arg8[%dma_wait3A_82, %dma_wait3A_83, %dma_wait3A_88] : memref<2x6x128xi32, #tpu.memory_space<vmem>> -> memref<1x1x128xi32, #tpu.memory_space<vmem>>
    %dma_wait3A_90 = tpu.memref_squeeze %dma_wait3A_89 : memref<1x1x128xi32, #tpu.memory_space<vmem>> -> memref<128xi32, #tpu.memory_space<vmem>>
    %dma_wait3A_91 = arith.constant 0 : i32
    %dma_wait3A_92 = arith.constant 0 : i32
    %dma_wait3A_93 = tpu.memref_slice %arg10[%dma_wait3A_91, %dma_wait3A_92] : memref<51200x32xf32, #tpu.memory_space<vmem_shared>> -> memref<51200x32xf32, #tpu.memory_space<vmem_shared>>
    tpu.wait_indirect_dma semaphore(%arg22 : memref<!tpu.dma_semaphore, #tpu.memory_space<semaphore_mem>>) src(%dma_wait3A_87 : memref<128x32xf32, #tpu.memory_space<vmem>>) dst(%dma_wait3A_93 : memref<51200x32xf32, #tpu.memory_space<vmem_shared>>)
    %barrier3A_94 = arith.constant 0 : index
    tpu.barrier barrier_id(%barrier3A_94)
    %mul3A_95 = arith.constant 3200 : i32
    %mul3A_96 = arith.muli %arg1, %mul3A_95 : i32
    %mul3A_97 = arith.constant 51200 : i32
    %mul3A_98 = arith.muli %arg0, %mul3A_97 : i32
    %mul3A_99 = arith.constant 3200 : i32
    %mul3A_100 = arith.muli %arg1, %mul3A_99 : i32
    %add3A_101 = arith.addi %mul3A_98, %mul3A_100 : i32
    "tpu.region"() ({
      %run_scoped3A_102 = tpu.sem_alloc : memref<!tpu.dma_semaphore, #tpu.memory_space<semaphore_mem>>
      %dma_start3A_103 = arith.constant 0 : i32
      %dma_start3A_104 = tpu.memref_slice %arg6[%add3A_101, %dma_start3A_103] : memref<102400x32xf32, #tpu.memory_space<hbm>> -> memref<3200x32xf32, #tpu.memory_space<hbm>>
      %dma_start3A_105 = arith.constant 0 : i32
      %dma_start3A_106 = tpu.memref_slice %arg10[%mul3A_96, %dma_start3A_105] : memref<51200x32xf32, #tpu.memory_space<vmem_shared>> -> memref<3200x32xf32, #tpu.memory_space<vmem_shared>>
      tpu.enqueue_dma source(%dma_start3A_106 : memref<3200x32xf32, #tpu.memory_space<vmem_shared>>) target(%dma_start3A_104 : memref<3200x32xf32, #tpu.memory_space<hbm>>) target_semaphore(%run_scoped3A_102 : memref<!tpu.dma_semaphore, #tpu.memory_space<semaphore_mem>>)
      %dma_wait3A_107 = arith.constant 0 : i32
      %dma_wait3A_108 = tpu.memref_slice %arg6[%add3A_101, %dma_wait3A_107] : memref<102400x32xf32, #tpu.memory_space<hbm>> -> memref<3200x32xf32, #tpu.memory_space<hbm>>
      %dma_wait3A_109 = arith.constant 0 : i32
      %dma_wait3A_110 = tpu.memref_slice %arg10[%mul3A_96, %dma_wait3A_109] : memref<51200x32xf32, #tpu.memory_space<vmem_shared>> -> memref<3200x32xf32, #tpu.memory_space<vmem_shared>>
      tpu.wait_dma2 semaphore(%run_scoped3A_102 : memref<!tpu.dma_semaphore, #tpu.memory_space<semaphore_mem>>) src(%dma_wait3A_110 : memref<3200x32xf32, #tpu.memory_space<vmem_shared>>) dst(%dma_wait3A_108 : memref<3200x32xf32, #tpu.memory_space<hbm>>)
      tpu.yield
    }) : () -> ()
    return
  }
}

#map = affine_map<(d0, d1) -> (0, 0)>
#map1 = affine_map<(d0, d1) -> (0, 0, 0)>
module attributes {stable_mosaic.version = 14 : i64} {
  func.func @_mol_body(%arg0: i32, %arg1: i32, %arg2: memref<102400x32xf32, #tpu.memory_space<hbm>>, %arg3: memref<400x128xi32, #tpu.memory_space<hbm>>, %arg4: memref<40x32xf32, #tpu.memory_space<hbm>>, %arg5: memref<2x512x32xf32, #tpu.memory_space<hbm>>, %arg6: memref<25x128xi32, #tpu.memory_space<vmem>>, %arg7: memref<128x32xf32, #tpu.memory_space<vmem>>, %arg8: memref<640x32xf32, #tpu.memory_space<vmem_shared>>, %arg9: memref<!tpu.dma_semaphore, #tpu.memory_space<semaphore_mem>>) attributes {dimension_semantics = [#tpu.dimension_semantics<core_parallel>, #tpu.dimension_semantics<subcore_parallel>], iteration_bounds = array<i64: 2, 16>, scalar_prefetch = 0 : i64, scratch_operands = 4 : i64, tpu.core_type = #tpu.core_type<sc_vector_subcore>, window_params = [{transform_indices = #map}, {transform_indices = #map}, {transform_indices = #map}, {transform_indices = #map1}]} {
    %mul3A = arith.constant 40 : i32
    %mul3A_0 = arith.muli %arg1, %mul3A : i32
    "tpu.region"() ({
      %run_scoped3A = tpu.sem_alloc : memref<!tpu.dma_semaphore, #tpu.memory_space<semaphore_mem>>
      %dma_start3A = arith.constant 0 : i32
      %dma_start3A_13 = tpu.memref_slice %arg8[%mul3A_0, %dma_start3A] : memref<640x32xf32, #tpu.memory_space<vmem_shared>> -> memref<40x32xf32, #tpu.memory_space<vmem_shared>>
      tpu.enqueue_dma source(%arg4 : memref<40x32xf32, #tpu.memory_space<hbm>>) target(%dma_start3A_13 : memref<40x32xf32, #tpu.memory_space<vmem_shared>>) target_semaphore(%run_scoped3A : memref<!tpu.dma_semaphore, #tpu.memory_space<semaphore_mem>>)
      %dma_wait3A = arith.constant 0 : i32
      %dma_wait3A_14 = tpu.memref_slice %arg8[%mul3A_0, %dma_wait3A] : memref<640x32xf32, #tpu.memory_space<vmem_shared>> -> memref<40x32xf32, #tpu.memory_space<vmem_shared>>
      tpu.wait_dma2 semaphore(%run_scoped3A : memref<!tpu.dma_semaphore, #tpu.memory_space<semaphore_mem>>) src(%arg4 : memref<40x32xf32, #tpu.memory_space<hbm>>) dst(%dma_wait3A_14 : memref<40x32xf32, #tpu.memory_space<vmem_shared>>)
      tpu.yield
    }) : () -> ()
    %mul3A_1 = arith.constant 25 : i32
    %mul3A_2 = arith.muli %arg1, %mul3A_1 : i32
    "tpu.region"() ({
      %run_scoped3A = tpu.sem_alloc : memref<!tpu.dma_semaphore, #tpu.memory_space<semaphore_mem>>
      %dma_start3A = arith.constant 0 : i32
      %dma_start3A_13 = tpu.memref_slice %arg3[%mul3A_2, %dma_start3A] : memref<400x128xi32, #tpu.memory_space<hbm>> -> memref<25x128xi32, #tpu.memory_space<hbm>>
      %dma_start3A_14 = arith.constant 0 : i32
      %dma_start3A_15 = tpu.memref_slice %arg3[%mul3A_2, %dma_start3A_14] : memref<400x128xi32, #tpu.memory_space<hbm>> -> memref<25x128xi32, #tpu.memory_space<hbm>>
      tpu.enqueue_dma source(%dma_start3A_15 : memref<25x128xi32, #tpu.memory_space<hbm>>) target(%arg6 : memref<25x128xi32, #tpu.memory_space<vmem>>) target_semaphore(%run_scoped3A : memref<!tpu.dma_semaphore, #tpu.memory_space<semaphore_mem>>)
      %dma_wait3A = arith.constant 0 : i32
      %dma_wait3A_16 = tpu.memref_slice %arg3[%mul3A_2, %dma_wait3A] : memref<400x128xi32, #tpu.memory_space<hbm>> -> memref<25x128xi32, #tpu.memory_space<hbm>>
      %dma_wait3A_17 = arith.constant 0 : i32
      %dma_wait3A_18 = tpu.memref_slice %arg3[%mul3A_2, %dma_wait3A_17] : memref<400x128xi32, #tpu.memory_space<hbm>> -> memref<25x128xi32, #tpu.memory_space<hbm>>
      tpu.wait_dma2 semaphore(%run_scoped3A : memref<!tpu.dma_semaphore, #tpu.memory_space<semaphore_mem>>) src(%dma_wait3A_18 : memref<25x128xi32, #tpu.memory_space<hbm>>) dst(%arg6 : memref<25x128xi32, #tpu.memory_space<vmem>>)
      tpu.yield
    }) : () -> ()
    %barrier3A = arith.constant 0 : index
    tpu.barrier barrier_id(%barrier3A)
    %scan3A = arith.constant 0 : i32
    %scan3A_3 = arith.constant 0 : i32
    %scan3A_4 = arith.constant 25 : i32
    %scan3A_5 = arith.addi %scan3A_3, %scan3A_4 : i32
    %scan3A_6 = arith.constant 1 : i32
    scf.for %scan3A_13 = %scan3A_3 to %scan3A_5 step %scan3A_6  : i32 {
      %mul3A_14 = arith.constant 51200 : i32
      %mul3A_15 = arith.muli %arg0, %mul3A_14 : i32
      %mul3A_16 = arith.constant 3200 : i32
      %mul3A_17 = arith.muli %arg1, %mul3A_16 : i32
      %add3A = arith.addi %mul3A_15, %mul3A_17 : i32
      %mul3A_18 = arith.constant 128 : i32
      %mul3A_19 = arith.muli %scan3A_13, %mul3A_18 : i32
      %add3A_20 = arith.addi %add3A, %mul3A_19 : i32
      "tpu.region"() ({
        %run_scoped3A = tpu.sem_alloc : memref<!tpu.dma_semaphore, #tpu.memory_space<semaphore_mem>>
        %dma_start3A = arith.constant 0 : i32
        %dma_start3A_21 = tpu.memref_slice %arg2[%add3A_20, %dma_start3A] : memref<102400x32xf32, #tpu.memory_space<hbm>> -> memref<128x32xf32, #tpu.memory_space<hbm>>
        %dma_start3A_22 = arith.constant 0 : i32
        %dma_start3A_23 = tpu.memref_slice %arg2[%add3A_20, %dma_start3A_22] : memref<102400x32xf32, #tpu.memory_space<hbm>> -> memref<128x32xf32, #tpu.memory_space<hbm>>
        tpu.enqueue_dma source(%dma_start3A_23 : memref<128x32xf32, #tpu.memory_space<hbm>>) target(%arg7 : memref<128x32xf32, #tpu.memory_space<vmem>>) target_semaphore(%run_scoped3A : memref<!tpu.dma_semaphore, #tpu.memory_space<semaphore_mem>>)
        %dma_wait3A = arith.constant 0 : i32
        %dma_wait3A_24 = tpu.memref_slice %arg2[%add3A_20, %dma_wait3A] : memref<102400x32xf32, #tpu.memory_space<hbm>> -> memref<128x32xf32, #tpu.memory_space<hbm>>
        %dma_wait3A_25 = arith.constant 0 : i32
        %dma_wait3A_26 = tpu.memref_slice %arg2[%add3A_20, %dma_wait3A_25] : memref<102400x32xf32, #tpu.memory_space<hbm>> -> memref<128x32xf32, #tpu.memory_space<hbm>>
        tpu.wait_dma2 semaphore(%run_scoped3A : memref<!tpu.dma_semaphore, #tpu.memory_space<semaphore_mem>>) src(%dma_wait3A_26 : memref<128x32xf32, #tpu.memory_space<hbm>>) dst(%arg7 : memref<128x32xf32, #tpu.memory_space<vmem>>)
        tpu.yield
      }) : () -> ()
      "tpu.region"() ({
        %run_scoped3A = tpu.sem_alloc : memref<!tpu.dma_semaphore, #tpu.memory_space<semaphore_mem>>
        %dma_start3A = arith.constant 0 : i32
        %dma_start3A_21 = tpu.memref_slice %arg6[%scan3A_13, %dma_start3A] : memref<25x128xi32, #tpu.memory_space<vmem>> -> memref<1x128xi32, #tpu.memory_space<vmem>>
        %dma_start3A_22 = tpu.memref_squeeze %dma_start3A_21 : memref<1x128xi32, #tpu.memory_space<vmem>> -> memref<128xi32, #tpu.memory_space<vmem>>
        %dma_start3A_23 = arith.constant 0 : i32
        %dma_start3A_24 = arith.constant 0 : i32
        %dma_start3A_25 = tpu.memref_slice %arg8[%dma_start3A_23, %dma_start3A_24] : memref<640x32xf32, #tpu.memory_space<vmem_shared>> -> memref<640x32xf32, #tpu.memory_space<vmem_shared>>
        tpu.enqueue_indirect_dma source(%arg7 : memref<128x32xf32, #tpu.memory_space<vmem>>) target(%dma_start3A_25 : memref<640x32xf32, #tpu.memory_space<vmem_shared>>) offsets(%dma_start3A_22 : memref<128xi32, #tpu.memory_space<vmem>>) semaphore(%run_scoped3A : memref<!tpu.dma_semaphore, #tpu.memory_space<semaphore_mem>>) {add = true}
        %dma_wait3A = arith.constant 0 : i32
        %dma_wait3A_26 = tpu.memref_slice %arg6[%scan3A_13, %dma_wait3A] : memref<25x128xi32, #tpu.memory_space<vmem>> -> memref<1x128xi32, #tpu.memory_space<vmem>>
        %dma_wait3A_27 = tpu.memref_squeeze %dma_wait3A_26 : memref<1x128xi32, #tpu.memory_space<vmem>> -> memref<128xi32, #tpu.memory_space<vmem>>
        %dma_wait3A_28 = arith.constant 0 : i32
        %dma_wait3A_29 = arith.constant 0 : i32
        %dma_wait3A_30 = tpu.memref_slice %arg8[%dma_wait3A_28, %dma_wait3A_29] : memref<640x32xf32, #tpu.memory_space<vmem_shared>> -> memref<640x32xf32, #tpu.memory_space<vmem_shared>>
        tpu.wait_indirect_dma semaphore(%run_scoped3A : memref<!tpu.dma_semaphore, #tpu.memory_space<semaphore_mem>>) src(%arg7 : memref<128x32xf32, #tpu.memory_space<vmem>>) dst(%dma_wait3A_30 : memref<640x32xf32, #tpu.memory_space<vmem_shared>>)
        tpu.yield
      }) : () -> ()
    }
    %scan3A_7 = arith.constant 25 : i32
    %barrier3A_8 = arith.constant 0 : index
    tpu.barrier barrier_id(%barrier3A_8)
    %mul3A_9 = arith.constant 32 : i32
    %mul3A_10 = arith.muli %arg1, %mul3A_9 : i32
    %mul3A_11 = arith.constant 32 : i32
    %mul3A_12 = arith.muli %arg1, %mul3A_11 : i32
    "tpu.region"() ({
      %run_scoped3A = tpu.sem_alloc : memref<!tpu.dma_semaphore, #tpu.memory_space<semaphore_mem>>
      %dma_start3A = arith.constant 0 : i32
      %dma_start3A_13 = tpu.memref_slice %arg5[%arg0, %mul3A_12, %dma_start3A] : memref<2x512x32xf32, #tpu.memory_space<hbm>> -> memref<1x32x32xf32, #tpu.memory_space<hbm>>
      %dma_start3A_14 = tpu.memref_squeeze %dma_start3A_13 : memref<1x32x32xf32, #tpu.memory_space<hbm>> -> memref<32x32xf32, #tpu.memory_space<hbm>>
      %dma_start3A_15 = arith.constant 0 : i32
      %dma_start3A_16 = tpu.memref_slice %arg8[%mul3A_10, %dma_start3A_15] : memref<640x32xf32, #tpu.memory_space<vmem_shared>> -> memref<32x32xf32, #tpu.memory_space<vmem_shared>>
      tpu.enqueue_dma source(%dma_start3A_16 : memref<32x32xf32, #tpu.memory_space<vmem_shared>>) target(%dma_start3A_14 : memref<32x32xf32, #tpu.memory_space<hbm>>) target_semaphore(%run_scoped3A : memref<!tpu.dma_semaphore, #tpu.memory_space<semaphore_mem>>)
      %dma_wait3A = arith.constant 0 : i32
      %dma_wait3A_17 = tpu.memref_slice %arg5[%arg0, %mul3A_12, %dma_wait3A] : memref<2x512x32xf32, #tpu.memory_space<hbm>> -> memref<1x32x32xf32, #tpu.memory_space<hbm>>
      %dma_wait3A_18 = tpu.memref_squeeze %dma_wait3A_17 : memref<1x32x32xf32, #tpu.memory_space<hbm>> -> memref<32x32xf32, #tpu.memory_space<hbm>>
      %dma_wait3A_19 = arith.constant 0 : i32
      %dma_wait3A_20 = tpu.memref_slice %arg8[%mul3A_10, %dma_wait3A_19] : memref<640x32xf32, #tpu.memory_space<vmem_shared>> -> memref<32x32xf32, #tpu.memory_space<vmem_shared>>
      tpu.wait_dma2 semaphore(%run_scoped3A : memref<!tpu.dma_semaphore, #tpu.memory_space<semaphore_mem>>) src(%dma_wait3A_20 : memref<32x32xf32, #tpu.memory_space<vmem_shared>>) dst(%dma_wait3A_18 : memref<32x32xf32, #tpu.memory_space<hbm>>)
      tpu.yield
    }) : () -> ()
    return
  }
}

module attributes {stable_mosaic.version = 14 : i64} {
  func.func @_tc_table_init_body(%arg0: i32, %arg1: i32, %arg2: memref<1024x1xf32, #tpu.memory_space<vmem>>, %arg3: memref<1x128x32xf32, #tpu.memory_space<vmem>>, %arg4: memref<1x128x32xf32, #tpu.memory_space<vmem>>, %arg5: memref<1x4x32xf32, #tpu.memory_space<vmem>>, %arg6: memref<1024x4x32xf32, #tpu.memory_space<vmem>>, %arg7: memref<1024x32xf32, #tpu.memory_space<vmem>>) attributes {dimension_semantics = [#tpu.dimension_semantics<arbitrary>, #tpu.dimension_semantics<arbitrary>], iteration_bounds = array<i64: 2, 50>, scalar_prefetch = 0 : i64, scratch_operands = 0 : i64, tpu.core_type = #tpu.core_type<tc>, window_params = [{transform_indices = @transform_0, window_bounds = array<i64: 1024, 1>}, {transform_indices = @transform_1, window_bounds = array<i64: 1, 128, 32>}, {transform_indices = @transform_2, window_bounds = array<i64: 1, 128, 32>}, {transform_indices = @transform_3, window_bounds = array<i64: 1, 4, 32>}, {transform_indices = @transform_4, window_bounds = array<i64: 1024, 4, 32>}, {transform_indices = @transform_5, window_bounds = array<i64: 1024, 32>}]} {
    %iota3A = tpu.iota {dimensions = array<i32: 1>} : vector<1024x128xi32>
    %convert_element_type3A = arith.sitofp %iota3A : vector<1024x128xi32> to vector<1024x128xf32>
    %get3A = arith.constant 0 : index
    %get3A_0 = arith.constant 0 : index
    %get3A_1 = vector.load %arg2[%get3A, %get3A_0] : memref<1024x1xf32, #tpu.memory_space<vmem>>, vector<1024x1xf32>
    %eq3A = vector.broadcast %get3A_1 : vector<1024x1xf32> to vector<1024x128xf32>
    %eq3A_2 = arith.cmpf oeq, %eq3A, %convert_element_type3A : vector<1024x128xf32>
    %convert_element_type3A_3 = arith.extui %eq3A_2 : vector<1024x128xi1> to vector<1024x128xi32>
    %convert_element_type3A_4 = arith.sitofp %convert_element_type3A_3 : vector<1024x128xi32> to vector<1024x128xf32>
    %get3A_5 = arith.constant 0 : index
    %get3A_6 = arith.constant 0 : index
    %get3A_7 = arith.constant 0 : index
    %get3A_8 = vector.load %arg3[%get3A_5, %get3A_6, %get3A_7] : memref<1x128x32xf32, #tpu.memory_space<vmem>>, vector<1x128x32xf32>
    %get3A_9 = vector.shape_cast %get3A_8 : vector<1x128x32xf32> to vector<128x32xf32>
    %dot_general3A = arith.constant dense<0.000000e+00> : vector<1024x32xf32>
    %dot_general3A_10 = tpu.matmul %convert_element_type3A_4, %get3A_9, %dot_general3A {dimension_numbers = #tpu.dot_dimension_numbers<[1], [0], [0], [1], [0, 0, 1, 1], [], []>, transpose_lhs_hint = false} : vector<1024x128xf32>, vector<128x32xf32>, vector<1024x32xf32> -> vector<1024x32xf32>
    %broadcast_in_dim3A = vector.shape_cast %dot_general3A_10 : vector<1024x32xf32> to vector<1024x1x32xf32>
    %get3A_11 = arith.constant 0 : index
    %get3A_12 = arith.constant 0 : index
    %get3A_13 = arith.constant 0 : index
    %get3A_14 = vector.load %arg5[%get3A_11, %get3A_12, %get3A_13] : memref<1x4x32xf32, #tpu.memory_space<vmem>>, vector<1x4x32xf32>
    %get3A_15 = vector.shape_cast %get3A_14 : vector<1x4x32xf32> to vector<4x32xf32>
    %broadcast_in_dim3A_16 = vector.shape_cast %get3A_15 : vector<4x32xf32> to vector<1x4x32xf32>
    %add3A = vector.broadcast %broadcast_in_dim3A : vector<1024x1x32xf32> to vector<1024x4x32xf32>
    %add3A_17 = vector.broadcast %broadcast_in_dim3A_16 : vector<1x4x32xf32> to vector<1024x4x32xf32>
    %add3A_18 = arith.addf %add3A, %add3A_17 : vector<1024x4x32xf32>
    %max3A = arith.constant 0.000000e+00 : f32
    %max3A_19 = vector.broadcast %max3A : f32 to vector<1024x4x32xf32>
    %max3A_20 = arith.maximumf %add3A_18, %max3A_19 : vector<1024x4x32xf32>
    %swap3A = arith.constant 0 : index
    %swap3A_21 = arith.constant 0 : index
    %swap3A_22 = arith.constant 0 : index
    %swap3A_23 = vector.load %arg6[%swap3A, %swap3A_21, %swap3A_22] : memref<1024x4x32xf32, #tpu.memory_space<vmem>>, vector<1024x4x32xf32>
    tpu.vector_store %arg6[%swap3A, %swap3A_21, %swap3A_22], %max3A_20 {strides = array<i32>} : memref<1024x4x32xf32, #tpu.memory_space<vmem>>, vector<1024x4x32xf32>,
    %get3A_24 = arith.constant 0 : index
    %get3A_25 = arith.constant 0 : index
    %get3A_26 = arith.constant 0 : index
    %get3A_27 = vector.load %arg4[%get3A_24, %get3A_25, %get3A_26] : memref<1x128x32xf32, #tpu.memory_space<vmem>>, vector<1x128x32xf32>
    %get3A_28 = vector.shape_cast %get3A_27 : vector<1x128x32xf32> to vector<128x32xf32>
    %dot_general3A_29 = arith.constant dense<0.000000e+00> : vector<1024x32xf32>
    %dot_general3A_30 = tpu.matmul %convert_element_type3A_4, %get3A_28, %dot_general3A_29 {dimension_numbers = #tpu.dot_dimension_numbers<[1], [0], [0], [1], [0, 0, 1, 1], [], []>, transpose_lhs_hint = false} : vector<1024x128xf32>, vector<128x32xf32>, vector<1024x32xf32> -> vector<1024x32xf32>
    %swap3A_31 = arith.constant 0 : index
    %swap3A_32 = arith.constant 0 : index
    %swap3A_33 = vector.load %arg7[%swap3A_31, %swap3A_32] : memref<1024x32xf32, #tpu.memory_space<vmem>>, vector<1024x32xf32>
    tpu.vector_store %arg7[%swap3A_31, %swap3A_32], %dot_general3A_30 {strides = array<i32>} : memref<1024x32xf32, #tpu.memory_space<vmem>>, vector<1024x32xf32>,
    return
  }
  func.func @transform_0(%arg0: i32, %arg1: i32) -> (i32, i32) {
    %c0_i32 = arith.constant 0 : i32
    %c0_i32_0 = arith.constant 0 : i32
    return %arg1, %c0_i32 : i32, i32
  }
  func.func @transform_1(%arg0: i32, %arg1: i32) -> (i32, i32, i32) {
    %c0_i32 = arith.constant 0 : i32
    %c0_i32_0 = arith.constant 0 : i32
    %c0_i32_1 = arith.constant 0 : i32
    return %arg0, %c0_i32, %c0_i32_0 : i32, i32, i32
  }
  func.func @transform_2(%arg0: i32, %arg1: i32) -> (i32, i32, i32) {
    %c0_i32 = arith.constant 0 : i32
    %c0_i32_0 = arith.constant 0 : i32
    %c0_i32_1 = arith.constant 0 : i32
    return %arg0, %c0_i32, %c0_i32_0 : i32, i32, i32
  }
  func.func @transform_3(%arg0: i32, %arg1: i32) -> (i32, i32, i32) {
    %c0_i32 = arith.constant 0 : i32
    %c0_i32_0 = arith.constant 0 : i32
    %c0_i32_1 = arith.constant 0 : i32
    return %arg0, %c0_i32, %c0_i32_0 : i32, i32, i32
  }
  func.func @transform_4(%arg0: i32, %arg1: i32) -> (i32, i32, i32) {
    %mul3A = arith.constant 50 : i32
    %mul3A_0 = arith.muli %arg0, %mul3A : i32
    %add3A = arith.addi %mul3A_0, %arg1 : i32
    %c0_i32 = arith.constant 0 : i32
    %c0_i32_1 = arith.constant 0 : i32
    %c0_i32_2 = arith.constant 0 : i32
    return %add3A, %c0_i32, %c0_i32_1 : i32, i32, i32
  }
  func.func @transform_5(%arg0: i32, %arg1: i32) -> (i32, i32) {
    %mul3A = arith.constant 50 : i32
    %mul3A_0 = arith.muli %arg0, %mul3A : i32
    %add3A = arith.addi %mul3A_0, %arg1 : i32
    %c0_i32 = arith.constant 0 : i32
    %c0_i32_1 = arith.constant 0 : i32
    return %add3A, %c0_i32 : i32, i32
  }
}

module attributes {stable_mosaic.version = 14 : i64} {
  func.func @_tc_table_pass_body(%arg0: i32, %arg1: i32, %arg2: memref<1024x32xf32, #tpu.memory_space<vmem>>, %arg3: memref<1024x32xf32, #tpu.memory_space<vmem>>, %arg4: memref<1024x32xf32, #tpu.memory_space<vmem>>, %arg5: memref<1x64x32xf32, #tpu.memory_space<vmem>>, %arg6: memref<1x4x32xf32, #tpu.memory_space<vmem>>, %arg7: memref<1024x4x32xf32, #tpu.memory_space<vmem>>) attributes {dimension_semantics = [#tpu.dimension_semantics<arbitrary>, #tpu.dimension_semantics<arbitrary>], iteration_bounds = array<i64: 2, 50>, scalar_prefetch = 0 : i64, scratch_operands = 0 : i64, tpu.core_type = #tpu.core_type<tc>, window_params = [{transform_indices = @transform_0, window_bounds = array<i64: 1024, 32>}, {transform_indices = @transform_1, window_bounds = array<i64: 1024, 32>}, {transform_indices = @transform_2, window_bounds = array<i64: 1024, 32>}, {transform_indices = @transform_3, window_bounds = array<i64: 1, 64, 32>}, {transform_indices = @transform_4, window_bounds = array<i64: 1, 4, 32>}, {transform_indices = @transform_5, window_bounds = array<i64: 1024, 4, 32>}]} {
    %get3A = arith.constant 0 : index
    %get3A_0 = arith.constant 0 : index
    %get3A_1 = vector.load %arg3[%get3A, %get3A_0] : memref<1024x32xf32, #tpu.memory_space<vmem>>, vector<1024x32xf32>
    %get3A_2 = arith.constant 0 : index
    %get3A_3 = arith.constant 0 : index
    %get3A_4 = vector.load %arg4[%get3A_2, %get3A_3] : memref<1024x32xf32, #tpu.memory_space<vmem>>, vector<1024x32xf32>
    %concatenate3A = tpu.concatenate %get3A_1, %get3A_4 in 1 : vector<1024x32xf32>, vector<1024x32xf32> -> vector<1024x64xf32>
    %get3A_5 = arith.constant 0 : index
    %get3A_6 = arith.constant 0 : index
    %get3A_7 = arith.constant 0 : index
    %get3A_8 = vector.load %arg5[%get3A_5, %get3A_6, %get3A_7] : memref<1x64x32xf32, #tpu.memory_space<vmem>>, vector<1x64x32xf32>
    %get3A_9 = vector.shape_cast %get3A_8 : vector<1x64x32xf32> to vector<64x32xf32>
    %dot_general3A = arith.constant dense<0.000000e+00> : vector<1024x32xf32>
    %dot_general3A_10 = tpu.matmul %concatenate3A, %get3A_9, %dot_general3A {dimension_numbers = #tpu.dot_dimension_numbers<[1], [0], [0], [1], [0, 0, 1, 1], [], []>, transpose_lhs_hint = false} : vector<1024x64xf32>, vector<64x32xf32>, vector<1024x32xf32> -> vector<1024x32xf32>
    %get3A_11 = arith.constant 0 : index
    %get3A_12 = arith.constant 0 : index
    %get3A_13 = vector.load %arg2[%get3A_11, %get3A_12] : memref<1024x32xf32, #tpu.memory_space<vmem>>, vector<1024x32xf32>
    %add3A = arith.addf %dot_general3A_10, %get3A_13 : vector<1024x32xf32>
    %broadcast_in_dim3A = vector.shape_cast %add3A : vector<1024x32xf32> to vector<1024x1x32xf32>
    %get3A_14 = arith.constant 0 : index
    %get3A_15 = arith.constant 0 : index
    %get3A_16 = arith.constant 0 : index
    %get3A_17 = vector.load %arg6[%get3A_14, %get3A_15, %get3A_16] : memref<1x4x32xf32, #tpu.memory_space<vmem>>, vector<1x4x32xf32>
    %get3A_18 = vector.shape_cast %get3A_17 : vector<1x4x32xf32> to vector<4x32xf32>
    %broadcast_in_dim3A_19 = vector.shape_cast %get3A_18 : vector<4x32xf32> to vector<1x4x32xf32>
    %add3A_20 = vector.broadcast %broadcast_in_dim3A : vector<1024x1x32xf32> to vector<1024x4x32xf32>
    %add3A_21 = vector.broadcast %broadcast_in_dim3A_19 : vector<1x4x32xf32> to vector<1024x4x32xf32>
    %add3A_22 = arith.addf %add3A_20, %add3A_21 : vector<1024x4x32xf32>
    %max3A = arith.constant 0.000000e+00 : f32
    %max3A_23 = vector.broadcast %max3A : f32 to vector<1024x4x32xf32>
    %max3A_24 = arith.maximumf %add3A_22, %max3A_23 : vector<1024x4x32xf32>
    %swap3A = arith.constant 0 : index
    %swap3A_25 = arith.constant 0 : index
    %swap3A_26 = arith.constant 0 : index
    %swap3A_27 = vector.load %arg7[%swap3A, %swap3A_25, %swap3A_26] : memref<1024x4x32xf32, #tpu.memory_space<vmem>>, vector<1024x4x32xf32>
    tpu.vector_store %arg7[%swap3A, %swap3A_25, %swap3A_26], %max3A_24 {strides = array<i32>} : memref<1024x4x32xf32, #tpu.memory_space<vmem>>, vector<1024x4x32xf32>,
    return
  }
  func.func @transform_0(%arg0: i32, %arg1: i32) -> (i32, i32) {
    %mul3A = arith.constant 50 : i32
    %mul3A_0 = arith.muli %arg0, %mul3A : i32
    %add3A = arith.addi %mul3A_0, %arg1 : i32
    %c0_i32 = arith.constant 0 : i32
    %c0_i32_1 = arith.constant 0 : i32
    return %add3A, %c0_i32 : i32, i32
  }
  func.func @transform_1(%arg0: i32, %arg1: i32) -> (i32, i32) {
    %c0_i32 = arith.constant 0 : i32
    %c0_i32_0 = arith.constant 0 : i32
    return %arg1, %c0_i32 : i32, i32
  }
  func.func @transform_2(%arg0: i32, %arg1: i32) -> (i32, i32) {
    %add3A = arith.constant 50 : i32
    %add3A_0 = arith.addi %add3A, %arg1 : i32
    %c0_i32 = arith.constant 0 : i32
    %c0_i32_1 = arith.constant 0 : i32
    return %add3A_0, %c0_i32 : i32, i32
  }
  func.func @transform_3(%arg0: i32, %arg1: i32) -> (i32, i32, i32) {
    %c0_i32 = arith.constant 0 : i32
    %c0_i32_0 = arith.constant 0 : i32
    %c0_i32_1 = arith.constant 0 : i32
    return %arg0, %c0_i32, %c0_i32_0 : i32, i32, i32
  }
  func.func @transform_4(%arg0: i32, %arg1: i32) -> (i32, i32, i32) {
    %c0_i32 = arith.constant 0 : i32
    %c0_i32_0 = arith.constant 0 : i32
    %c0_i32_1 = arith.constant 0 : i32
    return %arg0, %c0_i32, %c0_i32_0 : i32, i32, i32
  }
  func.func @transform_5(%arg0: i32, %arg1: i32) -> (i32, i32, i32) {
    %mul3A = arith.constant 50 : i32
    %mul3A_0 = arith.muli %arg0, %mul3A : i32
    %add3A = arith.addi %mul3A_0, %arg1 : i32
    %c0_i32 = arith.constant 0 : i32
    %c0_i32_1 = arith.constant 0 : i32
    %c0_i32_2 = arith.constant 0 : i32
    return %add3A, %c0_i32, %c0_i32_1 : i32, i32, i32
  }
}

module attributes {stable_mosaic.version = 14 : i64} {
  func.func @_tc_mlp_body(%arg0: memref<512x64xf32, #tpu.memory_space<vmem>>, %arg1: memref<64x128xf32, #tpu.memory_space<vmem>>, %arg2: memref<1x128xf32, #tpu.memory_space<vmem>>, %arg3: memref<128x1xf32, #tpu.memory_space<vmem>>, %arg4: memref<1x1xf32, #tpu.memory_space<vmem>>, %arg5: memref<512x1xf32, #tpu.memory_space<vmem>>) attributes {dimension_semantics = [], scalar_prefetch = 0 : i64, scratch_operands = 0 : i64, tpu.core_type = #tpu.core_type<tc>} {
    %get3A = arith.constant 0 : index
    %get3A_0 = arith.constant 0 : index
    %get3A_1 = vector.load %arg0[%get3A, %get3A_0] : memref<512x64xf32, #tpu.memory_space<vmem>>, vector<512x64xf32>
    %get3A_2 = arith.constant 0 : index
    %get3A_3 = arith.constant 0 : index
    %get3A_4 = vector.load %arg1[%get3A_2, %get3A_3] : memref<64x128xf32, #tpu.memory_space<vmem>>, vector<64x128xf32>
    %dot_general3A = arith.constant dense<0.000000e+00> : vector<512x128xf32>
    %dot_general3A_5 = tpu.matmul %get3A_1, %get3A_4, %dot_general3A {dimension_numbers = #tpu.dot_dimension_numbers<[1], [0], [0], [1], [0, 0, 1, 1], [], []>, transpose_lhs_hint = false} : vector<512x64xf32>, vector<64x128xf32>, vector<512x128xf32> -> vector<512x128xf32>
    %get3A_6 = arith.constant 0 : index
    %get3A_7 = arith.constant 0 : index
    %get3A_8 = vector.load %arg2[%get3A_6, %get3A_7] : memref<1x128xf32, #tpu.memory_space<vmem>>, vector<1x128xf32>
    %add3A = vector.broadcast %get3A_8 : vector<1x128xf32> to vector<512x128xf32>
    %add3A_9 = arith.addf %dot_general3A_5, %add3A : vector<512x128xf32>
    %max3A = arith.constant 0.000000e+00 : f32
    %max3A_10 = vector.broadcast %max3A : f32 to vector<512x128xf32>
    %max3A_11 = arith.maximumf %add3A_9, %max3A_10 : vector<512x128xf32>
    %get3A_12 = arith.constant 0 : index
    %get3A_13 = arith.constant 0 : index
    %get3A_14 = vector.load %arg3[%get3A_12, %get3A_13] : memref<128x1xf32, #tpu.memory_space<vmem>>, vector<128x1xf32>
    %dot_general3A_15 = arith.constant dense<0.000000e+00> : vector<512x1xf32>
    %dot_general3A_16 = tpu.matmul %max3A_11, %get3A_14, %dot_general3A_15 {dimension_numbers = #tpu.dot_dimension_numbers<[1], [0], [0], [1], [0, 0, 1, 1], [], []>, transpose_lhs_hint = false} : vector<512x128xf32>, vector<128x1xf32>, vector<512x1xf32> -> vector<512x1xf32>
    %get3A_17 = arith.constant 0 : index
    %get3A_18 = arith.constant 0 : index
    %get3A_19 = vector.load %arg4[%get3A_17, %get3A_18] : memref<1x1xf32, #tpu.memory_space<vmem>>, vector<1x1xf32>
    %add3A_20 = vector.broadcast %get3A_19 : vector<1x1xf32> to vector<512x1xf32>
    %add3A_21 = arith.addf %dot_general3A_16, %add3A_20 : vector<512x1xf32>
    %swap3A = arith.constant 0 : index
    %swap3A_22 = arith.constant 0 : index
    %swap3A_23 = vector.load %arg5[%swap3A, %swap3A_22] : memref<512x1xf32, #tpu.memory_space<vmem>>, vector<512x1xf32>
    tpu.vector_store %arg5[%swap3A, %swap3A_22], %add3A_21 {strides = array<i32>} : memref<512x1xf32, #tpu.memory_space<vmem>>, vector<512x1xf32>,
    return
  }
}

</mosaic_0001>

<sc_bundles>
// kernel: kernel.12.cloned.1.call-start
scs
__scs_entry_jumppad:
0x0: {  	(pc) =	sbr.rel $0x88, $3  }
0x1: {  	(tag) =	ssettag $0x0;
	lr =	simm.s32 $0x1  }
0x2: {  	[smem:$0x3F93] =	sst lr;
	_ =	strace $0xD0000000  }
0x3: {  	_ = 	snop  }
0x4: {  	_ = 	snop  }
0x5: {  	_ = 	snop  }
0x6: {  	_ = 	snop  }
0x7: {  	_ = 	snop  }
__scs_overlays_trampoline_lowered:
0x8: {  	[smem:$0x3FA2] =	sst s0  }
0x9: {  	[smem:$0x3FA3] =	sst s1  }
0xa: {  	[smem:$0x3FA4] =	sst s2  }
0xb: {  	[smem:$0x3FA5] =	sst s3  }
0xc: {  	[smem:$0x3FA6] =	sst s4  }
0xd: {  	[smem:$0x3FA7] =	sst s5  }
0xe: {  	[smem:$0x3FA8] =	sst s6  }
0xf: {  	[smem:$0x3FA9] =	sst s7  }
0x10: {  	[smem:$0x3FAA] =	sst s8  }
0x11: {  	[smem:$0x3FAB] =	sst s9;
	s0 =	simm.s32 @!p0 $0x0  }
0x12: {  	s1 =	sld [smem:$0x3F91];
	s0 =	simm.s32 @p0 $0x1  }
0x13: {  	[smem:$0x3FAC] =	sst s0;
	s0 =	simm.s32 @!p1 $0x0  }
0x14: {  	s2 =	sld [smem:$0x3F90];
	s0 =	simm.s32 @p1 $0x1  }
0x15: {  	[smem:$0x3FAD] =	sst s0;
	s0 =	simm.s32 @!p2 $0x0  }
0x16: {  	s3 =	sld [smem:$0x3FDB];
	s0 =	simm.s32 @p2 $0x1  }
0x17: {  	s4 =	simm.s32 $0x1BF5;
	[smem:$0x3FAF] =	sst s0  }
0x18: {  	s0 =	sld [smem:$0x3F92];
	_ =	swait.ge [sflag:s4], $0x0  }
0x19: {  	s7 =	sld [smem:$0x3F93]  }
0x1a: {  	s8 =	sadd.s32 $0xFFFFE003, lr  }
0x1b: {  	s9 =	sadd.s32 $0xFFFFFEF7, lr;
	s5 =	simm.s32 $0xFFFFFFFF;
	p2 =	slt.u32 s8, $0xFFFFF086  }
0x1c: {  	p1 =	slt.u32 s9, $0xF7A;
	s5 =	simm.s32 @!p2 $0x0  }
0x1d: {  	s5 =	simm.s32 @p1 $0x1;
	p0 =	seq.s32 s7, s2  }
0x1e: {  	s7 =	smul.u32 @!p0 $0xF7A, s2;
	p2 =	seq.s32 @!p0 s5, $0x0  }
0x1f: {  	s9 =	smul.u32 $0xF7A, s1;
	s8 =	simm.s32 @!p0 $0x1BF5;
	p2 =	por !p2, p0  }
0x20: {  	[sflag:s8] =	ssyncset.s32 @!p0 $0xFFFFF086;
	s6 =	sadd.s32 @!p0 s3, s7;
	s7 =	simm.s32 @!p0 $0x108  }
0x21: {  	s3 =	sadd.s32 s3, s9;
	s6 =	sadd.s32 @!p0 $0x88, s6;
	s7 =	simm.s32 @p2 $0x1082  }
0x22: {  	[simem:s7], [sflag:s8] =	dma.local @!p0 [hbm:s6], $0xF7A  }
0x23: {  	s9 =	sor.u32 $0xD0000000, s2;
	s6 =	simm.s32 $0x108;
	_ =	swait.ge @!p0 [sflag:s8], $0x0  }
0x24: {  	s3 =	sadd.s32 $0x88, s3;
	s6 =	simm.s32 @!p1 $0x1082;
	[sflag:s4] =	ssyncset.s32 $0xFFFFF086  }
0x25: {  	[simem:s6], [sflag:s4] =	dma.local [hbm:s3], $0xF7A  }
0x26: {  	[smem:$0x3F93] =	sst s1;
	(tag) =	ssettag s2;
	_ =	strace s9  }
0x27: {  	s1 =	sld [smem:$0x3FA3]  }
0x28: {  	s2 =	sld [smem:$0x3FA4]  }
0x29: {  	s4 =	sld [smem:$0x3FA6]  }
0x2a: {  	p0 =	seq.s32 s5, $0x0;
	s5 =	sld [smem:$0x3FA7]  }
0x2b: {  	s6 =	sld [smem:$0x3FA8]  }
0x2c: {  	s7 =	sld [smem:$0x3FA9]  }
0x2d: {  	s3 =	simm.s32 $0x108;
	s8 =	sld [smem:$0x3FAA]  }
0x2e: {  	s3 =	simm.s32 @!p0 $0x1082;
	s9 =	sld [smem:$0x3FAB]  }
0x2f: {  	lr =	sadd.s32 s0, s3;
	s0 =	sld [smem:$0x3FA2]  }
0x30: {  	s3 =	sld [smem:$0x3FA5]  }
0x31: {  	[smem:$0x3FAE] =	sst s10  }
0x32: {  	s10 =	sld [smem:$0x3FAC];
	_ =	sdelay $0x3  }
0x33: {  	p0 =	seq.s32 s10, $0x1;
	s10 =	sld [smem:$0x3FAE];
	_ =	sdelay $0x3  }
0x34: {  	[smem:$0x3FAE] =	sst s10  }
0x35: {  	s10 =	sld [smem:$0x3FAD];
	_ =	sdelay $0x3  }
0x36: {  	p1 =	seq.s32 s10, $0x1;
	s10 =	sld [smem:$0x3FAE];
	_ =	sdelay $0x3  }
0x37: {  	[smem:$0x3FAE] =	sst s10  }
0x38: {  	s10 =	sld [smem:$0x3FAF]  }
0x39: {  	_ = 	snop;
	(pc) =	sbr.ind lr, $3  }
0x3a: {  	_ = 	snop  }
0x3b: {  	_ = 	snop  }
0x3c: {  	p2 =	seq.s32 s10, $0x1;
	s10 =	sld [smem:$0x3FAE]  }
0x3d: {  	_ =	shalt  }
0x3e: {  	_ =	shalt  }
0x3f: {  	_ =	shalt  }
0x40: {  	_ =	shalt  }
0x41: {  	_ =	shalt  }
0x42: {  	_ =	shalt  }
0x43: {  	_ =	shalt  }
0x44: {  	_ =	shalt  }
0x45: {  	_ =	shalt  }
0x46: {  	_ =	shalt  }
0x47: {  	_ =	shalt  }
0x48: {  	_ =	shalt  }
0x49: {  	_ =	shalt  }
0x4a: {  	_ =	shalt  }
0x4b: {  	_ =	shalt  }
0x4c: {  	_ =	shalt  }
0x4d: {  	_ =	shalt  }
0x4e: {  	_ =	shalt  }
0x4f: {  	_ =	shalt  }
0x50: {  	_ =	shalt  }
0x51: {  	_ =	shalt  }
0x52: {  	_ =	shalt  }
0x53: {  	_ =	shalt  }
0x54: {  	_ =	shalt  }
0x55: {  	_ =	shalt  }
0x56: {  	_ =	shalt  }
0x57: {  	_ =	shalt  }
0x58: {  	_ =	shalt  }
0x59: {  	_ =	shalt  }
0x5a: {  	_ =	shalt  }
0x5b: {  	_ =	shalt  }
0x5c: {  	_ =	shalt  }
0x5d: {  	_ =	shalt  }
0x5e: {  	_ =	shalt  }
0x5f: {  	_ =	shalt  }
0x60: {  	_ =	shalt  }
0x61: {  	_ =	shalt  }
0x62: {  	_ =	shalt  }
0x63: {  	_ =	shalt  }
0x64: {  	_ =	shalt  }
0x65: {  	_ =	shalt  }
0x66: {  	_ =	shalt  }
0x67: {  	_ =	shalt  }
0x68: {  	_ =	shalt  }
0x69: {  	_ =	shalt  }
0x6a: {  	_ =	shalt  }
0x6b: {  	_ =	shalt  }
0x6c: {  	_ =	shalt  }
0x6d: {  	_ =	shalt  }
0x6e: {  	_ =	shalt  }
0x6f: {  	_ =	shalt  }
0x70: {  	_ =	shalt  }
0x71: {  	_ =	shalt  }
0x72: {  	_ =	shalt  }
0x73: {  	_ =	shalt  }
0x74: {  	_ =	shalt  }
0x75: {  	_ =	shalt  }
0x76: {  	_ =	shalt  }
0x77: {  	_ =	shalt  }
0x78: {  	_ =	shalt  }
0x79: {  	_ =	shalt  }
0x7a: {  	_ =	shalt  }
0x7b: {  	_ =	shalt  }
0x7c: {  	_ =	shalt  }
0x7d: {  	_ =	shalt  }
0x7e: {  	_ =	shalt  }
0x7f: {  	_ =	shalt  }
0x80: {  	_ =	shalt  }
0x81: {  	_ =	shalt  }
0x82: {  	_ =	shalt  }
0x83: {  	_ =	shalt  }
0x84: {  	_ =	shalt  }
0x85: {  	_ =	shalt  }
0x86: {  	_ =	shalt  }
0x87: {  	_ =	shalt  }
.Lfunc_end0:
.L_simem_size_0:
called_computation_lowered:
.L_overlay_start_0:
0x88: {  	s2 =	sld [smem:$0x3FD9]  }
0x89: {  	s3 =	sld [smem:$0x3FFE];
	_ =	sdelay $0x1  }
0x8a: {  	s1 =	srdreg.scid  }
0x8b: {  	s0 =	sand.u32 $0x1, s1  }
0x8c: {  	s16 =	sshll.u32 s0, $0xA;
	s2 =	sadd.s32 s3, s2  }
0x8d: {  	s2 =	sadd.s32 s2, s16  }
0x8e: {  	[smem:$0x3FBA] =	sst s2  }
0x8f: {  	_ = 	snop  }
0x90: {  	(tm) =	ssettm $0x1  }
0x91: {  	s17 =	sld [smem:$0x3FFB];
	_ =	sdelay $0x3  }
0x92: {  	_ =	strace s17  }
0x93: {  	s2 =	sld [smem:$0x3FFC];
	_ =	sdelay $0x3  }
0x94: {  	_ =	strace s2  }
0x95: {  	s2 =	sld [smem:$0x3FFD];
	_ =	sdelay $0x3  }
0x96: {  	_ =	strace s2  }
0x97: {  	_ =	strace $0x8FFFFFFF  }
0x98: {  	s18 =	sld [smem:$0x3FDB];
	_ =	sdelay $0x1  }
0x99: {  	s19 =	simm.s32 $_scs_section_size  }
0x9a: {  	s4 =	simm.s32 $_size__tile_overlayer_lowered;
	s5 =	simm.s32 $_tile_overlayer_lowered  }
0x9b: {  	s22 =	simm.s32 $0x1BFF;
	s21 =	sshll.u32 s5, $0x1;
	s2 =	sadd.s32 s19, s18  }
0x9c: {  	s6 =	simm.s32 $0x0;
	s20 =	sshll.u32 s4, $0x1;
	s4 =	sadd.s32 s21, s2  }
0x9d: {  	[timem:s6], [sflag:s22] =	dma.local [hbm:s4], s20  }
0x9e: {  	_ =	swait.ge [sflag:s22], s20  }
0x9f: {  	s3 =	ssub.s32 $0x0, s20;
	[sflag:s22] =	ssyncset.done $0x0  }
0xa0: {  	[sflag:s22] =	ssyncadd.s32 s3;
	_ =	sdelay $0x1  }
0xa1: {  	s23 =	simm.s32 $0x1B8B  }
0xa2: {  	_ =	swait.ge [sflag:s23], $0x1  }
0xa3: {  	[sflag:s23] =	ssyncset.done $0x0  }
0xa4: {  	s25 =	simm.s32 $0x1B8E;
	s24 =	sld [smem:$0x3FFE];
	[sflag:s23] =	ssyncadd.s32 $0xFFFFFFFF  }
0xa5: {  	s26 =	simm.s32 $execute0_lowered;
	[smem:$0x3FD2] =	sst s25  }
0xa6: {  	s4 =	sshll.u32 s26, $0x1;
	_ =	strace $0x80000046;
	[dreg:$0x1] =	wrdreg $0xFFFFFFFF  }
0xa7: {  	s28 =	simm.s32 $_size_execute0_lowered;
	s2 =	sadd.s32 s2, s4;
	[dreg:$0x0] =	wrdreg $0x0  }
0xa8: {  	s4 =	sshll.u32 s28, $0x1;
	[dreg:$0x2] =	wrdreg s2  }
0xa9: {  	[dreg:$0x3] =	wrdreg s4  }
0xaa: {  	[dreg:$0x4] =	wrdreg $0xC0  }
0xab: {  	_ =	task [dreg:s6], $0x5FFFF  }
0xac: {  	[dreg:$0x1] =	wrdreg $0xFFFFFFFF  }
0xad: {  	[dreg:$0x0] =	wrdreg $0x60  }
0xae: {  	[dreg:$0x2] =	wrdreg s24  }
0xaf: {  	[dreg:$0x3] =	wrdreg $0x6C000  }
0xb0: {  	[dreg:$0x4] =	wrdreg $0x9  }
0xb1: {  	_ =	task.clear_ibuf [dreg:s6], $0x5FFFF;
	_ =	strace $0x90000046  }
0xb2: {  	s29 =	simm.s32 $0x9;
	_ =	strace $0x80000048  }
0xb3: {  	_ =	swait.ge [sflag:s29], $0x1  }
0xb4: {  	[sflag:s29] =	ssyncadd.s32 $0xFFFFFFFF  }
0xb5: {  	_ =	strace $0x90000048  }
0xb6: {  	_ =	sfence  }
0xb7: {  	s30 =	sld [smem:$0x0];
	_ =	sdelay $0x2  }
0xb8: {  	s31 =	sshll.u32 s1, $0xD;
	s1 =	sshrl.u32 s1, $0x2  }
0xb9: {  	s3 =	sand.u32 $0x4000, s31;
	s1 =	sadd.s32 s1, s30  }
0xba: {  	s0 =	sor.u32 s3, s0;
	s1 =	sshll.u32 s1, $0x11  }
0xbb: {  	s0 =	sor.u32 s1, s0  }
0xbc: {  	s0 =	sadd.s32 $0x8F2B, s0  }
0xbd: {  	[sflag:s0] =	ssyncadd.remote.s32 $0x1  }
0xbe: {  	_ =	sfence.sel $0xFFFF  }
0xbf: {  	[dreg:$0x0] =	wrdreg $0xFFFFFFFF;
	(pc) =	sbr.abs _section_cstart, $3  }
0xc0: {  	[dreg:$0x1] =	wrdreg $0xFFFFFFFF  }
0xc1: {  	_ =	task.clear_ibuf [dreg:s6], $0x2FFFF;
	_ =	strace $0x9FFFFFFF  }
0xc2: {  	(tm) =	ssettm $0x7FFFFFFF  }
0xc3: {  	_ =	shalt  }
tec
execute0_lowered:
.L_overlay_start_1:
0x0: {  	(tag) =	ssettag $0x1  }
0x1: {  	s0 =	rddreg [dreg:$0x0]  }
0x2: {  	s2 =	rddreg [dreg:$0x1];
	s3 =	simm.s32 $0x0  }
0x3: {  	s1 =	srdreg.scid;
	s13 =	stileid.u32;
	s16 =	simm.s32 $0xD  }
0x4: {  	s18 =	simm.s32 $0x80;
	s19 =	simm.s32 $0xC00;
	s20 =	simm.s32 $0x1C00  }
0x5: {  	s28 =	simm.s32 $0x2;
	s29 =	simm.s32 $0x5C00;
	s30 =	simm.s32 $0x3  }
0x6: {  	s31 =	simm.s32 $0x7;
	[smem:$0x7FF] =	sst s3;
	s1 =	sand.u32 $0x1, s1  }
0x7: {  	s7 =	smul.u32 $0x3200, s13;
	s4 =	sadd.s32 $0x3C00, s0;
	s5 =	sadd.s32 $0x1C800, s0  }
0x8: {  	s6 =	sadd.s32 $0x89BC00, s0;
	s8 =	smul.u32 $0x64000, s13;
	s9 =	sadd.s32 $0x35400, s0  }
0x9: {  	s24 =	sshll.u32 s13, $0x6;
	s12 =	smul.u32 $0x18C0, s13;
	_ =	strace $0x80000047  }
0xa: {  	s10 =	smul.u32 $0x32000, s1;
	[dreg:$0x3] =	wrdreg s9;
	s1 =	ssub.s32 $0x2, s1  }
0xb: {  	s9 =	sor.u32 $0x1C0D, s24;
	s22 =	sshrl.u32 s1, $0x1;
	s11 =	sshrl.u32 s8, $0x2  }
0xc: {  	s8 =	smul.u32 $0xC600, s13;
	s12 =	sadd.s32 s5, s12;
	s7 =	sadd.s32 s7, s10  }
0xd: {  	s1 =	ssub.s32 s1, s22;
	s23 =	sadd.s32 s11, s2;
	[dreg:$0x5] =	wrdreg s12  }
0xe: {  	s22 =	simm.s32 $0x2C00;
	s0 =	sadd.s32 s7, s0;
	s25 =	sshrl.u32 s8, $0x3  }
.Ltmp0:
0xf: {  	s26 =	smax.u32 s1, $0x1;
	s12 =	sshrl.u32 s23, $0x3;
	(pc) =	sbr.rel .LBB2_1-.Ltmp0, $4  }
0x10: {  	s1 =	simm.s32 $0x9;
	s23 =	simm.s32 $0x0;
	[dreg:$0x7] =	wrdreg s26  }
0x11: {  	s11 =	sadd.s32 s4, s25;
	s0 =	sadd.s32 $0x38600, s0;
	[dreg:$0x8] =	wrdreg s12  }
0x12: {  	s25 =	simm.s32 $0x1;
	s26 =	simm.s32 $0x4C00;
	[dreg:$0x4] =	wrdreg s11  }
0x13: {  	v0 =	vmov s10;
	s11 =	smul.u32 $0x18C, s13;
	[dreg:$0x6] =	wrdreg s0;
	s0 =	simm.s32 $0x5  }
.LBB2_9:
0x14: {  	s7 =	simm.s32 $0xB  }
0x15: {  	_ =	swait.ge [sflag:s7], $0x1000  }
0x16: {  	[sflag:s7] =	ssyncset.done $0x0  }
0x17: {  	s17 =	simm.s32 $0xC;
	[sflag:s7] =	ssyncadd.s32 $0xFFFFF000  }
0x18: {  	_ =	swait.ge [sflag:s17], $0x1000  }
0x19: {  	[sflag:s17] =	ssyncset.done $0x0  }
0x1a: {  	[sflag:s17] =	ssyncadd.s32 $0xFFFFF000  }
0x1b: {  	[bflag:$0x0] =	sbarrier.arrive $0xFFFF  }
0x1c: {  	s21 =	rddreg [dreg:$0x6]  }
0x1d: {  	s12 =	rddreg [dreg:$0x8]  }
0x1e: {  	[hbm:s21], [sflag:s15] =	dma.local [spmem:s12], $0x3200  }
0x1f: {  	_ =	swait.ge [sflag:s16], $0x3200  }
0x20: {  	s23 =	sadd.s32 $0x1, s23;
	s24 =	rddreg [dreg:$0x7]  }
0x21: {  	p0 =	sne.s32 s23, s24  }
.Ltmp1:
0x22: {  	_ = 	snop;
	(pc) =	sbr.rel @!p0 .LBB2_10-.Ltmp1, $3  }
0x23: {  	_ =	sdelay $0x1  }
0x24: {  	[sflag:s16] =	ssyncset.done $0x0  }
0x25: {  	s9 =	smov.u32 s15;
	[sflag:s16] =	ssyncadd.s32 $0xFFFFCE00  }
.LBB2_1:
0x26: {  	s7 =	rddreg [dreg:$0x3]  }
0x27: {  	[spmem:s12], [sflag:s9] =	dma.local [hbm:s7], $0x3200  }
0x28: {  	_ =	swait.ge [sflag:s16], $0x3200  }
0x29: {  	[sflag:s16] =	ssyncset.done $0x0  }
0x2a: {  	[sflag:s16] =	ssyncadd.s32 $0xFFFFCE00  }
0x2b: {  	[bflag:$0x0] =	sbarrier.arrive $0xFFFF  }
0x2c: {  	s24 =	rddreg [dreg:$0x4]  }
0x2d: {  	[tilespmem:s3], [sflag:$0xD] =	stream.linear.gather [hbm4b:s24+s3], $0x300, $0x38;
	[tilespmem:$0x1FC00] =	vst v63  }
0x2e: {  	_ =	swait.ge [sflag:s16], $0x300  }
0x2f: {  	s15 =	smov.u32 s9;
	[sflag:s16] =	ssyncset.done $0x0  }
0x30: {  	s10 =	simm.s32 $0x40;
	s7 =	simm.s32 $0x0;
	[sflag:s16] =	ssyncadd.s32 $0xFFFFFD00  }
.LBB2_2:
0x31: {  	p0 =	sne.s32 s10, $0xBC0;
	v1 =	vld [tilespmem:s7+$0x0];
	_ =	sdelay $0x1  }
.Ltmp2:
0x32: {  	(pc) =	sbr.rel @p0 .LBB2_2-.Ltmp2, $3  }
0x33: {  	_ =	sdelay $0x1  }
0x34: {  	v1 =	vadd.s32 v0, v1  }
0x35: {  	[tilespmem:s7+$0x0] =	vst v1;
	s7 =	sshra.s32 s10, $0x2;
	s10 =	sadd.s32 $0x40, s10  }
0x36: {  	v1 =	vld [tilespmem:s7+$0x0];
	_ =	sdelay $0x4  }
0x37: {  	v1 =	vadd.s32 v0, v1  }
0x38: {  	s24 =	simm.s32 $0x0;
	s13 =	rddreg [dreg:$0x5];
	s9 =	simm.s32 $0x600;
	[tilespmem:s7+$0x0] =	vst v1  }
0x39: {  	[tilespmem:s9], [sflag:$0xD] =	stream.linear.gather [hbm4b:s13+s24], $0x300, $0x38;
	[tilespmem:$0x1FC00] =	vst v63  }
0x3a: {  	_ =	swait.ge [sflag:s16], $0x300  }
0x3b: {  	[sflag:s16] =	ssyncset.done $0x0  }
0x3c: {  	[sflag:s16] =	ssyncadd.s32 $0xFFFFFD00  }
0x3d: {  	[tilespmem:s19], [sflag:$0x1] =	stream.indirect.gather [hbm4b:s6+s18], $0x20, s24, s18, $0xb8;
	[tilespmem:$0x1FC00] =	vst v63  }
0x3e: {  	_ = 	snop  }
0x3f: {  	[tilespmem:s20], [sflag:$0x2] =	stream.indirect.gather [hbm4b:s6+s18], $0x20, s18, s18, $0xb8;
	[tilespmem:$0x1FC00] =	vst v63  }
.Ltmp3:
0x40: {  	_ = 	snop;
	(pc) =	sbr.rel .LBB2_4-.Ltmp3, $4  }
0x41: {  	s14 =	simm.s32 $0x100  }
0x42: {  	[tilespmem:s22], [sflag:$0x3] =	stream.indirect.gather [hbm4b:s6+s18], $0x20, s14, s18, $0xb8;
	[tilespmem:$0x1FC00] =	vst v63  }
0x43: {  	s17 =	simm.s32 $0x180;
	s21 =	simm.s32 $0x3C00;
	p0 =	por $0x1, $0x1  }
0x44: {  	[tilespmem:s21], [sflag:$0x4] =	stream.indirect.gather [hbm4b:s6+s18], $0x20, s17, s18, $0xb8;
	[tilespmem:$0x1FC00] =	vst v63  }
.LBB2_8:
0x45: {  	_ =	swait.ge [sflag:s25], $0x1000;
	s12 =	smul.u32 $0x300, s7  }
0x46: {  	[sflag:s25] =	ssyncset.done $0x0  }
0x47: {  	[sflag:s25] =	ssyncadd.s32 $0xFFFFF000;
	s10 =	sadd.s32 $0x600, s12  }
0x48: {  	[spmem:s2] =	stream.indirect.scatter.add.f32 [tilespmem:s19], [sflag:$0x7], $0x20, s10, s18, $0xb8;
	[tilespmem:$0x1FC00] =	vst v63  }
0x49: {  	s13 =	sadd.s32 $0x200, s12  }
0x4a: {  	[tilespmem:s26], [sflag:$0x5] =	stream.indirect.gather [hbm4b:s6+s18], $0x20, s13, s18, $0xb8;
	[tilespmem:$0x1FC00] =	vst v63  }
0x4b: {  	_ =	swait.ge [sflag:s28], $0x1000  }
0x4c: {  	[sflag:s28] =	ssyncset.done $0x0  }
0x4d: {  	s9 =	sadd.s32 $0x680, s12;
	[sflag:s28] =	ssyncadd.s32 $0xFFFFF000  }
0x4e: {  	[spmem:s2] =	stream.indirect.scatter.add.f32 [tilespmem:s20], [sflag:$0x8], $0x20, s9, s18, $0xb8;
	[tilespmem:$0x1FC00] =	vst v63  }
0x4f: {  	s10 =	sadd.s32 $0x280, s12  }
0x50: {  	[tilespmem:s29], [sflag:$0x6] =	stream.indirect.gather [hbm4b:s6+s18], $0x20, s10, s18, $0xb8;
	[tilespmem:$0x1FC00] =	vst v63  }
0x51: {  	_ =	swait.ge [sflag:s30], $0x1000  }
0x52: {  	[sflag:s30] =	ssyncset.done $0x0  }
0x53: {  	s14 =	sadd.s32 $0x700, s12;
	[sflag:s30] =	ssyncadd.s32 $0xFFFFF000  }
0x54: {  	[spmem:s2] =	stream.indirect.scatter.add.f32 [tilespmem:s22], [sflag:$0x9], $0x20, s14, s18, $0xb8;
	[tilespmem:$0x1FC00] =	vst v63  }
0x55: {  	_ =	swait.ge [sflag:s31], $0x1000  }
0x56: {  	[sflag:s31] =	ssyncset.done $0x0  }
0x57: {  	s14 =	simm.s32 @p1 $0x4;
	[sflag:s31] =	ssyncadd.s32 $0xFFFFF000  }
0x58: {  	_ =	swait.ge @p1 [sflag:s14], $0x1000  }
0x59: {  	s17 =	simm.s32 @p1 $0x80;
	s21 =	simm.s32 @p1 $0x3C00;
	[sflag:s14] =	ssyncset.done @p1 $0x0  }
0x5a: {  	s7 =	sxor.u32 @!p1 $0x1, s7;
	[sflag:s14] =	ssyncadd.s32 @p1 $0xFFFFF000;
	s14 =	sadd.s32 @p1 $0x780, s12  }
0x5b: {  	[spmem:s2] =	stream.indirect.scatter.add.f32 @p1 [tilespmem:s21], [sflag:$0xA], $0x20, s14, s17, $0xb8;
	[tilespmem:$0x1FC00] =	vst v63  }
0x5c: {  	s7 =	smul.u32 @!p1 $0xC00, s7;
	s14 =	simm.s32 @p1 $0x8  }
0x5d: {  	_ =	swait.ge @p1 [sflag:s14], $0x1000  }
0x5e: {  	s7 =	sshrl.u32 @!p1 s7, $0x2;
	[sflag:s14] =	ssyncset.done @p1 $0x0  }
0x5f: {  	s21 =	simm.s32 @!p1 $0xC00;
	[sflag:s14] =	ssyncadd.s32 @p1 $0xFFFFF000;
	s14 =	simm.s32 @!p1 $0x80  }
0x60: {  	[tilespmem:s21], [sflag:$0x1] =	stream.indirect.gather @!p1 [hbm4b:s6+s14], $0x20, s7, s14, $0xb8;
	[tilespmem:$0x1FC00] =	vst v63  }
0x61: {  	s21 =	simm.s32 @!p1 $0x4  }
0x62: {  	_ =	swait.ge @!p1 [sflag:s21], $0x1000  }
0x63: {  	[sflag:s21] =	ssyncset.done @!p1 $0x0  }
0x64: {  	s12 =	sadd.s32 @!p1 $0x780, s12;
	[sflag:s21] =	ssyncadd.s32 @!p1 $0xFFFFF000;
	s21 =	simm.s32 @!p1 $0x3C00  }
0x65: {  	[spmem:s2] =	stream.indirect.scatter.add.f32 @!p1 [tilespmem:s21], [sflag:$0xA], $0x20, s12, s14, $0xb8;
	[tilespmem:$0x1FC00] =	vst v63  }
0x66: {  	s12 =	simm.s32 @!p1 $0x8  }
0x67: {  	_ =	swait.ge @!p1 [sflag:s12], $0x1000  }
0x68: {  	[sflag:s12] =	ssyncset.done @!p1 $0x0  }
0x69: {  	s9 =	simm.s32 @!p1 $0x1C00;
	[sflag:s12] =	ssyncadd.s32 @!p1 $0xFFFFF000;
	s12 =	sor.u32 @!p1 $0x80, s7  }
0x6a: {  	[tilespmem:s9], [sflag:$0x2] =	stream.indirect.gather @!p1 [hbm4b:s6+s14], $0x20, s12, s14, $0xb8;
	[tilespmem:$0x1FC00] =	vst v63  }
0x6b: {  	_ =	swait.ge [sflag:s0], $0x1000  }
0x6c: {  	[sflag:s0] =	ssyncset.done $0x0  }
0x6d: {  	s13 =	sadd.s32 $0x600, s13;
	[sflag:s0] =	ssyncadd.s32 $0xFFFFF000  }
0x6e: {  	[spmem:s2] =	stream.indirect.scatter.add.f32 [tilespmem:s26], [sflag:$0xB], $0x20, s13, s18, $0xb8;
	[tilespmem:$0x1FC00] =	vst v63  }
0x6f: {  	_ =	swait.ge [sflag:s1], $0x1000  }
0x70: {  	[sflag:s1] =	ssyncset.done $0x0  }
0x71: {  	s9 =	simm.s32 @p1 $0x6;
	[sflag:s1] =	ssyncadd.s32 $0xFFFFF000  }
0x72: {  	_ =	swait.ge @p1 [sflag:s9], $0x1000  }
0x73: {  	[sflag:s9] =	ssyncset.done @p1 $0x0  }
0x74: {  	s12 =	simm.s32 @p1 $0x5C00;
	[sflag:s9] =	ssyncadd.s32 @p1 $0xFFFFF000;
	s9 =	sadd.s32 @p1 $0x600, s10  }
0x75: {  	[spmem:s2] =	stream.indirect.scatter.add.f32 @p1 [tilespmem:s12], [sflag:$0xC], $0x20, s9, s17, $0xb8;
	[tilespmem:$0x1FC00] =	vst v63  }
0x76: {  	s9 =	simm.s32 @p1 $0xA  }
0x77: {  	_ =	swait.ge @p1 [sflag:s9], $0x1000  }
0x78: {  	[sflag:s9] =	ssyncset.done @p1 $0x0  }
0x79: {  	s12 =	simm.s32 @!p1 $0x2C00;
	[sflag:s9] =	ssyncadd.s32 @p1 $0xFFFFF000;
	s9 =	sadd.s32 @!p1 $0x100, s7  }
0x7a: {  	[tilespmem:s12], [sflag:$0x3] =	stream.indirect.gather @!p1 [hbm4b:s6+s14], $0x20, s9, s14, $0xb8;
	[tilespmem:$0x1FC00] =	vst v63  }
0x7b: {  	s9 =	simm.s32 @!p1 $0x6  }
0x7c: {  	_ =	swait.ge @!p1 [sflag:s9], $0x1000  }
0x7d: {  	[sflag:s9] =	ssyncset.done @!p1 $0x0  }
0x7e: {  	[sflag:s9] =	ssyncadd.s32 @!p1 $0xFFFFF000;
	s9 =	sadd.s32 @!p1 $0x600, s10;
	s10 =	simm.s32 @!p1 $0x5C00  }
0x7f: {  	[spmem:s2] =	stream.indirect.scatter.add.f32 @!p1 [tilespmem:s10], [sflag:$0xC], $0x20, s9, s14, $0xb8;
	[tilespmem:$0x1FC00] =	vst v63  }
0x80: {  	s9 =	simm.s32 @!p1 $0xA  }
0x81: {  	_ =	swait.ge @!p1 [sflag:s9], $0x1000  }
0x82: {  	[sflag:s9] =	ssyncset.done @!p1 $0x0  }
0x83: {  	s24 =	sadd.s32 $0x1, s24;
	s7 =	sadd.s32 @!p1 $0x180, s7;
	[sflag:s9] =	ssyncadd.s32 @!p1 $0xFFFFF000  }
0x84: {  	[tilespmem:s21], [sflag:$0x4] =	stream.indirect.gather @!p1 [hbm4b:s6+s14], $0x20, s7, s14, $0xb8;
	[tilespmem:$0x1FC00] =	vst v63  }
0x85: {  	p1 =	sne.s32 s24, $0x42  }
.Ltmp4:
0x86: {  	_ = 	snop;
	(pc) =	sbr.rel @!p1 .LBB2_9-.Ltmp4, $2  }
0x87: {  	_ =	sdelay $0x2  }
0x88: {  	p0 =	por !p0, !p0  }
.LBB2_4:
0x89: {  	p1 =	seq.s32 s24, $0x0  }
0x8a: {  	s7 =	simm.s32 @!p1 $0xB;
	p2 =	seq.s32 @!p1 s24, $0x41  }
0x8b: {  	_ =	swait.ge @!p1 [sflag:s7], $0x1000;
	p2 =	por p1, !p2  }
.Ltmp5:
0x8c: {  	[sflag:s7] =	ssyncset.done @!p1 $0x0;
	(pc) =	sbr.rel @!p2 .LBB2_8-.Ltmp5, $4  }
0x8d: {  	s10 =	simm.s32 @!p1 $0xC;
	[sflag:s7] =	ssyncadd.s32 @!p1 $0xFFFFF000  }
0x8e: {  	_ =	swait.ge @!p1 [sflag:s10], $0x1000  }
0x8f: {  	[sflag:s10] =	ssyncset.done @!p1 $0x0  }
0x90: {  	s7 =	sand.u32 $0x1, s24;
	[sflag:s10] =	ssyncadd.s32 @!p1 $0xFFFFF000;
	p1 =	por @!p1 $0x1, $0x1  }
0x91: {  	s10 =	sadd.s32 $0x1, s24;
	s13 =	simm.s32 $0x1  }
0x92: {  	s12 =	smul.u32 $0x300, s10;
	s13 =	simm.s32 @!p0 $0x0  }
0x93: {  	s13 =	smul.u32 $0xC00, s13  }
0x94: {  	s14 =	sxor.u32 $0x1, s7;
	s17 =	sadd.s32 s8, s12  }
0x95: {  	s12 =	smul.u32 $0x300, s14;
	s17 =	sshrl.u32 s17, $0x3;
	s13 =	sshrl.u32 s13, $0x2  }
0x96: {  	s21 =	simm.s32 $0x0;
	s14 =	sadd.s32 s4, s17;
	v1 =	vmov s13  }
0x97: {  	[tilespmem:s12], [sflag:$0xD] =	stream.linear.gather [hbm4b:s14+s21], $0x300, $0x38;
	[tilespmem:$0x1FC00] =	vst v63  }
0x98: {  	_ =	swait.ge [sflag:s16], $0x300  }
0x99: {  	[sflag:s16] =	ssyncset.done $0x0  }
0x9a: {  	s13 =	simm.s32 $0x0;
	s14 =	simm.s32 $0x40;
	[sflag:s16] =	ssyncadd.s32 $0xFFFFFD00  }
.LBB2_6:
0x9b: {  	p1 =	sne.s32 s14, $0xBC0;
	v2 =	vld.idx.msk [tilespmem:v1+s13+$0x0 ss:$0x1], $0xffff;
	_ =	sdelay $0x2  }
.Ltmp6:
0x9c: {  	(pc) =	sbr.rel @p1 .LBB2_6-.Ltmp6, $3  }
0x9d: {  	_ =	sdelay $0x1  }
0x9e: {  	v2 =	vadd.s32 v0, v2  }
0x9f: {  	[tilespmem:v1+s13+$0x0 ss:$0x1] =	vst.idx.msk $0xffff, v2;
	s13 =	sshra.s32 s14, $0x2;
	s14 =	sadd.s32 $0x40, s14  }
0xa0: {  	_ =	sdelay $0x3  }
0xa1: {  	v2 =	vld.idx.msk [tilespmem:v1+s13+$0x0 ss:$0x1], $0xffff;
	_ =	sdelay $0x1  }
0xa2: {  	s10 =	smul.u32 $0x6, s10;
	_ =	sdelay $0x1  }
0xa3: {  	s10 =	sadd.s32 s11, s10  }
0xa4: {  	s10 =	sshll.u32 s10, $0x4;
	v2 =	vadd.s32 v0, v2  }
.Ltmp7:
0xa5: {  	s12 =	sadd.s32 $0x600, s12;
	s10 =	sadd.s32 s5, s10;
	[tilespmem:v1+s13+$0x0 ss:$0x1] =	vst.idx.msk $0xffff, v2;
	(pc) =	sbr.rel .LBB2_8-.Ltmp7, $4  }
0xa6: {  	[tilespmem:s12], [sflag:$0xD] =	stream.linear.gather [hbm4b:s10+s3], $0x300, $0x38;
	[tilespmem:$0x1FC00] =	vst v63  }
0xa7: {  	_ =	swait.ge [sflag:s16], $0x300  }
0xa8: {  	[sflag:s16] =	ssyncset.done $0x0  }
0xa9: {  	p1 =	por $0x0, $0x0;
	[sflag:s16] =	ssyncadd.s32 $0xFFFFFD00  }
.LBB2_10:
0xaa: {  	_ =	sfence.sel $0x180000  }
0xab: {  	[bflag:$0x0] =	sbarrier.arrive $0xFFFF  }
0xac: {  	_ =	strace $0x90000047  }
0xad: {  	s0 =	stileid.u32;
	[bflag:$0x2] =	sbarrier.arrive $0xFFFF  }
0xae: {  	p0 =	sne.s32 s0, $0x0;
	s0 =	rddreg [dreg:$0x2]  }
0xaf: {  	s0 =	sadd.s32 @!p0 $0x100000, s0  }
0xb0: {  	[sflag:s0] =	ssyncadd.tile.s32 @!p0 $0x1;
	_ =	shalt  }
.Lfunc_end2:
_tile_overlayer_lowered:
.L_overlay_start_2:
0xb1: {  	(tag) =	ssettag $0x2  }
0xb2: {  	s0 =	rddreg [dreg:$0x0];
	s2 =	stileid.u32  }
0xb3: {  	s1 =	rddreg [dreg:$0x1];
	p0 =	sne.s32 s2, $0x0  }
0xb4: {  	s3 =	rddreg [dreg:$0x2];
	[bflag:$0x3] =	sbarrier.arrive $0xFFFF;
	s2 =	simm.s32 @!p0 $0x1C0D  }
0xb5: {  	[timem:s3], [sflag:s2] =	dma.local @!p0 [hbm:s0], s1  }
0xb6: {  	s0 =	simm.s32 @!p0 $0xD  }
0xb7: {  	_ =	swait.ge @!p0 [sflag:s0], s1  }
0xb8: {  	s1 =	ssub.s32 @!p0 $0x0, s1;
	[sflag:s0] =	ssyncset.done @!p0 $0x0  }
0xb9: {  	[sflag:s0] =	ssyncadd.s32 @!p0 s1  }
0xba: {  	[bflag:$0x3] =	sbarrier.arrive $0xFFFF  }
0xbb: {  	_ =	shalt  }

// kernel: kernel.15.cloned.1.call-start
scs
__scs_entry_jumppad:
0x0: {  	(pc) =	sbr.rel $0x88, $3  }
0x1: {  	(tag) =	ssettag $0x0;
	lr =	simm.s32 $0x1  }
0x2: {  	[smem:$0x3F93] =	sst lr;
	_ =	strace $0xD0000000  }
0x3: {  	_ = 	snop  }
0x4: {  	_ = 	snop  }
0x5: {  	_ = 	snop  }
0x6: {  	_ = 	snop  }
0x7: {  	_ = 	snop  }
__scs_overlays_trampoline_lowered:
0x8: {  	[smem:$0x3FA2] =	sst s0  }
0x9: {  	[smem:$0x3FA3] =	sst s1  }
0xa: {  	[smem:$0x3FA4] =	sst s2  }
0xb: {  	[smem:$0x3FA5] =	sst s3  }
0xc: {  	[smem:$0x3FA6] =	sst s4  }
0xd: {  	[smem:$0x3FA7] =	sst s5  }
0xe: {  	[smem:$0x3FA8] =	sst s6  }
0xf: {  	[smem:$0x3FA9] =	sst s7  }
0x10: {  	[smem:$0x3FAA] =	sst s8  }
0x11: {  	[smem:$0x3FAB] =	sst s9;
	s0 =	simm.s32 @!p0 $0x0  }
0x12: {  	s1 =	sld [smem:$0x3F91];
	s0 =	simm.s32 @p0 $0x1  }
0x13: {  	[smem:$0x3FAC] =	sst s0;
	s0 =	simm.s32 @!p1 $0x0  }
0x14: {  	s2 =	sld [smem:$0x3F90];
	s0 =	simm.s32 @p1 $0x1  }
0x15: {  	[smem:$0x3FAD] =	sst s0;
	s0 =	simm.s32 @!p2 $0x0  }
0x16: {  	s3 =	sld [smem:$0x3FDB];
	s0 =	simm.s32 @p2 $0x1  }
0x17: {  	s4 =	simm.s32 $0x1BF5;
	[smem:$0x3FAF] =	sst s0  }
0x18: {  	s0 =	sld [smem:$0x3F92];
	_ =	swait.ge [sflag:s4], $0x0  }
0x19: {  	s7 =	sld [smem:$0x3F93]  }
0x1a: {  	s8 =	sadd.s32 $0xFFFFE003, lr  }
0x1b: {  	s9 =	sadd.s32 $0xFFFFFEF7, lr;
	s5 =	simm.s32 $0xFFFFFFFF;
	p2 =	slt.u32 s8, $0xFFFFF086  }
0x1c: {  	p1 =	slt.u32 s9, $0xF7A;
	s5 =	simm.s32 @!p2 $0x0  }
0x1d: {  	s5 =	simm.s32 @p1 $0x1;
	p0 =	seq.s32 s7, s2  }
0x1e: {  	s7 =	smul.u32 @!p0 $0xF7A, s2;
	p2 =	seq.s32 @!p0 s5, $0x0  }
0x1f: {  	s9 =	smul.u32 $0xF7A, s1;
	s8 =	simm.s32 @!p0 $0x1BF5;
	p2 =	por !p2, p0  }
0x20: {  	[sflag:s8] =	ssyncset.s32 @!p0 $0xFFFFF086;
	s6 =	sadd.s32 @!p0 s3, s7;
	s7 =	simm.s32 @!p0 $0x108  }
0x21: {  	s3 =	sadd.s32 s3, s9;
	s6 =	sadd.s32 @!p0 $0x88, s6;
	s7 =	simm.s32 @p2 $0x1082  }
0x22: {  	[simem:s7], [sflag:s8] =	dma.local @!p0 [hbm:s6], $0xF7A  }
0x23: {  	s9 =	sor.u32 $0xD0000000, s2;
	s6 =	simm.s32 $0x108;
	_ =	swait.ge @!p0 [sflag:s8], $0x0  }
0x24: {  	s3 =	sadd.s32 $0x88, s3;
	s6 =	simm.s32 @!p1 $0x1082;
	[sflag:s4] =	ssyncset.s32 $0xFFFFF086  }
0x25: {  	[simem:s6], [sflag:s4] =	dma.local [hbm:s3], $0xF7A  }
0x26: {  	[smem:$0x3F93] =	sst s1;
	(tag) =	ssettag s2;
	_ =	strace s9  }
0x27: {  	s1 =	sld [smem:$0x3FA3]  }
0x28: {  	s2 =	sld [smem:$0x3FA4]  }
0x29: {  	s4 =	sld [smem:$0x3FA6]  }
0x2a: {  	p0 =	seq.s32 s5, $0x0;
	s5 =	sld [smem:$0x3FA7]  }
0x2b: {  	s6 =	sld [smem:$0x3FA8]  }
0x2c: {  	s7 =	sld [smem:$0x3FA9]  }
0x2d: {  	s3 =	simm.s32 $0x108;
	s8 =	sld [smem:$0x3FAA]  }
0x2e: {  	s3 =	simm.s32 @!p0 $0x1082;
	s9 =	sld [smem:$0x3FAB]  }
0x2f: {  	lr =	sadd.s32 s0, s3;
	s0 =	sld [smem:$0x3FA2]  }
0x30: {  	s3 =	sld [smem:$0x3FA5]  }
0x31: {  	[smem:$0x3FAE] =	sst s10  }
0x32: {  	s10 =	sld [smem:$0x3FAC];
	_ =	sdelay $0x3  }
0x33: {  	p0 =	seq.s32 s10, $0x1;
	s10 =	sld [smem:$0x3FAE];
	_ =	sdelay $0x3  }
0x34: {  	[smem:$0x3FAE] =	sst s10  }
0x35: {  	s10 =	sld [smem:$0x3FAD];
	_ =	sdelay $0x3  }
0x36: {  	p1 =	seq.s32 s10, $0x1;
	s10 =	sld [smem:$0x3FAE];
	_ =	sdelay $0x3  }
0x37: {  	[smem:$0x3FAE] =	sst s10  }
0x38: {  	s10 =	sld [smem:$0x3FAF]  }
0x39: {  	_ = 	snop;
	(pc) =	sbr.ind lr, $3  }
0x3a: {  	_ = 	snop  }
0x3b: {  	_ = 	snop  }
0x3c: {  	p2 =	seq.s32 s10, $0x1;
	s10 =	sld [smem:$0x3FAE]  }
0x3d: {  	_ =	shalt  }
0x3e: {  	_ =	shalt  }
0x3f: {  	_ =	shalt  }
0x40: {  	_ =	shalt  }
0x41: {  	_ =	shalt  }
0x42: {  	_ =	shalt  }
0x43: {  	_ =	shalt  }
0x44: {  	_ =	shalt  }
0x45: {  	_ =	shalt  }
0x46: {  	_ =	shalt  }
0x47: {  	_ =	shalt  }
0x48: {  	_ =	shalt  }
0x49: {  	_ =	shalt  }
0x4a: {  	_ =	shalt  }
0x4b: {  	_ =	shalt  }
0x4c: {  	_ =	shalt  }
0x4d: {  	_ =	shalt  }
0x4e: {  	_ =	shalt  }
0x4f: {  	_ =	shalt  }
0x50: {  	_ =	shalt  }
0x51: {  	_ =	shalt  }
0x52: {  	_ =	shalt  }
0x53: {  	_ =	shalt  }
0x54: {  	_ =	shalt  }
0x55: {  	_ =	shalt  }
0x56: {  	_ =	shalt  }
0x57: {  	_ =	shalt  }
0x58: {  	_ =	shalt  }
0x59: {  	_ =	shalt  }
0x5a: {  	_ =	shalt  }
0x5b: {  	_ =	shalt  }
0x5c: {  	_ =	shalt  }
0x5d: {  	_ =	shalt  }
0x5e: {  	_ =	shalt  }
0x5f: {  	_ =	shalt  }
0x60: {  	_ =	shalt  }
0x61: {  	_ =	shalt  }
0x62: {  	_ =	shalt  }
0x63: {  	_ =	shalt  }
0x64: {  	_ =	shalt  }
0x65: {  	_ =	shalt  }
0x66: {  	_ =	shalt  }
0x67: {  	_ =	shalt  }
0x68: {  	_ =	shalt  }
0x69: {  	_ =	shalt  }
0x6a: {  	_ =	shalt  }
0x6b: {  	_ =	shalt  }
0x6c: {  	_ =	shalt  }
0x6d: {  	_ =	shalt  }
0x6e: {  	_ =	shalt  }
0x6f: {  	_ =	shalt  }
0x70: {  	_ =	shalt  }
0x71: {  	_ =	shalt  }
0x72: {  	_ =	shalt  }
0x73: {  	_ =	shalt  }
0x74: {  	_ =	shalt  }
0x75: {  	_ =	shalt  }
0x76: {  	_ =	shalt  }
0x77: {  	_ =	shalt  }
0x78: {  	_ =	shalt  }
0x79: {  	_ =	shalt  }
0x7a: {  	_ =	shalt  }
0x7b: {  	_ =	shalt  }
0x7c: {  	_ =	shalt  }
0x7d: {  	_ =	shalt  }
0x7e: {  	_ =	shalt  }
0x7f: {  	_ =	shalt  }
0x80: {  	_ =	shalt  }
0x81: {  	_ =	shalt  }
0x82: {  	_ =	shalt  }
0x83: {  	_ =	shalt  }
0x84: {  	_ =	shalt  }
0x85: {  	_ =	shalt  }
0x86: {  	_ =	shalt  }
0x87: {  	_ =	shalt  }
.Lfunc_end0:
.L_simem_size_0:
called_computation.1_lowered:
.L_overlay_start_0:
0x88: {  	s2 =	sld [smem:$0x3FD9]  }
0x89: {  	s3 =	sld [smem:$0x3FFE];
	_ =	sdelay $0x1  }
0x8a: {  	s1 =	srdreg.scid  }
0x8b: {  	s0 =	sand.u32 $0x1, s1  }
0x8c: {  	s16 =	sshll.u32 s0, $0xA;
	s2 =	sadd.s32 s3, s2  }
0x8d: {  	s2 =	sadd.s32 s2, s16  }
0x8e: {  	[smem:$0x3FBA] =	sst s2  }
0x8f: {  	_ = 	snop  }
0x90: {  	(tm) =	ssettm $0x1  }
0x91: {  	s17 =	sld [smem:$0x3FFB];
	_ =	sdelay $0x3  }
0x92: {  	_ =	strace s17  }
0x93: {  	s2 =	sld [smem:$0x3FFC];
	_ =	sdelay $0x3  }
0x94: {  	_ =	strace s2  }
0x95: {  	s2 =	sld [smem:$0x3FFD];
	_ =	sdelay $0x3  }
0x96: {  	_ =	strace s2  }
0x97: {  	_ =	strace $0x8FFFFFFF  }
0x98: {  	s18 =	sld [smem:$0x3FDB];
	_ =	sdelay $0x1  }
0x99: {  	s19 =	simm.s32 $_scs_section_size  }
0x9a: {  	s4 =	simm.s32 $_size__tile_overlayer_lowered;
	s5 =	simm.s32 $_tile_overlayer_lowered  }
0x9b: {  	s22 =	simm.s32 $0x1BFF;
	s21 =	sshll.u32 s5, $0x1;
	s2 =	sadd.s32 s19, s18  }
0x9c: {  	s6 =	simm.s32 $0x0;
	s20 =	sshll.u32 s4, $0x1;
	s4 =	sadd.s32 s21, s2  }
0x9d: {  	[timem:s6], [sflag:s22] =	dma.local [hbm:s4], s20  }
0x9e: {  	_ =	swait.ge [sflag:s22], s20  }
0x9f: {  	s3 =	ssub.s32 $0x0, s20;
	[sflag:s22] =	ssyncset.done $0x0  }
0xa0: {  	[sflag:s22] =	ssyncadd.s32 s3;
	_ =	sdelay $0x1  }
0xa1: {  	s23 =	simm.s32 $0x1B8B  }
0xa2: {  	_ =	swait.ge [sflag:s23], $0x1  }
0xa3: {  	[sflag:s23] =	ssyncset.done $0x0  }
0xa4: {  	s25 =	simm.s32 $0x1B8E;
	s24 =	sld [smem:$0x3FFE];
	[sflag:s23] =	ssyncadd.s32 $0xFFFFFFFF  }
0xa5: {  	s26 =	simm.s32 $execute0_lowered;
	[smem:$0x3FD2] =	sst s25  }
0xa6: {  	s4 =	sshll.u32 s26, $0x1;
	_ =	strace $0x80000049;
	[dreg:$0x1] =	wrdreg $0xFFFFFFFF  }
0xa7: {  	s28 =	simm.s32 $_size_execute0_lowered;
	s2 =	sadd.s32 s2, s4;
	[dreg:$0x0] =	wrdreg $0x0  }
0xa8: {  	s4 =	sshll.u32 s28, $0x1;
	[dreg:$0x2] =	wrdreg s2  }
0xa9: {  	[dreg:$0x3] =	wrdreg s4  }
0xaa: {  	[dreg:$0x4] =	wrdreg $0xC0  }
0xab: {  	_ =	task [dreg:s6], $0x5FFFF  }
0xac: {  	[dreg:$0x1] =	wrdreg $0xFFFFFFFF  }
0xad: {  	[dreg:$0x0] =	wrdreg $0x60  }
0xae: {  	[dreg:$0x2] =	wrdreg s24  }
0xaf: {  	[dreg:$0x3] =	wrdreg $0x6C000  }
0xb0: {  	[dreg:$0x4] =	wrdreg $0x9  }
0xb1: {  	_ =	task.clear_ibuf [dreg:s6], $0x5FFFF;
	_ =	strace $0x90000049  }
0xb2: {  	s29 =	simm.s32 $0x9;
	_ =	strace $0x8000004B  }
0xb3: {  	_ =	swait.ge [sflag:s29], $0x1  }
0xb4: {  	[sflag:s29] =	ssyncadd.s32 $0xFFFFFFFF  }
0xb5: {  	_ =	strace $0x9000004B  }
0xb6: {  	_ =	sfence  }
0xb7: {  	s30 =	sld [smem:$0x0];
	_ =	sdelay $0x2  }
0xb8: {  	s31 =	sshll.u32 s1, $0xD;
	s1 =	sshrl.u32 s1, $0x2  }
0xb9: {  	s3 =	sand.u32 $0x4000, s31;
	s1 =	sadd.s32 s1, s30  }
0xba: {  	s0 =	sor.u32 s3, s0;
	s1 =	sshll.u32 s1, $0x11  }
0xbb: {  	s0 =	sor.u32 s1, s0  }
0xbc: {  	s0 =	sadd.s32 $0x8F2B, s0  }
0xbd: {  	[sflag:s0] =	ssyncadd.remote.s32 $0x1  }
0xbe: {  	_ =	sfence.sel $0xFFFF  }
0xbf: {  	[dreg:$0x0] =	wrdreg $0xFFFFFFFF;
	(pc) =	sbr.abs _section_cstart, $3  }
0xc0: {  	[dreg:$0x1] =	wrdreg $0xFFFFFFFF  }
0xc1: {  	_ =	task.clear_ibuf [dreg:s6], $0x2FFFF;
	_ =	strace $0x9FFFFFFF  }
0xc2: {  	(tm) =	ssettm $0x7FFFFFFF  }
0xc3: {  	_ =	shalt  }
tec
execute0_lowered:
.L_overlay_start_1:
0x0: {  	(tag) =	ssettag $0x1  }
0x1: {  	s0 =	rddreg [dreg:$0x0]  }
0x2: {  	s2 =	rddreg [dreg:$0x1];
	s3 =	simm.s32 $0x0  }
0x3: {  	s1 =	srdreg.scid;
	s13 =	stileid.u32;
	s16 =	simm.s32 $0xD  }
0x4: {  	s18 =	simm.s32 $0x80;
	s19 =	simm.s32 $0xC00;
	s20 =	simm.s32 $0x1C00  }
0x5: {  	s28 =	simm.s32 $0x2;
	s29 =	simm.s32 $0x5C00;
	s30 =	simm.s32 $0x3  }
0x6: {  	s31 =	simm.s32 $0x7;
	[smem:$0x7FF] =	sst s3;
	s1 =	sand.u32 $0x1, s1  }
0x7: {  	s7 =	smul.u32 $0x3200, s13;
	s4 =	sadd.s32 $0x3C00, s0;
	s5 =	sadd.s32 $0x1C800, s0  }
0x8: {  	s6 =	sadd.s32 $0x9D000, s0;
	s8 =	smul.u32 $0x64000, s13;
	s9 =	sadd.s32 $0x35400, s0  }
0x9: {  	s24 =	sshll.u32 s13, $0x6;
	s12 =	smul.u32 $0x18C0, s13;
	_ =	strace $0x8000004A  }
0xa: {  	s10 =	smul.u32 $0x32000, s1;
	[dreg:$0x3] =	wrdreg s9;
	s1 =	ssub.s32 $0x2, s1  }
0xb: {  	s9 =	sor.u32 $0x1C0D, s24;
	s22 =	sshrl.u32 s1, $0x1;
	s11 =	sshrl.u32 s8, $0x2  }
0xc: {  	s8 =	smul.u32 $0xC600, s13;
	s12 =	sadd.s32 s5, s12;
	s7 =	sadd.s32 s7, s10  }
0xd: {  	s1 =	ssub.s32 s1, s22;
	s23 =	sadd.s32 s11, s2;
	[dreg:$0x5] =	wrdreg s12  }
0xe: {  	s22 =	simm.s32 $0x2C00;
	s0 =	sadd.s32 s7, s0;
	s25 =	sshrl.u32 s8, $0x3  }
.Ltmp0:
0xf: {  	s26 =	smax.u32 s1, $0x1;
	s12 =	sshrl.u32 s23, $0x3;
	(pc) =	sbr.rel .LBB2_1-.Ltmp0, $4  }
0x10: {  	s1 =	simm.s32 $0x9;
	s23 =	simm.s32 $0x0;
	[dreg:$0x7] =	wrdreg s26  }
0x11: {  	s11 =	sadd.s32 s4, s25;
	s0 =	sadd.s32 $0x38600, s0;
	[dreg:$0x8] =	wrdreg s12  }
0x12: {  	s25 =	simm.s32 $0x1;
	s26 =	simm.s32 $0x4C00;
	[dreg:$0x4] =	wrdreg s11  }
0x13: {  	v0 =	vmov s10;
	s11 =	smul.u32 $0x18C, s13;
	[dreg:$0x6] =	wrdreg s0;
	s0 =	simm.s32 $0x5  }
.LBB2_9:
0x14: {  	s7 =	simm.s32 $0xB  }
0x15: {  	_ =	swait.ge [sflag:s7], $0x1000  }
0x16: {  	[sflag:s7] =	ssyncset.done $0x0  }
0x17: {  	s17 =	simm.s32 $0xC;
	[sflag:s7] =	ssyncadd.s32 $0xFFFFF000  }
0x18: {  	_ =	swait.ge [sflag:s17], $0x1000  }
0x19: {  	[sflag:s17] =	ssyncset.done $0x0  }
0x1a: {  	[sflag:s17] =	ssyncadd.s32 $0xFFFFF000  }
0x1b: {  	[bflag:$0x0] =	sbarrier.arrive $0xFFFF  }
0x1c: {  	s21 =	rddreg [dreg:$0x6]  }
0x1d: {  	s12 =	rddreg [dreg:$0x8]  }
0x1e: {  	[hbm:s21], [sflag:s15] =	dma.local [spmem:s12], $0x3200  }
0x1f: {  	_ =	swait.ge [sflag:s16], $0x3200  }
0x20: {  	s23 =	sadd.s32 $0x1, s23;
	s24 =	rddreg [dreg:$0x7]  }
0x21: {  	p0 =	sne.s32 s23, s24  }
.Ltmp1:
0x22: {  	_ = 	snop;
	(pc) =	sbr.rel @!p0 .LBB2_10-.Ltmp1, $3  }
0x23: {  	_ =	sdelay $0x1  }
0x24: {  	[sflag:s16] =	ssyncset.done $0x0  }
0x25: {  	s9 =	smov.u32 s15;
	[sflag:s16] =	ssyncadd.s32 $0xFFFFCE00  }
.LBB2_1:
0x26: {  	s7 =	rddreg [dreg:$0x3]  }
0x27: {  	[spmem:s12], [sflag:s9] =	dma.local [hbm:s7], $0x3200  }
0x28: {  	_ =	swait.ge [sflag:s16], $0x3200  }
0x29: {  	[sflag:s16] =	ssyncset.done $0x0  }
0x2a: {  	[sflag:s16] =	ssyncadd.s32 $0xFFFFCE00  }
0x2b: {  	[bflag:$0x0] =	sbarrier.arrive $0xFFFF  }
0x2c: {  	s24 =	rddreg [dreg:$0x4]  }
0x2d: {  	[tilespmem:s3], [sflag:$0xD] =	stream.linear.gather [hbm4b:s24+s3], $0x300, $0x38;
	[tilespmem:$0x1FC00] =	vst v63  }
0x2e: {  	_ =	swait.ge [sflag:s16], $0x300  }
0x2f: {  	s15 =	smov.u32 s9;
	[sflag:s16] =	ssyncset.done $0x0  }
0x30: {  	s10 =	simm.s32 $0x40;
	s7 =	simm.s32 $0x0;
	[sflag:s16] =	ssyncadd.s32 $0xFFFFFD00  }
.LBB2_2:
0x31: {  	p0 =	sne.s32 s10, $0xBC0;
	v1 =	vld [tilespmem:s7+$0x0];
	_ =	sdelay $0x1  }
.Ltmp2:
0x32: {  	(pc) =	sbr.rel @p0 .LBB2_2-.Ltmp2, $3  }
0x33: {  	_ =	sdelay $0x1  }
0x34: {  	v1 =	vadd.s32 v0, v1  }
0x35: {  	[tilespmem:s7+$0x0] =	vst v1;
	s7 =	sshra.s32 s10, $0x2;
	s10 =	sadd.s32 $0x40, s10  }
0x36: {  	v1 =	vld [tilespmem:s7+$0x0];
	_ =	sdelay $0x4  }
0x37: {  	v1 =	vadd.s32 v0, v1  }
0x38: {  	s24 =	simm.s32 $0x0;
	s13 =	rddreg [dreg:$0x5];
	s9 =	simm.s32 $0x600;
	[tilespmem:s7+$0x0] =	vst v1  }
0x39: {  	[tilespmem:s9], [sflag:$0xD] =	stream.linear.gather [hbm4b:s13+s24], $0x300, $0x38;
	[tilespmem:$0x1FC00] =	vst v63  }
0x3a: {  	_ =	swait.ge [sflag:s16], $0x300  }
0x3b: {  	[sflag:s16] =	ssyncset.done $0x0  }
0x3c: {  	[sflag:s16] =	ssyncadd.s32 $0xFFFFFD00  }
0x3d: {  	[tilespmem:s19], [sflag:$0x1] =	stream.indirect.gather [hbm4b:s6+s18], $0x20, s24, s18, $0xb8;
	[tilespmem:$0x1FC00] =	vst v63  }
0x3e: {  	_ = 	snop  }
0x3f: {  	[tilespmem:s20], [sflag:$0x2] =	stream.indirect.gather [hbm4b:s6+s18], $0x20, s18, s18, $0xb8;
	[tilespmem:$0x1FC00] =	vst v63  }
.Ltmp3:
0x40: {  	_ = 	snop;
	(pc) =	sbr.rel .LBB2_4-.Ltmp3, $4  }
0x41: {  	s14 =	simm.s32 $0x100  }
0x42: {  	[tilespmem:s22], [sflag:$0x3] =	stream.indirect.gather [hbm4b:s6+s18], $0x20, s14, s18, $0xb8;
	[tilespmem:$0x1FC00] =	vst v63  }
0x43: {  	s17 =	simm.s32 $0x180;
	s21 =	simm.s32 $0x3C00;
	p0 =	por $0x1, $0x1  }
0x44: {  	[tilespmem:s21], [sflag:$0x4] =	stream.indirect.gather [hbm4b:s6+s18], $0x20, s17, s18, $0xb8;
	[tilespmem:$0x1FC00] =	vst v63  }
.LBB2_8:
0x45: {  	_ =	swait.ge [sflag:s25], $0x1000;
	s12 =	smul.u32 $0x300, s7  }
0x46: {  	[sflag:s25] =	ssyncset.done $0x0  }
0x47: {  	[sflag:s25] =	ssyncadd.s32 $0xFFFFF000;
	s10 =	sadd.s32 $0x600, s12  }
0x48: {  	[spmem:s2] =	stream.indirect.scatter.add.f32 [tilespmem:s19], [sflag:$0x7], $0x20, s10, s18, $0xb8;
	[tilespmem:$0x1FC00] =	vst v63  }
0x49: {  	s13 =	sadd.s32 $0x200, s12  }
0x4a: {  	[tilespmem:s26], [sflag:$0x5] =	stream.indirect.gather [hbm4b:s6+s18], $0x20, s13, s18, $0xb8;
	[tilespmem:$0x1FC00] =	vst v63  }
0x4b: {  	_ =	swait.ge [sflag:s28], $0x1000  }
0x4c: {  	[sflag:s28] =	ssyncset.done $0x0  }
0x4d: {  	s9 =	sadd.s32 $0x680, s12;
	[sflag:s28] =	ssyncadd.s32 $0xFFFFF000  }
0x4e: {  	[spmem:s2] =	stream.indirect.scatter.add.f32 [tilespmem:s20], [sflag:$0x8], $0x20, s9, s18, $0xb8;
	[tilespmem:$0x1FC00] =	vst v63  }
0x4f: {  	s10 =	sadd.s32 $0x280, s12  }
0x50: {  	[tilespmem:s29], [sflag:$0x6] =	stream.indirect.gather [hbm4b:s6+s18], $0x20, s10, s18, $0xb8;
	[tilespmem:$0x1FC00] =	vst v63  }
0x51: {  	_ =	swait.ge [sflag:s30], $0x1000  }
0x52: {  	[sflag:s30] =	ssyncset.done $0x0  }
0x53: {  	s14 =	sadd.s32 $0x700, s12;
	[sflag:s30] =	ssyncadd.s32 $0xFFFFF000  }
0x54: {  	[spmem:s2] =	stream.indirect.scatter.add.f32 [tilespmem:s22], [sflag:$0x9], $0x20, s14, s18, $0xb8;
	[tilespmem:$0x1FC00] =	vst v63  }
0x55: {  	_ =	swait.ge [sflag:s31], $0x1000  }
0x56: {  	[sflag:s31] =	ssyncset.done $0x0  }
0x57: {  	s14 =	simm.s32 @p1 $0x4;
	[sflag:s31] =	ssyncadd.s32 $0xFFFFF000  }
0x58: {  	_ =	swait.ge @p1 [sflag:s14], $0x1000  }
0x59: {  	s17 =	simm.s32 @p1 $0x80;
	s21 =	simm.s32 @p1 $0x3C00;
	[sflag:s14] =	ssyncset.done @p1 $0x0  }
0x5a: {  	s7 =	sxor.u32 @!p1 $0x1, s7;
	[sflag:s14] =	ssyncadd.s32 @p1 $0xFFFFF000;
	s14 =	sadd.s32 @p1 $0x780, s12  }
0x5b: {  	[spmem:s2] =	stream.indirect.scatter.add.f32 @p1 [tilespmem:s21], [sflag:$0xA], $0x20, s14, s17, $0xb8;
	[tilespmem:$0x1FC00] =	vst v63  }
0x5c: {  	s7 =	smul.u32 @!p1 $0xC00, s7;
	s14 =	simm.s32 @p1 $0x8  }
0x5d: {  	_ =	swait.ge @p1 [sflag:s14], $0x1000  }
0x5e: {  	s7 =	sshrl.u32 @!p1 s7, $0x2;
	[sflag:s14] =	ssyncset.done @p1 $0x0  }
0x5f: {  	s21 =	simm.s32 @!p1 $0xC00;
	[sflag:s14] =	ssyncadd.s32 @p1 $0xFFFFF000;
	s14 =	simm.s32 @!p1 $0x80  }
0x60: {  	[tilespmem:s21], [sflag:$0x1] =	stream.indirect.gather @!p1 [hbm4b:s6+s14], $0x20, s7, s14, $0xb8;
	[tilespmem:$0x1FC00] =	vst v63  }
0x61: {  	s21 =	simm.s32 @!p1 $0x4  }
0x62: {  	_ =	swait.ge @!p1 [sflag:s21], $0x1000  }
0x63: {  	[sflag:s21] =	ssyncset.done @!p1 $0x0  }
0x64: {  	s12 =	sadd.s32 @!p1 $0x780, s12;
	[sflag:s21] =	ssyncadd.s32 @!p1 $0xFFFFF000;
	s21 =	simm.s32 @!p1 $0x3C00  }
0x65: {  	[spmem:s2] =	stream.indirect.scatter.add.f32 @!p1 [tilespmem:s21], [sflag:$0xA], $0x20, s12, s14, $0xb8;
	[tilespmem:$0x1FC00] =	vst v63  }
0x66: {  	s12 =	simm.s32 @!p1 $0x8  }
0x67: {  	_ =	swait.ge @!p1 [sflag:s12], $0x1000  }
0x68: {  	[sflag:s12] =	ssyncset.done @!p1 $0x0  }
0x69: {  	s9 =	simm.s32 @!p1 $0x1C00;
	[sflag:s12] =	ssyncadd.s32 @!p1 $0xFFFFF000;
	s12 =	sor.u32 @!p1 $0x80, s7  }
0x6a: {  	[tilespmem:s9], [sflag:$0x2] =	stream.indirect.gather @!p1 [hbm4b:s6+s14], $0x20, s12, s14, $0xb8;
	[tilespmem:$0x1FC00] =	vst v63  }
0x6b: {  	_ =	swait.ge [sflag:s0], $0x1000  }
0x6c: {  	[sflag:s0] =	ssyncset.done $0x0  }
0x6d: {  	s13 =	sadd.s32 $0x600, s13;
	[sflag:s0] =	ssyncadd.s32 $0xFFFFF000  }
0x6e: {  	[spmem:s2] =	stream.indirect.scatter.add.f32 [tilespmem:s26], [sflag:$0xB], $0x20, s13, s18, $0xb8;
	[tilespmem:$0x1FC00] =	vst v63  }
0x6f: {  	_ =	swait.ge [sflag:s1], $0x1000  }
0x70: {  	[sflag:s1] =	ssyncset.done $0x0  }
0x71: {  	s9 =	simm.s32 @p1 $0x6;
	[sflag:s1] =	ssyncadd.s32 $0xFFFFF000  }
0x72: {  	_ =	swait.ge @p1 [sflag:s9], $0x1000  }
0x73: {  	[sflag:s9] =	ssyncset.done @p1 $0x0  }
0x74: {  	s12 =	simm.s32 @p1 $0x5C00;
	[sflag:s9] =	ssyncadd.s32 @p1 $0xFFFFF000;
	s9 =	sadd.s32 @p1 $0x600, s10  }
0x75: {  	[spmem:s2] =	stream.indirect.scatter.add.f32 @p1 [tilespmem:s12], [sflag:$0xC], $0x20, s9, s17, $0xb8;
	[tilespmem:$0x1FC00] =	vst v63  }
0x76: {  	s9 =	simm.s32 @p1 $0xA  }
0x77: {  	_ =	swait.ge @p1 [sflag:s9], $0x1000  }
0x78: {  	[sflag:s9] =	ssyncset.done @p1 $0x0  }
0x79: {  	s12 =	simm.s32 @!p1 $0x2C00;
	[sflag:s9] =	ssyncadd.s32 @p1 $0xFFFFF000;
	s9 =	sadd.s32 @!p1 $0x100, s7  }
0x7a: {  	[tilespmem:s12], [sflag:$0x3] =	stream.indirect.gather @!p1 [hbm4b:s6+s14], $0x20, s9, s14, $0xb8;
	[tilespmem:$0x1FC00] =	vst v63  }
0x7b: {  	s9 =	simm.s32 @!p1 $0x6  }
0x7c: {  	_ =	swait.ge @!p1 [sflag:s9], $0x1000  }
0x7d: {  	[sflag:s9] =	ssyncset.done @!p1 $0x0  }
0x7e: {  	[sflag:s9] =	ssyncadd.s32 @!p1 $0xFFFFF000;
	s9 =	sadd.s32 @!p1 $0x600, s10;
	s10 =	simm.s32 @!p1 $0x5C00  }
0x7f: {  	[spmem:s2] =	stream.indirect.scatter.add.f32 @!p1 [tilespmem:s10], [sflag:$0xC], $0x20, s9, s14, $0xb8;
	[tilespmem:$0x1FC00] =	vst v63  }
0x80: {  	s9 =	simm.s32 @!p1 $0xA  }
0x81: {  	_ =	swait.ge @!p1 [sflag:s9], $0x1000  }
0x82: {  	[sflag:s9] =	ssyncset.done @!p1 $0x0  }
0x83: {  	s24 =	sadd.s32 $0x1, s24;
	s7 =	sadd.s32 @!p1 $0x180, s7;
	[sflag:s9] =	ssyncadd.s32 @!p1 $0xFFFFF000  }
0x84: {  	[tilespmem:s21], [sflag:$0x4] =	stream.indirect.gather @!p1 [hbm4b:s6+s14], $0x20, s7, s14, $0xb8;
	[tilespmem:$0x1FC00] =	vst v63  }
0x85: {  	p1 =	sne.s32 s24, $0x42  }
.Ltmp4:
0x86: {  	_ = 	snop;
	(pc) =	sbr.rel @!p1 .LBB2_9-.Ltmp4, $2  }
0x87: {  	_ =	sdelay $0x2  }
0x88: {  	p0 =	por !p0, !p0  }
.LBB2_4:
0x89: {  	p1 =	seq.s32 s24, $0x0  }
0x8a: {  	s7 =	simm.s32 @!p1 $0xB;
	p2 =	seq.s32 @!p1 s24, $0x41  }
0x8b: {  	_ =	swait.ge @!p1 [sflag:s7], $0x1000;
	p2 =	por p1, !p2  }
.Ltmp5:
0x8c: {  	[sflag:s7] =	ssyncset.done @!p1 $0x0;
	(pc) =	sbr.rel @!p2 .LBB2_8-.Ltmp5, $4  }
0x8d: {  	s10 =	simm.s32 @!p1 $0xC;
	[sflag:s7] =	ssyncadd.s32 @!p1 $0xFFFFF000  }
0x8e: {  	_ =	swait.ge @!p1 [sflag:s10], $0x1000  }
0x8f: {  	[sflag:s10] =	ssyncset.done @!p1 $0x0  }
0x90: {  	s7 =	sand.u32 $0x1, s24;
	[sflag:s10] =	ssyncadd.s32 @!p1 $0xFFFFF000;
	p1 =	por @!p1 $0x1, $0x1  }
0x91: {  	s10 =	sadd.s32 $0x1, s24;
	s13 =	simm.s32 $0x1  }
0x92: {  	s12 =	smul.u32 $0x300, s10;
	s13 =	simm.s32 @!p0 $0x0  }
0x93: {  	s13 =	smul.u32 $0xC00, s13  }
0x94: {  	s14 =	sxor.u32 $0x1, s7;
	s17 =	sadd.s32 s8, s12  }
0x95: {  	s12 =	smul.u32 $0x300, s14;
	s17 =	sshrl.u32 s17, $0x3;
	s13 =	sshrl.u32 s13, $0x2  }
0x96: {  	s21 =	simm.s32 $0x0;
	s14 =	sadd.s32 s4, s17;
	v1 =	vmov s13  }
0x97: {  	[tilespmem:s12], [sflag:$0xD] =	stream.linear.gather [hbm4b:s14+s21], $0x300, $0x38;
	[tilespmem:$0x1FC00] =	vst v63  }
0x98: {  	_ =	swait.ge [sflag:s16], $0x300  }
0x99: {  	[sflag:s16] =	ssyncset.done $0x0  }
0x9a: {  	s13 =	simm.s32 $0x0;
	s14 =	simm.s32 $0x40;
	[sflag:s16] =	ssyncadd.s32 $0xFFFFFD00  }
.LBB2_6:
0x9b: {  	p1 =	sne.s32 s14, $0xBC0;
	v2 =	vld.idx.msk [tilespmem:v1+s13+$0x0 ss:$0x1], $0xffff;
	_ =	sdelay $0x2  }
.Ltmp6:
0x9c: {  	(pc) =	sbr.rel @p1 .LBB2_6-.Ltmp6, $3  }
0x9d: {  	_ =	sdelay $0x1  }
0x9e: {  	v2 =	vadd.s32 v0, v2  }
0x9f: {  	[tilespmem:v1+s13+$0x0 ss:$0x1] =	vst.idx.msk $0xffff, v2;
	s13 =	sshra.s32 s14, $0x2;
	s14 =	sadd.s32 $0x40, s14  }
0xa0: {  	_ =	sdelay $0x3  }
0xa1: {  	v2 =	vld.idx.msk [tilespmem:v1+s13+$0x0 ss:$0x1], $0xffff;
	_ =	sdelay $0x1  }
0xa2: {  	s10 =	smul.u32 $0x6, s10;
	_ =	sdelay $0x1  }
0xa3: {  	s10 =	sadd.s32 s11, s10  }
0xa4: {  	s10 =	sshll.u32 s10, $0x4;
	v2 =	vadd.s32 v0, v2  }
.Ltmp7:
0xa5: {  	s12 =	sadd.s32 $0x600, s12;
	s10 =	sadd.s32 s5, s10;
	[tilespmem:v1+s13+$0x0 ss:$0x1] =	vst.idx.msk $0xffff, v2;
	(pc) =	sbr.rel .LBB2_8-.Ltmp7, $4  }
0xa6: {  	[tilespmem:s12], [sflag:$0xD] =	stream.linear.gather [hbm4b:s10+s3], $0x300, $0x38;
	[tilespmem:$0x1FC00] =	vst v63  }
0xa7: {  	_ =	swait.ge [sflag:s16], $0x300  }
0xa8: {  	[sflag:s16] =	ssyncset.done $0x0  }
0xa9: {  	p1 =	por $0x0, $0x0;
	[sflag:s16] =	ssyncadd.s32 $0xFFFFFD00  }
.LBB2_10:
0xaa: {  	_ =	sfence.sel $0x180000  }
0xab: {  	[bflag:$0x0] =	sbarrier.arrive $0xFFFF  }
0xac: {  	_ =	strace $0x9000004A  }
0xad: {  	s0 =	stileid.u32;
	[bflag:$0x2] =	sbarrier.arrive $0xFFFF  }
0xae: {  	p0 =	sne.s32 s0, $0x0;
	s0 =	rddreg [dreg:$0x2]  }
0xaf: {  	s0 =	sadd.s32 @!p0 $0x100000, s0  }
0xb0: {  	[sflag:s0] =	ssyncadd.tile.s32 @!p0 $0x1;
	_ =	shalt  }
.Lfunc_end2:
_tile_overlayer_lowered:
.L_overlay_start_2:
0xb1: {  	(tag) =	ssettag $0x2  }
0xb2: {  	s0 =	rddreg [dreg:$0x0];
	s2 =	stileid.u32  }
0xb3: {  	s1 =	rddreg [dreg:$0x1];
	p0 =	sne.s32 s2, $0x0  }
0xb4: {  	s3 =	rddreg [dreg:$0x2];
	[bflag:$0x3] =	sbarrier.arrive $0xFFFF;
	s2 =	simm.s32 @!p0 $0x1C0D  }
0xb5: {  	[timem:s3], [sflag:s2] =	dma.local @!p0 [hbm:s0], s1  }
0xb6: {  	s0 =	simm.s32 @!p0 $0xD  }
0xb7: {  	_ =	swait.ge @!p0 [sflag:s0], s1  }
0xb8: {  	s1 =	ssub.s32 @!p0 $0x0, s1;
	[sflag:s0] =	ssyncset.done @!p0 $0x0  }
0xb9: {  	[sflag:s0] =	ssyncadd.s32 @!p0 s1  }
0xba: {  	[bflag:$0x3] =	sbarrier.arrive $0xFFFF  }
0xbb: {  	_ =	shalt  }

// kernel: kernel.18.cloned.1.call-start
scs
__scs_entry_jumppad:
0x0: {  	(pc) =	sbr.rel $0x88, $3  }
0x1: {  	(tag) =	ssettag $0x0;
	lr =	simm.s32 $0x1  }
0x2: {  	[smem:$0x3F93] =	sst lr;
	_ =	strace $0xD0000000  }
0x3: {  	_ = 	snop  }
0x4: {  	_ = 	snop  }
0x5: {  	_ = 	snop  }
0x6: {  	_ = 	snop  }
0x7: {  	_ = 	snop  }
__scs_overlays_trampoline_lowered:
0x8: {  	[smem:$0x3FA2] =	sst s0  }
0x9: {  	[smem:$0x3FA3] =	sst s1  }
0xa: {  	[smem:$0x3FA4] =	sst s2  }
0xb: {  	[smem:$0x3FA5] =	sst s3  }
0xc: {  	[smem:$0x3FA6] =	sst s4  }
0xd: {  	[smem:$0x3FA7] =	sst s5  }
0xe: {  	[smem:$0x3FA8] =	sst s6  }
0xf: {  	[smem:$0x3FA9] =	sst s7  }
0x10: {  	[smem:$0x3FAA] =	sst s8  }
0x11: {  	[smem:$0x3FAB] =	sst s9;
	s0 =	simm.s32 @!p0 $0x0  }
0x12: {  	s1 =	sld [smem:$0x3F91];
	s0 =	simm.s32 @p0 $0x1  }
0x13: {  	[smem:$0x3FAC] =	sst s0;
	s0 =	simm.s32 @!p1 $0x0  }
0x14: {  	s2 =	sld [smem:$0x3F90];
	s0 =	simm.s32 @p1 $0x1  }
0x15: {  	[smem:$0x3FAD] =	sst s0;
	s0 =	simm.s32 @!p2 $0x0  }
0x16: {  	s3 =	sld [smem:$0x3FDB];
	s0 =	simm.s32 @p2 $0x1  }
0x17: {  	s4 =	simm.s32 $0x1BF5;
	[smem:$0x3FAF] =	sst s0  }
0x18: {  	s0 =	sld [smem:$0x3F92];
	_ =	swait.ge [sflag:s4], $0x0  }
0x19: {  	s7 =	sld [smem:$0x3F93]  }
0x1a: {  	s8 =	sadd.s32 $0xFFFFE003, lr  }
0x1b: {  	s9 =	sadd.s32 $0xFFFFFEF7, lr;
	s5 =	simm.s32 $0xFFFFFFFF;
	p2 =	slt.u32 s8, $0xFFFFF086  }
0x1c: {  	p1 =	slt.u32 s9, $0xF7A;
	s5 =	simm.s32 @!p2 $0x0  }
0x1d: {  	s5 =	simm.s32 @p1 $0x1;
	p0 =	seq.s32 s7, s2  }
0x1e: {  	s7 =	smul.u32 @!p0 $0xF7A, s2;
	p2 =	seq.s32 @!p0 s5, $0x0  }
0x1f: {  	s9 =	smul.u32 $0xF7A, s1;
	s8 =	simm.s32 @!p0 $0x1BF5;
	p2 =	por !p2, p0  }
0x20: {  	[sflag:s8] =	ssyncset.s32 @!p0 $0xFFFFF086;
	s6 =	sadd.s32 @!p0 s3, s7;
	s7 =	simm.s32 @!p0 $0x108  }
0x21: {  	s3 =	sadd.s32 s3, s9;
	s6 =	sadd.s32 @!p0 $0x88, s6;
	s7 =	simm.s32 @p2 $0x1082  }
0x22: {  	[simem:s7], [sflag:s8] =	dma.local @!p0 [hbm:s6], $0xF7A  }
0x23: {  	s9 =	sor.u32 $0xD0000000, s2;
	s6 =	simm.s32 $0x108;
	_ =	swait.ge @!p0 [sflag:s8], $0x0  }
0x24: {  	s3 =	sadd.s32 $0x88, s3;
	s6 =	simm.s32 @!p1 $0x1082;
	[sflag:s4] =	ssyncset.s32 $0xFFFFF086  }
0x25: {  	[simem:s6], [sflag:s4] =	dma.local [hbm:s3], $0xF7A  }
0x26: {  	[smem:$0x3F93] =	sst s1;
	(tag) =	ssettag s2;
	_ =	strace s9  }
0x27: {  	s1 =	sld [smem:$0x3FA3]  }
0x28: {  	s2 =	sld [smem:$0x3FA4]  }
0x29: {  	s4 =	sld [smem:$0x3FA6]  }
0x2a: {  	p0 =	seq.s32 s5, $0x0;
	s5 =	sld [smem:$0x3FA7]  }
0x2b: {  	s6 =	sld [smem:$0x3FA8]  }
0x2c: {  	s7 =	sld [smem:$0x3FA9]  }
0x2d: {  	s3 =	simm.s32 $0x108;
	s8 =	sld [smem:$0x3FAA]  }
0x2e: {  	s3 =	simm.s32 @!p0 $0x1082;
	s9 =	sld [smem:$0x3FAB]  }
0x2f: {  	lr =	sadd.s32 s0, s3;
	s0 =	sld [smem:$0x3FA2]  }
0x30: {  	s3 =	sld [smem:$0x3FA5]  }
0x31: {  	[smem:$0x3FAE] =	sst s10  }
0x32: {  	s10 =	sld [smem:$0x3FAC];
	_ =	sdelay $0x3  }
0x33: {  	p0 =	seq.s32 s10, $0x1;
	s10 =	sld [smem:$0x3FAE];
	_ =	sdelay $0x3  }
0x34: {  	[smem:$0x3FAE] =	sst s10  }
0x35: {  	s10 =	sld [smem:$0x3FAD];
	_ =	sdelay $0x3  }
0x36: {  	p1 =	seq.s32 s10, $0x1;
	s10 =	sld [smem:$0x3FAE];
	_ =	sdelay $0x3  }
0x37: {  	[smem:$0x3FAE] =	sst s10  }
0x38: {  	s10 =	sld [smem:$0x3FAF]  }
0x39: {  	_ = 	snop;
	(pc) =	sbr.ind lr, $3  }
0x3a: {  	_ = 	snop  }
0x3b: {  	_ = 	snop  }
0x3c: {  	p2 =	seq.s32 s10, $0x1;
	s10 =	sld [smem:$0x3FAE]  }
0x3d: {  	_ =	shalt  }
0x3e: {  	_ =	shalt  }
0x3f: {  	_ =	shalt  }
0x40: {  	_ =	shalt  }
0x41: {  	_ =	shalt  }
0x42: {  	_ =	shalt  }
0x43: {  	_ =	shalt  }
0x44: {  	_ =	shalt  }
0x45: {  	_ =	shalt  }
0x46: {  	_ =	shalt  }
0x47: {  	_ =	shalt  }
0x48: {  	_ =	shalt  }
0x49: {  	_ =	shalt  }
0x4a: {  	_ =	shalt  }
0x4b: {  	_ =	shalt  }
0x4c: {  	_ =	shalt  }
0x4d: {  	_ =	shalt  }
0x4e: {  	_ =	shalt  }
0x4f: {  	_ =	shalt  }
0x50: {  	_ =	shalt  }
0x51: {  	_ =	shalt  }
0x52: {  	_ =	shalt  }
0x53: {  	_ =	shalt  }
0x54: {  	_ =	shalt  }
0x55: {  	_ =	shalt  }
0x56: {  	_ =	shalt  }
0x57: {  	_ =	shalt  }
0x58: {  	_ =	shalt  }
0x59: {  	_ =	shalt  }
0x5a: {  	_ =	shalt  }
0x5b: {  	_ =	shalt  }
0x5c: {  	_ =	shalt  }
0x5d: {  	_ =	shalt  }
0x5e: {  	_ =	shalt  }
0x5f: {  	_ =	shalt  }
0x60: {  	_ =	shalt  }
0x61: {  	_ =	shalt  }
0x62: {  	_ =	shalt  }
0x63: {  	_ =	shalt  }
0x64: {  	_ =	shalt  }
0x65: {  	_ =	shalt  }
0x66: {  	_ =	shalt  }
0x67: {  	_ =	shalt  }
0x68: {  	_ =	shalt  }
0x69: {  	_ =	shalt  }
0x6a: {  	_ =	shalt  }
0x6b: {  	_ =	shalt  }
0x6c: {  	_ =	shalt  }
0x6d: {  	_ =	shalt  }
0x6e: {  	_ =	shalt  }
0x6f: {  	_ =	shalt  }
0x70: {  	_ =	shalt  }
0x71: {  	_ =	shalt  }
0x72: {  	_ =	shalt  }
0x73: {  	_ =	shalt  }
0x74: {  	_ =	shalt  }
0x75: {  	_ =	shalt  }
0x76: {  	_ =	shalt  }
0x77: {  	_ =	shalt  }
0x78: {  	_ =	shalt  }
0x79: {  	_ =	shalt  }
0x7a: {  	_ =	shalt  }
0x7b: {  	_ =	shalt  }
0x7c: {  	_ =	shalt  }
0x7d: {  	_ =	shalt  }
0x7e: {  	_ =	shalt  }
0x7f: {  	_ =	shalt  }
0x80: {  	_ =	shalt  }
0x81: {  	_ =	shalt  }
0x82: {  	_ =	shalt  }
0x83: {  	_ =	shalt  }
0x84: {  	_ =	shalt  }
0x85: {  	_ =	shalt  }
0x86: {  	_ =	shalt  }
0x87: {  	_ =	shalt  }
.Lfunc_end0:
.L_simem_size_0:
called_computation.2_lowered:
.L_overlay_start_0:
0x88: {  	s2 =	sld [smem:$0x3FD9]  }
0x89: {  	s3 =	sld [smem:$0x3FFE];
	_ =	sdelay $0x1  }
0x8a: {  	s1 =	srdreg.scid  }
0x8b: {  	s0 =	sand.u32 $0x1, s1  }
0x8c: {  	s16 =	sshll.u32 s0, $0xA;
	s2 =	sadd.s32 s3, s2  }
0x8d: {  	s2 =	sadd.s32 s2, s16  }
0x8e: {  	[smem:$0x3FBA] =	sst s2  }
0x8f: {  	_ = 	snop  }
0x90: {  	(tm) =	ssettm $0x1  }
0x91: {  	s17 =	sld [smem:$0x3FFB];
	_ =	sdelay $0x3  }
0x92: {  	_ =	strace s17  }
0x93: {  	s2 =	sld [smem:$0x3FFC];
	_ =	sdelay $0x3  }
0x94: {  	_ =	strace s2  }
0x95: {  	s2 =	sld [smem:$0x3FFD];
	_ =	sdelay $0x3  }
0x96: {  	_ =	strace s2  }
0x97: {  	_ =	strace $0x8FFFFFFF  }
0x98: {  	s18 =	sld [smem:$0x3FDB];
	_ =	sdelay $0x1  }
0x99: {  	s19 =	simm.s32 $_scs_section_size  }
0x9a: {  	s4 =	simm.s32 $_size__tile_overlayer_lowered;
	s5 =	simm.s32 $_tile_overlayer_lowered  }
0x9b: {  	s22 =	simm.s32 $0x1BFF;
	s21 =	sshll.u32 s5, $0x1;
	s2 =	sadd.s32 s19, s18  }
0x9c: {  	s6 =	simm.s32 $0x0;
	s20 =	sshll.u32 s4, $0x1;
	s4 =	sadd.s32 s21, s2  }
0x9d: {  	[timem:s6], [sflag:s22] =	dma.local [hbm:s4], s20  }
0x9e: {  	_ =	swait.ge [sflag:s22], s20  }
0x9f: {  	s3 =	ssub.s32 $0x0, s20;
	[sflag:s22] =	ssyncset.done $0x0  }
0xa0: {  	[sflag:s22] =	ssyncadd.s32 s3;
	_ =	sdelay $0x1  }
0xa1: {  	s23 =	simm.s32 $0x1B8B  }
0xa2: {  	_ =	swait.ge [sflag:s23], $0x1  }
0xa3: {  	[sflag:s23] =	ssyncset.done $0x0  }
0xa4: {  	s25 =	simm.s32 $0x1B8E;
	s24 =	sld [smem:$0x3FFE];
	[sflag:s23] =	ssyncadd.s32 $0xFFFFFFFF  }
0xa5: {  	s26 =	simm.s32 $execute0_lowered;
	[smem:$0x3FD2] =	sst s25  }
0xa6: {  	s4 =	sshll.u32 s26, $0x1;
	_ =	strace $0x8000004C;
	[dreg:$0x1] =	wrdreg $0xFFFFFFFF  }
0xa7: {  	s28 =	simm.s32 $_size_execute0_lowered;
	s2 =	sadd.s32 s2, s4;
	[dreg:$0x0] =	wrdreg $0x0  }
0xa8: {  	s4 =	sshll.u32 s28, $0x1;
	[dreg:$0x2] =	wrdreg s2  }
0xa9: {  	[dreg:$0x3] =	wrdreg s4  }
0xaa: {  	[dreg:$0x4] =	wrdreg $0xC0  }
0xab: {  	_ =	task [dreg:s6], $0x5FFFF  }
0xac: {  	[dreg:$0x1] =	wrdreg $0xFFFFFFFF  }
0xad: {  	[dreg:$0x0] =	wrdreg $0x60  }
0xae: {  	[dreg:$0x2] =	wrdreg s24  }
0xaf: {  	[dreg:$0x3] =	wrdreg $0x6C000  }
0xb0: {  	[dreg:$0x4] =	wrdreg $0x9  }
0xb1: {  	_ =	task.clear_ibuf [dreg:s6], $0x5FFFF;
	_ =	strace $0x9000004C  }
0xb2: {  	s29 =	simm.s32 $0x9;
	_ =	strace $0x8000004E  }
0xb3: {  	_ =	swait.ge [sflag:s29], $0x1  }
0xb4: {  	[sflag:s29] =	ssyncadd.s32 $0xFFFFFFFF  }
0xb5: {  	_ =	strace $0x9000004E  }
0xb6: {  	_ =	sfence  }
0xb7: {  	s30 =	sld [smem:$0x0];
	_ =	sdelay $0x2  }
0xb8: {  	s31 =	sshll.u32 s1, $0xD;
	s1 =	sshrl.u32 s1, $0x2  }
0xb9: {  	s3 =	sand.u32 $0x4000, s31;
	s1 =	sadd.s32 s1, s30  }
0xba: {  	s0 =	sor.u32 s3, s0;
	s1 =	sshll.u32 s1, $0x11  }
0xbb: {  	s0 =	sor.u32 s1, s0  }
0xbc: {  	s0 =	sadd.s32 $0x8F2B, s0  }
0xbd: {  	[sflag:s0] =	ssyncadd.remote.s32 $0x1  }
0xbe: {  	_ =	sfence.sel $0xFFFF  }
0xbf: {  	[dreg:$0x0] =	wrdreg $0xFFFFFFFF;
	(pc) =	sbr.abs _section_cstart, $3  }
0xc0: {  	[dreg:$0x1] =	wrdreg $0xFFFFFFFF  }
0xc1: {  	_ =	task.clear_ibuf [dreg:s6], $0x2FFFF;
	_ =	strace $0x9FFFFFFF  }
0xc2: {  	(tm) =	ssettm $0x7FFFFFFF  }
0xc3: {  	_ =	shalt  }
tec
execute0_lowered:
.L_overlay_start_1:
0x0: {  	(tag) =	ssettag $0x1  }
0x1: {  	s0 =	rddreg [dreg:$0x0]  }
0x2: {  	s2 =	rddreg [dreg:$0x1];
	s3 =	simm.s32 $0x0  }
0x3: {  	s1 =	srdreg.scid;
	s13 =	stileid.u32;
	s16 =	simm.s32 $0xD  }
0x4: {  	s18 =	simm.s32 $0x80;
	s19 =	simm.s32 $0xC00;
	s20 =	simm.s32 $0x1C00  }
0x5: {  	s28 =	simm.s32 $0x2;
	s29 =	simm.s32 $0x5C00;
	s30 =	simm.s32 $0x3  }
0x6: {  	s31 =	simm.s32 $0x7;
	[smem:$0x7FF] =	sst s3;
	s1 =	sand.u32 $0x1, s1  }
0x7: {  	s7 =	smul.u32 $0x3200, s13;
	s4 =	sadd.s32 $0x3C00, s0;
	s5 =	sadd.s32 $0x1C800, s0  }
0x8: {  	s6 =	sadd.s32 $0x9D000, s0;
	s8 =	smul.u32 $0x64000, s13;
	s9 =	sadd.s32 $0x35400, s0  }
0x9: {  	s24 =	sshll.u32 s13, $0x6;
	s12 =	smul.u32 $0x18C0, s13;
	_ =	strace $0x8000004D  }
0xa: {  	s10 =	smul.u32 $0x32000, s1;
	[dreg:$0x3] =	wrdreg s9;
	s1 =	ssub.s32 $0x2, s1  }
0xb: {  	s9 =	sor.u32 $0x1C0D, s24;
	s22 =	sshrl.u32 s1, $0x1;
	s11 =	sshrl.u32 s8, $0x2  }
0xc: {  	s8 =	smul.u32 $0xC600, s13;
	s12 =	sadd.s32 s5, s12;
	s7 =	sadd.s32 s7, s10  }
0xd: {  	s1 =	ssub.s32 s1, s22;
	s23 =	sadd.s32 s11, s2;
	[dreg:$0x5] =	wrdreg s12  }
0xe: {  	s22 =	simm.s32 $0x2C00;
	s0 =	sadd.s32 s7, s0;
	s25 =	sshrl.u32 s8, $0x3  }
.Ltmp0:
0xf: {  	s26 =	smax.u32 s1, $0x1;
	s12 =	sshrl.u32 s23, $0x3;
	(pc) =	sbr.rel .LBB2_1-.Ltmp0, $4  }
0x10: {  	s1 =	simm.s32 $0x9;
	s23 =	simm.s32 $0x0;
	[dreg:$0x7] =	wrdreg s26  }
0x11: {  	s11 =	sadd.s32 s4, s25;
	s0 =	sadd.s32 $0x38600, s0;
	[dreg:$0x8] =	wrdreg s12  }
0x12: {  	s25 =	simm.s32 $0x1;
	s26 =	simm.s32 $0x4C00;
	[dreg:$0x4] =	wrdreg s11  }
0x13: {  	v0 =	vmov s10;
	s11 =	smul.u32 $0x18C, s13;
	[dreg:$0x6] =	wrdreg s0;
	s0 =	simm.s32 $0x5  }
.LBB2_9:
0x14: {  	s7 =	simm.s32 $0xB  }
0x15: {  	_ =	swait.ge [sflag:s7], $0x1000  }
0x16: {  	[sflag:s7] =	ssyncset.done $0x0  }
0x17: {  	s17 =	simm.s32 $0xC;
	[sflag:s7] =	ssyncadd.s32 $0xFFFFF000  }
0x18: {  	_ =	swait.ge [sflag:s17], $0x1000  }
0x19: {  	[sflag:s17] =	ssyncset.done $0x0  }
0x1a: {  	[sflag:s17] =	ssyncadd.s32 $0xFFFFF000  }
0x1b: {  	[bflag:$0x0] =	sbarrier.arrive $0xFFFF  }
0x1c: {  	s21 =	rddreg [dreg:$0x6]  }
0x1d: {  	s12 =	rddreg [dreg:$0x8]  }
0x1e: {  	[hbm:s21], [sflag:s15] =	dma.local [spmem:s12], $0x3200  }
0x1f: {  	_ =	swait.ge [sflag:s16], $0x3200  }
0x20: {  	s23 =	sadd.s32 $0x1, s23;
	s24 =	rddreg [dreg:$0x7]  }
0x21: {  	p0 =	sne.s32 s23, s24  }
.Ltmp1:
0x22: {  	_ = 	snop;
	(pc) =	sbr.rel @!p0 .LBB2_10-.Ltmp1, $3  }
0x23: {  	_ =	sdelay $0x1  }
0x24: {  	[sflag:s16] =	ssyncset.done $0x0  }
0x25: {  	s9 =	smov.u32 s15;
	[sflag:s16] =	ssyncadd.s32 $0xFFFFCE00  }
.LBB2_1:
0x26: {  	s7 =	rddreg [dreg:$0x3]  }
0x27: {  	[spmem:s12], [sflag:s9] =	dma.local [hbm:s7], $0x3200  }
0x28: {  	_ =	swait.ge [sflag:s16], $0x3200  }
0x29: {  	[sflag:s16] =	ssyncset.done $0x0  }
0x2a: {  	[sflag:s16] =	ssyncadd.s32 $0xFFFFCE00  }
0x2b: {  	[bflag:$0x0] =	sbarrier.arrive $0xFFFF  }
0x2c: {  	s24 =	rddreg [dreg:$0x4]  }
0x2d: {  	[tilespmem:s3], [sflag:$0xD] =	stream.linear.gather [hbm4b:s24+s3], $0x300, $0x38;
	[tilespmem:$0x1FC00] =	vst v63  }
0x2e: {  	_ =	swait.ge [sflag:s16], $0x300  }
0x2f: {  	s15 =	smov.u32 s9;
	[sflag:s16] =	ssyncset.done $0x0  }
0x30: {  	s10 =	simm.s32 $0x40;
	s7 =	simm.s32 $0x0;
	[sflag:s16] =	ssyncadd.s32 $0xFFFFFD00  }
.LBB2_2:
0x31: {  	p0 =	sne.s32 s10, $0xBC0;
	v1 =	vld [tilespmem:s7+$0x0];
	_ =	sdelay $0x1  }
.Ltmp2:
0x32: {  	(pc) =	sbr.rel @p0 .LBB2_2-.Ltmp2, $3  }
0x33: {  	_ =	sdelay $0x1  }
0x34: {  	v1 =	vadd.s32 v0, v1  }
0x35: {  	[tilespmem:s7+$0x0] =	vst v1;
	s7 =	sshra.s32 s10, $0x2;
	s10 =	sadd.s32 $0x40, s10  }
0x36: {  	v1 =	vld [tilespmem:s7+$0x0];
	_ =	sdelay $0x4  }
0x37: {  	v1 =	vadd.s32 v0, v1  }
0x38: {  	s24 =	simm.s32 $0x0;
	s13 =	rddreg [dreg:$0x5];
	s9 =	simm.s32 $0x600;
	[tilespmem:s7+$0x0] =	vst v1  }
0x39: {  	[tilespmem:s9], [sflag:$0xD] =	stream.linear.gather [hbm4b:s13+s24], $0x300, $0x38;
	[tilespmem:$0x1FC00] =	vst v63  }
0x3a: {  	_ =	swait.ge [sflag:s16], $0x300  }
0x3b: {  	[sflag:s16] =	ssyncset.done $0x0  }
0x3c: {  	[sflag:s16] =	ssyncadd.s32 $0xFFFFFD00  }
0x3d: {  	[tilespmem:s19], [sflag:$0x1] =	stream.indirect.gather [hbm4b:s6+s18], $0x20, s24, s18, $0xb8;
	[tilespmem:$0x1FC00] =	vst v63  }
0x3e: {  	_ = 	snop  }
0x3f: {  	[tilespmem:s20], [sflag:$0x2] =	stream.indirect.gather [hbm4b:s6+s18], $0x20, s18, s18, $0xb8;
	[tilespmem:$0x1FC00] =	vst v63  }
.Ltmp3:
0x40: {  	_ = 	snop;
	(pc) =	sbr.rel .LBB2_4-.Ltmp3, $4  }
0x41: {  	s14 =	simm.s32 $0x100  }
0x42: {  	[tilespmem:s22], [sflag:$0x3] =	stream.indirect.gather [hbm4b:s6+s18], $0x20, s14, s18, $0xb8;
	[tilespmem:$0x1FC00] =	vst v63  }
0x43: {  	s17 =	simm.s32 $0x180;
	s21 =	simm.s32 $0x3C00;
	p0 =	por $0x1, $0x1  }
0x44: {  	[tilespmem:s21], [sflag:$0x4] =	stream.indirect.gather [hbm4b:s6+s18], $0x20, s17, s18, $0xb8;
	[tilespmem:$0x1FC00] =	vst v63  }
.LBB2_8:
0x45: {  	_ =	swait.ge [sflag:s25], $0x1000;
	s12 =	smul.u32 $0x300, s7  }
0x46: {  	[sflag:s25] =	ssyncset.done $0x0  }
0x47: {  	[sflag:s25] =	ssyncadd.s32 $0xFFFFF000;
	s10 =	sadd.s32 $0x600, s12  }
0x48: {  	[spmem:s2] =	stream.indirect.scatter.add.f32 [tilespmem:s19], [sflag:$0x7], $0x20, s10, s18, $0xb8;
	[tilespmem:$0x1FC00] =	vst v63  }
0x49: {  	s13 =	sadd.s32 $0x200, s12  }
0x4a: {  	[tilespmem:s26], [sflag:$0x5] =	stream.indirect.gather [hbm4b:s6+s18], $0x20, s13, s18, $0xb8;
	[tilespmem:$0x1FC00] =	vst v63  }
0x4b: {  	_ =	swait.ge [sflag:s28], $0x1000  }
0x4c: {  	[sflag:s28] =	ssyncset.done $0x0  }
0x4d: {  	s9 =	sadd.s32 $0x680, s12;
	[sflag:s28] =	ssyncadd.s32 $0xFFFFF000  }
0x4e: {  	[spmem:s2] =	stream.indirect.scatter.add.f32 [tilespmem:s20], [sflag:$0x8], $0x20, s9, s18, $0xb8;
	[tilespmem:$0x1FC00] =	vst v63  }
0x4f: {  	s10 =	sadd.s32 $0x280, s12  }
0x50: {  	[tilespmem:s29], [sflag:$0x6] =	stream.indirect.gather [hbm4b:s6+s18], $0x20, s10, s18, $0xb8;
	[tilespmem:$0x1FC00] =	vst v63  }
0x51: {  	_ =	swait.ge [sflag:s30], $0x1000  }
0x52: {  	[sflag:s30] =	ssyncset.done $0x0  }
0x53: {  	s14 =	sadd.s32 $0x700, s12;
	[sflag:s30] =	ssyncadd.s32 $0xFFFFF000  }
0x54: {  	[spmem:s2] =	stream.indirect.scatter.add.f32 [tilespmem:s22], [sflag:$0x9], $0x20, s14, s18, $0xb8;
	[tilespmem:$0x1FC00] =	vst v63  }
0x55: {  	_ =	swait.ge [sflag:s31], $0x1000  }
0x56: {  	[sflag:s31] =	ssyncset.done $0x0  }
0x57: {  	s14 =	simm.s32 @p1 $0x4;
	[sflag:s31] =	ssyncadd.s32 $0xFFFFF000  }
0x58: {  	_ =	swait.ge @p1 [sflag:s14], $0x1000  }
0x59: {  	s17 =	simm.s32 @p1 $0x80;
	s21 =	simm.s32 @p1 $0x3C00;
	[sflag:s14] =	ssyncset.done @p1 $0x0  }
0x5a: {  	s7 =	sxor.u32 @!p1 $0x1, s7;
	[sflag:s14] =	ssyncadd.s32 @p1 $0xFFFFF000;
	s14 =	sadd.s32 @p1 $0x780, s12  }
0x5b: {  	[spmem:s2] =	stream.indirect.scatter.add.f32 @p1 [tilespmem:s21], [sflag:$0xA], $0x20, s14, s17, $0xb8;
	[tilespmem:$0x1FC00] =	vst v63  }
0x5c: {  	s7 =	smul.u32 @!p1 $0xC00, s7;
	s14 =	simm.s32 @p1 $0x8  }
0x5d: {  	_ =	swait.ge @p1 [sflag:s14], $0x1000  }
0x5e: {  	s7 =	sshrl.u32 @!p1 s7, $0x2;
	[sflag:s14] =	ssyncset.done @p1 $0x0  }
0x5f: {  	s21 =	simm.s32 @!p1 $0xC00;
	[sflag:s14] =	ssyncadd.s32 @p1 $0xFFFFF000;
	s14 =	simm.s32 @!p1 $0x80  }
0x60: {  	[tilespmem:s21], [sflag:$0x1] =	stream.indirect.gather @!p1 [hbm4b:s6+s14], $0x20, s7, s14, $0xb8;
	[tilespmem:$0x1FC00] =	vst v63  }
0x61: {  	s21 =	simm.s32 @!p1 $0x4  }
0x62: {  	_ =	swait.ge @!p1 [sflag:s21], $0x1000  }
0x63: {  	[sflag:s21] =	ssyncset.done @!p1 $0x0  }
0x64: {  	s12 =	sadd.s32 @!p1 $0x780, s12;
	[sflag:s21] =	ssyncadd.s32 @!p1 $0xFFFFF000;
	s21 =	simm.s32 @!p1 $0x3C00  }
0x65: {  	[spmem:s2] =	stream.indirect.scatter.add.f32 @!p1 [tilespmem:s21], [sflag:$0xA], $0x20, s12, s14, $0xb8;
	[tilespmem:$0x1FC00] =	vst v63  }
0x66: {  	s12 =	simm.s32 @!p1 $0x8  }
0x67: {  	_ =	swait.ge @!p1 [sflag:s12], $0x1000  }
0x68: {  	[sflag:s12] =	ssyncset.done @!p1 $0x0  }
0x69: {  	s9 =	simm.s32 @!p1 $0x1C00;
	[sflag:s12] =	ssyncadd.s32 @!p1 $0xFFFFF000;
	s12 =	sor.u32 @!p1 $0x80, s7  }
0x6a: {  	[tilespmem:s9], [sflag:$0x2] =	stream.indirect.gather @!p1 [hbm4b:s6+s14], $0x20, s12, s14, $0xb8;
	[tilespmem:$0x1FC00] =	vst v63  }
0x6b: {  	_ =	swait.ge [sflag:s0], $0x1000  }
0x6c: {  	[sflag:s0] =	ssyncset.done $0x0  }
0x6d: {  	s13 =	sadd.s32 $0x600, s13;
	[sflag:s0] =	ssyncadd.s32 $0xFFFFF000  }
0x6e: {  	[spmem:s2] =	stream.indirect.scatter.add.f32 [tilespmem:s26], [sflag:$0xB], $0x20, s13, s18, $0xb8;
	[tilespmem:$0x1FC00] =	vst v63  }
0x6f: {  	_ =	swait.ge [sflag:s1], $0x1000  }
0x70: {  	[sflag:s1] =	ssyncset.done $0x0  }
0x71: {  	s9 =	simm.s32 @p1 $0x6;
	[sflag:s1] =	ssyncadd.s32 $0xFFFFF000  }
0x72: {  	_ =	swait.ge @p1 [sflag:s9], $0x1000  }
0x73: {  	[sflag:s9] =	ssyncset.done @p1 $0x0  }
0x74: {  	s12 =	simm.s32 @p1 $0x5C00;
	[sflag:s9] =	ssyncadd.s32 @p1 $0xFFFFF000;
	s9 =	sadd.s32 @p1 $0x600, s10  }
0x75: {  	[spmem:s2] =	stream.indirect.scatter.add.f32 @p1 [tilespmem:s12], [sflag:$0xC], $0x20, s9, s17, $0xb8;
	[tilespmem:$0x1FC00] =	vst v63  }
0x76: {  	s9 =	simm.s32 @p1 $0xA  }
0x77: {  	_ =	swait.ge @p1 [sflag:s9], $0x1000  }
0x78: {  	[sflag:s9] =	ssyncset.done @p1 $0x0  }
0x79: {  	s12 =	simm.s32 @!p1 $0x2C00;
	[sflag:s9] =	ssyncadd.s32 @p1 $0xFFFFF000;
	s9 =	sadd.s32 @!p1 $0x100, s7  }
0x7a: {  	[tilespmem:s12], [sflag:$0x3] =	stream.indirect.gather @!p1 [hbm4b:s6+s14], $0x20, s9, s14, $0xb8;
	[tilespmem:$0x1FC00] =	vst v63  }
0x7b: {  	s9 =	simm.s32 @!p1 $0x6  }
0x7c: {  	_ =	swait.ge @!p1 [sflag:s9], $0x1000  }
0x7d: {  	[sflag:s9] =	ssyncset.done @!p1 $0x0  }
0x7e: {  	[sflag:s9] =	ssyncadd.s32 @!p1 $0xFFFFF000;
	s9 =	sadd.s32 @!p1 $0x600, s10;
	s10 =	simm.s32 @!p1 $0x5C00  }
0x7f: {  	[spmem:s2] =	stream.indirect.scatter.add.f32 @!p1 [tilespmem:s10], [sflag:$0xC], $0x20, s9, s14, $0xb8;
	[tilespmem:$0x1FC00] =	vst v63  }
0x80: {  	s9 =	simm.s32 @!p1 $0xA  }
0x81: {  	_ =	swait.ge @!p1 [sflag:s9], $0x1000  }
0x82: {  	[sflag:s9] =	ssyncset.done @!p1 $0x0  }
0x83: {  	s24 =	sadd.s32 $0x1, s24;
	s7 =	sadd.s32 @!p1 $0x180, s7;
	[sflag:s9] =	ssyncadd.s32 @!p1 $0xFFFFF000  }
0x84: {  	[tilespmem:s21], [sflag:$0x4] =	stream.indirect.gather @!p1 [hbm4b:s6+s14], $0x20, s7, s14, $0xb8;
	[tilespmem:$0x1FC00] =	vst v63  }
0x85: {  	p1 =	sne.s32 s24, $0x42  }
.Ltmp4:
0x86: {  	_ = 	snop;
	(pc) =	sbr.rel @!p1 .LBB2_9-.Ltmp4, $2  }
0x87: {  	_ =	sdelay $0x2  }
0x88: {  	p0 =	por !p0, !p0  }
.LBB2_4:
0x89: {  	p1 =	seq.s32 s24, $0x0  }
0x8a: {  	s7 =	simm.s32 @!p1 $0xB;
	p2 =	seq.s32 @!p1 s24, $0x41  }
0x8b: {  	_ =	swait.ge @!p1 [sflag:s7], $0x1000;
	p2 =	por p1, !p2  }
.Ltmp5:
0x8c: {  	[sflag:s7] =	ssyncset.done @!p1 $0x0;
	(pc) =	sbr.rel @!p2 .LBB2_8-.Ltmp5, $4  }
0x8d: {  	s10 =	simm.s32 @!p1 $0xC;
	[sflag:s7] =	ssyncadd.s32 @!p1 $0xFFFFF000  }
0x8e: {  	_ =	swait.ge @!p1 [sflag:s10], $0x1000  }
0x8f: {  	[sflag:s10] =	ssyncset.done @!p1 $0x0  }
0x90: {  	s7 =	sand.u32 $0x1, s24;
	[sflag:s10] =	ssyncadd.s32 @!p1 $0xFFFFF000;
	p1 =	por @!p1 $0x1, $0x1  }
0x91: {  	s10 =	sadd.s32 $0x1, s24;
	s13 =	simm.s32 $0x1  }
0x92: {  	s12 =	smul.u32 $0x300, s10;
	s13 =	simm.s32 @!p0 $0x0  }
0x93: {  	s13 =	smul.u32 $0xC00, s13  }
0x94: {  	s14 =	sxor.u32 $0x1, s7;
	s17 =	sadd.s32 s8, s12  }
0x95: {  	s12 =	smul.u32 $0x300, s14;
	s17 =	sshrl.u32 s17, $0x3;
	s13 =	sshrl.u32 s13, $0x2  }
0x96: {  	s21 =	simm.s32 $0x0;
	s14 =	sadd.s32 s4, s17;
	v1 =	vmov s13  }
0x97: {  	[tilespmem:s12], [sflag:$0xD] =	stream.linear.gather [hbm4b:s14+s21], $0x300, $0x38;
	[tilespmem:$0x1FC00] =	vst v63  }
0x98: {  	_ =	swait.ge [sflag:s16], $0x300  }
0x99: {  	[sflag:s16] =	ssyncset.done $0x0  }
0x9a: {  	s13 =	simm.s32 $0x0;
	s14 =	simm.s32 $0x40;
	[sflag:s16] =	ssyncadd.s32 $0xFFFFFD00  }
.LBB2_6:
0x9b: {  	p1 =	sne.s32 s14, $0xBC0;
	v2 =	vld.idx.msk [tilespmem:v1+s13+$0x0 ss:$0x1], $0xffff;
	_ =	sdelay $0x2  }
.Ltmp6:
0x9c: {  	(pc) =	sbr.rel @p1 .LBB2_6-.Ltmp6, $3  }
0x9d: {  	_ =	sdelay $0x1  }
0x9e: {  	v2 =	vadd.s32 v0, v2  }
0x9f: {  	[tilespmem:v1+s13+$0x0 ss:$0x1] =	vst.idx.msk $0xffff, v2;
	s13 =	sshra.s32 s14, $0x2;
	s14 =	sadd.s32 $0x40, s14  }
0xa0: {  	_ =	sdelay $0x3  }
0xa1: {  	v2 =	vld.idx.msk [tilespmem:v1+s13+$0x0 ss:$0x1], $0xffff;
	_ =	sdelay $0x1  }
0xa2: {  	s10 =	smul.u32 $0x6, s10;
	_ =	sdelay $0x1  }
0xa3: {  	s10 =	sadd.s32 s11, s10  }
0xa4: {  	s10 =	sshll.u32 s10, $0x4;
	v2 =	vadd.s32 v0, v2  }
.Ltmp7:
0xa5: {  	s12 =	sadd.s32 $0x600, s12;
	s10 =	sadd.s32 s5, s10;
	[tilespmem:v1+s13+$0x0 ss:$0x1] =	vst.idx.msk $0xffff, v2;
	(pc) =	sbr.rel .LBB2_8-.Ltmp7, $4  }
0xa6: {  	[tilespmem:s12], [sflag:$0xD] =	stream.linear.gather [hbm4b:s10+s3], $0x300, $0x38;
	[tilespmem:$0x1FC00] =	vst v63  }
0xa7: {  	_ =	swait.ge [sflag:s16], $0x300  }
0xa8: {  	[sflag:s16] =	ssyncset.done $0x0  }
0xa9: {  	p1 =	por $0x0, $0x0;
	[sflag:s16] =	ssyncadd.s32 $0xFFFFFD00  }
.LBB2_10:
0xaa: {  	_ =	sfence.sel $0x180000  }
0xab: {  	[bflag:$0x0] =	sbarrier.arrive $0xFFFF  }
0xac: {  	_ =	strace $0x9000004D  }
0xad: {  	s0 =	stileid.u32;
	[bflag:$0x2] =	sbarrier.arrive $0xFFFF  }
0xae: {  	p0 =	sne.s32 s0, $0x0;
	s0 =	rddreg [dreg:$0x2]  }
0xaf: {  	s0 =	sadd.s32 @!p0 $0x100000, s0  }
0xb0: {  	[sflag:s0] =	ssyncadd.tile.s32 @!p0 $0x1;
	_ =	shalt  }
.Lfunc_end2:
_tile_overlayer_lowered:
.L_overlay_start_2:
0xb1: {  	(tag) =	ssettag $0x2  }
0xb2: {  	s0 =	rddreg [dreg:$0x0];
	s2 =	stileid.u32  }
0xb3: {  	s1 =	rddreg [dreg:$0x1];
	p0 =	sne.s32 s2, $0x0  }
0xb4: {  	s3 =	rddreg [dreg:$0x2];
	[bflag:$0x3] =	sbarrier.arrive $0xFFFF;
	s2 =	simm.s32 @!p0 $0x1C0D  }
0xb5: {  	[timem:s3], [sflag:s2] =	dma.local @!p0 [hbm:s0], s1  }
0xb6: {  	s0 =	simm.s32 @!p0 $0xD  }
0xb7: {  	_ =	swait.ge @!p0 [sflag:s0], s1  }
0xb8: {  	s1 =	ssub.s32 @!p0 $0x0, s1;
	[sflag:s0] =	ssyncset.done @!p0 $0x0  }
0xb9: {  	[sflag:s0] =	ssyncadd.s32 @!p0 s1  }
0xba: {  	[bflag:$0x3] =	sbarrier.arrive $0xFFFF  }
0xbb: {  	_ =	shalt  }

// kernel: kernel.21.cloned.1.call-start
scs
__scs_entry_jumppad:
0x0: {  	(pc) =	sbr.rel $0x88, $3  }
0x1: {  	(tag) =	ssettag $0x0;
	lr =	simm.s32 $0x1  }
0x2: {  	[smem:$0x3F93] =	sst lr;
	_ =	strace $0xD0000000  }
0x3: {  	_ = 	snop  }
0x4: {  	_ = 	snop  }
0x5: {  	_ = 	snop  }
0x6: {  	_ = 	snop  }
0x7: {  	_ = 	snop  }
__scs_overlays_trampoline_lowered:
0x8: {  	[smem:$0x3FA2] =	sst s0  }
0x9: {  	[smem:$0x3FA3] =	sst s1  }
0xa: {  	[smem:$0x3FA4] =	sst s2  }
0xb: {  	[smem:$0x3FA5] =	sst s3  }
0xc: {  	[smem:$0x3FA6] =	sst s4  }
0xd: {  	[smem:$0x3FA7] =	sst s5  }
0xe: {  	[smem:$0x3FA8] =	sst s6  }
0xf: {  	[smem:$0x3FA9] =	sst s7  }
0x10: {  	[smem:$0x3FAA] =	sst s8  }
0x11: {  	[smem:$0x3FAB] =	sst s9;
	s0 =	simm.s32 @!p0 $0x0  }
0x12: {  	s1 =	sld [smem:$0x3F91];
	s0 =	simm.s32 @p0 $0x1  }
0x13: {  	[smem:$0x3FAC] =	sst s0;
	s0 =	simm.s32 @!p1 $0x0  }
0x14: {  	s2 =	sld [smem:$0x3F90];
	s0 =	simm.s32 @p1 $0x1  }
0x15: {  	[smem:$0x3FAD] =	sst s0;
	s0 =	simm.s32 @!p2 $0x0  }
0x16: {  	s3 =	sld [smem:$0x3FDB];
	s0 =	simm.s32 @p2 $0x1  }
0x17: {  	s4 =	simm.s32 $0x1BF5;
	[smem:$0x3FAF] =	sst s0  }
0x18: {  	s0 =	sld [smem:$0x3F92];
	_ =	swait.ge [sflag:s4], $0x0  }
0x19: {  	s7 =	sld [smem:$0x3F93]  }
0x1a: {  	s8 =	sadd.s32 $0xFFFFE003, lr  }
0x1b: {  	s9 =	sadd.s32 $0xFFFFFEF7, lr;
	s5 =	simm.s32 $0xFFFFFFFF;
	p2 =	slt.u32 s8, $0xFFFFF086  }
0x1c: {  	p1 =	slt.u32 s9, $0xF7A;
	s5 =	simm.s32 @!p2 $0x0  }
0x1d: {  	s5 =	simm.s32 @p1 $0x1;
	p0 =	seq.s32 s7, s2  }
0x1e: {  	s7 =	smul.u32 @!p0 $0xF7A, s2;
	p2 =	seq.s32 @!p0 s5, $0x0  }
0x1f: {  	s9 =	smul.u32 $0xF7A, s1;
	s8 =	simm.s32 @!p0 $0x1BF5;
	p2 =	por !p2, p0  }
0x20: {  	[sflag:s8] =	ssyncset.s32 @!p0 $0xFFFFF086;
	s6 =	sadd.s32 @!p0 s3, s7;
	s7 =	simm.s32 @!p0 $0x108  }
0x21: {  	s3 =	sadd.s32 s3, s9;
	s6 =	sadd.s32 @!p0 $0x88, s6;
	s7 =	simm.s32 @p2 $0x1082  }
0x22: {  	[simem:s7], [sflag:s8] =	dma.local @!p0 [hbm:s6], $0xF7A  }
0x23: {  	s9 =	sor.u32 $0xD0000000, s2;
	s6 =	simm.s32 $0x108;
	_ =	swait.ge @!p0 [sflag:s8], $0x0  }
0x24: {  	s3 =	sadd.s32 $0x88, s3;
	s6 =	simm.s32 @!p1 $0x1082;
	[sflag:s4] =	ssyncset.s32 $0xFFFFF086  }
0x25: {  	[simem:s6], [sflag:s4] =	dma.local [hbm:s3], $0xF7A  }
0x26: {  	[smem:$0x3F93] =	sst s1;
	(tag) =	ssettag s2;
	_ =	strace s9  }
0x27: {  	s1 =	sld [smem:$0x3FA3]  }
0x28: {  	s2 =	sld [smem:$0x3FA4]  }
0x29: {  	s4 =	sld [smem:$0x3FA6]  }
0x2a: {  	p0 =	seq.s32 s5, $0x0;
	s5 =	sld [smem:$0x3FA7]  }
0x2b: {  	s6 =	sld [smem:$0x3FA8]  }
0x2c: {  	s7 =	sld [smem:$0x3FA9]  }
0x2d: {  	s3 =	simm.s32 $0x108;
	s8 =	sld [smem:$0x3FAA]  }
0x2e: {  	s3 =	simm.s32 @!p0 $0x1082;
	s9 =	sld [smem:$0x3FAB]  }
0x2f: {  	lr =	sadd.s32 s0, s3;
	s0 =	sld [smem:$0x3FA2]  }
0x30: {  	s3 =	sld [smem:$0x3FA5]  }
0x31: {  	[smem:$0x3FAE] =	sst s10  }
0x32: {  	s10 =	sld [smem:$0x3FAC];
	_ =	sdelay $0x3  }
0x33: {  	p0 =	seq.s32 s10, $0x1;
	s10 =	sld [smem:$0x3FAE];
	_ =	sdelay $0x3  }
0x34: {  	[smem:$0x3FAE] =	sst s10  }
0x35: {  	s10 =	sld [smem:$0x3FAD];
	_ =	sdelay $0x3  }
0x36: {  	p1 =	seq.s32 s10, $0x1;
	s10 =	sld [smem:$0x3FAE];
	_ =	sdelay $0x3  }
0x37: {  	[smem:$0x3FAE] =	sst s10  }
0x38: {  	s10 =	sld [smem:$0x3FAF]  }
0x39: {  	_ = 	snop;
	(pc) =	sbr.ind lr, $3  }
0x3a: {  	_ = 	snop  }
0x3b: {  	_ = 	snop  }
0x3c: {  	p2 =	seq.s32 s10, $0x1;
	s10 =	sld [smem:$0x3FAE]  }
0x3d: {  	_ =	shalt  }
0x3e: {  	_ =	shalt  }
0x3f: {  	_ =	shalt  }
0x40: {  	_ =	shalt  }
0x41: {  	_ =	shalt  }
0x42: {  	_ =	shalt  }
0x43: {  	_ =	shalt  }
0x44: {  	_ =	shalt  }
0x45: {  	_ =	shalt  }
0x46: {  	_ =	shalt  }
0x47: {  	_ =	shalt  }
0x48: {  	_ =	shalt  }
0x49: {  	_ =	shalt  }
0x4a: {  	_ =	shalt  }
0x4b: {  	_ =	shalt  }
0x4c: {  	_ =	shalt  }
0x4d: {  	_ =	shalt  }
0x4e: {  	_ =	shalt  }
0x4f: {  	_ =	shalt  }
0x50: {  	_ =	shalt  }
0x51: {  	_ =	shalt  }
0x52: {  	_ =	shalt  }
0x53: {  	_ =	shalt  }
0x54: {  	_ =	shalt  }
0x55: {  	_ =	shalt  }
0x56: {  	_ =	shalt  }
0x57: {  	_ =	shalt  }
0x58: {  	_ =	shalt  }
0x59: {  	_ =	shalt  }
0x5a: {  	_ =	shalt  }
0x5b: {  	_ =	shalt  }
0x5c: {  	_ =	shalt  }
0x5d: {  	_ =	shalt  }
0x5e: {  	_ =	shalt  }
0x5f: {  	_ =	shalt  }
0x60: {  	_ =	shalt  }
0x61: {  	_ =	shalt  }
0x62: {  	_ =	shalt  }
0x63: {  	_ =	shalt  }
0x64: {  	_ =	shalt  }
0x65: {  	_ =	shalt  }
0x66: {  	_ =	shalt  }
0x67: {  	_ =	shalt  }
0x68: {  	_ =	shalt  }
0x69: {  	_ =	shalt  }
0x6a: {  	_ =	shalt  }
0x6b: {  	_ =	shalt  }
0x6c: {  	_ =	shalt  }
0x6d: {  	_ =	shalt  }
0x6e: {  	_ =	shalt  }
0x6f: {  	_ =	shalt  }
0x70: {  	_ =	shalt  }
0x71: {  	_ =	shalt  }
0x72: {  	_ =	shalt  }
0x73: {  	_ =	shalt  }
0x74: {  	_ =	shalt  }
0x75: {  	_ =	shalt  }
0x76: {  	_ =	shalt  }
0x77: {  	_ =	shalt  }
0x78: {  	_ =	shalt  }
0x79: {  	_ =	shalt  }
0x7a: {  	_ =	shalt  }
0x7b: {  	_ =	shalt  }
0x7c: {  	_ =	shalt  }
0x7d: {  	_ =	shalt  }
0x7e: {  	_ =	shalt  }
0x7f: {  	_ =	shalt  }
0x80: {  	_ =	shalt  }
0x81: {  	_ =	shalt  }
0x82: {  	_ =	shalt  }
0x83: {  	_ =	shalt  }
0x84: {  	_ =	shalt  }
0x85: {  	_ =	shalt  }
0x86: {  	_ =	shalt  }
0x87: {  	_ =	shalt  }
.Lfunc_end0:
.L_simem_size_0:
called_computation.3_lowered:
.L_overlay_start_0:
0x88: {  	s2 =	sld [smem:$0x3FD9]  }
0x89: {  	s3 =	sld [smem:$0x3FFE];
	_ =	sdelay $0x1  }
0x8a: {  	s1 =	srdreg.scid  }
0x8b: {  	s0 =	sand.u32 $0x1, s1  }
0x8c: {  	s16 =	sshll.u32 s0, $0xA;
	s2 =	sadd.s32 s3, s2  }
0x8d: {  	s2 =	sadd.s32 s2, s16  }
0x8e: {  	[smem:$0x3FBA] =	sst s2  }
0x8f: {  	_ = 	snop  }
0x90: {  	(tm) =	ssettm $0x1  }
0x91: {  	s17 =	sld [smem:$0x3FFB];
	_ =	sdelay $0x3  }
0x92: {  	_ =	strace s17  }
0x93: {  	s2 =	sld [smem:$0x3FFC];
	_ =	sdelay $0x3  }
0x94: {  	_ =	strace s2  }
0x95: {  	s2 =	sld [smem:$0x3FFD];
	_ =	sdelay $0x3  }
0x96: {  	_ =	strace s2  }
0x97: {  	_ =	strace $0x8FFFFFFF  }
0x98: {  	s18 =	sld [smem:$0x3FDB];
	_ =	sdelay $0x1  }
0x99: {  	s19 =	simm.s32 $_scs_section_size  }
0x9a: {  	s4 =	simm.s32 $_size__tile_overlayer_lowered;
	s5 =	simm.s32 $_tile_overlayer_lowered  }
0x9b: {  	s22 =	simm.s32 $0x1BFF;
	s21 =	sshll.u32 s5, $0x1;
	s2 =	sadd.s32 s19, s18  }
0x9c: {  	s6 =	simm.s32 $0x0;
	s20 =	sshll.u32 s4, $0x1;
	s4 =	sadd.s32 s21, s2  }
0x9d: {  	[timem:s6], [sflag:s22] =	dma.local [hbm:s4], s20  }
0x9e: {  	_ =	swait.ge [sflag:s22], s20  }
0x9f: {  	s3 =	ssub.s32 $0x0, s20;
	[sflag:s22] =	ssyncset.done $0x0  }
0xa0: {  	[sflag:s22] =	ssyncadd.s32 s3;
	_ =	sdelay $0x1  }
0xa1: {  	s23 =	simm.s32 $0x1B8B  }
0xa2: {  	_ =	swait.ge [sflag:s23], $0x1  }
0xa3: {  	[sflag:s23] =	ssyncset.done $0x0  }
0xa4: {  	s25 =	simm.s32 $0x1B8E;
	s24 =	sld [smem:$0x3FFE];
	[sflag:s23] =	ssyncadd.s32 $0xFFFFFFFF  }
0xa5: {  	s26 =	simm.s32 $execute0_lowered;
	[smem:$0x3FD2] =	sst s25  }
0xa6: {  	s4 =	sshll.u32 s26, $0x1;
	_ =	strace $0x8000004F;
	[dreg:$0x1] =	wrdreg $0xFFFFFFFF  }
0xa7: {  	s28 =	simm.s32 $_size_execute0_lowered;
	s2 =	sadd.s32 s2, s4;
	[dreg:$0x0] =	wrdreg $0x0  }
0xa8: {  	s4 =	sshll.u32 s28, $0x1;
	[dreg:$0x2] =	wrdreg s2  }
0xa9: {  	[dreg:$0x3] =	wrdreg s4  }
0xaa: {  	[dreg:$0x4] =	wrdreg $0xC0  }
0xab: {  	_ =	task [dreg:s6], $0x5FFFF  }
0xac: {  	[dreg:$0x1] =	wrdreg $0xFFFFFFFF  }
0xad: {  	[dreg:$0x0] =	wrdreg $0x60  }
0xae: {  	[dreg:$0x2] =	wrdreg s24  }
0xaf: {  	[dreg:$0x3] =	wrdreg $0x6C000  }
0xb0: {  	[dreg:$0x4] =	wrdreg $0x9  }
0xb1: {  	_ =	task.clear_ibuf [dreg:s6], $0x5FFFF;
	_ =	strace $0x9000004F  }
0xb2: {  	s29 =	simm.s32 $0x9;
	_ =	strace $0x80000051  }
0xb3: {  	_ =	swait.ge [sflag:s29], $0x1  }
0xb4: {  	[sflag:s29] =	ssyncadd.s32 $0xFFFFFFFF  }
0xb5: {  	_ =	strace $0x90000051  }
0xb6: {  	_ =	sfence  }
0xb7: {  	s30 =	sld [smem:$0x0];
	_ =	sdelay $0x2  }
0xb8: {  	s31 =	sshll.u32 s1, $0xD;
	s1 =	sshrl.u32 s1, $0x2  }
0xb9: {  	s3 =	sand.u32 $0x4000, s31;
	s1 =	sadd.s32 s1, s30  }
0xba: {  	s0 =	sor.u32 s3, s0;
	s1 =	sshll.u32 s1, $0x11  }
0xbb: {  	s0 =	sor.u32 s1, s0  }
0xbc: {  	s0 =	sadd.s32 $0x8F2B, s0  }
0xbd: {  	[sflag:s0] =	ssyncadd.remote.s32 $0x1  }
0xbe: {  	_ =	sfence.sel $0xFFFF  }
0xbf: {  	[dreg:$0x0] =	wrdreg $0xFFFFFFFF;
	(pc) =	sbr.abs _section_cstart, $3  }
0xc0: {  	[dreg:$0x1] =	wrdreg $0xFFFFFFFF  }
0xc1: {  	_ =	task.clear_ibuf [dreg:s6], $0x2FFFF;
	_ =	strace $0x9FFFFFFF  }
0xc2: {  	(tm) =	ssettm $0x7FFFFFFF  }
0xc3: {  	_ =	shalt  }
tec
execute0_lowered:
.L_overlay_start_1:
0x0: {  	(tag) =	ssettag $0x1  }
0x1: {  	s0 =	rddreg [dreg:$0x0]  }
0x2: {  	s2 =	rddreg [dreg:$0x1];
	s3 =	simm.s32 $0x0  }
0x3: {  	s1 =	srdreg.scid;
	s13 =	stileid.u32;
	s16 =	simm.s32 $0xD  }
0x4: {  	s18 =	simm.s32 $0x80;
	s19 =	simm.s32 $0xC00;
	s20 =	simm.s32 $0x1C00  }
0x5: {  	s28 =	simm.s32 $0x2;
	s29 =	simm.s32 $0x5C00;
	s30 =	simm.s32 $0x3  }
0x6: {  	s31 =	simm.s32 $0x7;
	[smem:$0x7FF] =	sst s3;
	s1 =	sand.u32 $0x1, s1  }
0x7: {  	s7 =	smul.u32 $0x3200, s13;
	s4 =	sadd.s32 $0x3C00, s0;
	s5 =	sadd.s32 $0x1C800, s0  }
0x8: {  	s6 =	sadd.s32 $0x38600, s0;
	s8 =	smul.u32 $0x64000, s13;
	s9 =	sadd.s32 $0x35400, s0  }
0x9: {  	s24 =	sshll.u32 s13, $0x6;
	s12 =	smul.u32 $0x18C0, s13;
	_ =	strace $0x80000050  }
0xa: {  	s10 =	smul.u32 $0x32000, s1;
	[dreg:$0x3] =	wrdreg s9;
	s1 =	ssub.s32 $0x2, s1  }
0xb: {  	s9 =	sor.u32 $0x1C0D, s24;
	s22 =	sshrl.u32 s1, $0x1;
	s11 =	sshrl.u32 s8, $0x2  }
0xc: {  	s8 =	smul.u32 $0xC600, s13;
	s12 =	sadd.s32 s5, s12;
	s7 =	sadd.s32 s7, s10  }
0xd: {  	s1 =	ssub.s32 s1, s22;
	s23 =	sadd.s32 s11, s2;
	[dreg:$0x5] =	wrdreg s12  }
0xe: {  	s22 =	simm.s32 $0x2C00;
	s0 =	sadd.s32 s7, s0;
	s25 =	sshrl.u32 s8, $0x3  }
.Ltmp0:
0xf: {  	s26 =	smax.u32 s1, $0x1;
	s12 =	sshrl.u32 s23, $0x3;
	(pc) =	sbr.rel .LBB2_1-.Ltmp0, $4  }
0x10: {  	s1 =	simm.s32 $0x9;
	s23 =	simm.s32 $0x0;
	[dreg:$0x7] =	wrdreg s26  }
0x11: {  	s11 =	sadd.s32 s4, s25;
	s0 =	sadd.s32 $0x1C8600, s0;
	[dreg:$0x8] =	wrdreg s12  }
0x12: {  	s25 =	simm.s32 $0x1;
	s26 =	simm.s32 $0x4C00;
	[dreg:$0x4] =	wrdreg s11  }
0x13: {  	v0 =	vmov s10;
	s11 =	smul.u32 $0x18C, s13;
	[dreg:$0x6] =	wrdreg s0;
	s0 =	simm.s32 $0x5  }
.LBB2_9:
0x14: {  	s7 =	simm.s32 $0xB  }
0x15: {  	_ =	swait.ge [sflag:s7], $0x1000  }
0x16: {  	[sflag:s7] =	ssyncset.done $0x0  }
0x17: {  	s17 =	simm.s32 $0xC;
	[sflag:s7] =	ssyncadd.s32 $0xFFFFF000  }
0x18: {  	_ =	swait.ge [sflag:s17], $0x1000  }
0x19: {  	[sflag:s17] =	ssyncset.done $0x0  }
0x1a: {  	[sflag:s17] =	ssyncadd.s32 $0xFFFFF000  }
0x1b: {  	[bflag:$0x0] =	sbarrier.arrive $0xFFFF  }
0x1c: {  	s21 =	rddreg [dreg:$0x6]  }
0x1d: {  	s12 =	rddreg [dreg:$0x8]  }
0x1e: {  	[hbm:s21], [sflag:s15] =	dma.local [spmem:s12], $0x3200  }
0x1f: {  	_ =	swait.ge [sflag:s16], $0x3200  }
0x20: {  	s23 =	sadd.s32 $0x1, s23;
	s24 =	rddreg [dreg:$0x7]  }
0x21: {  	p0 =	sne.s32 s23, s24  }
.Ltmp1:
0x22: {  	_ = 	snop;
	(pc) =	sbr.rel @!p0 .LBB2_10-.Ltmp1, $3  }
0x23: {  	_ =	sdelay $0x1  }
0x24: {  	[sflag:s16] =	ssyncset.done $0x0  }
0x25: {  	s9 =	smov.u32 s15;
	[sflag:s16] =	ssyncadd.s32 $0xFFFFCE00  }
.LBB2_1:
0x26: {  	s7 =	rddreg [dreg:$0x3]  }
0x27: {  	[spmem:s12], [sflag:s9] =	dma.local [hbm:s7], $0x3200  }
0x28: {  	_ =	swait.ge [sflag:s16], $0x3200  }
0x29: {  	[sflag:s16] =	ssyncset.done $0x0  }
0x2a: {  	[sflag:s16] =	ssyncadd.s32 $0xFFFFCE00  }
0x2b: {  	[bflag:$0x0] =	sbarrier.arrive $0xFFFF  }
0x2c: {  	s24 =	rddreg [dreg:$0x4]  }
0x2d: {  	[tilespmem:s3], [sflag:$0xD] =	stream.linear.gather [hbm4b:s24+s3], $0x300, $0x38;
	[tilespmem:$0x1FC00] =	vst v63  }
0x2e: {  	_ =	swait.ge [sflag:s16], $0x300  }
0x2f: {  	s15 =	smov.u32 s9;
	[sflag:s16] =	ssyncset.done $0x0  }
0x30: {  	s10 =	simm.s32 $0x40;
	s7 =	simm.s32 $0x0;
	[sflag:s16] =	ssyncadd.s32 $0xFFFFFD00  }
.LBB2_2:
0x31: {  	p0 =	sne.s32 s10, $0xBC0;
	v1 =	vld [tilespmem:s7+$0x0];
	_ =	sdelay $0x1  }
.Ltmp2:
0x32: {  	(pc) =	sbr.rel @p0 .LBB2_2-.Ltmp2, $3  }
0x33: {  	_ =	sdelay $0x1  }
0x34: {  	v1 =	vadd.s32 v0, v1  }
0x35: {  	[tilespmem:s7+$0x0] =	vst v1;
	s7 =	sshra.s32 s10, $0x2;
	s10 =	sadd.s32 $0x40, s10  }
0x36: {  	v1 =	vld [tilespmem:s7+$0x0];
	_ =	sdelay $0x4  }
0x37: {  	v1 =	vadd.s32 v0, v1  }
0x38: {  	s24 =	simm.s32 $0x0;
	s13 =	rddreg [dreg:$0x5];
	s9 =	simm.s32 $0x600;
	[tilespmem:s7+$0x0] =	vst v1  }
0x39: {  	[tilespmem:s9], [sflag:$0xD] =	stream.linear.gather [hbm4b:s13+s24], $0x300, $0x38;
	[tilespmem:$0x1FC00] =	vst v63  }
0x3a: {  	_ =	swait.ge [sflag:s16], $0x300  }
0x3b: {  	[sflag:s16] =	ssyncset.done $0x0  }
0x3c: {  	[sflag:s16] =	ssyncadd.s32 $0xFFFFFD00  }
0x3d: {  	[tilespmem:s19], [sflag:$0x1] =	stream.indirect.gather [hbm4b:s6+s18], $0x20, s24, s18, $0xb8;
	[tilespmem:$0x1FC00] =	vst v63  }
0x3e: {  	_ = 	snop  }
0x3f: {  	[tilespmem:s20], [sflag:$0x2] =	stream.indirect.gather [hbm4b:s6+s18], $0x20, s18, s18, $0xb8;
	[tilespmem:$0x1FC00] =	vst v63  }
.Ltmp3:
0x40: {  	_ = 	snop;
	(pc) =	sbr.rel .LBB2_4-.Ltmp3, $4  }
0x41: {  	s14 =	simm.s32 $0x100  }
0x42: {  	[tilespmem:s22], [sflag:$0x3] =	stream.indirect.gather [hbm4b:s6+s18], $0x20, s14, s18, $0xb8;
	[tilespmem:$0x1FC00] =	vst v63  }
0x43: {  	s17 =	simm.s32 $0x180;
	s21 =	simm.s32 $0x3C00;
	p0 =	por $0x1, $0x1  }
0x44: {  	[tilespmem:s21], [sflag:$0x4] =	stream.indirect.gather [hbm4b:s6+s18], $0x20, s17, s18, $0xb8;
	[tilespmem:$0x1FC00] =	vst v63  }
.LBB2_8:
0x45: {  	_ =	swait.ge [sflag:s25], $0x1000;
	s12 =	smul.u32 $0x300, s7  }
0x46: {  	[sflag:s25] =	ssyncset.done $0x0  }
0x47: {  	[sflag:s25] =	ssyncadd.s32 $0xFFFFF000;
	s10 =	sadd.s32 $0x600, s12  }
0x48: {  	[spmem:s2] =	stream.indirect.scatter.add.f32 [tilespmem:s19], [sflag:$0x7], $0x20, s10, s18, $0xb8;
	[tilespmem:$0x1FC00] =	vst v63  }
0x49: {  	s13 =	sadd.s32 $0x200, s12  }
0x4a: {  	[tilespmem:s26], [sflag:$0x5] =	stream.indirect.gather [hbm4b:s6+s18], $0x20, s13, s18, $0xb8;
	[tilespmem:$0x1FC00] =	vst v63  }
0x4b: {  	_ =	swait.ge [sflag:s28], $0x1000  }
0x4c: {  	[sflag:s28] =	ssyncset.done $0x0  }
0x4d: {  	s9 =	sadd.s32 $0x680, s12;
	[sflag:s28] =	ssyncadd.s32 $0xFFFFF000  }
0x4e: {  	[spmem:s2] =	stream.indirect.scatter.add.f32 [tilespmem:s20], [sflag:$0x8], $0x20, s9, s18, $0xb8;
	[tilespmem:$0x1FC00] =	vst v63  }
0x4f: {  	s10 =	sadd.s32 $0x280, s12  }
0x50: {  	[tilespmem:s29], [sflag:$0x6] =	stream.indirect.gather [hbm4b:s6+s18], $0x20, s10, s18, $0xb8;
	[tilespmem:$0x1FC00] =	vst v63  }
0x51: {  	_ =	swait.ge [sflag:s30], $0x1000  }
0x52: {  	[sflag:s30] =	ssyncset.done $0x0  }
0x53: {  	s14 =	sadd.s32 $0x700, s12;
	[sflag:s30] =	ssyncadd.s32 $0xFFFFF000  }
0x54: {  	[spmem:s2] =	stream.indirect.scatter.add.f32 [tilespmem:s22], [sflag:$0x9], $0x20, s14, s18, $0xb8;
	[tilespmem:$0x1FC00] =	vst v63  }
0x55: {  	_ =	swait.ge [sflag:s31], $0x1000  }
0x56: {  	[sflag:s31] =	ssyncset.done $0x0  }
0x57: {  	s14 =	simm.s32 @p1 $0x4;
	[sflag:s31] =	ssyncadd.s32 $0xFFFFF000  }
0x58: {  	_ =	swait.ge @p1 [sflag:s14], $0x1000  }
0x59: {  	s17 =	simm.s32 @p1 $0x80;
	s21 =	simm.s32 @p1 $0x3C00;
	[sflag:s14] =	ssyncset.done @p1 $0x0  }
0x5a: {  	s7 =	sxor.u32 @!p1 $0x1, s7;
	[sflag:s14] =	ssyncadd.s32 @p1 $0xFFFFF000;
	s14 =	sadd.s32 @p1 $0x780, s12  }
0x5b: {  	[spmem:s2] =	stream.indirect.scatter.add.f32 @p1 [tilespmem:s21], [sflag:$0xA], $0x20, s14, s17, $0xb8;
	[tilespmem:$0x1FC00] =	vst v63  }
0x5c: {  	s7 =	smul.u32 @!p1 $0xC00, s7;
	s14 =	simm.s32 @p1 $0x8  }
0x5d: {  	_ =	swait.ge @p1 [sflag:s14], $0x1000  }
0x5e: {  	s7 =	sshrl.u32 @!p1 s7, $0x2;
	[sflag:s14] =	ssyncset.done @p1 $0x0  }
0x5f: {  	s21 =	simm.s32 @!p1 $0xC00;
	[sflag:s14] =	ssyncadd.s32 @p1 $0xFFFFF000;
	s14 =	simm.s32 @!p1 $0x80  }
0x60: {  	[tilespmem:s21], [sflag:$0x1] =	stream.indirect.gather @!p1 [hbm4b:s6+s14], $0x20, s7, s14, $0xb8;
	[tilespmem:$0x1FC00] =	vst v63  }
0x61: {  	s21 =	simm.s32 @!p1 $0x4  }
0x62: {  	_ =	swait.ge @!p1 [sflag:s21], $0x1000  }
0x63: {  	[sflag:s21] =	ssyncset.done @!p1 $0x0  }
0x64: {  	s12 =	sadd.s32 @!p1 $0x780, s12;
	[sflag:s21] =	ssyncadd.s32 @!p1 $0xFFFFF000;
	s21 =	simm.s32 @!p1 $0x3C00  }
0x65: {  	[spmem:s2] =	stream.indirect.scatter.add.f32 @!p1 [tilespmem:s21], [sflag:$0xA], $0x20, s12, s14, $0xb8;
	[tilespmem:$0x1FC00] =	vst v63  }
0x66: {  	s12 =	simm.s32 @!p1 $0x8  }
0x67: {  	_ =	swait.ge @!p1 [sflag:s12], $0x1000  }
0x68: {  	[sflag:s12] =	ssyncset.done @!p1 $0x0  }
0x69: {  	s9 =	simm.s32 @!p1 $0x1C00;
	[sflag:s12] =	ssyncadd.s32 @!p1 $0xFFFFF000;
	s12 =	sor.u32 @!p1 $0x80, s7  }
0x6a: {  	[tilespmem:s9], [sflag:$0x2] =	stream.indirect.gather @!p1 [hbm4b:s6+s14], $0x20, s12, s14, $0xb8;
	[tilespmem:$0x1FC00] =	vst v63  }
0x6b: {  	_ =	swait.ge [sflag:s0], $0x1000  }
0x6c: {  	[sflag:s0] =	ssyncset.done $0x0  }
0x6d: {  	s13 =	sadd.s32 $0x600, s13;
	[sflag:s0] =	ssyncadd.s32 $0xFFFFF000  }
0x6e: {  	[spmem:s2] =	stream.indirect.scatter.add.f32 [tilespmem:s26], [sflag:$0xB], $0x20, s13, s18, $0xb8;
	[tilespmem:$0x1FC00] =	vst v63  }
0x6f: {  	_ =	swait.ge [sflag:s1], $0x1000  }
0x70: {  	[sflag:s1] =	ssyncset.done $0x0  }
0x71: {  	s9 =	simm.s32 @p1 $0x6;
	[sflag:s1] =	ssyncadd.s32 $0xFFFFF000  }
0x72: {  	_ =	swait.ge @p1 [sflag:s9], $0x1000  }
0x73: {  	[sflag:s9] =	ssyncset.done @p1 $0x0  }
0x74: {  	s12 =	simm.s32 @p1 $0x5C00;
	[sflag:s9] =	ssyncadd.s32 @p1 $0xFFFFF000;
	s9 =	sadd.s32 @p1 $0x600, s10  }
0x75: {  	[spmem:s2] =	stream.indirect.scatter.add.f32 @p1 [tilespmem:s12], [sflag:$0xC], $0x20, s9, s17, $0xb8;
	[tilespmem:$0x1FC00] =	vst v63  }
0x76: {  	s9 =	simm.s32 @p1 $0xA  }
0x77: {  	_ =	swait.ge @p1 [sflag:s9], $0x1000  }
0x78: {  	[sflag:s9] =	ssyncset.done @p1 $0x0  }
0x79: {  	s12 =	simm.s32 @!p1 $0x2C00;
	[sflag:s9] =	ssyncadd.s32 @p1 $0xFFFFF000;
	s9 =	sadd.s32 @!p1 $0x100, s7  }
0x7a: {  	[tilespmem:s12], [sflag:$0x3] =	stream.indirect.gather @!p1 [hbm4b:s6+s14], $0x20, s9, s14, $0xb8;
	[tilespmem:$0x1FC00] =	vst v63  }
0x7b: {  	s9 =	simm.s32 @!p1 $0x6  }
0x7c: {  	_ =	swait.ge @!p1 [sflag:s9], $0x1000  }
0x7d: {  	[sflag:s9] =	ssyncset.done @!p1 $0x0  }
0x7e: {  	[sflag:s9] =	ssyncadd.s32 @!p1 $0xFFFFF000;
	s9 =	sadd.s32 @!p1 $0x600, s10;
	s10 =	simm.s32 @!p1 $0x5C00  }
0x7f: {  	[spmem:s2] =	stream.indirect.scatter.add.f32 @!p1 [tilespmem:s10], [sflag:$0xC], $0x20, s9, s14, $0xb8;
	[tilespmem:$0x1FC00] =	vst v63  }
0x80: {  	s9 =	simm.s32 @!p1 $0xA  }
0x81: {  	_ =	swait.ge @!p1 [sflag:s9], $0x1000  }
0x82: {  	[sflag:s9] =	ssyncset.done @!p1 $0x0  }
0x83: {  	s24 =	sadd.s32 $0x1, s24;
	s7 =	sadd.s32 @!p1 $0x180, s7;
	[sflag:s9] =	ssyncadd.s32 @!p1 $0xFFFFF000  }
0x84: {  	[tilespmem:s21], [sflag:$0x4] =	stream.indirect.gather @!p1 [hbm4b:s6+s14], $0x20, s7, s14, $0xb8;
	[tilespmem:$0x1FC00] =	vst v63  }
0x85: {  	p1 =	sne.s32 s24, $0x42  }
.Ltmp4:
0x86: {  	_ = 	snop;
	(pc) =	sbr.rel @!p1 .LBB2_9-.Ltmp4, $2  }
0x87: {  	_ =	sdelay $0x2  }
0x88: {  	p0 =	por !p0, !p0  }
.LBB2_4:
0x89: {  	p1 =	seq.s32 s24, $0x0  }
0x8a: {  	s7 =	simm.s32 @!p1 $0xB;
	p2 =	seq.s32 @!p1 s24, $0x41  }
0x8b: {  	_ =	swait.ge @!p1 [sflag:s7], $0x1000;
	p2 =	por p1, !p2  }
.Ltmp5:
0x8c: {  	[sflag:s7] =	ssyncset.done @!p1 $0x0;
	(pc) =	sbr.rel @!p2 .LBB2_8-.Ltmp5, $4  }
0x8d: {  	s10 =	simm.s32 @!p1 $0xC;
	[sflag:s7] =	ssyncadd.s32 @!p1 $0xFFFFF000  }
0x8e: {  	_ =	swait.ge @!p1 [sflag:s10], $0x1000  }
0x8f: {  	[sflag:s10] =	ssyncset.done @!p1 $0x0  }
0x90: {  	s7 =	sand.u32 $0x1, s24;
	[sflag:s10] =	ssyncadd.s32 @!p1 $0xFFFFF000;
	p1 =	por @!p1 $0x1, $0x1  }
0x91: {  	s10 =	sadd.s32 $0x1, s24;
	s13 =	simm.s32 $0x1  }
0x92: {  	s12 =	smul.u32 $0x300, s10;
	s13 =	simm.s32 @!p0 $0x0  }
0x93: {  	s13 =	smul.u32 $0xC00, s13  }
0x94: {  	s14 =	sxor.u32 $0x1, s7;
	s17 =	sadd.s32 s8, s12  }
0x95: {  	s12 =	smul.u32 $0x300, s14;
	s17 =	sshrl.u32 s17, $0x3;
	s13 =	sshrl.u32 s13, $0x2  }
0x96: {  	s21 =	simm.s32 $0x0;
	s14 =	sadd.s32 s4, s17;
	v1 =	vmov s13  }
0x97: {  	[tilespmem:s12], [sflag:$0xD] =	stream.linear.gather [hbm4b:s14+s21], $0x300, $0x38;
	[tilespmem:$0x1FC00] =	vst v63  }
0x98: {  	_ =	swait.ge [sflag:s16], $0x300  }
0x99: {  	[sflag:s16] =	ssyncset.done $0x0  }
0x9a: {  	s13 =	simm.s32 $0x0;
	s14 =	simm.s32 $0x40;
	[sflag:s16] =	ssyncadd.s32 $0xFFFFFD00  }
.LBB2_6:
0x9b: {  	p1 =	sne.s32 s14, $0xBC0;
	v2 =	vld.idx.msk [tilespmem:v1+s13+$0x0 ss:$0x1], $0xffff;
	_ =	sdelay $0x2  }
.Ltmp6:
0x9c: {  	(pc) =	sbr.rel @p1 .LBB2_6-.Ltmp6, $3  }
0x9d: {  	_ =	sdelay $0x1  }
0x9e: {  	v2 =	vadd.s32 v0, v2  }
0x9f: {  	[tilespmem:v1+s13+$0x0 ss:$0x1] =	vst.idx.msk $0xffff, v2;
	s13 =	sshra.s32 s14, $0x2;
	s14 =	sadd.s32 $0x40, s14  }
0xa0: {  	_ =	sdelay $0x3  }
0xa1: {  	v2 =	vld.idx.msk [tilespmem:v1+s13+$0x0 ss:$0x1], $0xffff;
	_ =	sdelay $0x1  }
0xa2: {  	s10 =	smul.u32 $0x6, s10;
	_ =	sdelay $0x1  }
0xa3: {  	s10 =	sadd.s32 s11, s10  }
0xa4: {  	s10 =	sshll.u32 s10, $0x4;
	v2 =	vadd.s32 v0, v2  }
.Ltmp7:
0xa5: {  	s12 =	sadd.s32 $0x600, s12;
	s10 =	sadd.s32 s5, s10;
	[tilespmem:v1+s13+$0x0 ss:$0x1] =	vst.idx.msk $0xffff, v2;
	(pc) =	sbr.rel .LBB2_8-.Ltmp7, $4  }
0xa6: {  	[tilespmem:s12], [sflag:$0xD] =	stream.linear.gather [hbm4b:s10+s3], $0x300, $0x38;
	[tilespmem:$0x1FC00] =	vst v63  }
0xa7: {  	_ =	swait.ge [sflag:s16], $0x300  }
0xa8: {  	[sflag:s16] =	ssyncset.done $0x0  }
0xa9: {  	p1 =	por $0x0, $0x0;
	[sflag:s16] =	ssyncadd.s32 $0xFFFFFD00  }
.LBB2_10:
0xaa: {  	_ =	sfence.sel $0x180000  }
0xab: {  	[bflag:$0x0] =	sbarrier.arrive $0xFFFF  }
0xac: {  	_ =	strace $0x90000050  }
0xad: {  	s0 =	stileid.u32;
	[bflag:$0x2] =	sbarrier.arrive $0xFFFF  }
0xae: {  	p0 =	sne.s32 s0, $0x0;
	s0 =	rddreg [dreg:$0x2]  }
0xaf: {  	s0 =	sadd.s32 @!p0 $0x100000, s0  }
0xb0: {  	[sflag:s0] =	ssyncadd.tile.s32 @!p0 $0x1;
	_ =	shalt  }
.Lfunc_end2:
_tile_overlayer_lowered:
.L_overlay_start_2:
0xb1: {  	(tag) =	ssettag $0x2  }
0xb2: {  	s0 =	rddreg [dreg:$0x0];
	s2 =	stileid.u32  }
0xb3: {  	s1 =	rddreg [dreg:$0x1];
	p0 =	sne.s32 s2, $0x0  }
0xb4: {  	s3 =	rddreg [dreg:$0x2];
	[bflag:$0x3] =	sbarrier.arrive $0xFFFF;
	s2 =	simm.s32 @!p0 $0x1C0D  }
0xb5: {  	[timem:s3], [sflag:s2] =	dma.local @!p0 [hbm:s0], s1  }
0xb6: {  	s0 =	simm.s32 @!p0 $0xD  }
0xb7: {  	_ =	swait.ge @!p0 [sflag:s0], s1  }
0xb8: {  	s1 =	ssub.s32 @!p0 $0x0, s1;
	[sflag:s0] =	ssyncset.done @!p0 $0x0  }
0xb9: {  	[sflag:s0] =	ssyncadd.s32 @!p0 s1  }
0xba: {  	[bflag:$0x3] =	sbarrier.arrive $0xFFFF  }
0xbb: {  	_ =	shalt  }

// kernel: kernel.24.cloned.1.call-start
scs
__scs_entry_jumppad:
0x0: {  	(pc) =	sbr.rel $0x88, $3  }
0x1: {  	(tag) =	ssettag $0x0;
	lr =	simm.s32 $0x1  }
0x2: {  	[smem:$0x3F93] =	sst lr;
	_ =	strace $0xD0000000  }
0x3: {  	_ = 	snop  }
0x4: {  	_ = 	snop  }
0x5: {  	_ = 	snop  }
0x6: {  	_ = 	snop  }
0x7: {  	_ = 	snop  }
__scs_overlays_trampoline_lowered:
0x8: {  	[smem:$0x3FA2] =	sst s0  }
0x9: {  	[smem:$0x3FA3] =	sst s1  }
0xa: {  	[smem:$0x3FA4] =	sst s2  }
0xb: {  	[smem:$0x3FA5] =	sst s3  }
0xc: {  	[smem:$0x3FA6] =	sst s4  }
0xd: {  	[smem:$0x3FA7] =	sst s5  }
0xe: {  	[smem:$0x3FA8] =	sst s6  }
0xf: {  	[smem:$0x3FA9] =	sst s7  }
0x10: {  	[smem:$0x3FAA] =	sst s8  }
0x11: {  	[smem:$0x3FAB] =	sst s9;
	s0 =	simm.s32 @!p0 $0x0  }
0x12: {  	s1 =	sld [smem:$0x3F91];
	s0 =	simm.s32 @p0 $0x1  }
0x13: {  	[smem:$0x3FAC] =	sst s0;
	s0 =	simm.s32 @!p1 $0x0  }
0x14: {  	s2 =	sld [smem:$0x3F90];
	s0 =	simm.s32 @p1 $0x1  }
0x15: {  	[smem:$0x3FAD] =	sst s0;
	s0 =	simm.s32 @!p2 $0x0  }
0x16: {  	s3 =	sld [smem:$0x3FDB];
	s0 =	simm.s32 @p2 $0x1  }
0x17: {  	s4 =	simm.s32 $0x1BF5;
	[smem:$0x3FAF] =	sst s0  }
0x18: {  	s0 =	sld [smem:$0x3F92];
	_ =	swait.ge [sflag:s4], $0x0  }
0x19: {  	s7 =	sld [smem:$0x3F93]  }
0x1a: {  	s8 =	sadd.s32 $0xFFFFE003, lr  }
0x1b: {  	s9 =	sadd.s32 $0xFFFFFEF7, lr;
	s5 =	simm.s32 $0xFFFFFFFF;
	p2 =	slt.u32 s8, $0xFFFFF086  }
0x1c: {  	p1 =	slt.u32 s9, $0xF7A;
	s5 =	simm.s32 @!p2 $0x0  }
0x1d: {  	s5 =	simm.s32 @p1 $0x1;
	p0 =	seq.s32 s7, s2  }
0x1e: {  	s7 =	smul.u32 @!p0 $0xF7A, s2;
	p2 =	seq.s32 @!p0 s5, $0x0  }
0x1f: {  	s9 =	smul.u32 $0xF7A, s1;
	s8 =	simm.s32 @!p0 $0x1BF5;
	p2 =	por !p2, p0  }
0x20: {  	[sflag:s8] =	ssyncset.s32 @!p0 $0xFFFFF086;
	s6 =	sadd.s32 @!p0 s3, s7;
	s7 =	simm.s32 @!p0 $0x108  }
0x21: {  	s3 =	sadd.s32 s3, s9;
	s6 =	sadd.s32 @!p0 $0x88, s6;
	s7 =	simm.s32 @p2 $0x1082  }
0x22: {  	[simem:s7], [sflag:s8] =	dma.local @!p0 [hbm:s6], $0xF7A  }
0x23: {  	s9 =	sor.u32 $0xD0000000, s2;
	s6 =	simm.s32 $0x108;
	_ =	swait.ge @!p0 [sflag:s8], $0x0  }
0x24: {  	s3 =	sadd.s32 $0x88, s3;
	s6 =	simm.s32 @!p1 $0x1082;
	[sflag:s4] =	ssyncset.s32 $0xFFFFF086  }
0x25: {  	[simem:s6], [sflag:s4] =	dma.local [hbm:s3], $0xF7A  }
0x26: {  	[smem:$0x3F93] =	sst s1;
	(tag) =	ssettag s2;
	_ =	strace s9  }
0x27: {  	s1 =	sld [smem:$0x3FA3]  }
0x28: {  	s2 =	sld [smem:$0x3FA4]  }
0x29: {  	s4 =	sld [smem:$0x3FA6]  }
0x2a: {  	p0 =	seq.s32 s5, $0x0;
	s5 =	sld [smem:$0x3FA7]  }
0x2b: {  	s6 =	sld [smem:$0x3FA8]  }
0x2c: {  	s7 =	sld [smem:$0x3FA9]  }
0x2d: {  	s3 =	simm.s32 $0x108;
	s8 =	sld [smem:$0x3FAA]  }
0x2e: {  	s3 =	simm.s32 @!p0 $0x1082;
	s9 =	sld [smem:$0x3FAB]  }
0x2f: {  	lr =	sadd.s32 s0, s3;
	s0 =	sld [smem:$0x3FA2]  }
0x30: {  	s3 =	sld [smem:$0x3FA5]  }
0x31: {  	[smem:$0x3FAE] =	sst s10  }
0x32: {  	s10 =	sld [smem:$0x3FAC];
	_ =	sdelay $0x3  }
0x33: {  	p0 =	seq.s32 s10, $0x1;
	s10 =	sld [smem:$0x3FAE];
	_ =	sdelay $0x3  }
0x34: {  	[smem:$0x3FAE] =	sst s10  }
0x35: {  	s10 =	sld [smem:$0x3FAD];
	_ =	sdelay $0x3  }
0x36: {  	p1 =	seq.s32 s10, $0x1;
	s10 =	sld [smem:$0x3FAE];
	_ =	sdelay $0x3  }
0x37: {  	[smem:$0x3FAE] =	sst s10  }
0x38: {  	s10 =	sld [smem:$0x3FAF]  }
0x39: {  	_ = 	snop;
	(pc) =	sbr.ind lr, $3  }
0x3a: {  	_ = 	snop  }
0x3b: {  	_ = 	snop  }
0x3c: {  	p2 =	seq.s32 s10, $0x1;
	s10 =	sld [smem:$0x3FAE]  }
0x3d: {  	_ =	shalt  }
0x3e: {  	_ =	shalt  }
0x3f: {  	_ =	shalt  }
0x40: {  	_ =	shalt  }
0x41: {  	_ =	shalt  }
0x42: {  	_ =	shalt  }
0x43: {  	_ =	shalt  }
0x44: {  	_ =	shalt  }
0x45: {  	_ =	shalt  }
0x46: {  	_ =	shalt  }
0x47: {  	_ =	shalt  }
0x48: {  	_ =	shalt  }
0x49: {  	_ =	shalt  }
0x4a: {  	_ =	shalt  }
0x4b: {  	_ =	shalt  }
0x4c: {  	_ =	shalt  }
0x4d: {  	_ =	shalt  }
0x4e: {  	_ =	shalt  }
0x4f: {  	_ =	shalt  }
0x50: {  	_ =	shalt  }
0x51: {  	_ =	shalt  }
0x52: {  	_ =	shalt  }
0x53: {  	_ =	shalt  }
0x54: {  	_ =	shalt  }
0x55: {  	_ =	shalt  }
0x56: {  	_ =	shalt  }
0x57: {  	_ =	shalt  }
0x58: {  	_ =	shalt  }
0x59: {  	_ =	shalt  }
0x5a: {  	_ =	shalt  }
0x5b: {  	_ =	shalt  }
0x5c: {  	_ =	shalt  }
0x5d: {  	_ =	shalt  }
0x5e: {  	_ =	shalt  }
0x5f: {  	_ =	shalt  }
0x60: {  	_ =	shalt  }
0x61: {  	_ =	shalt  }
0x62: {  	_ =	shalt  }
0x63: {  	_ =	shalt  }
0x64: {  	_ =	shalt  }
0x65: {  	_ =	shalt  }
0x66: {  	_ =	shalt  }
0x67: {  	_ =	shalt  }
0x68: {  	_ =	shalt  }
0x69: {  	_ =	shalt  }
0x6a: {  	_ =	shalt  }
0x6b: {  	_ =	shalt  }
0x6c: {  	_ =	shalt  }
0x6d: {  	_ =	shalt  }
0x6e: {  	_ =	shalt  }
0x6f: {  	_ =	shalt  }
0x70: {  	_ =	shalt  }
0x71: {  	_ =	shalt  }
0x72: {  	_ =	shalt  }
0x73: {  	_ =	shalt  }
0x74: {  	_ =	shalt  }
0x75: {  	_ =	shalt  }
0x76: {  	_ =	shalt  }
0x77: {  	_ =	shalt  }
0x78: {  	_ =	shalt  }
0x79: {  	_ =	shalt  }
0x7a: {  	_ =	shalt  }
0x7b: {  	_ =	shalt  }
0x7c: {  	_ =	shalt  }
0x7d: {  	_ =	shalt  }
0x7e: {  	_ =	shalt  }
0x7f: {  	_ =	shalt  }
0x80: {  	_ =	shalt  }
0x81: {  	_ =	shalt  }
0x82: {  	_ =	shalt  }
0x83: {  	_ =	shalt  }
0x84: {  	_ =	shalt  }
0x85: {  	_ =	shalt  }
0x86: {  	_ =	shalt  }
0x87: {  	_ =	shalt  }
.Lfunc_end0:
.L_simem_size_0:
called_computation.4_lowered:
.L_overlay_start_0:
0x88: {  	s2 =	sld [smem:$0x3FD9]  }
0x89: {  	s3 =	sld [smem:$0x3FFE];
	_ =	sdelay $0x1  }
0x8a: {  	s1 =	srdreg.scid  }
0x8b: {  	s0 =	sand.u32 $0x1, s1  }
0x8c: {  	s16 =	sshll.u32 s0, $0xA;
	s2 =	sadd.s32 s3, s2  }
0x8d: {  	s2 =	sadd.s32 s2, s16  }
0x8e: {  	[smem:$0x3FBA] =	sst s2  }
0x8f: {  	_ = 	snop  }
0x90: {  	(tm) =	ssettm $0x1  }
0x91: {  	s17 =	sld [smem:$0x3FFB];
	_ =	sdelay $0x3  }
0x92: {  	_ =	strace s17  }
0x93: {  	s2 =	sld [smem:$0x3FFC];
	_ =	sdelay $0x3  }
0x94: {  	_ =	strace s2  }
0x95: {  	s2 =	sld [smem:$0x3FFD];
	_ =	sdelay $0x3  }
0x96: {  	_ =	strace s2  }
0x97: {  	_ =	strace $0x8FFFFFFF  }
0x98: {  	s18 =	sld [smem:$0x3FDB];
	_ =	sdelay $0x1  }
0x99: {  	s19 =	simm.s32 $_scs_section_size  }
0x9a: {  	s4 =	simm.s32 $_size__tile_overlayer_lowered;
	s5 =	simm.s32 $_tile_overlayer_lowered  }
0x9b: {  	s22 =	simm.s32 $0x1BFF;
	s21 =	sshll.u32 s5, $0x1;
	s2 =	sadd.s32 s19, s18  }
0x9c: {  	s6 =	simm.s32 $0x0;
	s20 =	sshll.u32 s4, $0x1;
	s4 =	sadd.s32 s21, s2  }
0x9d: {  	[timem:s6], [sflag:s22] =	dma.local [hbm:s4], s20  }
0x9e: {  	_ =	swait.ge [sflag:s22], s20  }
0x9f: {  	s3 =	ssub.s32 $0x0, s20;
	[sflag:s22] =	ssyncset.done $0x0  }
0xa0: {  	[sflag:s22] =	ssyncadd.s32 s3;
	_ =	sdelay $0x1  }
0xa1: {  	s23 =	simm.s32 $0x1B8B  }
0xa2: {  	_ =	swait.ge [sflag:s23], $0x1  }
0xa3: {  	[sflag:s23] =	ssyncset.done $0x0  }
0xa4: {  	s25 =	simm.s32 $0x1B8E;
	s24 =	sld [smem:$0x3FFE];
	[sflag:s23] =	ssyncadd.s32 $0xFFFFFFFF  }
0xa5: {  	s26 =	simm.s32 $execute0_lowered;
	[smem:$0x3FD2] =	sst s25  }
0xa6: {  	s4 =	sshll.u32 s26, $0x1;
	_ =	strace $0x80000052;
	[dreg:$0x1] =	wrdreg $0xFFFFFFFF  }
0xa7: {  	s28 =	simm.s32 $_size_execute0_lowered;
	s2 =	sadd.s32 s2, s4;
	[dreg:$0x0] =	wrdreg $0x0  }
0xa8: {  	s4 =	sshll.u32 s28, $0x1;
	[dreg:$0x2] =	wrdreg s2  }
0xa9: {  	[dreg:$0x3] =	wrdreg s4  }
0xaa: {  	[dreg:$0x4] =	wrdreg $0xC0  }
0xab: {  	_ =	task [dreg:s6], $0x5FFFF  }
0xac: {  	[dreg:$0x1] =	wrdreg $0xFFFFFFFF  }
0xad: {  	[dreg:$0x0] =	wrdreg $0x60  }
0xae: {  	[dreg:$0x2] =	wrdreg s24  }
0xaf: {  	[dreg:$0x3] =	wrdreg $0x1C800  }
0xb0: {  	[dreg:$0x4] =	wrdreg $0x9  }
0xb1: {  	_ =	task.clear_ibuf [dreg:s6], $0x5FFFF;
	_ =	strace $0x90000052  }
0xb2: {  	s29 =	simm.s32 $0x9;
	_ =	strace $0x80000054  }
0xb3: {  	_ =	swait.ge [sflag:s29], $0x1  }
0xb4: {  	[sflag:s29] =	ssyncadd.s32 $0xFFFFFFFF  }
0xb5: {  	_ =	strace $0x90000054  }
0xb6: {  	_ =	sfence  }
0xb7: {  	s30 =	sld [smem:$0x0];
	_ =	sdelay $0x2  }
0xb8: {  	s31 =	sshll.u32 s1, $0xD;
	s1 =	sshrl.u32 s1, $0x2  }
0xb9: {  	s3 =	sand.u32 $0x4000, s31;
	s1 =	sadd.s32 s1, s30  }
0xba: {  	s0 =	sor.u32 s3, s0;
	s1 =	sshll.u32 s1, $0x11  }
0xbb: {  	s0 =	sor.u32 s1, s0  }
0xbc: {  	s0 =	sadd.s32 $0x8F2B, s0  }
0xbd: {  	[sflag:s0] =	ssyncadd.remote.s32 $0x1  }
0xbe: {  	_ =	sfence.sel $0xFFFF  }
0xbf: {  	[dreg:$0x0] =	wrdreg $0xFFFFFFFF;
	(pc) =	sbr.abs _section_cstart, $3  }
0xc0: {  	[dreg:$0x1] =	wrdreg $0xFFFFFFFF  }
0xc1: {  	_ =	task.clear_ibuf [dreg:s6], $0x2FFFF;
	_ =	strace $0x9FFFFFFF  }
0xc2: {  	(tm) =	ssettm $0x7FFFFFFF  }
0xc3: {  	_ =	shalt  }
tec
execute0_lowered:
.L_overlay_start_1:
0x0: {  	(tag) =	ssettag $0x1  }
0x1: {  	s5 =	rddreg [dreg:$0x0]  }
0x2: {  	s1 =	rddreg [dreg:$0x1]  }
0x3: {  	s2 =	srdreg.scid;
	s0 =	rddreg [dreg:$0x2]  }
0x4: {  	s3 =	simm.s32 $0x0;
	s4 =	sand.u32 $0x1, s2;
	s2 =	stileid.u32  }
0x5: {  	s15 =	simm.s32 $0x0;
	[smem:$0x7FF] =	sst s3;
	s6 =	smul.u32 $0x32000, s4  }
0x6: {  	s7 =	smul.u32 $0x190, s2;
	_ =	strace $0x80000053;
	s8 =	sshll.u32 s4, $0xE  }
0x7: {  	s9 =	sshll.u32 s2, $0xA;
	s30 =	ssub.s32 $0x2, s4;
	s11 =	smul.u32 $0x1400, s2  }
0x8: {  	s4 =	sadd.s32 $0x3C00, s5;
	s12 =	sshll.u32 s2, $0x6;
	s13 =	smul.u32 $0x3200, s2  }
0x9: {  	s29 =	sor.u32 s9, s8;
	s31 =	sshrl.u32 s30, $0x1;
	s14 =	sadd.s32 s9, s1  }
0xa: {  	s10 =	sadd.s32 s6, s5;
	s28 =	sadd.s32 s7, s5;
	s7 =	sshrl.u32 s29, $0x3  }
0xb: {  	s11 =	sshrl.u32 s11, $0x2;
	s8 =	ssub.s32 s30, s31;
	s14 =	sshrl.u32 s14, $0x3  }
0xc: {  	s7 =	sadd.s32 s7, s5;
	s11 =	sadd.s32 s11, s1;
	s5 =	sor.u32 $0x1C01, s12  }
0xd: {  	s6 =	sadd.s32 $0x22C600, s28;
	s10 =	sadd.s32 s13, s10;
	s8 =	smax.u32 s8, $0x1  }
0xe: {  	s12 =	simm.s32 $0xC80;
	s13 =	simm.s32 $0x80;
	s7 =	sadd.s32 $0x3E00, s7  }
0xf: {  	s9 =	sadd.s32 $0x1C8600, s10;
	s10 =	sshrl.u32 s11, $0x3;
	s11 =	simm.s32 $0x1  }
.LBB2_1:
0x10: {  	[spmem:s10], [sflag:s5] =	dma.local [hbm:s4], $0xA0  }
0x11: {  	_ =	swait.ge [sflag:s11], $0xA0  }
0x12: {  	[sflag:s11] =	ssyncset.done $0x0  }
0x13: {  	[sflag:s11] =	ssyncadd.s32 $0xFFFFFF60  }
0x14: {  	[tilespmem:s3], [sflag:$0x1] =	stream.linear.gather [hbm4b:s6+s3], $0xC80, $0x38;
	[tilespmem:$0x2180] =	vst v63  }
0x15: {  	_ =	swait.ge [sflag:s11], $0xC80  }
0x16: {  	[sflag:s11] =	ssyncset.done $0x0  }
0x17: {  	[sflag:s11] =	ssyncadd.s32 $0xFFFFF380  }
0x18: {  	s16 =	sadd.s32 $0x0, s9;
	[bflag:$0x0] =	sbarrier.arrive $0xFFFF  }
0x19: {  	[tilespmem:s12], [sflag:$0x1] =	stream.linear.gather [hbm4b:s16+s3], $0x1000, $0x38;
	[tilespmem:$0x2180] =	vst v63  }
0x1a: {  	_ =	swait.ge [sflag:s11], $0x1000  }
0x1b: {  	[sflag:s11] =	ssyncset.done $0x0  }
0x1c: {  	s31 =	simm.s32 $0x0;
	[sflag:s11] =	ssyncadd.s32 $0xFFFFF000  }
0x1d: {  	[spmem:s1] =	stream.indirect.scatter.add.f32 [tilespmem:s12], [sflag:$0x1], $0x20, s31, s13, $0xb8;
	[tilespmem:$0x2180] =	vst v63  }
0x1e: {  	_ =	swait.ge [sflag:s11], $0x1000  }
0x1f: {  	s17 =	simm.s32 $0x400;
	s16 =	simm.s32 $0x200;
	[sflag:s11] =	ssyncset.done $0x0  }
.LBB2_2:
0x20: {  	s18 =	sadd.s32 s16, s9  }
0x21: {  	[sflag:s11] =	ssyncadd.s32 $0xFFFFF000;
	s19 =	smov.u32 s17;
	s20 =	sadd.s32 $0x200, s17  }
0x22: {  	[tilespmem:s12], [sflag:$0x1] =	stream.linear.gather [hbm4b:s18+s3], $0x1000, $0x38;
	[tilespmem:$0x2180] =	vst v63  }
0x23: {  	p0 =	sne.s32 s17, $0x3000;
	_ =	swait.ge [sflag:s11], $0x1000  }
.Ltmp0:
0x24: {  	[sflag:s11] =	ssyncset.done $0x0;
	(pc) =	sbr.rel @p0 .LBB2_2-.Ltmp0, $4  }
0x25: {  	s17 =	sshra.s32 s16, $0x2;
	s16 =	smov.u32 s19;
	[sflag:s11] =	ssyncadd.s32 $0xFFFFF000  }
0x26: {  	[spmem:s1] =	stream.indirect.scatter.add.f32 [tilespmem:s12], [sflag:$0x1], $0x20, s17, s13, $0xb8;
	[tilespmem:$0x2180] =	vst v63  }
0x27: {  	_ =	swait.ge [sflag:s11], $0x1000  }
0x28: {  	s17 =	smov.u32 s20;
	[sflag:s11] =	ssyncset.done $0x0  }
0x29: {  	s17 =	sadd.s32 s16, s9;
	[sflag:s11] =	ssyncadd.s32 $0xFFFFF000  }
0x2a: {  	[tilespmem:s12], [sflag:$0x1] =	stream.linear.gather [hbm4b:s17+s3], $0x1000, $0x38;
	[tilespmem:$0x2180] =	vst v63  }
0x2b: {  	_ =	swait.ge [sflag:s11], $0x1000  }
0x2c: {  	[sflag:s11] =	ssyncset.done $0x0  }
0x2d: {  	s31 =	sshra.s32 s16, $0x2;
	[sflag:s11] =	ssyncadd.s32 $0xFFFFF000  }
0x2e: {  	[spmem:s1] =	stream.indirect.scatter.add.f32 [tilespmem:s12], [sflag:$0x1], $0x20, s31, s13, $0xb8;
	[tilespmem:$0x2180] =	vst v63  }
0x2f: {  	_ =	swait.ge [sflag:s11], $0x1000  }
0x30: {  	s15 =	sadd.s32 $0x1, s15;
	[sflag:s11] =	ssyncset.done $0x0  }
0x31: {  	p0 =	sne.s32 s15, s8;
	[sflag:s11] =	ssyncadd.s32 $0xFFFFF000  }
.Ltmp1:
0x32: {  	[bflag:$0x0] =	sbarrier.arrive $0xFFFF;
	(pc) =	sbr.rel @p0 .LBB2_1-.Ltmp1, $4  }
0x33: {  	[hbm:s7], [sflag:s5] =	dma.local [spmem:s14], $0x80  }
0x34: {  	_ =	swait.ge [sflag:s11], $0x80  }
0x35: {  	[sflag:s11] =	ssyncset.done $0x0  }
0x36: {  	[sflag:s11] =	ssyncadd.s32 $0xFFFFFF80  }
0x37: {  	_ =	sfence.sel $0x180000  }
0x38: {  	[bflag:$0x0] =	sbarrier.arrive $0xFFFF  }
0x39: {  	p0 =	sne.s32 s2, $0x0;
	_ =	strace $0x90000053  }
0x3a: {  	s0 =	sadd.s32 @!p0 $0x100000, s0;
	[bflag:$0x2] =	sbarrier.arrive $0xFFFF  }
0x3b: {  	[sflag:s0] =	ssyncadd.tile.s32 @!p0 $0x1;
	_ =	shalt  }
.Lfunc_end2:
_tile_overlayer_lowered:
.L_overlay_start_2:
0x3c: {  	(tag) =	ssettag $0x2  }
0x3d: {  	s0 =	rddreg [dreg:$0x0];
	s2 =	stileid.u32  }
0x3e: {  	s1 =	rddreg [dreg:$0x1];
	p0 =	sne.s32 s2, $0x0  }
0x3f: {  	s3 =	rddreg [dreg:$0x2];
	[bflag:$0x3] =	sbarrier.arrive $0xFFFF;
	s2 =	simm.s32 @!p0 $0x1C01  }
0x40: {  	[timem:s3], [sflag:s2] =	dma.local @!p0 [hbm:s0], s1  }
0x41: {  	s0 =	simm.s32 @!p0 $0x1  }
0x42: {  	_ =	swait.ge @!p0 [sflag:s0], s1  }
0x43: {  	s1 =	ssub.s32 @!p0 $0x0, s1;
	[sflag:s0] =	ssyncset.done @!p0 $0x0  }
0x44: {  	[sflag:s0] =	ssyncadd.s32 @!p0 s1  }
0x45: {  	[bflag:$0x3] =	sbarrier.arrive $0xFFFF  }
0x46: {  	_ =	shalt  }

</sc_bundles>
